<compile_context>
chip_gen: v7x
topology: tpu7x:2x2x1
jax: 0.10.2.dev20260603
libtpu: 0.0.44.dev20260713+nightly
codegen_flags: <defaults>
</compile_context>

<pallas_src>
import functools

import jax
import jax.numpy as jnp
from jax import lax
from jax.experimental import pallas as pl
from jax.experimental.pallas import tpu as pltpu
from jax.experimental.pallas import tpu_sc as plsc

LANES = 16
RING = 11
W = 128


@functools.lru_cache(maxsize=None)
def _build_sc_kernel(B, S, D, V, n_cores, n_subcores):
    N = B * S
    n_workers = n_cores * n_subcores
    n_per_w = N // n_workers
    n_groups = n_per_w // RING
    mesh = plsc.VectorSubcoreMesh(core_axis_name="c", subcore_axis_name="s")

    @functools.partial(
        pl.kernel,
        mesh=mesh,
        out_type=jax.ShapeDtypeStruct((B, D, S), jnp.float32),
        compiler_params=pltpu.CompilerParams(needs_layout_passes=False),
        scratch_types=[
            pltpu.VMEM((n_per_w,), jnp.int32),
            pltpu.VMEM((RING, D, W), jnp.float32),
            pltpu.VMEM((D, n_per_w), jnp.float32),
            pltpu.VMEM((D, n_per_w), jnp.float32),
            pltpu.SemaphoreType.DMA,
        ] + [pltpu.SemaphoreType.DMA for _ in range(RING)],
    )
    def emb_kernel(idx_hbm, tokT_hbm, posT_hbm, out_hbm, idx_v,
                   chunks_v, pos_v, panel_v, psem, *ring_sems):
        wid = lax.axis_index("s") * n_cores + lax.axis_index("c")
        base = wid * n_per_w
        s0 = pl.multiple_of(lax.rem(base, S), n_per_w)
        pltpu.sync_copy(idx_hbm.at[pl.ds(base, n_per_w)], idx_v)
        pos_cp = pltpu.async_copy(posT_hbm.at[:, pl.ds(s0, n_per_w)], pos_v, psem)

        row_base = lax.broadcasted_iota(jnp.int32, (LANES,), 0)

        def token_scalar(i):
            slice_start = pl.multiple_of((i // LANES) * LANES, LANES)
            v16 = idx_v[pl.ds(slice_start, LANES)]
            jvec = jnp.broadcast_to(i - slice_start, (LANES,))
            return jnp.max(jnp.where(row_base == jvec, v16, 0))

        def chunk_base(v):
            return pl.multiple_of((v // W) * W, W)

        def fire(i, r):
            v = token_scalar(i)
            cb = chunk_base(v)
            pltpu.async_copy(
                tokT_hbm.at[:, pl.ds(cb, W)],
                chunks_v.at[r],
                ring_sems[r],
            )

        def drain(r):
            pltpu.make_async_copy(
                tokT_hbm.at[:, pl.ds(0, W)],
                chunks_v.at[r],
                ring_sems[r],
            ).wait()

        for r in range(RING):
            fire(r, r)
        pos_cp.wait()

        def extract(i, r):
            v = token_scalar(i)
            lane = jnp.broadcast_to(v - chunk_base(v), (LANES,))
            col = jnp.broadcast_to(i, (LANES,))
            for g in range(1):
                rows = row_base + (g * LANES)
                tok16 = plsc.load_gather(chunks_v.at[r], [rows, lane])
                pos16 = plsc.load_gather(pos_v, [rows, col])
                plsc.store_scatter(panel_v, [rows, col], tok16 + pos16)

        def group(g, carry):
            for r in range(RING):
                i = g * RING + r
                drain(r)
                extract(i, r)

                @pl.when(i + RING < n_per_w)
                def _():
                    fire(i + RING, r)

            return carry

        lax.fori_loop(0, n_groups, group, 0)
        for r in range(n_per_w - n_groups * RING):
            drain(r)
            extract(n_groups * RING + r, r)
        b = base // S
        pltpu.sync_copy(panel_v, out_hbm.at[b, :, pl.ds(s0, n_per_w)])

    return emb_kernel


def kernel(inputs, token_table, pos_table):
    B, S = inputs.shape
    V, D = token_table.shape
    info = plsc.get_sparse_core_info()
    fn = _build_sc_kernel(B, S, D, V, info.num_cores, info.num_subcores)
    idx = inputs.reshape(B * S).astype(jnp.int32)
    out = fn(idx, jnp.swapaxes(token_table, 0, 1), jnp.swapaxes(pos_table, 0, 1))
    return jnp.swapaxes(out, 1, 2)

# --- scband reference (transcript-rebuilt; emitter-appended) ---
"""Pipeline reference for scband-token-and-position-embedding-42004780155054 (READ-ONLY COPY).

The authoritative reference and input builder live on the scoring server;
editing this copy changes nothing except your own understanding.
"""

import jax, jax.numpy as jnp
import numpy as np

VOCAB = 1000000
SEQ_LEN = 2048
EMB = 64
BATCH = 4

def setup_inputs(seed: int = 0) -> dict:
    key = jax.random.key(seed)
    k1, k2, k3 = jax.random.split(key, 3)
    inputs = jax.random.randint(k1, (BATCH, SEQ_LEN), 0, VOCAB, dtype=jnp.int64 if jax.config.jax_enable_x64 else jnp.int32)
    # Keras 'uniform' initializer defaults to uniform(-0.05, 0.05)
    token_table = jax.random.uniform(k2, (VOCAB, EMB), dtype=jnp.float32, minval=-0.05, maxval=0.05)
    pos_table = jax.random.uniform(k3, (SEQ_LEN, EMB), dtype=jnp.float32, minval=-0.05, maxval=0.05)
    return {"inputs": inputs, "token_table": token_table, "pos_table": pos_table}

def reference(inputs, token_table, pos_table):
    # token embedding lookup
    x = jnp.take(token_table, inputs, axis=0)  # [B, S, D]
    # positional embedding: positions = range(S), lookup, broadcast-add
    seq_len = x.shape[-2]
    positions = jnp.arange(seq_len)
    pos_emb = jnp.take(pos_table, positions, axis=0)  # [S, D]
    out = x + jnp.broadcast_to(pos_emb[None, :, :], x.shape)
    return out

if __name__ == "__main__":
    import jax
    _d = setup_inputs()
    print(jax.jit(kernel)(*tuple(_d.values())))

</pallas_src>

<mosaic_0001>
#map = affine_map<(d0, d1) -> (0)>
#map1 = affine_map<(d0, d1) -> (0, 0)>
#map2 = affine_map<(d0, d1) -> (0, 0, 0)>
module attributes {stable_mosaic.version = 14 : i64} {
  func.func @emb_kernel(%arg0: i32, %arg1: i32, %arg2: memref<8192xi32, #tpu.memory_space<hbm>>, %arg3: memref<64x1000000xf32, #tpu.memory_space<hbm>>, %arg4: memref<64x2048xf32, #tpu.memory_space<hbm>>, %arg5: memref<4x64x2048xf32, #tpu.memory_space<hbm>>, %arg6: memref<256xi32, #tpu.memory_space<vmem>>, %arg7: memref<11x64x128xf32, #tpu.memory_space<vmem>>, %arg8: memref<64x256xf32, #tpu.memory_space<vmem>>, %arg9: memref<64x256xf32, #tpu.memory_space<vmem>>, %arg10: memref<!tpu.dma_semaphore, #tpu.memory_space<semaphore_mem>>, %arg11: memref<!tpu.dma_semaphore, #tpu.memory_space<semaphore_mem>>, %arg12: memref<!tpu.dma_semaphore, #tpu.memory_space<semaphore_mem>>, %arg13: memref<!tpu.dma_semaphore, #tpu.memory_space<semaphore_mem>>, %arg14: memref<!tpu.dma_semaphore, #tpu.memory_space<semaphore_mem>>, %arg15: memref<!tpu.dma_semaphore, #tpu.memory_space<semaphore_mem>>, %arg16: memref<!tpu.dma_semaphore, #tpu.memory_space<semaphore_mem>>, %arg17: memref<!tpu.dma_semaphore, #tpu.memory_space<semaphore_mem>>, %arg18: memref<!tpu.dma_semaphore, #tpu.memory_space<semaphore_mem>>, %arg19: memref<!tpu.dma_semaphore, #tpu.memory_space<semaphore_mem>>, %arg20: memref<!tpu.dma_semaphore, #tpu.memory_space<semaphore_mem>>, %arg21: memref<!tpu.dma_semaphore, #tpu.memory_space<semaphore_mem>>) attributes {dimension_semantics = [#tpu.dimension_semantics<core_parallel>, #tpu.dimension_semantics<subcore_parallel>], iteration_bounds = array<i64: 2, 16>, scalar_prefetch = 0 : i64, scratch_operands = 16 : i64, tpu.core_type = #tpu.core_type<sc_vector_subcore>, window_params = [{transform_indices = #map}, {transform_indices = #map1}, {transform_indices = #map1}, {transform_indices = #map2}]} {
    %mul3A = arith.constant 2 : i32
    %mul3A_0 = arith.muli %arg1, %mul3A : i32
    %add3A = arith.addi %mul3A_0, %arg0 : i32
    %mul3A_1 = arith.constant 256 : i32
    %mul3A_2 = arith.muli %add3A, %mul3A_1 : i32
    %rem3A = arith.constant 2048 : i32
    %rem3A_3 = arith.remsi %mul3A_2, %rem3A : i32
    %multiple_of3A = tpu.assume_multiple %rem3A_3, 256 : i32
    "tpu.region"() ({
      %run_scoped3A = tpu.sem_alloc : memref<!tpu.dma_semaphore, #tpu.memory_space<semaphore_mem>>
      %dma_start3A_904 = tpu.memref_slice %arg2[%mul3A_2] : memref<8192xi32, #tpu.memory_space<hbm>> -> memref<256xi32, #tpu.memory_space<hbm>>
      %dma_start3A_905 = tpu.memref_slice %arg2[%mul3A_2] : memref<8192xi32, #tpu.memory_space<hbm>> -> memref<256xi32, #tpu.memory_space<hbm>>
      tpu.enqueue_dma source(%dma_start3A_905 : memref<256xi32, #tpu.memory_space<hbm>>) target(%arg6 : memref<256xi32, #tpu.memory_space<vmem>>) target_semaphore(%run_scoped3A : memref<!tpu.dma_semaphore, #tpu.memory_space<semaphore_mem>>)
      %dma_wait3A_906 = tpu.memref_slice %arg2[%mul3A_2] : memref<8192xi32, #tpu.memory_space<hbm>> -> memref<256xi32, #tpu.memory_space<hbm>>
      %dma_wait3A_907 = tpu.memref_slice %arg2[%mul3A_2] : memref<8192xi32, #tpu.memory_space<hbm>> -> memref<256xi32, #tpu.memory_space<hbm>>
      tpu.wait_dma2 semaphore(%run_scoped3A : memref<!tpu.dma_semaphore, #tpu.memory_space<semaphore_mem>>) src(%dma_wait3A_907 : memref<256xi32, #tpu.memory_space<hbm>>) dst(%arg6 : memref<256xi32, #tpu.memory_space<vmem>>)
      tpu.yield
    }) : () -> ()
    %dma_start3A = arith.constant 0 : i32
    %dma_start3A_4 = tpu.memref_slice %arg4[%dma_start3A, %multiple_of3A] : memref<64x2048xf32, #tpu.memory_space<hbm>> -> memref<64x256xf32, #tpu.memory_space<hbm>>
    %dma_start3A_5 = arith.constant 0 : i32
    %dma_start3A_6 = tpu.memref_slice %arg4[%dma_start3A_5, %multiple_of3A] : memref<64x2048xf32, #tpu.memory_space<hbm>> -> memref<64x256xf32, #tpu.memory_space<hbm>>
    tpu.enqueue_dma source(%dma_start3A_6 : memref<64x256xf32, #tpu.memory_space<hbm>>) target(%arg8 : memref<64x256xf32, #tpu.memory_space<vmem>>) target_semaphore(%arg10 : memref<!tpu.dma_semaphore, #tpu.memory_space<semaphore_mem>>)
    %iota3A = tpu.iota {dimensions = array<i32: 0>} : vector<16xi32>
    %multiple_of3A_7 = arith.constant 0 : i32
    %multiple_of3A_8 = tpu.assume_multiple %multiple_of3A_7, 16 : i32
    %get3A = arith.index_cast %multiple_of3A_8 : i32 to index
    %get3A_9 = tpu.vector_load %arg6[%get3A] {strides = array<i32>} : memref<256xi32, #tpu.memory_space<vmem>>, vector<16xi32>,
    %sub3A = arith.constant 0 : i32
    %sub3A_10 = arith.subi %sub3A, %multiple_of3A_8 : i32
    %broadcast_in_dim3A = vector.broadcast %sub3A_10 : i32 to vector<16xi32>
    %eq3A = arith.cmpi eq, %iota3A, %broadcast_in_dim3A : vector<16xi32>
    %jit3A = arith.constant 0 : i32
    %broadcast_in_dim3A_11 = vector.broadcast %jit3A : i32 to vector<16xi32>
    %select_n3A = arith.select %eq3A, %get3A_9, %broadcast_in_dim3A_11 : vector<16xi1>, vector<16xi32>
    %reduce_max3A = arith.constant true
    %reduce_max3A_12 = vector.broadcast %reduce_max3A : i1 to vector<16xi1>
    %reduce_max3A_13 = arith.constant -2147483648 : i32
    %reduce_max3A_14 = vector.broadcast %reduce_max3A_13 : i32 to vector<16xi32>
    %reduce_max3A_15 = arith.xori %select_n3A, %reduce_max3A_14 : vector<16xi32>
    %reduce_max3A_16 = tpu.scan <max>, %reduce_max3A_15 masked %reduce_max3A_12 : vector<16xi32>, vector<16xi1> -> vector<16xi32>
    %reduce_max3A_17 = arith.xori %reduce_max3A_16, %reduce_max3A_14 : vector<16xi32>
    %reduce_max3A_18 = vector.extract %reduce_max3A_17[15] : i32 from vector<16xi32>
    %jit3A_19 = arith.constant 128 : i32
    %div3A = arith.divsi %reduce_max3A_18, %jit3A_19 : i32
    %sign3A = arith.constant 0 : i32
    %sign3A_20 = arith.cmpi sgt, %reduce_max3A_18, %sign3A : i32
    %sign3A_21 = arith.extui %sign3A_20 : i1 to i32
    %sign3A_22 = arith.constant 0 : i32
    %sign3A_23 = arith.cmpi slt, %reduce_max3A_18, %sign3A_22 : i32
    %sign3A_24 = arith.extui %sign3A_23 : i1 to i32
    %sign3A_25 = arith.subi %sign3A_21, %sign3A_24 : i32
    %sign3A_26 = arith.constant 0 : i32
    %sign3A_27 = arith.cmpi sgt, %jit3A_19, %sign3A_26 : i32
    %sign3A_28 = arith.extui %sign3A_27 : i1 to i32
    %sign3A_29 = arith.constant 0 : i32
    %sign3A_30 = arith.cmpi slt, %jit3A_19, %sign3A_29 : i32
    %sign3A_31 = arith.extui %sign3A_30 : i1 to i32
    %sign3A_32 = arith.subi %sign3A_28, %sign3A_31 : i32
    %ne3A = arith.cmpi ne, %sign3A_25, %sign3A_32 : i32
    %rem3A_33 = arith.remsi %reduce_max3A_18, %jit3A_19 : i32
    %ne3A_34 = arith.constant 0 : i32
    %ne3A_35 = arith.cmpi ne, %rem3A_33, %ne3A_34 : i32
    %and3A = arith.andi %ne3A, %ne3A_35 : i1
    %sub3A_36 = arith.constant 1 : i32
    %sub3A_37 = arith.subi %div3A, %sub3A_36 : i32
    %select_n3A_38 = arith.select %and3A, %sub3A_37, %div3A : i32
    %mul3A_39 = arith.constant 128 : i32
    %mul3A_40 = arith.muli %select_n3A_38, %mul3A_39 : i32
    %multiple_of3A_41 = tpu.assume_multiple %mul3A_40, 128 : i32
    %dma_start3A_42 = arith.constant 0 : i32
    %dma_start3A_43 = arith.constant 0 : i32
    %dma_start3A_44 = arith.constant 0 : i32
    %dma_start3A_45 = tpu.memref_slice %arg7[%dma_start3A_42, %dma_start3A_43, %dma_start3A_44] : memref<11x64x128xf32, #tpu.memory_space<vmem>> -> memref<1x64x128xf32, #tpu.memory_space<vmem>>
    %dma_start3A_46 = tpu.memref_squeeze %dma_start3A_45 : memref<1x64x128xf32, #tpu.memory_space<vmem>> -> memref<64x128xf32, #tpu.memory_space<vmem>>
    %dma_start3A_47 = arith.constant 0 : i32
    %dma_start3A_48 = tpu.memref_slice %arg3[%dma_start3A_47, %multiple_of3A_41] : memref<64x1000000xf32, #tpu.memory_space<hbm>> -> memref<64x128xf32, #tpu.memory_space<hbm>>
    %dma_start3A_49 = arith.constant 0 : i32
    %dma_start3A_50 = arith.constant 0 : i32
    %dma_start3A_51 = tpu.memref_slice %arg7[%dma_start3A_42, %dma_start3A_49, %dma_start3A_50] : memref<11x64x128xf32, #tpu.memory_space<vmem>> -> memref<1x64x128xf32, #tpu.memory_space<vmem>>
    %dma_start3A_52 = tpu.memref_squeeze %dma_start3A_51 : memref<1x64x128xf32, #tpu.memory_space<vmem>> -> memref<64x128xf32, #tpu.memory_space<vmem>>
    %dma_start3A_53 = arith.constant 0 : i32
    %dma_start3A_54 = tpu.memref_slice %arg3[%dma_start3A_53, %multiple_of3A_41] : memref<64x1000000xf32, #tpu.memory_space<hbm>> -> memref<64x128xf32, #tpu.memory_space<hbm>>
    tpu.enqueue_dma source(%dma_start3A_54 : memref<64x128xf32, #tpu.memory_space<hbm>>) target(%dma_start3A_52 : memref<64x128xf32, #tpu.memory_space<vmem>>) target_semaphore(%arg11 : memref<!tpu.dma_semaphore, #tpu.memory_space<semaphore_mem>>)
    %multiple_of3A_55 = arith.constant 0 : i32
    %multiple_of3A_56 = tpu.assume_multiple %multiple_of3A_55, 16 : i32
    %get3A_57 = arith.index_cast %multiple_of3A_56 : i32 to index
    %get3A_58 = tpu.vector_load %arg6[%get3A_57] {strides = array<i32>} : memref<256xi32, #tpu.memory_space<vmem>>, vector<16xi32>,
    %sub3A_59 = arith.constant 1 : i32
    %sub3A_60 = arith.subi %sub3A_59, %multiple_of3A_56 : i32
    %broadcast_in_dim3A_61 = vector.broadcast %sub3A_60 : i32 to vector<16xi32>
    %eq3A_62 = arith.cmpi eq, %iota3A, %broadcast_in_dim3A_61 : vector<16xi32>
    %jit3A_63 = arith.constant 0 : i32
    %broadcast_in_dim3A_64 = vector.broadcast %jit3A_63 : i32 to vector<16xi32>
    %select_n3A_65 = arith.select %eq3A_62, %get3A_58, %broadcast_in_dim3A_64 : vector<16xi1>, vector<16xi32>
    %reduce_max3A_66 = arith.constant true
    %reduce_max3A_67 = vector.broadcast %reduce_max3A_66 : i1 to vector<16xi1>
    %reduce_max3A_68 = arith.constant -2147483648 : i32
    %reduce_max3A_69 = vector.broadcast %reduce_max3A_68 : i32 to vector<16xi32>
    %reduce_max3A_70 = arith.xori %select_n3A_65, %reduce_max3A_69 : vector<16xi32>
    %reduce_max3A_71 = tpu.scan <max>, %reduce_max3A_70 masked %reduce_max3A_67 : vector<16xi32>, vector<16xi1> -> vector<16xi32>
    %reduce_max3A_72 = arith.xori %reduce_max3A_71, %reduce_max3A_69 : vector<16xi32>
    %reduce_max3A_73 = vector.extract %reduce_max3A_72[15] : i32 from vector<16xi32>
    %jit3A_74 = arith.constant 128 : i32
    %div3A_75 = arith.divsi %reduce_max3A_73, %jit3A_74 : i32
    %sign3A_76 = arith.constant 0 : i32
    %sign3A_77 = arith.cmpi sgt, %reduce_max3A_73, %sign3A_76 : i32
    %sign3A_78 = arith.extui %sign3A_77 : i1 to i32
    %sign3A_79 = arith.constant 0 : i32
    %sign3A_80 = arith.cmpi slt, %reduce_max3A_73, %sign3A_79 : i32
    %sign3A_81 = arith.extui %sign3A_80 : i1 to i32
    %sign3A_82 = arith.subi %sign3A_78, %sign3A_81 : i32
    %sign3A_83 = arith.constant 0 : i32
    %sign3A_84 = arith.cmpi sgt, %jit3A_74, %sign3A_83 : i32
    %sign3A_85 = arith.extui %sign3A_84 : i1 to i32
    %sign3A_86 = arith.constant 0 : i32
    %sign3A_87 = arith.cmpi slt, %jit3A_74, %sign3A_86 : i32
    %sign3A_88 = arith.extui %sign3A_87 : i1 to i32
    %sign3A_89 = arith.subi %sign3A_85, %sign3A_88 : i32
    %ne3A_90 = arith.cmpi ne, %sign3A_82, %sign3A_89 : i32
    %rem3A_91 = arith.remsi %reduce_max3A_73, %jit3A_74 : i32
    %ne3A_92 = arith.constant 0 : i32
    %ne3A_93 = arith.cmpi ne, %rem3A_91, %ne3A_92 : i32
    %and3A_94 = arith.andi %ne3A_90, %ne3A_93 : i1
    %sub3A_95 = arith.constant 1 : i32
    %sub3A_96 = arith.subi %div3A_75, %sub3A_95 : i32
    %select_n3A_97 = arith.select %and3A_94, %sub3A_96, %div3A_75 : i32
    %mul3A_98 = arith.constant 128 : i32
    %mul3A_99 = arith.muli %select_n3A_97, %mul3A_98 : i32
    %multiple_of3A_100 = tpu.assume_multiple %mul3A_99, 128 : i32
    %dma_start3A_101 = arith.constant 1 : i32
    %dma_start3A_102 = arith.constant 0 : i32
    %dma_start3A_103 = arith.constant 0 : i32
    %dma_start3A_104 = tpu.memref_slice %arg7[%dma_start3A_101, %dma_start3A_102, %dma_start3A_103] : memref<11x64x128xf32, #tpu.memory_space<vmem>> -> memref<1x64x128xf32, #tpu.memory_space<vmem>>
    %dma_start3A_105 = tpu.memref_squeeze %dma_start3A_104 : memref<1x64x128xf32, #tpu.memory_space<vmem>> -> memref<64x128xf32, #tpu.memory_space<vmem>>
    %dma_start3A_106 = arith.constant 0 : i32
    %dma_start3A_107 = tpu.memref_slice %arg3[%dma_start3A_106, %multiple_of3A_100] : memref<64x1000000xf32, #tpu.memory_space<hbm>> -> memref<64x128xf32, #tpu.memory_space<hbm>>
    %dma_start3A_108 = arith.constant 0 : i32
    %dma_start3A_109 = arith.constant 0 : i32
    %dma_start3A_110 = tpu.memref_slice %arg7[%dma_start3A_101, %dma_start3A_108, %dma_start3A_109] : memref<11x64x128xf32, #tpu.memory_space<vmem>> -> memref<1x64x128xf32, #tpu.memory_space<vmem>>
    %dma_start3A_111 = tpu.memref_squeeze %dma_start3A_110 : memref<1x64x128xf32, #tpu.memory_space<vmem>> -> memref<64x128xf32, #tpu.memory_space<vmem>>
    %dma_start3A_112 = arith.constant 0 : i32
    %dma_start3A_113 = tpu.memref_slice %arg3[%dma_start3A_112, %multiple_of3A_100] : memref<64x1000000xf32, #tpu.memory_space<hbm>> -> memref<64x128xf32, #tpu.memory_space<hbm>>
    tpu.enqueue_dma source(%dma_start3A_113 : memref<64x128xf32, #tpu.memory_space<hbm>>) target(%dma_start3A_111 : memref<64x128xf32, #tpu.memory_space<vmem>>) target_semaphore(%arg12 : memref<!tpu.dma_semaphore, #tpu.memory_space<semaphore_mem>>)
    %multiple_of3A_114 = arith.constant 0 : i32
    %multiple_of3A_115 = tpu.assume_multiple %multiple_of3A_114, 16 : i32
    %get3A_116 = arith.index_cast %multiple_of3A_115 : i32 to index
    %get3A_117 = tpu.vector_load %arg6[%get3A_116] {strides = array<i32>} : memref<256xi32, #tpu.memory_space<vmem>>, vector<16xi32>,
    %sub3A_118 = arith.constant 2 : i32
    %sub3A_119 = arith.subi %sub3A_118, %multiple_of3A_115 : i32
    %broadcast_in_dim3A_120 = vector.broadcast %sub3A_119 : i32 to vector<16xi32>
    %eq3A_121 = arith.cmpi eq, %iota3A, %broadcast_in_dim3A_120 : vector<16xi32>
    %jit3A_122 = arith.constant 0 : i32
    %broadcast_in_dim3A_123 = vector.broadcast %jit3A_122 : i32 to vector<16xi32>
    %select_n3A_124 = arith.select %eq3A_121, %get3A_117, %broadcast_in_dim3A_123 : vector<16xi1>, vector<16xi32>
    %reduce_max3A_125 = arith.constant true
    %reduce_max3A_126 = vector.broadcast %reduce_max3A_125 : i1 to vector<16xi1>
    %reduce_max3A_127 = arith.constant -2147483648 : i32
    %reduce_max3A_128 = vector.broadcast %reduce_max3A_127 : i32 to vector<16xi32>
    %reduce_max3A_129 = arith.xori %select_n3A_124, %reduce_max3A_128 : vector<16xi32>
    %reduce_max3A_130 = tpu.scan <max>, %reduce_max3A_129 masked %reduce_max3A_126 : vector<16xi32>, vector<16xi1> -> vector<16xi32>
    %reduce_max3A_131 = arith.xori %reduce_max3A_130, %reduce_max3A_128 : vector<16xi32>
    %reduce_max3A_132 = vector.extract %reduce_max3A_131[15] : i32 from vector<16xi32>
    %jit3A_133 = arith.constant 128 : i32
    %div3A_134 = arith.divsi %reduce_max3A_132, %jit3A_133 : i32
    %sign3A_135 = arith.constant 0 : i32
    %sign3A_136 = arith.cmpi sgt, %reduce_max3A_132, %sign3A_135 : i32
    %sign3A_137 = arith.extui %sign3A_136 : i1 to i32
    %sign3A_138 = arith.constant 0 : i32
    %sign3A_139 = arith.cmpi slt, %reduce_max3A_132, %sign3A_138 : i32
    %sign3A_140 = arith.extui %sign3A_139 : i1 to i32
    %sign3A_141 = arith.subi %sign3A_137, %sign3A_140 : i32
    %sign3A_142 = arith.constant 0 : i32
    %sign3A_143 = arith.cmpi sgt, %jit3A_133, %sign3A_142 : i32
    %sign3A_144 = arith.extui %sign3A_143 : i1 to i32
    %sign3A_145 = arith.constant 0 : i32
    %sign3A_146 = arith.cmpi slt, %jit3A_133, %sign3A_145 : i32
    %sign3A_147 = arith.extui %sign3A_146 : i1 to i32
    %sign3A_148 = arith.subi %sign3A_144, %sign3A_147 : i32
    %ne3A_149 = arith.cmpi ne, %sign3A_141, %sign3A_148 : i32
    %rem3A_150 = arith.remsi %reduce_max3A_132, %jit3A_133 : i32
    %ne3A_151 = arith.constant 0 : i32
    %ne3A_152 = arith.cmpi ne, %rem3A_150, %ne3A_151 : i32
    %and3A_153 = arith.andi %ne3A_149, %ne3A_152 : i1
    %sub3A_154 = arith.constant 1 : i32
    %sub3A_155 = arith.subi %div3A_134, %sub3A_154 : i32
    %select_n3A_156 = arith.select %and3A_153, %sub3A_155, %div3A_134 : i32
    %mul3A_157 = arith.constant 128 : i32
    %mul3A_158 = arith.muli %select_n3A_156, %mul3A_157 : i32
    %multiple_of3A_159 = tpu.assume_multiple %mul3A_158, 128 : i32
    %dma_start3A_160 = arith.constant 2 : i32
    %dma_start3A_161 = arith.constant 0 : i32
    %dma_start3A_162 = arith.constant 0 : i32
    %dma_start3A_163 = tpu.memref_slice %arg7[%dma_start3A_160, %dma_start3A_161, %dma_start3A_162] : memref<11x64x128xf32, #tpu.memory_space<vmem>> -> memref<1x64x128xf32, #tpu.memory_space<vmem>>
    %dma_start3A_164 = tpu.memref_squeeze %dma_start3A_163 : memref<1x64x128xf32, #tpu.memory_space<vmem>> -> memref<64x128xf32, #tpu.memory_space<vmem>>
    %dma_start3A_165 = arith.constant 0 : i32
    %dma_start3A_166 = tpu.memref_slice %arg3[%dma_start3A_165, %multiple_of3A_159] : memref<64x1000000xf32, #tpu.memory_space<hbm>> -> memref<64x128xf32, #tpu.memory_space<hbm>>
    %dma_start3A_167 = arith.constant 0 : i32
    %dma_start3A_168 = arith.constant 0 : i32
    %dma_start3A_169 = tpu.memref_slice %arg7[%dma_start3A_160, %dma_start3A_167, %dma_start3A_168] : memref<11x64x128xf32, #tpu.memory_space<vmem>> -> memref<1x64x128xf32, #tpu.memory_space<vmem>>
    %dma_start3A_170 = tpu.memref_squeeze %dma_start3A_169 : memref<1x64x128xf32, #tpu.memory_space<vmem>> -> memref<64x128xf32, #tpu.memory_space<vmem>>
    %dma_start3A_171 = arith.constant 0 : i32
    %dma_start3A_172 = tpu.memref_slice %arg3[%dma_start3A_171, %multiple_of3A_159] : memref<64x1000000xf32, #tpu.memory_space<hbm>> -> memref<64x128xf32, #tpu.memory_space<hbm>>
    tpu.enqueue_dma source(%dma_start3A_172 : memref<64x128xf32, #tpu.memory_space<hbm>>) target(%dma_start3A_170 : memref<64x128xf32, #tpu.memory_space<vmem>>) target_semaphore(%arg13 : memref<!tpu.dma_semaphore, #tpu.memory_space<semaphore_mem>>)
    %multiple_of3A_173 = arith.constant 0 : i32
    %multiple_of3A_174 = tpu.assume_multiple %multiple_of3A_173, 16 : i32
    %get3A_175 = arith.index_cast %multiple_of3A_174 : i32 to index
    %get3A_176 = tpu.vector_load %arg6[%get3A_175] {strides = array<i32>} : memref<256xi32, #tpu.memory_space<vmem>>, vector<16xi32>,
    %sub3A_177 = arith.constant 3 : i32
    %sub3A_178 = arith.subi %sub3A_177, %multiple_of3A_174 : i32
    %broadcast_in_dim3A_179 = vector.broadcast %sub3A_178 : i32 to vector<16xi32>
    %eq3A_180 = arith.cmpi eq, %iota3A, %broadcast_in_dim3A_179 : vector<16xi32>
    %jit3A_181 = arith.constant 0 : i32
    %broadcast_in_dim3A_182 = vector.broadcast %jit3A_181 : i32 to vector<16xi32>
    %select_n3A_183 = arith.select %eq3A_180, %get3A_176, %broadcast_in_dim3A_182 : vector<16xi1>, vector<16xi32>
    %reduce_max3A_184 = arith.constant true
    %reduce_max3A_185 = vector.broadcast %reduce_max3A_184 : i1 to vector<16xi1>
    %reduce_max3A_186 = arith.constant -2147483648 : i32
    %reduce_max3A_187 = vector.broadcast %reduce_max3A_186 : i32 to vector<16xi32>
    %reduce_max3A_188 = arith.xori %select_n3A_183, %reduce_max3A_187 : vector<16xi32>
    %reduce_max3A_189 = tpu.scan <max>, %reduce_max3A_188 masked %reduce_max3A_185 : vector<16xi32>, vector<16xi1> -> vector<16xi32>
    %reduce_max3A_190 = arith.xori %reduce_max3A_189, %reduce_max3A_187 : vector<16xi32>
    %reduce_max3A_191 = vector.extract %reduce_max3A_190[15] : i32 from vector<16xi32>
    %jit3A_192 = arith.constant 128 : i32
    %div3A_193 = arith.divsi %reduce_max3A_191, %jit3A_192 : i32
    %sign3A_194 = arith.constant 0 : i32
    %sign3A_195 = arith.cmpi sgt, %reduce_max3A_191, %sign3A_194 : i32
    %sign3A_196 = arith.extui %sign3A_195 : i1 to i32
    %sign3A_197 = arith.constant 0 : i32
    %sign3A_198 = arith.cmpi slt, %reduce_max3A_191, %sign3A_197 : i32
    %sign3A_199 = arith.extui %sign3A_198 : i1 to i32
    %sign3A_200 = arith.subi %sign3A_196, %sign3A_199 : i32
    %sign3A_201 = arith.constant 0 : i32
    %sign3A_202 = arith.cmpi sgt, %jit3A_192, %sign3A_201 : i32
    %sign3A_203 = arith.extui %sign3A_202 : i1 to i32
    %sign3A_204 = arith.constant 0 : i32
    %sign3A_205 = arith.cmpi slt, %jit3A_192, %sign3A_204 : i32
    %sign3A_206 = arith.extui %sign3A_205 : i1 to i32
    %sign3A_207 = arith.subi %sign3A_203, %sign3A_206 : i32
    %ne3A_208 = arith.cmpi ne, %sign3A_200, %sign3A_207 : i32
    %rem3A_209 = arith.remsi %reduce_max3A_191, %jit3A_192 : i32
    %ne3A_210 = arith.constant 0 : i32
    %ne3A_211 = arith.cmpi ne, %rem3A_209, %ne3A_210 : i32
    %and3A_212 = arith.andi %ne3A_208, %ne3A_211 : i1
    %sub3A_213 = arith.constant 1 : i32
    %sub3A_214 = arith.subi %div3A_193, %sub3A_213 : i32
    %select_n3A_215 = arith.select %and3A_212, %sub3A_214, %div3A_193 : i32
    %mul3A_216 = arith.constant 128 : i32
    %mul3A_217 = arith.muli %select_n3A_215, %mul3A_216 : i32
    %multiple_of3A_218 = tpu.assume_multiple %mul3A_217, 128 : i32
    %dma_start3A_219 = arith.constant 3 : i32
    %dma_start3A_220 = arith.constant 0 : i32
    %dma_start3A_221 = arith.constant 0 : i32
    %dma_start3A_222 = tpu.memref_slice %arg7[%dma_start3A_219, %dma_start3A_220, %dma_start3A_221] : memref<11x64x128xf32, #tpu.memory_space<vmem>> -> memref<1x64x128xf32, #tpu.memory_space<vmem>>
    %dma_start3A_223 = tpu.memref_squeeze %dma_start3A_222 : memref<1x64x128xf32, #tpu.memory_space<vmem>> -> memref<64x128xf32, #tpu.memory_space<vmem>>
    %dma_start3A_224 = arith.constant 0 : i32
    %dma_start3A_225 = tpu.memref_slice %arg3[%dma_start3A_224, %multiple_of3A_218] : memref<64x1000000xf32, #tpu.memory_space<hbm>> -> memref<64x128xf32, #tpu.memory_space<hbm>>
    %dma_start3A_226 = arith.constant 0 : i32
    %dma_start3A_227 = arith.constant 0 : i32
    %dma_start3A_228 = tpu.memref_slice %arg7[%dma_start3A_219, %dma_start3A_226, %dma_start3A_227] : memref<11x64x128xf32, #tpu.memory_space<vmem>> -> memref<1x64x128xf32, #tpu.memory_space<vmem>>
    %dma_start3A_229 = tpu.memref_squeeze %dma_start3A_228 : memref<1x64x128xf32, #tpu.memory_space<vmem>> -> memref<64x128xf32, #tpu.memory_space<vmem>>
    %dma_start3A_230 = arith.constant 0 : i32
    %dma_start3A_231 = tpu.memref_slice %arg3[%dma_start3A_230, %multiple_of3A_218] : memref<64x1000000xf32, #tpu.memory_space<hbm>> -> memref<64x128xf32, #tpu.memory_space<hbm>>
    tpu.enqueue_dma source(%dma_start3A_231 : memref<64x128xf32, #tpu.memory_space<hbm>>) target(%dma_start3A_229 : memref<64x128xf32, #tpu.memory_space<vmem>>) target_semaphore(%arg14 : memref<!tpu.dma_semaphore, #tpu.memory_space<semaphore_mem>>)
    %multiple_of3A_232 = arith.constant 0 : i32
    %multiple_of3A_233 = tpu.assume_multiple %multiple_of3A_232, 16 : i32
    %get3A_234 = arith.index_cast %multiple_of3A_233 : i32 to index
    %get3A_235 = tpu.vector_load %arg6[%get3A_234] {strides = array<i32>} : memref<256xi32, #tpu.memory_space<vmem>>, vector<16xi32>,
    %sub3A_236 = arith.constant 4 : i32
    %sub3A_237 = arith.subi %sub3A_236, %multiple_of3A_233 : i32
    %broadcast_in_dim3A_238 = vector.broadcast %sub3A_237 : i32 to vector<16xi32>
    %eq3A_239 = arith.cmpi eq, %iota3A, %broadcast_in_dim3A_238 : vector<16xi32>
    %jit3A_240 = arith.constant 0 : i32
    %broadcast_in_dim3A_241 = vector.broadcast %jit3A_240 : i32 to vector<16xi32>
    %select_n3A_242 = arith.select %eq3A_239, %get3A_235, %broadcast_in_dim3A_241 : vector<16xi1>, vector<16xi32>
    %reduce_max3A_243 = arith.constant true
    %reduce_max3A_244 = vector.broadcast %reduce_max3A_243 : i1 to vector<16xi1>
    %reduce_max3A_245 = arith.constant -2147483648 : i32
    %reduce_max3A_246 = vector.broadcast %reduce_max3A_245 : i32 to vector<16xi32>
    %reduce_max3A_247 = arith.xori %select_n3A_242, %reduce_max3A_246 : vector<16xi32>
    %reduce_max3A_248 = tpu.scan <max>, %reduce_max3A_247 masked %reduce_max3A_244 : vector<16xi32>, vector<16xi1> -> vector<16xi32>
    %reduce_max3A_249 = arith.xori %reduce_max3A_248, %reduce_max3A_246 : vector<16xi32>
    %reduce_max3A_250 = vector.extract %reduce_max3A_249[15] : i32 from vector<16xi32>
    %jit3A_251 = arith.constant 128 : i32
    %div3A_252 = arith.divsi %reduce_max3A_250, %jit3A_251 : i32
    %sign3A_253 = arith.constant 0 : i32
    %sign3A_254 = arith.cmpi sgt, %reduce_max3A_250, %sign3A_253 : i32
    %sign3A_255 = arith.extui %sign3A_254 : i1 to i32
    %sign3A_256 = arith.constant 0 : i32
    %sign3A_257 = arith.cmpi slt, %reduce_max3A_250, %sign3A_256 : i32
    %sign3A_258 = arith.extui %sign3A_257 : i1 to i32
    %sign3A_259 = arith.subi %sign3A_255, %sign3A_258 : i32
    %sign3A_260 = arith.constant 0 : i32
    %sign3A_261 = arith.cmpi sgt, %jit3A_251, %sign3A_260 : i32
    %sign3A_262 = arith.extui %sign3A_261 : i1 to i32
    %sign3A_263 = arith.constant 0 : i32
    %sign3A_264 = arith.cmpi slt, %jit3A_251, %sign3A_263 : i32
    %sign3A_265 = arith.extui %sign3A_264 : i1 to i32
    %sign3A_266 = arith.subi %sign3A_262, %sign3A_265 : i32
    %ne3A_267 = arith.cmpi ne, %sign3A_259, %sign3A_266 : i32
    %rem3A_268 = arith.remsi %reduce_max3A_250, %jit3A_251 : i32
    %ne3A_269 = arith.constant 0 : i32
    %ne3A_270 = arith.cmpi ne, %rem3A_268, %ne3A_269 : i32
    %and3A_271 = arith.andi %ne3A_267, %ne3A_270 : i1
    %sub3A_272 = arith.constant 1 : i32
    %sub3A_273 = arith.subi %div3A_252, %sub3A_272 : i32
    %select_n3A_274 = arith.select %and3A_271, %sub3A_273, %div3A_252 : i32
    %mul3A_275 = arith.constant 128 : i32
    %mul3A_276 = arith.muli %select_n3A_274, %mul3A_275 : i32
    %multiple_of3A_277 = tpu.assume_multiple %mul3A_276, 128 : i32
    %dma_start3A_278 = arith.constant 4 : i32
    %dma_start3A_279 = arith.constant 0 : i32
    %dma_start3A_280 = arith.constant 0 : i32
    %dma_start3A_281 = tpu.memref_slice %arg7[%dma_start3A_278, %dma_start3A_279, %dma_start3A_280] : memref<11x64x128xf32, #tpu.memory_space<vmem>> -> memref<1x64x128xf32, #tpu.memory_space<vmem>>
    %dma_start3A_282 = tpu.memref_squeeze %dma_start3A_281 : memref<1x64x128xf32, #tpu.memory_space<vmem>> -> memref<64x128xf32, #tpu.memory_space<vmem>>
    %dma_start3A_283 = arith.constant 0 : i32
    %dma_start3A_284 = tpu.memref_slice %arg3[%dma_start3A_283, %multiple_of3A_277] : memref<64x1000000xf32, #tpu.memory_space<hbm>> -> memref<64x128xf32, #tpu.memory_space<hbm>>
    %dma_start3A_285 = arith.constant 0 : i32
    %dma_start3A_286 = arith.constant 0 : i32
    %dma_start3A_287 = tpu.memref_slice %arg7[%dma_start3A_278, %dma_start3A_285, %dma_start3A_286] : memref<11x64x128xf32, #tpu.memory_space<vmem>> -> memref<1x64x128xf32, #tpu.memory_space<vmem>>
    %dma_start3A_288 = tpu.memref_squeeze %dma_start3A_287 : memref<1x64x128xf32, #tpu.memory_space<vmem>> -> memref<64x128xf32, #tpu.memory_space<vmem>>
    %dma_start3A_289 = arith.constant 0 : i32
    %dma_start3A_290 = tpu.memref_slice %arg3[%dma_start3A_289, %multiple_of3A_277] : memref<64x1000000xf32, #tpu.memory_space<hbm>> -> memref<64x128xf32, #tpu.memory_space<hbm>>
    tpu.enqueue_dma source(%dma_start3A_290 : memref<64x128xf32, #tpu.memory_space<hbm>>) target(%dma_start3A_288 : memref<64x128xf32, #tpu.memory_space<vmem>>) target_semaphore(%arg15 : memref<!tpu.dma_semaphore, #tpu.memory_space<semaphore_mem>>)
    %multiple_of3A_291 = arith.constant 0 : i32
    %multiple_of3A_292 = tpu.assume_multiple %multiple_of3A_291, 16 : i32
    %get3A_293 = arith.index_cast %multiple_of3A_292 : i32 to index
    %get3A_294 = tpu.vector_load %arg6[%get3A_293] {strides = array<i32>} : memref<256xi32, #tpu.memory_space<vmem>>, vector<16xi32>,
    %sub3A_295 = arith.constant 5 : i32
    %sub3A_296 = arith.subi %sub3A_295, %multiple_of3A_292 : i32
    %broadcast_in_dim3A_297 = vector.broadcast %sub3A_296 : i32 to vector<16xi32>
    %eq3A_298 = arith.cmpi eq, %iota3A, %broadcast_in_dim3A_297 : vector<16xi32>
    %jit3A_299 = arith.constant 0 : i32
    %broadcast_in_dim3A_300 = vector.broadcast %jit3A_299 : i32 to vector<16xi32>
    %select_n3A_301 = arith.select %eq3A_298, %get3A_294, %broadcast_in_dim3A_300 : vector<16xi1>, vector<16xi32>
    %reduce_max3A_302 = arith.constant true
    %reduce_max3A_303 = vector.broadcast %reduce_max3A_302 : i1 to vector<16xi1>
    %reduce_max3A_304 = arith.constant -2147483648 : i32
    %reduce_max3A_305 = vector.broadcast %reduce_max3A_304 : i32 to vector<16xi32>
    %reduce_max3A_306 = arith.xori %select_n3A_301, %reduce_max3A_305 : vector<16xi32>
    %reduce_max3A_307 = tpu.scan <max>, %reduce_max3A_306 masked %reduce_max3A_303 : vector<16xi32>, vector<16xi1> -> vector<16xi32>
    %reduce_max3A_308 = arith.xori %reduce_max3A_307, %reduce_max3A_305 : vector<16xi32>
    %reduce_max3A_309 = vector.extract %reduce_max3A_308[15] : i32 from vector<16xi32>
    %jit3A_310 = arith.constant 128 : i32
    %div3A_311 = arith.divsi %reduce_max3A_309, %jit3A_310 : i32
    %sign3A_312 = arith.constant 0 : i32
    %sign3A_313 = arith.cmpi sgt, %reduce_max3A_309, %sign3A_312 : i32
    %sign3A_314 = arith.extui %sign3A_313 : i1 to i32
    %sign3A_315 = arith.constant 0 : i32
    %sign3A_316 = arith.cmpi slt, %reduce_max3A_309, %sign3A_315 : i32
    %sign3A_317 = arith.extui %sign3A_316 : i1 to i32
    %sign3A_318 = arith.subi %sign3A_314, %sign3A_317 : i32
    %sign3A_319 = arith.constant 0 : i32
    %sign3A_320 = arith.cmpi sgt, %jit3A_310, %sign3A_319 : i32
    %sign3A_321 = arith.extui %sign3A_320 : i1 to i32
    %sign3A_322 = arith.constant 0 : i32
    %sign3A_323 = arith.cmpi slt, %jit3A_310, %sign3A_322 : i32
    %sign3A_324 = arith.extui %sign3A_323 : i1 to i32
    %sign3A_325 = arith.subi %sign3A_321, %sign3A_324 : i32
    %ne3A_326 = arith.cmpi ne, %sign3A_318, %sign3A_325 : i32
    %rem3A_327 = arith.remsi %reduce_max3A_309, %jit3A_310 : i32
    %ne3A_328 = arith.constant 0 : i32
    %ne3A_329 = arith.cmpi ne, %rem3A_327, %ne3A_328 : i32
    %and3A_330 = arith.andi %ne3A_326, %ne3A_329 : i1
    %sub3A_331 = arith.constant 1 : i32
    %sub3A_332 = arith.subi %div3A_311, %sub3A_331 : i32
    %select_n3A_333 = arith.select %and3A_330, %sub3A_332, %div3A_311 : i32
    %mul3A_334 = arith.constant 128 : i32
    %mul3A_335 = arith.muli %select_n3A_333, %mul3A_334 : i32
    %multiple_of3A_336 = tpu.assume_multiple %mul3A_335, 128 : i32
    %dma_start3A_337 = arith.constant 5 : i32
    %dma_start3A_338 = arith.constant 0 : i32
    %dma_start3A_339 = arith.constant 0 : i32
    %dma_start3A_340 = tpu.memref_slice %arg7[%dma_start3A_337, %dma_start3A_338, %dma_start3A_339] : memref<11x64x128xf32, #tpu.memory_space<vmem>> -> memref<1x64x128xf32, #tpu.memory_space<vmem>>
    %dma_start3A_341 = tpu.memref_squeeze %dma_start3A_340 : memref<1x64x128xf32, #tpu.memory_space<vmem>> -> memref<64x128xf32, #tpu.memory_space<vmem>>
    %dma_start3A_342 = arith.constant 0 : i32
    %dma_start3A_343 = tpu.memref_slice %arg3[%dma_start3A_342, %multiple_of3A_336] : memref<64x1000000xf32, #tpu.memory_space<hbm>> -> memref<64x128xf32, #tpu.memory_space<hbm>>
    %dma_start3A_344 = arith.constant 0 : i32
    %dma_start3A_345 = arith.constant 0 : i32
    %dma_start3A_346 = tpu.memref_slice %arg7[%dma_start3A_337, %dma_start3A_344, %dma_start3A_345] : memref<11x64x128xf32, #tpu.memory_space<vmem>> -> memref<1x64x128xf32, #tpu.memory_space<vmem>>
    %dma_start3A_347 = tpu.memref_squeeze %dma_start3A_346 : memref<1x64x128xf32, #tpu.memory_space<vmem>> -> memref<64x128xf32, #tpu.memory_space<vmem>>
    %dma_start3A_348 = arith.constant 0 : i32
    %dma_start3A_349 = tpu.memref_slice %arg3[%dma_start3A_348, %multiple_of3A_336] : memref<64x1000000xf32, #tpu.memory_space<hbm>> -> memref<64x128xf32, #tpu.memory_space<hbm>>
    tpu.enqueue_dma source(%dma_start3A_349 : memref<64x128xf32, #tpu.memory_space<hbm>>) target(%dma_start3A_347 : memref<64x128xf32, #tpu.memory_space<vmem>>) target_semaphore(%arg16 : memref<!tpu.dma_semaphore, #tpu.memory_space<semaphore_mem>>)
    %multiple_of3A_350 = arith.constant 0 : i32
    %multiple_of3A_351 = tpu.assume_multiple %multiple_of3A_350, 16 : i32
    %get3A_352 = arith.index_cast %multiple_of3A_351 : i32 to index
    %get3A_353 = tpu.vector_load %arg6[%get3A_352] {strides = array<i32>} : memref<256xi32, #tpu.memory_space<vmem>>, vector<16xi32>,
    %sub3A_354 = arith.constant 6 : i32
    %sub3A_355 = arith.subi %sub3A_354, %multiple_of3A_351 : i32
    %broadcast_in_dim3A_356 = vector.broadcast %sub3A_355 : i32 to vector<16xi32>
    %eq3A_357 = arith.cmpi eq, %iota3A, %broadcast_in_dim3A_356 : vector<16xi32>
    %jit3A_358 = arith.constant 0 : i32
    %broadcast_in_dim3A_359 = vector.broadcast %jit3A_358 : i32 to vector<16xi32>
    %select_n3A_360 = arith.select %eq3A_357, %get3A_353, %broadcast_in_dim3A_359 : vector<16xi1>, vector<16xi32>
    %reduce_max3A_361 = arith.constant true
    %reduce_max3A_362 = vector.broadcast %reduce_max3A_361 : i1 to vector<16xi1>
    %reduce_max3A_363 = arith.constant -2147483648 : i32
    %reduce_max3A_364 = vector.broadcast %reduce_max3A_363 : i32 to vector<16xi32>
    %reduce_max3A_365 = arith.xori %select_n3A_360, %reduce_max3A_364 : vector<16xi32>
    %reduce_max3A_366 = tpu.scan <max>, %reduce_max3A_365 masked %reduce_max3A_362 : vector<16xi32>, vector<16xi1> -> vector<16xi32>
    %reduce_max3A_367 = arith.xori %reduce_max3A_366, %reduce_max3A_364 : vector<16xi32>
    %reduce_max3A_368 = vector.extract %reduce_max3A_367[15] : i32 from vector<16xi32>
    %jit3A_369 = arith.constant 128 : i32
    %div3A_370 = arith.divsi %reduce_max3A_368, %jit3A_369 : i32
    %sign3A_371 = arith.constant 0 : i32
    %sign3A_372 = arith.cmpi sgt, %reduce_max3A_368, %sign3A_371 : i32
    %sign3A_373 = arith.extui %sign3A_372 : i1 to i32
    %sign3A_374 = arith.constant 0 : i32
    %sign3A_375 = arith.cmpi slt, %reduce_max3A_368, %sign3A_374 : i32
    %sign3A_376 = arith.extui %sign3A_375 : i1 to i32
    %sign3A_377 = arith.subi %sign3A_373, %sign3A_376 : i32
    %sign3A_378 = arith.constant 0 : i32
    %sign3A_379 = arith.cmpi sgt, %jit3A_369, %sign3A_378 : i32
    %sign3A_380 = arith.extui %sign3A_379 : i1 to i32
    %sign3A_381 = arith.constant 0 : i32
    %sign3A_382 = arith.cmpi slt, %jit3A_369, %sign3A_381 : i32
    %sign3A_383 = arith.extui %sign3A_382 : i1 to i32
    %sign3A_384 = arith.subi %sign3A_380, %sign3A_383 : i32
    %ne3A_385 = arith.cmpi ne, %sign3A_377, %sign3A_384 : i32
    %rem3A_386 = arith.remsi %reduce_max3A_368, %jit3A_369 : i32
    %ne3A_387 = arith.constant 0 : i32
    %ne3A_388 = arith.cmpi ne, %rem3A_386, %ne3A_387 : i32
    %and3A_389 = arith.andi %ne3A_385, %ne3A_388 : i1
    %sub3A_390 = arith.constant 1 : i32
    %sub3A_391 = arith.subi %div3A_370, %sub3A_390 : i32
    %select_n3A_392 = arith.select %and3A_389, %sub3A_391, %div3A_370 : i32
    %mul3A_393 = arith.constant 128 : i32
    %mul3A_394 = arith.muli %select_n3A_392, %mul3A_393 : i32
    %multiple_of3A_395 = tpu.assume_multiple %mul3A_394, 128 : i32
    %dma_start3A_396 = arith.constant 6 : i32
    %dma_start3A_397 = arith.constant 0 : i32
    %dma_start3A_398 = arith.constant 0 : i32
    %dma_start3A_399 = tpu.memref_slice %arg7[%dma_start3A_396, %dma_start3A_397, %dma_start3A_398] : memref<11x64x128xf32, #tpu.memory_space<vmem>> -> memref<1x64x128xf32, #tpu.memory_space<vmem>>
    %dma_start3A_400 = tpu.memref_squeeze %dma_start3A_399 : memref<1x64x128xf32, #tpu.memory_space<vmem>> -> memref<64x128xf32, #tpu.memory_space<vmem>>
    %dma_start3A_401 = arith.constant 0 : i32
    %dma_start3A_402 = tpu.memref_slice %arg3[%dma_start3A_401, %multiple_of3A_395] : memref<64x1000000xf32, #tpu.memory_space<hbm>> -> memref<64x128xf32, #tpu.memory_space<hbm>>
    %dma_start3A_403 = arith.constant 0 : i32
    %dma_start3A_404 = arith.constant 0 : i32
    %dma_start3A_405 = tpu.memref_slice %arg7[%dma_start3A_396, %dma_start3A_403, %dma_start3A_404] : memref<11x64x128xf32, #tpu.memory_space<vmem>> -> memref<1x64x128xf32, #tpu.memory_space<vmem>>
    %dma_start3A_406 = tpu.memref_squeeze %dma_start3A_405 : memref<1x64x128xf32, #tpu.memory_space<vmem>> -> memref<64x128xf32, #tpu.memory_space<vmem>>
    %dma_start3A_407 = arith.constant 0 : i32
    %dma_start3A_408 = tpu.memref_slice %arg3[%dma_start3A_407, %multiple_of3A_395] : memref<64x1000000xf32, #tpu.memory_space<hbm>> -> memref<64x128xf32, #tpu.memory_space<hbm>>
    tpu.enqueue_dma source(%dma_start3A_408 : memref<64x128xf32, #tpu.memory_space<hbm>>) target(%dma_start3A_406 : memref<64x128xf32, #tpu.memory_space<vmem>>) target_semaphore(%arg17 : memref<!tpu.dma_semaphore, #tpu.memory_space<semaphore_mem>>)
    %multiple_of3A_409 = arith.constant 0 : i32
    %multiple_of3A_410 = tpu.assume_multiple %multiple_of3A_409, 16 : i32
    %get3A_411 = arith.index_cast %multiple_of3A_410 : i32 to index
    %get3A_412 = tpu.vector_load %arg6[%get3A_411] {strides = array<i32>} : memref<256xi32, #tpu.memory_space<vmem>>, vector<16xi32>,
    %sub3A_413 = arith.constant 7 : i32
    %sub3A_414 = arith.subi %sub3A_413, %multiple_of3A_410 : i32
    %broadcast_in_dim3A_415 = vector.broadcast %sub3A_414 : i32 to vector<16xi32>
    %eq3A_416 = arith.cmpi eq, %iota3A, %broadcast_in_dim3A_415 : vector<16xi32>
    %jit3A_417 = arith.constant 0 : i32
    %broadcast_in_dim3A_418 = vector.broadcast %jit3A_417 : i32 to vector<16xi32>
    %select_n3A_419 = arith.select %eq3A_416, %get3A_412, %broadcast_in_dim3A_418 : vector<16xi1>, vector<16xi32>
    %reduce_max3A_420 = arith.constant true
    %reduce_max3A_421 = vector.broadcast %reduce_max3A_420 : i1 to vector<16xi1>
    %reduce_max3A_422 = arith.constant -2147483648 : i32
    %reduce_max3A_423 = vector.broadcast %reduce_max3A_422 : i32 to vector<16xi32>
    %reduce_max3A_424 = arith.xori %select_n3A_419, %reduce_max3A_423 : vector<16xi32>
    %reduce_max3A_425 = tpu.scan <max>, %reduce_max3A_424 masked %reduce_max3A_421 : vector<16xi32>, vector<16xi1> -> vector<16xi32>
    %reduce_max3A_426 = arith.xori %reduce_max3A_425, %reduce_max3A_423 : vector<16xi32>
    %reduce_max3A_427 = vector.extract %reduce_max3A_426[15] : i32 from vector<16xi32>
    %jit3A_428 = arith.constant 128 : i32
    %div3A_429 = arith.divsi %reduce_max3A_427, %jit3A_428 : i32
    %sign3A_430 = arith.constant 0 : i32
    %sign3A_431 = arith.cmpi sgt, %reduce_max3A_427, %sign3A_430 : i32
    %sign3A_432 = arith.extui %sign3A_431 : i1 to i32
    %sign3A_433 = arith.constant 0 : i32
    %sign3A_434 = arith.cmpi slt, %reduce_max3A_427, %sign3A_433 : i32
    %sign3A_435 = arith.extui %sign3A_434 : i1 to i32
    %sign3A_436 = arith.subi %sign3A_432, %sign3A_435 : i32
    %sign3A_437 = arith.constant 0 : i32
    %sign3A_438 = arith.cmpi sgt, %jit3A_428, %sign3A_437 : i32
    %sign3A_439 = arith.extui %sign3A_438 : i1 to i32
    %sign3A_440 = arith.constant 0 : i32
    %sign3A_441 = arith.cmpi slt, %jit3A_428, %sign3A_440 : i32
    %sign3A_442 = arith.extui %sign3A_441 : i1 to i32
    %sign3A_443 = arith.subi %sign3A_439, %sign3A_442 : i32
    %ne3A_444 = arith.cmpi ne, %sign3A_436, %sign3A_443 : i32
    %rem3A_445 = arith.remsi %reduce_max3A_427, %jit3A_428 : i32
    %ne3A_446 = arith.constant 0 : i32
    %ne3A_447 = arith.cmpi ne, %rem3A_445, %ne3A_446 : i32
    %and3A_448 = arith.andi %ne3A_444, %ne3A_447 : i1
    %sub3A_449 = arith.constant 1 : i32
    %sub3A_450 = arith.subi %div3A_429, %sub3A_449 : i32
    %select_n3A_451 = arith.select %and3A_448, %sub3A_450, %div3A_429 : i32
    %mul3A_452 = arith.constant 128 : i32
    %mul3A_453 = arith.muli %select_n3A_451, %mul3A_452 : i32
    %multiple_of3A_454 = tpu.assume_multiple %mul3A_453, 128 : i32
    %dma_start3A_455 = arith.constant 7 : i32
    %dma_start3A_456 = arith.constant 0 : i32
    %dma_start3A_457 = arith.constant 0 : i32
    %dma_start3A_458 = tpu.memref_slice %arg7[%dma_start3A_455, %dma_start3A_456, %dma_start3A_457] : memref<11x64x128xf32, #tpu.memory_space<vmem>> -> memref<1x64x128xf32, #tpu.memory_space<vmem>>
    %dma_start3A_459 = tpu.memref_squeeze %dma_start3A_458 : memref<1x64x128xf32, #tpu.memory_space<vmem>> -> memref<64x128xf32, #tpu.memory_space<vmem>>
    %dma_start3A_460 = arith.constant 0 : i32
    %dma_start3A_461 = tpu.memref_slice %arg3[%dma_start3A_460, %multiple_of3A_454] : memref<64x1000000xf32, #tpu.memory_space<hbm>> -> memref<64x128xf32, #tpu.memory_space<hbm>>
    %dma_start3A_462 = arith.constant 0 : i32
    %dma_start3A_463 = arith.constant 0 : i32
    %dma_start3A_464 = tpu.memref_slice %arg7[%dma_start3A_455, %dma_start3A_462, %dma_start3A_463] : memref<11x64x128xf32, #tpu.memory_space<vmem>> -> memref<1x64x128xf32, #tpu.memory_space<vmem>>
    %dma_start3A_465 = tpu.memref_squeeze %dma_start3A_464 : memref<1x64x128xf32, #tpu.memory_space<vmem>> -> memref<64x128xf32, #tpu.memory_space<vmem>>
    %dma_start3A_466 = arith.constant 0 : i32
    %dma_start3A_467 = tpu.memref_slice %arg3[%dma_start3A_466, %multiple_of3A_454] : memref<64x1000000xf32, #tpu.memory_space<hbm>> -> memref<64x128xf32, #tpu.memory_space<hbm>>
    tpu.enqueue_dma source(%dma_start3A_467 : memref<64x128xf32, #tpu.memory_space<hbm>>) target(%dma_start3A_465 : memref<64x128xf32, #tpu.memory_space<vmem>>) target_semaphore(%arg18 : memref<!tpu.dma_semaphore, #tpu.memory_space<semaphore_mem>>)
    %multiple_of3A_468 = arith.constant 0 : i32
    %multiple_of3A_469 = tpu.assume_multiple %multiple_of3A_468, 16 : i32
    %get3A_470 = arith.index_cast %multiple_of3A_469 : i32 to index
    %get3A_471 = tpu.vector_load %arg6[%get3A_470] {strides = array<i32>} : memref<256xi32, #tpu.memory_space<vmem>>, vector<16xi32>,
    %sub3A_472 = arith.constant 8 : i32
    %sub3A_473 = arith.subi %sub3A_472, %multiple_of3A_469 : i32
    %broadcast_in_dim3A_474 = vector.broadcast %sub3A_473 : i32 to vector<16xi32>
    %eq3A_475 = arith.cmpi eq, %iota3A, %broadcast_in_dim3A_474 : vector<16xi32>
    %jit3A_476 = arith.constant 0 : i32
    %broadcast_in_dim3A_477 = vector.broadcast %jit3A_476 : i32 to vector<16xi32>
    %select_n3A_478 = arith.select %eq3A_475, %get3A_471, %broadcast_in_dim3A_477 : vector<16xi1>, vector<16xi32>
    %reduce_max3A_479 = arith.constant true
    %reduce_max3A_480 = vector.broadcast %reduce_max3A_479 : i1 to vector<16xi1>
    %reduce_max3A_481 = arith.constant -2147483648 : i32
    %reduce_max3A_482 = vector.broadcast %reduce_max3A_481 : i32 to vector<16xi32>
    %reduce_max3A_483 = arith.xori %select_n3A_478, %reduce_max3A_482 : vector<16xi32>
    %reduce_max3A_484 = tpu.scan <max>, %reduce_max3A_483 masked %reduce_max3A_480 : vector<16xi32>, vector<16xi1> -> vector<16xi32>
    %reduce_max3A_485 = arith.xori %reduce_max3A_484, %reduce_max3A_482 : vector<16xi32>
    %reduce_max3A_486 = vector.extract %reduce_max3A_485[15] : i32 from vector<16xi32>
    %jit3A_487 = arith.constant 128 : i32
    %div3A_488 = arith.divsi %reduce_max3A_486, %jit3A_487 : i32
    %sign3A_489 = arith.constant 0 : i32
    %sign3A_490 = arith.cmpi sgt, %reduce_max3A_486, %sign3A_489 : i32
    %sign3A_491 = arith.extui %sign3A_490 : i1 to i32
    %sign3A_492 = arith.constant 0 : i32
    %sign3A_493 = arith.cmpi slt, %reduce_max3A_486, %sign3A_492 : i32
    %sign3A_494 = arith.extui %sign3A_493 : i1 to i32
    %sign3A_495 = arith.subi %sign3A_491, %sign3A_494 : i32
    %sign3A_496 = arith.constant 0 : i32
    %sign3A_497 = arith.cmpi sgt, %jit3A_487, %sign3A_496 : i32
    %sign3A_498 = arith.extui %sign3A_497 : i1 to i32
    %sign3A_499 = arith.constant 0 : i32
    %sign3A_500 = arith.cmpi slt, %jit3A_487, %sign3A_499 : i32
    %sign3A_501 = arith.extui %sign3A_500 : i1 to i32
    %sign3A_502 = arith.subi %sign3A_498, %sign3A_501 : i32
    %ne3A_503 = arith.cmpi ne, %sign3A_495, %sign3A_502 : i32
    %rem3A_504 = arith.remsi %reduce_max3A_486, %jit3A_487 : i32
    %ne3A_505 = arith.constant 0 : i32
    %ne3A_506 = arith.cmpi ne, %rem3A_504, %ne3A_505 : i32
    %and3A_507 = arith.andi %ne3A_503, %ne3A_506 : i1
    %sub3A_508 = arith.constant 1 : i32
    %sub3A_509 = arith.subi %div3A_488, %sub3A_508 : i32
    %select_n3A_510 = arith.select %and3A_507, %sub3A_509, %div3A_488 : i32
    %mul3A_511 = arith.constant 128 : i32
    %mul3A_512 = arith.muli %select_n3A_510, %mul3A_511 : i32
    %multiple_of3A_513 = tpu.assume_multiple %mul3A_512, 128 : i32
    %dma_start3A_514 = arith.constant 8 : i32
    %dma_start3A_515 = arith.constant 0 : i32
    %dma_start3A_516 = arith.constant 0 : i32
    %dma_start3A_517 = tpu.memref_slice %arg7[%dma_start3A_514, %dma_start3A_515, %dma_start3A_516] : memref<11x64x128xf32, #tpu.memory_space<vmem>> -> memref<1x64x128xf32, #tpu.memory_space<vmem>>
    %dma_start3A_518 = tpu.memref_squeeze %dma_start3A_517 : memref<1x64x128xf32, #tpu.memory_space<vmem>> -> memref<64x128xf32, #tpu.memory_space<vmem>>
    %dma_start3A_519 = arith.constant 0 : i32
    %dma_start3A_520 = tpu.memref_slice %arg3[%dma_start3A_519, %multiple_of3A_513] : memref<64x1000000xf32, #tpu.memory_space<hbm>> -> memref<64x128xf32, #tpu.memory_space<hbm>>
    %dma_start3A_521 = arith.constant 0 : i32
    %dma_start3A_522 = arith.constant 0 : i32
    %dma_start3A_523 = tpu.memref_slice %arg7[%dma_start3A_514, %dma_start3A_521, %dma_start3A_522] : memref<11x64x128xf32, #tpu.memory_space<vmem>> -> memref<1x64x128xf32, #tpu.memory_space<vmem>>
    %dma_start3A_524 = tpu.memref_squeeze %dma_start3A_523 : memref<1x64x128xf32, #tpu.memory_space<vmem>> -> memref<64x128xf32, #tpu.memory_space<vmem>>
    %dma_start3A_525 = arith.constant 0 : i32
    %dma_start3A_526 = tpu.memref_slice %arg3[%dma_start3A_525, %multiple_of3A_513] : memref<64x1000000xf32, #tpu.memory_space<hbm>> -> memref<64x128xf32, #tpu.memory_space<hbm>>
    tpu.enqueue_dma source(%dma_start3A_526 : memref<64x128xf32, #tpu.memory_space<hbm>>) target(%dma_start3A_524 : memref<64x128xf32, #tpu.memory_space<vmem>>) target_semaphore(%arg19 : memref<!tpu.dma_semaphore, #tpu.memory_space<semaphore_mem>>)
    %multiple_of3A_527 = arith.constant 0 : i32
    %multiple_of3A_528 = tpu.assume_multiple %multiple_of3A_527, 16 : i32
    %get3A_529 = arith.index_cast %multiple_of3A_528 : i32 to index
    %get3A_530 = tpu.vector_load %arg6[%get3A_529] {strides = array<i32>} : memref<256xi32, #tpu.memory_space<vmem>>, vector<16xi32>,
    %sub3A_531 = arith.constant 9 : i32
    %sub3A_532 = arith.subi %sub3A_531, %multiple_of3A_528 : i32
    %broadcast_in_dim3A_533 = vector.broadcast %sub3A_532 : i32 to vector<16xi32>
    %eq3A_534 = arith.cmpi eq, %iota3A, %broadcast_in_dim3A_533 : vector<16xi32>
    %jit3A_535 = arith.constant 0 : i32
    %broadcast_in_dim3A_536 = vector.broadcast %jit3A_535 : i32 to vector<16xi32>
    %select_n3A_537 = arith.select %eq3A_534, %get3A_530, %broadcast_in_dim3A_536 : vector<16xi1>, vector<16xi32>
    %reduce_max3A_538 = arith.constant true
    %reduce_max3A_539 = vector.broadcast %reduce_max3A_538 : i1 to vector<16xi1>
    %reduce_max3A_540 = arith.constant -2147483648 : i32
    %reduce_max3A_541 = vector.broadcast %reduce_max3A_540 : i32 to vector<16xi32>
    %reduce_max3A_542 = arith.xori %select_n3A_537, %reduce_max3A_541 : vector<16xi32>
    %reduce_max3A_543 = tpu.scan <max>, %reduce_max3A_542 masked %reduce_max3A_539 : vector<16xi32>, vector<16xi1> -> vector<16xi32>
    %reduce_max3A_544 = arith.xori %reduce_max3A_543, %reduce_max3A_541 : vector<16xi32>
    %reduce_max3A_545 = vector.extract %reduce_max3A_544[15] : i32 from vector<16xi32>
    %jit3A_546 = arith.constant 128 : i32
    %div3A_547 = arith.divsi %reduce_max3A_545, %jit3A_546 : i32
    %sign3A_548 = arith.constant 0 : i32
    %sign3A_549 = arith.cmpi sgt, %reduce_max3A_545, %sign3A_548 : i32
    %sign3A_550 = arith.extui %sign3A_549 : i1 to i32
    %sign3A_551 = arith.constant 0 : i32
    %sign3A_552 = arith.cmpi slt, %reduce_max3A_545, %sign3A_551 : i32
    %sign3A_553 = arith.extui %sign3A_552 : i1 to i32
    %sign3A_554 = arith.subi %sign3A_550, %sign3A_553 : i32
    %sign3A_555 = arith.constant 0 : i32
    %sign3A_556 = arith.cmpi sgt, %jit3A_546, %sign3A_555 : i32
    %sign3A_557 = arith.extui %sign3A_556 : i1 to i32
    %sign3A_558 = arith.constant 0 : i32
    %sign3A_559 = arith.cmpi slt, %jit3A_546, %sign3A_558 : i32
    %sign3A_560 = arith.extui %sign3A_559 : i1 to i32
    %sign3A_561 = arith.subi %sign3A_557, %sign3A_560 : i32
    %ne3A_562 = arith.cmpi ne, %sign3A_554, %sign3A_561 : i32
    %rem3A_563 = arith.remsi %reduce_max3A_545, %jit3A_546 : i32
    %ne3A_564 = arith.constant 0 : i32
    %ne3A_565 = arith.cmpi ne, %rem3A_563, %ne3A_564 : i32
    %and3A_566 = arith.andi %ne3A_562, %ne3A_565 : i1
    %sub3A_567 = arith.constant 1 : i32
    %sub3A_568 = arith.subi %div3A_547, %sub3A_567 : i32
    %select_n3A_569 = arith.select %and3A_566, %sub3A_568, %div3A_547 : i32
    %mul3A_570 = arith.constant 128 : i32
    %mul3A_571 = arith.muli %select_n3A_569, %mul3A_570 : i32
    %multiple_of3A_572 = tpu.assume_multiple %mul3A_571, 128 : i32
    %dma_start3A_573 = arith.constant 9 : i32
    %dma_start3A_574 = arith.constant 0 : i32
    %dma_start3A_575 = arith.constant 0 : i32
    %dma_start3A_576 = tpu.memref_slice %arg7[%dma_start3A_573, %dma_start3A_574, %dma_start3A_575] : memref<11x64x128xf32, #tpu.memory_space<vmem>> -> memref<1x64x128xf32, #tpu.memory_space<vmem>>
    %dma_start3A_577 = tpu.memref_squeeze %dma_start3A_576 : memref<1x64x128xf32, #tpu.memory_space<vmem>> -> memref<64x128xf32, #tpu.memory_space<vmem>>
    %dma_start3A_578 = arith.constant 0 : i32
    %dma_start3A_579 = tpu.memref_slice %arg3[%dma_start3A_578, %multiple_of3A_572] : memref<64x1000000xf32, #tpu.memory_space<hbm>> -> memref<64x128xf32, #tpu.memory_space<hbm>>
    %dma_start3A_580 = arith.constant 0 : i32
    %dma_start3A_581 = arith.constant 0 : i32
    %dma_start3A_582 = tpu.memref_slice %arg7[%dma_start3A_573, %dma_start3A_580, %dma_start3A_581] : memref<11x64x128xf32, #tpu.memory_space<vmem>> -> memref<1x64x128xf32, #tpu.memory_space<vmem>>
    %dma_start3A_583 = tpu.memref_squeeze %dma_start3A_582 : memref<1x64x128xf32, #tpu.memory_space<vmem>> -> memref<64x128xf32, #tpu.memory_space<vmem>>
    %dma_start3A_584 = arith.constant 0 : i32
    %dma_start3A_585 = tpu.memref_slice %arg3[%dma_start3A_584, %multiple_of3A_572] : memref<64x1000000xf32, #tpu.memory_space<hbm>> -> memref<64x128xf32, #tpu.memory_space<hbm>>
    tpu.enqueue_dma source(%dma_start3A_585 : memref<64x128xf32, #tpu.memory_space<hbm>>) target(%dma_start3A_583 : memref<64x128xf32, #tpu.memory_space<vmem>>) target_semaphore(%arg20 : memref<!tpu.dma_semaphore, #tpu.memory_space<semaphore_mem>>)
    %multiple_of3A_586 = arith.constant 0 : i32
    %multiple_of3A_587 = tpu.assume_multiple %multiple_of3A_586, 16 : i32
    %get3A_588 = arith.index_cast %multiple_of3A_587 : i32 to index
    %get3A_589 = tpu.vector_load %arg6[%get3A_588] {strides = array<i32>} : memref<256xi32, #tpu.memory_space<vmem>>, vector<16xi32>,
    %sub3A_590 = arith.constant 10 : i32
    %sub3A_591 = arith.subi %sub3A_590, %multiple_of3A_587 : i32
    %broadcast_in_dim3A_592 = vector.broadcast %sub3A_591 : i32 to vector<16xi32>
    %eq3A_593 = arith.cmpi eq, %iota3A, %broadcast_in_dim3A_592 : vector<16xi32>
    %jit3A_594 = arith.constant 0 : i32
    %broadcast_in_dim3A_595 = vector.broadcast %jit3A_594 : i32 to vector<16xi32>
    %select_n3A_596 = arith.select %eq3A_593, %get3A_589, %broadcast_in_dim3A_595 : vector<16xi1>, vector<16xi32>
    %reduce_max3A_597 = arith.constant true
    %reduce_max3A_598 = vector.broadcast %reduce_max3A_597 : i1 to vector<16xi1>
    %reduce_max3A_599 = arith.constant -2147483648 : i32
    %reduce_max3A_600 = vector.broadcast %reduce_max3A_599 : i32 to vector<16xi32>
    %reduce_max3A_601 = arith.xori %select_n3A_596, %reduce_max3A_600 : vector<16xi32>
    %reduce_max3A_602 = tpu.scan <max>, %reduce_max3A_601 masked %reduce_max3A_598 : vector<16xi32>, vector<16xi1> -> vector<16xi32>
    %reduce_max3A_603 = arith.xori %reduce_max3A_602, %reduce_max3A_600 : vector<16xi32>
    %reduce_max3A_604 = vector.extract %reduce_max3A_603[15] : i32 from vector<16xi32>
    %jit3A_605 = arith.constant 128 : i32
    %div3A_606 = arith.divsi %reduce_max3A_604, %jit3A_605 : i32
    %sign3A_607 = arith.constant 0 : i32
    %sign3A_608 = arith.cmpi sgt, %reduce_max3A_604, %sign3A_607 : i32
    %sign3A_609 = arith.extui %sign3A_608 : i1 to i32
    %sign3A_610 = arith.constant 0 : i32
    %sign3A_611 = arith.cmpi slt, %reduce_max3A_604, %sign3A_610 : i32
    %sign3A_612 = arith.extui %sign3A_611 : i1 to i32
    %sign3A_613 = arith.subi %sign3A_609, %sign3A_612 : i32
    %sign3A_614 = arith.constant 0 : i32
    %sign3A_615 = arith.cmpi sgt, %jit3A_605, %sign3A_614 : i32
    %sign3A_616 = arith.extui %sign3A_615 : i1 to i32
    %sign3A_617 = arith.constant 0 : i32
    %sign3A_618 = arith.cmpi slt, %jit3A_605, %sign3A_617 : i32
    %sign3A_619 = arith.extui %sign3A_618 : i1 to i32
    %sign3A_620 = arith.subi %sign3A_616, %sign3A_619 : i32
    %ne3A_621 = arith.cmpi ne, %sign3A_613, %sign3A_620 : i32
    %rem3A_622 = arith.remsi %reduce_max3A_604, %jit3A_605 : i32
    %ne3A_623 = arith.constant 0 : i32
    %ne3A_624 = arith.cmpi ne, %rem3A_622, %ne3A_623 : i32
    %and3A_625 = arith.andi %ne3A_621, %ne3A_624 : i1
    %sub3A_626 = arith.constant 1 : i32
    %sub3A_627 = arith.subi %div3A_606, %sub3A_626 : i32
    %select_n3A_628 = arith.select %and3A_625, %sub3A_627, %div3A_606 : i32
    %mul3A_629 = arith.constant 128 : i32
    %mul3A_630 = arith.muli %select_n3A_628, %mul3A_629 : i32
    %multiple_of3A_631 = tpu.assume_multiple %mul3A_630, 128 : i32
    %dma_start3A_632 = arith.constant 10 : i32
    %dma_start3A_633 = arith.constant 0 : i32
    %dma_start3A_634 = arith.constant 0 : i32
    %dma_start3A_635 = tpu.memref_slice %arg7[%dma_start3A_632, %dma_start3A_633, %dma_start3A_634] : memref<11x64x128xf32, #tpu.memory_space<vmem>> -> memref<1x64x128xf32, #tpu.memory_space<vmem>>
    %dma_start3A_636 = tpu.memref_squeeze %dma_start3A_635 : memref<1x64x128xf32, #tpu.memory_space<vmem>> -> memref<64x128xf32, #tpu.memory_space<vmem>>
    %dma_start3A_637 = arith.constant 0 : i32
    %dma_start3A_638 = tpu.memref_slice %arg3[%dma_start3A_637, %multiple_of3A_631] : memref<64x1000000xf32, #tpu.memory_space<hbm>> -> memref<64x128xf32, #tpu.memory_space<hbm>>
    %dma_start3A_639 = arith.constant 0 : i32
    %dma_start3A_640 = arith.constant 0 : i32
    %dma_start3A_641 = tpu.memref_slice %arg7[%dma_start3A_632, %dma_start3A_639, %dma_start3A_640] : memref<11x64x128xf32, #tpu.memory_space<vmem>> -> memref<1x64x128xf32, #tpu.memory_space<vmem>>
    %dma_start3A_642 = tpu.memref_squeeze %dma_start3A_641 : memref<1x64x128xf32, #tpu.memory_space<vmem>> -> memref<64x128xf32, #tpu.memory_space<vmem>>
    %dma_start3A_643 = arith.constant 0 : i32
    %dma_start3A_644 = tpu.memref_slice %arg3[%dma_start3A_643, %multiple_of3A_631] : memref<64x1000000xf32, #tpu.memory_space<hbm>> -> memref<64x128xf32, #tpu.memory_space<hbm>>
    tpu.enqueue_dma source(%dma_start3A_644 : memref<64x128xf32, #tpu.memory_space<hbm>>) target(%dma_start3A_642 : memref<64x128xf32, #tpu.memory_space<vmem>>) target_semaphore(%arg21 : memref<!tpu.dma_semaphore, #tpu.memory_space<semaphore_mem>>)
    %dma_wait3A = arith.constant 0 : i32
    %dma_wait3A_645 = tpu.memref_slice %arg4[%dma_wait3A, %multiple_of3A] : memref<64x2048xf32, #tpu.memory_space<hbm>> -> memref<64x256xf32, #tpu.memory_space<hbm>>
    %dma_wait3A_646 = arith.constant 0 : i32
    %dma_wait3A_647 = tpu.memref_slice %arg4[%dma_wait3A_646, %multiple_of3A] : memref<64x2048xf32, #tpu.memory_space<hbm>> -> memref<64x256xf32, #tpu.memory_space<hbm>>
    tpu.wait_dma2 semaphore(%arg10 : memref<!tpu.dma_semaphore, #tpu.memory_space<semaphore_mem>>) src(%dma_wait3A_647 : memref<64x256xf32, #tpu.memory_space<hbm>>) dst(%arg8 : memref<64x256xf32, #tpu.memory_space<vmem>>)
    %scan3A = arith.constant 0 : i32
    %scan3A_648 = arith.constant 0 : i32
    %scan3A_649 = arith.constant 23 : i32
    %scan3A_650 = arith.addi %scan3A_648, %scan3A_649 : i32
    %scan3A_651 = arith.constant 1 : i32
    scf.for %scan3A_904 = %scan3A_648 to %scan3A_650 step %scan3A_651  : i32 {
      %mul3A_905 = arith.constant 11 : i32
      %mul3A_906 = arith.muli %scan3A_904, %mul3A_905 : i32
      %add3A_907 = arith.constant 0 : i32
      %add3A_908 = arith.addi %mul3A_906, %add3A_907 : i32
      %dma_wait3A_909 = arith.constant 0 : i32
      %dma_wait3A_910 = arith.constant 0 : i32
      %dma_wait3A_911 = arith.constant 0 : i32
      %dma_wait3A_912 = tpu.memref_slice %arg7[%dma_wait3A_909, %dma_wait3A_910, %dma_wait3A_911] : memref<11x64x128xf32, #tpu.memory_space<vmem>> -> memref<1x64x128xf32, #tpu.memory_space<vmem>>
      %dma_wait3A_913 = tpu.memref_squeeze %dma_wait3A_912 : memref<1x64x128xf32, #tpu.memory_space<vmem>> -> memref<64x128xf32, #tpu.memory_space<vmem>>
      %dma_wait3A_914 = arith.constant 0 : i32
      %dma_wait3A_915 = arith.constant 0 : i32
      %dma_wait3A_916 = tpu.memref_slice %arg3[%dma_wait3A_914, %dma_wait3A_915] : memref<64x1000000xf32, #tpu.memory_space<hbm>> -> memref<64x128xf32, #tpu.memory_space<hbm>>
      %dma_wait3A_917 = arith.constant 0 : i32
      %dma_wait3A_918 = arith.constant 0 : i32
      %dma_wait3A_919 = tpu.memref_slice %arg7[%dma_wait3A_909, %dma_wait3A_917, %dma_wait3A_918] : memref<11x64x128xf32, #tpu.memory_space<vmem>> -> memref<1x64x128xf32, #tpu.memory_space<vmem>>
      %dma_wait3A_920 = tpu.memref_squeeze %dma_wait3A_919 : memref<1x64x128xf32, #tpu.memory_space<vmem>> -> memref<64x128xf32, #tpu.memory_space<vmem>>
      %dma_wait3A_921 = arith.constant 0 : i32
      %dma_wait3A_922 = arith.constant 0 : i32
      %dma_wait3A_923 = tpu.memref_slice %arg3[%dma_wait3A_921, %dma_wait3A_922] : memref<64x1000000xf32, #tpu.memory_space<hbm>> -> memref<64x128xf32, #tpu.memory_space<hbm>>
      tpu.wait_dma2 semaphore(%arg11 : memref<!tpu.dma_semaphore, #tpu.memory_space<semaphore_mem>>) src(%dma_wait3A_923 : memref<64x128xf32, #tpu.memory_space<hbm>>) dst(%dma_wait3A_920 : memref<64x128xf32, #tpu.memory_space<vmem>>)
      %jit3A_924 = arith.constant 16 : i32
      %div3A_925 = arith.divsi %add3A_908, %jit3A_924 : i32
      %sign3A_926 = arith.constant 0 : i32
      %sign3A_927 = arith.cmpi sgt, %add3A_908, %sign3A_926 : i32
      %sign3A_928 = arith.extui %sign3A_927 : i1 to i32
      %sign3A_929 = arith.constant 0 : i32
      %sign3A_930 = arith.cmpi slt, %add3A_908, %sign3A_929 : i32
      %sign3A_931 = arith.extui %sign3A_930 : i1 to i32
      %sign3A_932 = arith.subi %sign3A_928, %sign3A_931 : i32
      %sign3A_933 = arith.constant 0 : i32
      %sign3A_934 = arith.cmpi sgt, %jit3A_924, %sign3A_933 : i32
      %sign3A_935 = arith.extui %sign3A_934 : i1 to i32
      %sign3A_936 = arith.constant 0 : i32
      %sign3A_937 = arith.cmpi slt, %jit3A_924, %sign3A_936 : i32
      %sign3A_938 = arith.extui %sign3A_937 : i1 to i32
      %sign3A_939 = arith.subi %sign3A_935, %sign3A_938 : i32
      %ne3A_940 = arith.cmpi ne, %sign3A_932, %sign3A_939 : i32
      %rem3A_941 = arith.remsi %add3A_908, %jit3A_924 : i32
      %ne3A_942 = arith.constant 0 : i32
      %ne3A_943 = arith.cmpi ne, %rem3A_941, %ne3A_942 : i32
      %and3A_944 = arith.andi %ne3A_940, %ne3A_943 : i1
      %sub3A_945 = arith.constant 1 : i32
      %sub3A_946 = arith.subi %div3A_925, %sub3A_945 : i32
      %select_n3A_947 = arith.select %and3A_944, %sub3A_946, %div3A_925 : i32
      %mul3A_948 = arith.constant 16 : i32
      %mul3A_949 = arith.muli %select_n3A_947, %mul3A_948 : i32
      %multiple_of3A_950 = tpu.assume_multiple %mul3A_949, 16 : i32
      %get3A_951 = arith.index_cast %multiple_of3A_950 : i32 to index
      %get3A_952 = tpu.vector_load %arg6[%get3A_951] {strides = array<i32>} : memref<256xi32, #tpu.memory_space<vmem>>, vector<16xi32>,
      %sub3A_953 = arith.subi %add3A_908, %multiple_of3A_950 : i32
      %broadcast_in_dim3A_954 = vector.broadcast %sub3A_953 : i32 to vector<16xi32>
      %eq3A_955 = arith.cmpi eq, %iota3A, %broadcast_in_dim3A_954 : vector<16xi32>
      %jit3A_956 = arith.constant 0 : i32
      %broadcast_in_dim3A_957 = vector.broadcast %jit3A_956 : i32 to vector<16xi32>
      %select_n3A_958 = arith.select %eq3A_955, %get3A_952, %broadcast_in_dim3A_957 : vector<16xi1>, vector<16xi32>
      %reduce_max3A_959 = arith.constant true
      %reduce_max3A_960 = vector.broadcast %reduce_max3A_959 : i1 to vector<16xi1>
      %reduce_max3A_961 = arith.constant -2147483648 : i32
      %reduce_max3A_962 = vector.broadcast %reduce_max3A_961 : i32 to vector<16xi32>
      %reduce_max3A_963 = arith.xori %select_n3A_958, %reduce_max3A_962 : vector<16xi32>
      %reduce_max3A_964 = tpu.scan <max>, %reduce_max3A_963 masked %reduce_max3A_960 : vector<16xi32>, vector<16xi1> -> vector<16xi32>
      %reduce_max3A_965 = arith.xori %reduce_max3A_964, %reduce_max3A_962 : vector<16xi32>
      %reduce_max3A_966 = vector.extract %reduce_max3A_965[15] : i32 from vector<16xi32>
      %jit3A_967 = arith.constant 128 : i32
      %div3A_968 = arith.divsi %reduce_max3A_966, %jit3A_967 : i32
      %sign3A_969 = arith.constant 0 : i32
      %sign3A_970 = arith.cmpi sgt, %reduce_max3A_966, %sign3A_969 : i32
      %sign3A_971 = arith.extui %sign3A_970 : i1 to i32
      %sign3A_972 = arith.constant 0 : i32
      %sign3A_973 = arith.cmpi slt, %reduce_max3A_966, %sign3A_972 : i32
      %sign3A_974 = arith.extui %sign3A_973 : i1 to i32
      %sign3A_975 = arith.subi %sign3A_971, %sign3A_974 : i32
      %sign3A_976 = arith.constant 0 : i32
      %sign3A_977 = arith.cmpi sgt, %jit3A_967, %sign3A_976 : i32
      %sign3A_978 = arith.extui %sign3A_977 : i1 to i32
      %sign3A_979 = arith.constant 0 : i32
      %sign3A_980 = arith.cmpi slt, %jit3A_967, %sign3A_979 : i32
      %sign3A_981 = arith.extui %sign3A_980 : i1 to i32
      %sign3A_982 = arith.subi %sign3A_978, %sign3A_981 : i32
      %ne3A_983 = arith.cmpi ne, %sign3A_975, %sign3A_982 : i32
      %rem3A_984 = arith.remsi %reduce_max3A_966, %jit3A_967 : i32
      %ne3A_985 = arith.constant 0 : i32
      %ne3A_986 = arith.cmpi ne, %rem3A_984, %ne3A_985 : i32
      %and3A_987 = arith.andi %ne3A_983, %ne3A_986 : i1
      %sub3A_988 = arith.constant 1 : i32
      %sub3A_989 = arith.subi %div3A_968, %sub3A_988 : i32
      %select_n3A_990 = arith.select %and3A_987, %sub3A_989, %div3A_968 : i32
      %mul3A_991 = arith.constant 128 : i32
      %mul3A_992 = arith.muli %select_n3A_990, %mul3A_991 : i32
      %multiple_of3A_993 = tpu.assume_multiple %mul3A_992, 128 : i32
      %sub3A_994 = arith.subi %reduce_max3A_966, %multiple_of3A_993 : i32
      %broadcast_in_dim3A_995 = vector.broadcast %sub3A_994 : i32 to vector<16xi32>
      %broadcast_in_dim3A_996 = vector.broadcast %add3A_908 : i32 to vector<16xi32>
      %add3A_997 = arith.constant 0 : i32
      %add3A_998 = vector.broadcast %add3A_997 : i32 to vector<16xi32>
      %add3A_999 = arith.addi %iota3A, %add3A_998 : vector<16xi32>
      %gather3A_1000 = arith.constant 0 : i32
      %gather3A_1001 = arith.constant 0 : i32
      %gather3A_1002 = arith.constant 0 : i32
      %gather3A_1003 = tpu.memref_slice %arg7[%gather3A_1000, %gather3A_1001, %gather3A_1002] : memref<11x64x128xf32, #tpu.memory_space<vmem>> -> memref<1x64x128xf32, #tpu.memory_space<vmem>>
      %gather3A_1004 = tpu.memref_squeeze %gather3A_1003 : memref<1x64x128xf32, #tpu.memory_space<vmem>> -> memref<64x128xf32, #tpu.memory_space<vmem>>
      %gather3A_1005 = tpu.vector_load_idx %gather3A_1004[%add3A_999, %broadcast_in_dim3A_995] : memref<64x128xf32, #tpu.memory_space<vmem>>[vector<16xi32>, vector<16xi32>], vector<16xf32>,
      %gather3A_1006 = tpu.vector_load_idx %arg8[%add3A_999, %broadcast_in_dim3A_996] : memref<64x256xf32, #tpu.memory_space<vmem>>[vector<16xi32>, vector<16xi32>], vector<16xf32>,
      %add3A_1007 = arith.addf %gather3A_1005, %gather3A_1006 : vector<16xf32>
      tpu.vector_store_idx %arg9[%add3A_999, %broadcast_in_dim3A_996], %add3A_1007 : memref<64x256xf32, #tpu.memory_space<vmem>>[vector<16xi32>, vector<16xi32>], vector<16xf32>,
      %add3A_1008 = arith.constant 11 : i32
      %add3A_1009 = arith.addi %add3A_908, %add3A_1008 : i32
      %lt3A = arith.constant 256 : i32
      %lt3A_1010 = arith.cmpi slt, %add3A_1009, %lt3A : i32
      %convert_element_type3A = arith.extui %lt3A_1010 : i1 to i32
      %cond3A = arith.constant 0 : i32
      %cond3A_1011 = arith.cmpi ne, %convert_element_type3A, %cond3A : i32
      scf.if %cond3A_1011 {
        %add3A_2112 = arith.constant 11 : i32
        %add3A_2113 = arith.addi %add3A_908, %add3A_2112 : i32
        %jit3A_2114 = arith.constant 16 : i32
        %div3A_2115 = arith.divsi %add3A_2113, %jit3A_2114 : i32
        %sign3A_2116 = arith.constant 0 : i32
        %sign3A_2117 = arith.cmpi sgt, %add3A_2113, %sign3A_2116 : i32
        %sign3A_2118 = arith.extui %sign3A_2117 : i1 to i32
        %sign3A_2119 = arith.constant 0 : i32
        %sign3A_2120 = arith.cmpi slt, %add3A_2113, %sign3A_2119 : i32
        %sign3A_2121 = arith.extui %sign3A_2120 : i1 to i32
        %sign3A_2122 = arith.subi %sign3A_2118, %sign3A_2121 : i32
        %sign3A_2123 = arith.constant 0 : i32
        %sign3A_2124 = arith.cmpi sgt, %jit3A_2114, %sign3A_2123 : i32
        %sign3A_2125 = arith.extui %sign3A_2124 : i1 to i32
        %sign3A_2126 = arith.constant 0 : i32
        %sign3A_2127 = arith.cmpi slt, %jit3A_2114, %sign3A_2126 : i32
        %sign3A_2128 = arith.extui %sign3A_2127 : i1 to i32
        %sign3A_2129 = arith.subi %sign3A_2125, %sign3A_2128 : i32
        %ne3A_2130 = arith.cmpi ne, %sign3A_2122, %sign3A_2129 : i32
        %rem3A_2131 = arith.remsi %add3A_2113, %jit3A_2114 : i32
        %ne3A_2132 = arith.constant 0 : i32
        %ne3A_2133 = arith.cmpi ne, %rem3A_2131, %ne3A_2132 : i32
        %and3A_2134 = arith.andi %ne3A_2130, %ne3A_2133 : i1
        %sub3A_2135 = arith.constant 1 : i32
        %sub3A_2136 = arith.subi %div3A_2115, %sub3A_2135 : i32
        %select_n3A_2137 = arith.select %and3A_2134, %sub3A_2136, %div3A_2115 : i32
        %mul3A_2138 = arith.constant 16 : i32
        %mul3A_2139 = arith.muli %select_n3A_2137, %mul3A_2138 : i32
        %multiple_of3A_2140 = tpu.assume_multiple %mul3A_2139, 16 : i32
        %get3A_2141 = arith.index_cast %multiple_of3A_2140 : i32 to index
        %get3A_2142 = tpu.vector_load %arg6[%get3A_2141] {strides = array<i32>} : memref<256xi32, #tpu.memory_space<vmem>>, vector<16xi32>,
        %sub3A_2143 = arith.subi %add3A_2113, %multiple_of3A_2140 : i32
        %broadcast_in_dim3A_2144 = vector.broadcast %sub3A_2143 : i32 to vector<16xi32>
        %eq3A_2145 = arith.cmpi eq, %iota3A, %broadcast_in_dim3A_2144 : vector<16xi32>
        %jit3A_2146 = arith.constant 0 : i32
        %broadcast_in_dim3A_2147 = vector.broadcast %jit3A_2146 : i32 to vector<16xi32>
        %select_n3A_2148 = arith.select %eq3A_2145, %get3A_2142, %broadcast_in_dim3A_2147 : vector<16xi1>, vector<16xi32>
        %reduce_max3A_2149 = arith.constant true
        %reduce_max3A_2150 = vector.broadcast %reduce_max3A_2149 : i1 to vector<16xi1>
        %reduce_max3A_2151 = arith.constant -2147483648 : i32
        %reduce_max3A_2152 = vector.broadcast %reduce_max3A_2151 : i32 to vector<16xi32>
        %reduce_max3A_2153 = arith.xori %select_n3A_2148, %reduce_max3A_2152 : vector<16xi32>
        %reduce_max3A_2154 = tpu.scan <max>, %reduce_max3A_2153 masked %reduce_max3A_2150 : vector<16xi32>, vector<16xi1> -> vector<16xi32>
        %reduce_max3A_2155 = arith.xori %reduce_max3A_2154, %reduce_max3A_2152 : vector<16xi32>
        %reduce_max3A_2156 = vector.extract %reduce_max3A_2155[15] : i32 from vector<16xi32>
        %jit3A_2157 = arith.constant 128 : i32
        %div3A_2158 = arith.divsi %reduce_max3A_2156, %jit3A_2157 : i32
        %sign3A_2159 = arith.constant 0 : i32
        %sign3A_2160 = arith.cmpi sgt, %reduce_max3A_2156, %sign3A_2159 : i32
        %sign3A_2161 = arith.extui %sign3A_2160 : i1 to i32
        %sign3A_2162 = arith.constant 0 : i32
        %sign3A_2163 = arith.cmpi slt, %reduce_max3A_2156, %sign3A_2162 : i32
        %sign3A_2164 = arith.extui %sign3A_2163 : i1 to i32
        %sign3A_2165 = arith.subi %sign3A_2161, %sign3A_2164 : i32
        %sign3A_2166 = arith.constant 0 : i32
        %sign3A_2167 = arith.cmpi sgt, %jit3A_2157, %sign3A_2166 : i32
        %sign3A_2168 = arith.extui %sign3A_2167 : i1 to i32
        %sign3A_2169 = arith.constant 0 : i32
        %sign3A_2170 = arith.cmpi slt, %jit3A_2157, %sign3A_2169 : i32
        %sign3A_2171 = arith.extui %sign3A_2170 : i1 to i32
        %sign3A_2172 = arith.subi %sign3A_2168, %sign3A_2171 : i32
        %ne3A_2173 = arith.cmpi ne, %sign3A_2165, %sign3A_2172 : i32
        %rem3A_2174 = arith.remsi %reduce_max3A_2156, %jit3A_2157 : i32
        %ne3A_2175 = arith.constant 0 : i32
        %ne3A_2176 = arith.cmpi ne, %rem3A_2174, %ne3A_2175 : i32
        %and3A_2177 = arith.andi %ne3A_2173, %ne3A_2176 : i1
        %sub3A_2178 = arith.constant 1 : i32
        %sub3A_2179 = arith.subi %div3A_2158, %sub3A_2178 : i32
        %select_n3A_2180 = arith.select %and3A_2177, %sub3A_2179, %div3A_2158 : i32
        %mul3A_2181 = arith.constant 128 : i32
        %mul3A_2182 = arith.muli %select_n3A_2180, %mul3A_2181 : i32
        %multiple_of3A_2183 = tpu.assume_multiple %mul3A_2182, 128 : i32
        %dma_start3A_2184 = arith.constant 0 : i32
        %dma_start3A_2185 = arith.constant 0 : i32
        %dma_start3A_2186 = arith.constant 0 : i32
        %dma_start3A_2187 = tpu.memref_slice %arg7[%dma_start3A_2184, %dma_start3A_2185, %dma_start3A_2186] : memref<11x64x128xf32, #tpu.memory_space<vmem>> -> memref<1x64x128xf32, #tpu.memory_space<vmem>>
        %dma_start3A_2188 = tpu.memref_squeeze %dma_start3A_2187 : memref<1x64x128xf32, #tpu.memory_space<vmem>> -> memref<64x128xf32, #tpu.memory_space<vmem>>
        %dma_start3A_2189 = arith.constant 0 : i32
        %dma_start3A_2190 = tpu.memref_slice %arg3[%dma_start3A_2189, %multiple_of3A_2183] : memref<64x1000000xf32, #tpu.memory_space<hbm>> -> memref<64x128xf32, #tpu.memory_space<hbm>>
        %dma_start3A_2191 = arith.constant 0 : i32
        %dma_start3A_2192 = arith.constant 0 : i32
        %dma_start3A_2193 = tpu.memref_slice %arg7[%dma_start3A_2184, %dma_start3A_2191, %dma_start3A_2192] : memref<11x64x128xf32, #tpu.memory_space<vmem>> -> memref<1x64x128xf32, #tpu.memory_space<vmem>>
        %dma_start3A_2194 = tpu.memref_squeeze %dma_start3A_2193 : memref<1x64x128xf32, #tpu.memory_space<vmem>> -> memref<64x128xf32, #tpu.memory_space<vmem>>
        %dma_start3A_2195 = arith.constant 0 : i32
        %dma_start3A_2196 = tpu.memref_slice %arg3[%dma_start3A_2195, %multiple_of3A_2183] : memref<64x1000000xf32, #tpu.memory_space<hbm>> -> memref<64x128xf32, #tpu.memory_space<hbm>>
        tpu.enqueue_dma source(%dma_start3A_2196 : memref<64x128xf32, #tpu.memory_space<hbm>>) target(%dma_start3A_2194 : memref<64x128xf32, #tpu.memory_space<vmem>>) target_semaphore(%arg11 : memref<!tpu.dma_semaphore, #tpu.memory_space<semaphore_mem>>)
      } else {
      }
      %mul3A_1012 = arith.constant 11 : i32
      %mul3A_1013 = arith.muli %scan3A_904, %mul3A_1012 : i32
      %add3A_1014 = arith.constant 1 : i32
      %add3A_1015 = arith.addi %mul3A_1013, %add3A_1014 : i32
      %dma_wait3A_1016 = arith.constant 1 : i32
      %dma_wait3A_1017 = arith.constant 0 : i32
      %dma_wait3A_1018 = arith.constant 0 : i32
      %dma_wait3A_1019 = tpu.memref_slice %arg7[%dma_wait3A_1016, %dma_wait3A_1017, %dma_wait3A_1018] : memref<11x64x128xf32, #tpu.memory_space<vmem>> -> memref<1x64x128xf32, #tpu.memory_space<vmem>>
      %dma_wait3A_1020 = tpu.memref_squeeze %dma_wait3A_1019 : memref<1x64x128xf32, #tpu.memory_space<vmem>> -> memref<64x128xf32, #tpu.memory_space<vmem>>
      %dma_wait3A_1021 = arith.constant 0 : i32
      %dma_wait3A_1022 = arith.constant 0 : i32
      %dma_wait3A_1023 = tpu.memref_slice %arg3[%dma_wait3A_1021, %dma_wait3A_1022] : memref<64x1000000xf32, #tpu.memory_space<hbm>> -> memref<64x128xf32, #tpu.memory_space<hbm>>
      %dma_wait3A_1024 = arith.constant 0 : i32
      %dma_wait3A_1025 = arith.constant 0 : i32
      %dma_wait3A_1026 = tpu.memref_slice %arg7[%dma_wait3A_1016, %dma_wait3A_1024, %dma_wait3A_1025] : memref<11x64x128xf32, #tpu.memory_space<vmem>> -> memref<1x64x128xf32, #tpu.memory_space<vmem>>
      %dma_wait3A_1027 = tpu.memref_squeeze %dma_wait3A_1026 : memref<1x64x128xf32, #tpu.memory_space<vmem>> -> memref<64x128xf32, #tpu.memory_space<vmem>>
      %dma_wait3A_1028 = arith.constant 0 : i32
      %dma_wait3A_1029 = arith.constant 0 : i32
      %dma_wait3A_1030 = tpu.memref_slice %arg3[%dma_wait3A_1028, %dma_wait3A_1029] : memref<64x1000000xf32, #tpu.memory_space<hbm>> -> memref<64x128xf32, #tpu.memory_space<hbm>>
      tpu.wait_dma2 semaphore(%arg12 : memref<!tpu.dma_semaphore, #tpu.memory_space<semaphore_mem>>) src(%dma_wait3A_1030 : memref<64x128xf32, #tpu.memory_space<hbm>>) dst(%dma_wait3A_1027 : memref<64x128xf32, #tpu.memory_space<vmem>>)
      %jit3A_1031 = arith.constant 16 : i32
      %div3A_1032 = arith.divsi %add3A_1015, %jit3A_1031 : i32
      %sign3A_1033 = arith.constant 0 : i32
      %sign3A_1034 = arith.cmpi sgt, %add3A_1015, %sign3A_1033 : i32
      %sign3A_1035 = arith.extui %sign3A_1034 : i1 to i32
      %sign3A_1036 = arith.constant 0 : i32
      %sign3A_1037 = arith.cmpi slt, %add3A_1015, %sign3A_1036 : i32
      %sign3A_1038 = arith.extui %sign3A_1037 : i1 to i32
      %sign3A_1039 = arith.subi %sign3A_1035, %sign3A_1038 : i32
      %sign3A_1040 = arith.constant 0 : i32
      %sign3A_1041 = arith.cmpi sgt, %jit3A_1031, %sign3A_1040 : i32
      %sign3A_1042 = arith.extui %sign3A_1041 : i1 to i32
      %sign3A_1043 = arith.constant 0 : i32
      %sign3A_1044 = arith.cmpi slt, %jit3A_1031, %sign3A_1043 : i32
      %sign3A_1045 = arith.extui %sign3A_1044 : i1 to i32
      %sign3A_1046 = arith.subi %sign3A_1042, %sign3A_1045 : i32
      %ne3A_1047 = arith.cmpi ne, %sign3A_1039, %sign3A_1046 : i32
      %rem3A_1048 = arith.remsi %add3A_1015, %jit3A_1031 : i32
      %ne3A_1049 = arith.constant 0 : i32
      %ne3A_1050 = arith.cmpi ne, %rem3A_1048, %ne3A_1049 : i32
      %and3A_1051 = arith.andi %ne3A_1047, %ne3A_1050 : i1
      %sub3A_1052 = arith.constant 1 : i32
      %sub3A_1053 = arith.subi %div3A_1032, %sub3A_1052 : i32
      %select_n3A_1054 = arith.select %and3A_1051, %sub3A_1053, %div3A_1032 : i32
      %mul3A_1055 = arith.constant 16 : i32
      %mul3A_1056 = arith.muli %select_n3A_1054, %mul3A_1055 : i32
      %multiple_of3A_1057 = tpu.assume_multiple %mul3A_1056, 16 : i32
      %get3A_1058 = arith.index_cast %multiple_of3A_1057 : i32 to index
      %get3A_1059 = tpu.vector_load %arg6[%get3A_1058] {strides = array<i32>} : memref<256xi32, #tpu.memory_space<vmem>>, vector<16xi32>,
      %sub3A_1060 = arith.subi %add3A_1015, %multiple_of3A_1057 : i32
      %broadcast_in_dim3A_1061 = vector.broadcast %sub3A_1060 : i32 to vector<16xi32>
      %eq3A_1062 = arith.cmpi eq, %iota3A, %broadcast_in_dim3A_1061 : vector<16xi32>
      %jit3A_1063 = arith.constant 0 : i32
      %broadcast_in_dim3A_1064 = vector.broadcast %jit3A_1063 : i32 to vector<16xi32>
      %select_n3A_1065 = arith.select %eq3A_1062, %get3A_1059, %broadcast_in_dim3A_1064 : vector<16xi1>, vector<16xi32>
      %reduce_max3A_1066 = arith.constant true
      %reduce_max3A_1067 = vector.broadcast %reduce_max3A_1066 : i1 to vector<16xi1>
      %reduce_max3A_1068 = arith.constant -2147483648 : i32
      %reduce_max3A_1069 = vector.broadcast %reduce_max3A_1068 : i32 to vector<16xi32>
      %reduce_max3A_1070 = arith.xori %select_n3A_1065, %reduce_max3A_1069 : vector<16xi32>
      %reduce_max3A_1071 = tpu.scan <max>, %reduce_max3A_1070 masked %reduce_max3A_1067 : vector<16xi32>, vector<16xi1> -> vector<16xi32>
      %reduce_max3A_1072 = arith.xori %reduce_max3A_1071, %reduce_max3A_1069 : vector<16xi32>
      %reduce_max3A_1073 = vector.extract %reduce_max3A_1072[15] : i32 from vector<16xi32>
      %jit3A_1074 = arith.constant 128 : i32
      %div3A_1075 = arith.divsi %reduce_max3A_1073, %jit3A_1074 : i32
      %sign3A_1076 = arith.constant 0 : i32
      %sign3A_1077 = arith.cmpi sgt, %reduce_max3A_1073, %sign3A_1076 : i32
      %sign3A_1078 = arith.extui %sign3A_1077 : i1 to i32
      %sign3A_1079 = arith.constant 0 : i32
      %sign3A_1080 = arith.cmpi slt, %reduce_max3A_1073, %sign3A_1079 : i32
      %sign3A_1081 = arith.extui %sign3A_1080 : i1 to i32
      %sign3A_1082 = arith.subi %sign3A_1078, %sign3A_1081 : i32
      %sign3A_1083 = arith.constant 0 : i32
      %sign3A_1084 = arith.cmpi sgt, %jit3A_1074, %sign3A_1083 : i32
      %sign3A_1085 = arith.extui %sign3A_1084 : i1 to i32
      %sign3A_1086 = arith.constant 0 : i32
      %sign3A_1087 = arith.cmpi slt, %jit3A_1074, %sign3A_1086 : i32
      %sign3A_1088 = arith.extui %sign3A_1087 : i1 to i32
      %sign3A_1089 = arith.subi %sign3A_1085, %sign3A_1088 : i32
      %ne3A_1090 = arith.cmpi ne, %sign3A_1082, %sign3A_1089 : i32
      %rem3A_1091 = arith.remsi %reduce_max3A_1073, %jit3A_1074 : i32
      %ne3A_1092 = arith.constant 0 : i32
      %ne3A_1093 = arith.cmpi ne, %rem3A_1091, %ne3A_1092 : i32
      %and3A_1094 = arith.andi %ne3A_1090, %ne3A_1093 : i1
      %sub3A_1095 = arith.constant 1 : i32
      %sub3A_1096 = arith.subi %div3A_1075, %sub3A_1095 : i32
      %select_n3A_1097 = arith.select %and3A_1094, %sub3A_1096, %div3A_1075 : i32
      %mul3A_1098 = arith.constant 128 : i32
      %mul3A_1099 = arith.muli %select_n3A_1097, %mul3A_1098 : i32
      %multiple_of3A_1100 = tpu.assume_multiple %mul3A_1099, 128 : i32
      %sub3A_1101 = arith.subi %reduce_max3A_1073, %multiple_of3A_1100 : i32
      %broadcast_in_dim3A_1102 = vector.broadcast %sub3A_1101 : i32 to vector<16xi32>
      %broadcast_in_dim3A_1103 = vector.broadcast %add3A_1015 : i32 to vector<16xi32>
      %add3A_1104 = arith.constant 0 : i32
      %add3A_1105 = vector.broadcast %add3A_1104 : i32 to vector<16xi32>
      %add3A_1106 = arith.addi %iota3A, %add3A_1105 : vector<16xi32>
      %gather3A_1107 = arith.constant 1 : i32
      %gather3A_1108 = arith.constant 0 : i32
      %gather3A_1109 = arith.constant 0 : i32
      %gather3A_1110 = tpu.memref_slice %arg7[%gather3A_1107, %gather3A_1108, %gather3A_1109] : memref<11x64x128xf32, #tpu.memory_space<vmem>> -> memref<1x64x128xf32, #tpu.memory_space<vmem>>
      %gather3A_1111 = tpu.memref_squeeze %gather3A_1110 : memref<1x64x128xf32, #tpu.memory_space<vmem>> -> memref<64x128xf32, #tpu.memory_space<vmem>>
      %gather3A_1112 = tpu.vector_load_idx %gather3A_1111[%add3A_1106, %broadcast_in_dim3A_1102] : memref<64x128xf32, #tpu.memory_space<vmem>>[vector<16xi32>, vector<16xi32>], vector<16xf32>,
      %gather3A_1113 = tpu.vector_load_idx %arg8[%add3A_1106, %broadcast_in_dim3A_1103] : memref<64x256xf32, #tpu.memory_space<vmem>>[vector<16xi32>, vector<16xi32>], vector<16xf32>,
      %add3A_1114 = arith.addf %gather3A_1112, %gather3A_1113 : vector<16xf32>
      tpu.vector_store_idx %arg9[%add3A_1106, %broadcast_in_dim3A_1103], %add3A_1114 : memref<64x256xf32, #tpu.memory_space<vmem>>[vector<16xi32>, vector<16xi32>], vector<16xf32>,
      %add3A_1115 = arith.constant 11 : i32
      %add3A_1116 = arith.addi %add3A_1015, %add3A_1115 : i32
      %lt3A_1117 = arith.constant 256 : i32
      %lt3A_1118 = arith.cmpi slt, %add3A_1116, %lt3A_1117 : i32
      %convert_element_type3A_1119 = arith.extui %lt3A_1118 : i1 to i32
      %cond3A_1120 = arith.constant 0 : i32
      %cond3A_1121 = arith.cmpi ne, %convert_element_type3A_1119, %cond3A_1120 : i32
      scf.if %cond3A_1121 {
        %add3A_2112 = arith.constant 11 : i32
        %add3A_2113 = arith.addi %add3A_1015, %add3A_2112 : i32
        %jit3A_2114 = arith.constant 16 : i32
        %div3A_2115 = arith.divsi %add3A_2113, %jit3A_2114 : i32
        %sign3A_2116 = arith.constant 0 : i32
        %sign3A_2117 = arith.cmpi sgt, %add3A_2113, %sign3A_2116 : i32
        %sign3A_2118 = arith.extui %sign3A_2117 : i1 to i32
        %sign3A_2119 = arith.constant 0 : i32
        %sign3A_2120 = arith.cmpi slt, %add3A_2113, %sign3A_2119 : i32
        %sign3A_2121 = arith.extui %sign3A_2120 : i1 to i32
        %sign3A_2122 = arith.subi %sign3A_2118, %sign3A_2121 : i32
        %sign3A_2123 = arith.constant 0 : i32
        %sign3A_2124 = arith.cmpi sgt, %jit3A_2114, %sign3A_2123 : i32
        %sign3A_2125 = arith.extui %sign3A_2124 : i1 to i32
        %sign3A_2126 = arith.constant 0 : i32
        %sign3A_2127 = arith.cmpi slt, %jit3A_2114, %sign3A_2126 : i32
        %sign3A_2128 = arith.extui %sign3A_2127 : i1 to i32
        %sign3A_2129 = arith.subi %sign3A_2125, %sign3A_2128 : i32
        %ne3A_2130 = arith.cmpi ne, %sign3A_2122, %sign3A_2129 : i32
        %rem3A_2131 = arith.remsi %add3A_2113, %jit3A_2114 : i32
        %ne3A_2132 = arith.constant 0 : i32
        %ne3A_2133 = arith.cmpi ne, %rem3A_2131, %ne3A_2132 : i32
        %and3A_2134 = arith.andi %ne3A_2130, %ne3A_2133 : i1
        %sub3A_2135 = arith.constant 1 : i32
        %sub3A_2136 = arith.subi %div3A_2115, %sub3A_2135 : i32
        %select_n3A_2137 = arith.select %and3A_2134, %sub3A_2136, %div3A_2115 : i32
        %mul3A_2138 = arith.constant 16 : i32
        %mul3A_2139 = arith.muli %select_n3A_2137, %mul3A_2138 : i32
        %multiple_of3A_2140 = tpu.assume_multiple %mul3A_2139, 16 : i32
        %get3A_2141 = arith.index_cast %multiple_of3A_2140 : i32 to index
        %get3A_2142 = tpu.vector_load %arg6[%get3A_2141] {strides = array<i32>} : memref<256xi32, #tpu.memory_space<vmem>>, vector<16xi32>,
        %sub3A_2143 = arith.subi %add3A_2113, %multiple_of3A_2140 : i32
        %broadcast_in_dim3A_2144 = vector.broadcast %sub3A_2143 : i32 to vector<16xi32>
        %eq3A_2145 = arith.cmpi eq, %iota3A, %broadcast_in_dim3A_2144 : vector<16xi32>
        %jit3A_2146 = arith.constant 0 : i32
        %broadcast_in_dim3A_2147 = vector.broadcast %jit3A_2146 : i32 to vector<16xi32>
        %select_n3A_2148 = arith.select %eq3A_2145, %get3A_2142, %broadcast_in_dim3A_2147 : vector<16xi1>, vector<16xi32>
        %reduce_max3A_2149 = arith.constant true
        %reduce_max3A_2150 = vector.broadcast %reduce_max3A_2149 : i1 to vector<16xi1>
        %reduce_max3A_2151 = arith.constant -2147483648 : i32
        %reduce_max3A_2152 = vector.broadcast %reduce_max3A_2151 : i32 to vector<16xi32>
        %reduce_max3A_2153 = arith.xori %select_n3A_2148, %reduce_max3A_2152 : vector<16xi32>
        %reduce_max3A_2154 = tpu.scan <max>, %reduce_max3A_2153 masked %reduce_max3A_2150 : vector<16xi32>, vector<16xi1> -> vector<16xi32>
        %reduce_max3A_2155 = arith.xori %reduce_max3A_2154, %reduce_max3A_2152 : vector<16xi32>
        %reduce_max3A_2156 = vector.extract %reduce_max3A_2155[15] : i32 from vector<16xi32>
        %jit3A_2157 = arith.constant 128 : i32
        %div3A_2158 = arith.divsi %reduce_max3A_2156, %jit3A_2157 : i32
        %sign3A_2159 = arith.constant 0 : i32
        %sign3A_2160 = arith.cmpi sgt, %reduce_max3A_2156, %sign3A_2159 : i32
        %sign3A_2161 = arith.extui %sign3A_2160 : i1 to i32
        %sign3A_2162 = arith.constant 0 : i32
        %sign3A_2163 = arith.cmpi slt, %reduce_max3A_2156, %sign3A_2162 : i32
        %sign3A_2164 = arith.extui %sign3A_2163 : i1 to i32
        %sign3A_2165 = arith.subi %sign3A_2161, %sign3A_2164 : i32
        %sign3A_2166 = arith.constant 0 : i32
        %sign3A_2167 = arith.cmpi sgt, %jit3A_2157, %sign3A_2166 : i32
        %sign3A_2168 = arith.extui %sign3A_2167 : i1 to i32
        %sign3A_2169 = arith.constant 0 : i32
        %sign3A_2170 = arith.cmpi slt, %jit3A_2157, %sign3A_2169 : i32
        %sign3A_2171 = arith.extui %sign3A_2170 : i1 to i32
        %sign3A_2172 = arith.subi %sign3A_2168, %sign3A_2171 : i32
        %ne3A_2173 = arith.cmpi ne, %sign3A_2165, %sign3A_2172 : i32
        %rem3A_2174 = arith.remsi %reduce_max3A_2156, %jit3A_2157 : i32
        %ne3A_2175 = arith.constant 0 : i32
        %ne3A_2176 = arith.cmpi ne, %rem3A_2174, %ne3A_2175 : i32
        %and3A_2177 = arith.andi %ne3A_2173, %ne3A_2176 : i1
        %sub3A_2178 = arith.constant 1 : i32
        %sub3A_2179 = arith.subi %div3A_2158, %sub3A_2178 : i32
        %select_n3A_2180 = arith.select %and3A_2177, %sub3A_2179, %div3A_2158 : i32
        %mul3A_2181 = arith.constant 128 : i32
        %mul3A_2182 = arith.muli %select_n3A_2180, %mul3A_2181 : i32
        %multiple_of3A_2183 = tpu.assume_multiple %mul3A_2182, 128 : i32
        %dma_start3A_2184 = arith.constant 1 : i32
        %dma_start3A_2185 = arith.constant 0 : i32
        %dma_start3A_2186 = arith.constant 0 : i32
        %dma_start3A_2187 = tpu.memref_slice %arg7[%dma_start3A_2184, %dma_start3A_2185, %dma_start3A_2186] : memref<11x64x128xf32, #tpu.memory_space<vmem>> -> memref<1x64x128xf32, #tpu.memory_space<vmem>>
        %dma_start3A_2188 = tpu.memref_squeeze %dma_start3A_2187 : memref<1x64x128xf32, #tpu.memory_space<vmem>> -> memref<64x128xf32, #tpu.memory_space<vmem>>
        %dma_start3A_2189 = arith.constant 0 : i32
        %dma_start3A_2190 = tpu.memref_slice %arg3[%dma_start3A_2189, %multiple_of3A_2183] : memref<64x1000000xf32, #tpu.memory_space<hbm>> -> memref<64x128xf32, #tpu.memory_space<hbm>>
        %dma_start3A_2191 = arith.constant 0 : i32
        %dma_start3A_2192 = arith.constant 0 : i32
        %dma_start3A_2193 = tpu.memref_slice %arg7[%dma_start3A_2184, %dma_start3A_2191, %dma_start3A_2192] : memref<11x64x128xf32, #tpu.memory_space<vmem>> -> memref<1x64x128xf32, #tpu.memory_space<vmem>>
        %dma_start3A_2194 = tpu.memref_squeeze %dma_start3A_2193 : memref<1x64x128xf32, #tpu.memory_space<vmem>> -> memref<64x128xf32, #tpu.memory_space<vmem>>
        %dma_start3A_2195 = arith.constant 0 : i32
        %dma_start3A_2196 = tpu.memref_slice %arg3[%dma_start3A_2195, %multiple_of3A_2183] : memref<64x1000000xf32, #tpu.memory_space<hbm>> -> memref<64x128xf32, #tpu.memory_space<hbm>>
        tpu.enqueue_dma source(%dma_start3A_2196 : memref<64x128xf32, #tpu.memory_space<hbm>>) target(%dma_start3A_2194 : memref<64x128xf32, #tpu.memory_space<vmem>>) target_semaphore(%arg12 : memref<!tpu.dma_semaphore, #tpu.memory_space<semaphore_mem>>)
      } else {
      }
      %mul3A_1122 = arith.constant 11 : i32
      %mul3A_1123 = arith.muli %scan3A_904, %mul3A_1122 : i32
      %add3A_1124 = arith.constant 2 : i32
      %add3A_1125 = arith.addi %mul3A_1123, %add3A_1124 : i32
      %dma_wait3A_1126 = arith.constant 2 : i32
      %dma_wait3A_1127 = arith.constant 0 : i32
      %dma_wait3A_1128 = arith.constant 0 : i32
      %dma_wait3A_1129 = tpu.memref_slice %arg7[%dma_wait3A_1126, %dma_wait3A_1127, %dma_wait3A_1128] : memref<11x64x128xf32, #tpu.memory_space<vmem>> -> memref<1x64x128xf32, #tpu.memory_space<vmem>>
      %dma_wait3A_1130 = tpu.memref_squeeze %dma_wait3A_1129 : memref<1x64x128xf32, #tpu.memory_space<vmem>> -> memref<64x128xf32, #tpu.memory_space<vmem>>
      %dma_wait3A_1131 = arith.constant 0 : i32
      %dma_wait3A_1132 = arith.constant 0 : i32
      %dma_wait3A_1133 = tpu.memref_slice %arg3[%dma_wait3A_1131, %dma_wait3A_1132] : memref<64x1000000xf32, #tpu.memory_space<hbm>> -> memref<64x128xf32, #tpu.memory_space<hbm>>
      %dma_wait3A_1134 = arith.constant 0 : i32
      %dma_wait3A_1135 = arith.constant 0 : i32
      %dma_wait3A_1136 = tpu.memref_slice %arg7[%dma_wait3A_1126, %dma_wait3A_1134, %dma_wait3A_1135] : memref<11x64x128xf32, #tpu.memory_space<vmem>> -> memref<1x64x128xf32, #tpu.memory_space<vmem>>
      %dma_wait3A_1137 = tpu.memref_squeeze %dma_wait3A_1136 : memref<1x64x128xf32, #tpu.memory_space<vmem>> -> memref<64x128xf32, #tpu.memory_space<vmem>>
      %dma_wait3A_1138 = arith.constant 0 : i32
      %dma_wait3A_1139 = arith.constant 0 : i32
      %dma_wait3A_1140 = tpu.memref_slice %arg3[%dma_wait3A_1138, %dma_wait3A_1139] : memref<64x1000000xf32, #tpu.memory_space<hbm>> -> memref<64x128xf32, #tpu.memory_space<hbm>>
      tpu.wait_dma2 semaphore(%arg13 : memref<!tpu.dma_semaphore, #tpu.memory_space<semaphore_mem>>) src(%dma_wait3A_1140 : memref<64x128xf32, #tpu.memory_space<hbm>>) dst(%dma_wait3A_1137 : memref<64x128xf32, #tpu.memory_space<vmem>>)
      %jit3A_1141 = arith.constant 16 : i32
      %div3A_1142 = arith.divsi %add3A_1125, %jit3A_1141 : i32
      %sign3A_1143 = arith.constant 0 : i32
      %sign3A_1144 = arith.cmpi sgt, %add3A_1125, %sign3A_1143 : i32
      %sign3A_1145 = arith.extui %sign3A_1144 : i1 to i32
      %sign3A_1146 = arith.constant 0 : i32
      %sign3A_1147 = arith.cmpi slt, %add3A_1125, %sign3A_1146 : i32
      %sign3A_1148 = arith.extui %sign3A_1147 : i1 to i32
      %sign3A_1149 = arith.subi %sign3A_1145, %sign3A_1148 : i32
      %sign3A_1150 = arith.constant 0 : i32
      %sign3A_1151 = arith.cmpi sgt, %jit3A_1141, %sign3A_1150 : i32
      %sign3A_1152 = arith.extui %sign3A_1151 : i1 to i32
      %sign3A_1153 = arith.constant 0 : i32
      %sign3A_1154 = arith.cmpi slt, %jit3A_1141, %sign3A_1153 : i32
      %sign3A_1155 = arith.extui %sign3A_1154 : i1 to i32
      %sign3A_1156 = arith.subi %sign3A_1152, %sign3A_1155 : i32
      %ne3A_1157 = arith.cmpi ne, %sign3A_1149, %sign3A_1156 : i32
      %rem3A_1158 = arith.remsi %add3A_1125, %jit3A_1141 : i32
      %ne3A_1159 = arith.constant 0 : i32
      %ne3A_1160 = arith.cmpi ne, %rem3A_1158, %ne3A_1159 : i32
      %and3A_1161 = arith.andi %ne3A_1157, %ne3A_1160 : i1
      %sub3A_1162 = arith.constant 1 : i32
      %sub3A_1163 = arith.subi %div3A_1142, %sub3A_1162 : i32
      %select_n3A_1164 = arith.select %and3A_1161, %sub3A_1163, %div3A_1142 : i32
      %mul3A_1165 = arith.constant 16 : i32
      %mul3A_1166 = arith.muli %select_n3A_1164, %mul3A_1165 : i32
      %multiple_of3A_1167 = tpu.assume_multiple %mul3A_1166, 16 : i32
      %get3A_1168 = arith.index_cast %multiple_of3A_1167 : i32 to index
      %get3A_1169 = tpu.vector_load %arg6[%get3A_1168] {strides = array<i32>} : memref<256xi32, #tpu.memory_space<vmem>>, vector<16xi32>,
      %sub3A_1170 = arith.subi %add3A_1125, %multiple_of3A_1167 : i32
      %broadcast_in_dim3A_1171 = vector.broadcast %sub3A_1170 : i32 to vector<16xi32>
      %eq3A_1172 = arith.cmpi eq, %iota3A, %broadcast_in_dim3A_1171 : vector<16xi32>
      %jit3A_1173 = arith.constant 0 : i32
      %broadcast_in_dim3A_1174 = vector.broadcast %jit3A_1173 : i32 to vector<16xi32>
      %select_n3A_1175 = arith.select %eq3A_1172, %get3A_1169, %broadcast_in_dim3A_1174 : vector<16xi1>, vector<16xi32>
      %reduce_max3A_1176 = arith.constant true
      %reduce_max3A_1177 = vector.broadcast %reduce_max3A_1176 : i1 to vector<16xi1>
      %reduce_max3A_1178 = arith.constant -2147483648 : i32
      %reduce_max3A_1179 = vector.broadcast %reduce_max3A_1178 : i32 to vector<16xi32>
      %reduce_max3A_1180 = arith.xori %select_n3A_1175, %reduce_max3A_1179 : vector<16xi32>
      %reduce_max3A_1181 = tpu.scan <max>, %reduce_max3A_1180 masked %reduce_max3A_1177 : vector<16xi32>, vector<16xi1> -> vector<16xi32>
      %reduce_max3A_1182 = arith.xori %reduce_max3A_1181, %reduce_max3A_1179 : vector<16xi32>
      %reduce_max3A_1183 = vector.extract %reduce_max3A_1182[15] : i32 from vector<16xi32>
      %jit3A_1184 = arith.constant 128 : i32
      %div3A_1185 = arith.divsi %reduce_max3A_1183, %jit3A_1184 : i32
      %sign3A_1186 = arith.constant 0 : i32
      %sign3A_1187 = arith.cmpi sgt, %reduce_max3A_1183, %sign3A_1186 : i32
      %sign3A_1188 = arith.extui %sign3A_1187 : i1 to i32
      %sign3A_1189 = arith.constant 0 : i32
      %sign3A_1190 = arith.cmpi slt, %reduce_max3A_1183, %sign3A_1189 : i32
      %sign3A_1191 = arith.extui %sign3A_1190 : i1 to i32
      %sign3A_1192 = arith.subi %sign3A_1188, %sign3A_1191 : i32
      %sign3A_1193 = arith.constant 0 : i32
      %sign3A_1194 = arith.cmpi sgt, %jit3A_1184, %sign3A_1193 : i32
      %sign3A_1195 = arith.extui %sign3A_1194 : i1 to i32
      %sign3A_1196 = arith.constant 0 : i32
      %sign3A_1197 = arith.cmpi slt, %jit3A_1184, %sign3A_1196 : i32
      %sign3A_1198 = arith.extui %sign3A_1197 : i1 to i32
      %sign3A_1199 = arith.subi %sign3A_1195, %sign3A_1198 : i32
      %ne3A_1200 = arith.cmpi ne, %sign3A_1192, %sign3A_1199 : i32
      %rem3A_1201 = arith.remsi %reduce_max3A_1183, %jit3A_1184 : i32
      %ne3A_1202 = arith.constant 0 : i32
      %ne3A_1203 = arith.cmpi ne, %rem3A_1201, %ne3A_1202 : i32
      %and3A_1204 = arith.andi %ne3A_1200, %ne3A_1203 : i1
      %sub3A_1205 = arith.constant 1 : i32
      %sub3A_1206 = arith.subi %div3A_1185, %sub3A_1205 : i32
      %select_n3A_1207 = arith.select %and3A_1204, %sub3A_1206, %div3A_1185 : i32
      %mul3A_1208 = arith.constant 128 : i32
      %mul3A_1209 = arith.muli %select_n3A_1207, %mul3A_1208 : i32
      %multiple_of3A_1210 = tpu.assume_multiple %mul3A_1209, 128 : i32
      %sub3A_1211 = arith.subi %reduce_max3A_1183, %multiple_of3A_1210 : i32
      %broadcast_in_dim3A_1212 = vector.broadcast %sub3A_1211 : i32 to vector<16xi32>
      %broadcast_in_dim3A_1213 = vector.broadcast %add3A_1125 : i32 to vector<16xi32>
      %add3A_1214 = arith.constant 0 : i32
      %add3A_1215 = vector.broadcast %add3A_1214 : i32 to vector<16xi32>
      %add3A_1216 = arith.addi %iota3A, %add3A_1215 : vector<16xi32>
      %gather3A_1217 = arith.constant 2 : i32
      %gather3A_1218 = arith.constant 0 : i32
      %gather3A_1219 = arith.constant 0 : i32
      %gather3A_1220 = tpu.memref_slice %arg7[%gather3A_1217, %gather3A_1218, %gather3A_1219] : memref<11x64x128xf32, #tpu.memory_space<vmem>> -> memref<1x64x128xf32, #tpu.memory_space<vmem>>
      %gather3A_1221 = tpu.memref_squeeze %gather3A_1220 : memref<1x64x128xf32, #tpu.memory_space<vmem>> -> memref<64x128xf32, #tpu.memory_space<vmem>>
      %gather3A_1222 = tpu.vector_load_idx %gather3A_1221[%add3A_1216, %broadcast_in_dim3A_1212] : memref<64x128xf32, #tpu.memory_space<vmem>>[vector<16xi32>, vector<16xi32>], vector<16xf32>,
      %gather3A_1223 = tpu.vector_load_idx %arg8[%add3A_1216, %broadcast_in_dim3A_1213] : memref<64x256xf32, #tpu.memory_space<vmem>>[vector<16xi32>, vector<16xi32>], vector<16xf32>,
      %add3A_1224 = arith.addf %gather3A_1222, %gather3A_1223 : vector<16xf32>
      tpu.vector_store_idx %arg9[%add3A_1216, %broadcast_in_dim3A_1213], %add3A_1224 : memref<64x256xf32, #tpu.memory_space<vmem>>[vector<16xi32>, vector<16xi32>], vector<16xf32>,
      %add3A_1225 = arith.constant 11 : i32
      %add3A_1226 = arith.addi %add3A_1125, %add3A_1225 : i32
      %lt3A_1227 = arith.constant 256 : i32
      %lt3A_1228 = arith.cmpi slt, %add3A_1226, %lt3A_1227 : i32
      %convert_element_type3A_1229 = arith.extui %lt3A_1228 : i1 to i32
      %cond3A_1230 = arith.constant 0 : i32
      %cond3A_1231 = arith.cmpi ne, %convert_element_type3A_1229, %cond3A_1230 : i32
      scf.if %cond3A_1231 {
        %add3A_2112 = arith.constant 11 : i32
        %add3A_2113 = arith.addi %add3A_1125, %add3A_2112 : i32
        %jit3A_2114 = arith.constant 16 : i32
        %div3A_2115 = arith.divsi %add3A_2113, %jit3A_2114 : i32
        %sign3A_2116 = arith.constant 0 : i32
        %sign3A_2117 = arith.cmpi sgt, %add3A_2113, %sign3A_2116 : i32
        %sign3A_2118 = arith.extui %sign3A_2117 : i1 to i32
        %sign3A_2119 = arith.constant 0 : i32
        %sign3A_2120 = arith.cmpi slt, %add3A_2113, %sign3A_2119 : i32
        %sign3A_2121 = arith.extui %sign3A_2120 : i1 to i32
        %sign3A_2122 = arith.subi %sign3A_2118, %sign3A_2121 : i32
        %sign3A_2123 = arith.constant 0 : i32
        %sign3A_2124 = arith.cmpi sgt, %jit3A_2114, %sign3A_2123 : i32
        %sign3A_2125 = arith.extui %sign3A_2124 : i1 to i32
        %sign3A_2126 = arith.constant 0 : i32
        %sign3A_2127 = arith.cmpi slt, %jit3A_2114, %sign3A_2126 : i32
        %sign3A_2128 = arith.extui %sign3A_2127 : i1 to i32
        %sign3A_2129 = arith.subi %sign3A_2125, %sign3A_2128 : i32
        %ne3A_2130 = arith.cmpi ne, %sign3A_2122, %sign3A_2129 : i32
        %rem3A_2131 = arith.remsi %add3A_2113, %jit3A_2114 : i32
        %ne3A_2132 = arith.constant 0 : i32
        %ne3A_2133 = arith.cmpi ne, %rem3A_2131, %ne3A_2132 : i32
        %and3A_2134 = arith.andi %ne3A_2130, %ne3A_2133 : i1
        %sub3A_2135 = arith.constant 1 : i32
        %sub3A_2136 = arith.subi %div3A_2115, %sub3A_2135 : i32
        %select_n3A_2137 = arith.select %and3A_2134, %sub3A_2136, %div3A_2115 : i32
        %mul3A_2138 = arith.constant 16 : i32
        %mul3A_2139 = arith.muli %select_n3A_2137, %mul3A_2138 : i32
        %multiple_of3A_2140 = tpu.assume_multiple %mul3A_2139, 16 : i32
        %get3A_2141 = arith.index_cast %multiple_of3A_2140 : i32 to index
        %get3A_2142 = tpu.vector_load %arg6[%get3A_2141] {strides = array<i32>} : memref<256xi32, #tpu.memory_space<vmem>>, vector<16xi32>,
        %sub3A_2143 = arith.subi %add3A_2113, %multiple_of3A_2140 : i32
        %broadcast_in_dim3A_2144 = vector.broadcast %sub3A_2143 : i32 to vector<16xi32>
        %eq3A_2145 = arith.cmpi eq, %iota3A, %broadcast_in_dim3A_2144 : vector<16xi32>
        %jit3A_2146 = arith.constant 0 : i32
        %broadcast_in_dim3A_2147 = vector.broadcast %jit3A_2146 : i32 to vector<16xi32>
        %select_n3A_2148 = arith.select %eq3A_2145, %get3A_2142, %broadcast_in_dim3A_2147 : vector<16xi1>, vector<16xi32>
        %reduce_max3A_2149 = arith.constant true
        %reduce_max3A_2150 = vector.broadcast %reduce_max3A_2149 : i1 to vector<16xi1>
        %reduce_max3A_2151 = arith.constant -2147483648 : i32
        %reduce_max3A_2152 = vector.broadcast %reduce_max3A_2151 : i32 to vector<16xi32>
        %reduce_max3A_2153 = arith.xori %select_n3A_2148, %reduce_max3A_2152 : vector<16xi32>
        %reduce_max3A_2154 = tpu.scan <max>, %reduce_max3A_2153 masked %reduce_max3A_2150 : vector<16xi32>, vector<16xi1> -> vector<16xi32>
        %reduce_max3A_2155 = arith.xori %reduce_max3A_2154, %reduce_max3A_2152 : vector<16xi32>
        %reduce_max3A_2156 = vector.extract %reduce_max3A_2155[15] : i32 from vector<16xi32>
        %jit3A_2157 = arith.constant 128 : i32
        %div3A_2158 = arith.divsi %reduce_max3A_2156, %jit3A_2157 : i32
        %sign3A_2159 = arith.constant 0 : i32
        %sign3A_2160 = arith.cmpi sgt, %reduce_max3A_2156, %sign3A_2159 : i32
        %sign3A_2161 = arith.extui %sign3A_2160 : i1 to i32
        %sign3A_2162 = arith.constant 0 : i32
        %sign3A_2163 = arith.cmpi slt, %reduce_max3A_2156, %sign3A_2162 : i32
        %sign3A_2164 = arith.extui %sign3A_2163 : i1 to i32
        %sign3A_2165 = arith.subi %sign3A_2161, %sign3A_2164 : i32
        %sign3A_2166 = arith.constant 0 : i32
        %sign3A_2167 = arith.cmpi sgt, %jit3A_2157, %sign3A_2166 : i32
        %sign3A_2168 = arith.extui %sign3A_2167 : i1 to i32
        %sign3A_2169 = arith.constant 0 : i32
        %sign3A_2170 = arith.cmpi slt, %jit3A_2157, %sign3A_2169 : i32
        %sign3A_2171 = arith.extui %sign3A_2170 : i1 to i32
        %sign3A_2172 = arith.subi %sign3A_2168, %sign3A_2171 : i32
        %ne3A_2173 = arith.cmpi ne, %sign3A_2165, %sign3A_2172 : i32
        %rem3A_2174 = arith.remsi %reduce_max3A_2156, %jit3A_2157 : i32
        %ne3A_2175 = arith.constant 0 : i32
        %ne3A_2176 = arith.cmpi ne, %rem3A_2174, %ne3A_2175 : i32
        %and3A_2177 = arith.andi %ne3A_2173, %ne3A_2176 : i1
        %sub3A_2178 = arith.constant 1 : i32
        %sub3A_2179 = arith.subi %div3A_2158, %sub3A_2178 : i32
        %select_n3A_2180 = arith.select %and3A_2177, %sub3A_2179, %div3A_2158 : i32
        %mul3A_2181 = arith.constant 128 : i32
        %mul3A_2182 = arith.muli %select_n3A_2180, %mul3A_2181 : i32
        %multiple_of3A_2183 = tpu.assume_multiple %mul3A_2182, 128 : i32
        %dma_start3A_2184 = arith.constant 2 : i32
        %dma_start3A_2185 = arith.constant 0 : i32
        %dma_start3A_2186 = arith.constant 0 : i32
        %dma_start3A_2187 = tpu.memref_slice %arg7[%dma_start3A_2184, %dma_start3A_2185, %dma_start3A_2186] : memref<11x64x128xf32, #tpu.memory_space<vmem>> -> memref<1x64x128xf32, #tpu.memory_space<vmem>>
        %dma_start3A_2188 = tpu.memref_squeeze %dma_start3A_2187 : memref<1x64x128xf32, #tpu.memory_space<vmem>> -> memref<64x128xf32, #tpu.memory_space<vmem>>
        %dma_start3A_2189 = arith.constant 0 : i32
        %dma_start3A_2190 = tpu.memref_slice %arg3[%dma_start3A_2189, %multiple_of3A_2183] : memref<64x1000000xf32, #tpu.memory_space<hbm>> -> memref<64x128xf32, #tpu.memory_space<hbm>>
        %dma_start3A_2191 = arith.constant 0 : i32
        %dma_start3A_2192 = arith.constant 0 : i32
        %dma_start3A_2193 = tpu.memref_slice %arg7[%dma_start3A_2184, %dma_start3A_2191, %dma_start3A_2192] : memref<11x64x128xf32, #tpu.memory_space<vmem>> -> memref<1x64x128xf32, #tpu.memory_space<vmem>>
        %dma_start3A_2194 = tpu.memref_squeeze %dma_start3A_2193 : memref<1x64x128xf32, #tpu.memory_space<vmem>> -> memref<64x128xf32, #tpu.memory_space<vmem>>
        %dma_start3A_2195 = arith.constant 0 : i32
        %dma_start3A_2196 = tpu.memref_slice %arg3[%dma_start3A_2195, %multiple_of3A_2183] : memref<64x1000000xf32, #tpu.memory_space<hbm>> -> memref<64x128xf32, #tpu.memory_space<hbm>>
        tpu.enqueue_dma source(%dma_start3A_2196 : memref<64x128xf32, #tpu.memory_space<hbm>>) target(%dma_start3A_2194 : memref<64x128xf32, #tpu.memory_space<vmem>>) target_semaphore(%arg13 : memref<!tpu.dma_semaphore, #tpu.memory_space<semaphore_mem>>)
      } else {
      }
      %mul3A_1232 = arith.constant 11 : i32
      %mul3A_1233 = arith.muli %scan3A_904, %mul3A_1232 : i32
      %add3A_1234 = arith.constant 3 : i32
      %add3A_1235 = arith.addi %mul3A_1233, %add3A_1234 : i32
      %dma_wait3A_1236 = arith.constant 3 : i32
      %dma_wait3A_1237 = arith.constant 0 : i32
      %dma_wait3A_1238 = arith.constant 0 : i32
      %dma_wait3A_1239 = tpu.memref_slice %arg7[%dma_wait3A_1236, %dma_wait3A_1237, %dma_wait3A_1238] : memref<11x64x128xf32, #tpu.memory_space<vmem>> -> memref<1x64x128xf32, #tpu.memory_space<vmem>>
      %dma_wait3A_1240 = tpu.memref_squeeze %dma_wait3A_1239 : memref<1x64x128xf32, #tpu.memory_space<vmem>> -> memref<64x128xf32, #tpu.memory_space<vmem>>
      %dma_wait3A_1241 = arith.constant 0 : i32
      %dma_wait3A_1242 = arith.constant 0 : i32
      %dma_wait3A_1243 = tpu.memref_slice %arg3[%dma_wait3A_1241, %dma_wait3A_1242] : memref<64x1000000xf32, #tpu.memory_space<hbm>> -> memref<64x128xf32, #tpu.memory_space<hbm>>
      %dma_wait3A_1244 = arith.constant 0 : i32
      %dma_wait3A_1245 = arith.constant 0 : i32
      %dma_wait3A_1246 = tpu.memref_slice %arg7[%dma_wait3A_1236, %dma_wait3A_1244, %dma_wait3A_1245] : memref<11x64x128xf32, #tpu.memory_space<vmem>> -> memref<1x64x128xf32, #tpu.memory_space<vmem>>
      %dma_wait3A_1247 = tpu.memref_squeeze %dma_wait3A_1246 : memref<1x64x128xf32, #tpu.memory_space<vmem>> -> memref<64x128xf32, #tpu.memory_space<vmem>>
      %dma_wait3A_1248 = arith.constant 0 : i32
      %dma_wait3A_1249 = arith.constant 0 : i32
      %dma_wait3A_1250 = tpu.memref_slice %arg3[%dma_wait3A_1248, %dma_wait3A_1249] : memref<64x1000000xf32, #tpu.memory_space<hbm>> -> memref<64x128xf32, #tpu.memory_space<hbm>>
      tpu.wait_dma2 semaphore(%arg14 : memref<!tpu.dma_semaphore, #tpu.memory_space<semaphore_mem>>) src(%dma_wait3A_1250 : memref<64x128xf32, #tpu.memory_space<hbm>>) dst(%dma_wait3A_1247 : memref<64x128xf32, #tpu.memory_space<vmem>>)
      %jit3A_1251 = arith.constant 16 : i32
      %div3A_1252 = arith.divsi %add3A_1235, %jit3A_1251 : i32
      %sign3A_1253 = arith.constant 0 : i32
      %sign3A_1254 = arith.cmpi sgt, %add3A_1235, %sign3A_1253 : i32
      %sign3A_1255 = arith.extui %sign3A_1254 : i1 to i32
      %sign3A_1256 = arith.constant 0 : i32
      %sign3A_1257 = arith.cmpi slt, %add3A_1235, %sign3A_1256 : i32
      %sign3A_1258 = arith.extui %sign3A_1257 : i1 to i32
      %sign3A_1259 = arith.subi %sign3A_1255, %sign3A_1258 : i32
      %sign3A_1260 = arith.constant 0 : i32
      %sign3A_1261 = arith.cmpi sgt, %jit3A_1251, %sign3A_1260 : i32
      %sign3A_1262 = arith.extui %sign3A_1261 : i1 to i32
      %sign3A_1263 = arith.constant 0 : i32
      %sign3A_1264 = arith.cmpi slt, %jit3A_1251, %sign3A_1263 : i32
      %sign3A_1265 = arith.extui %sign3A_1264 : i1 to i32
      %sign3A_1266 = arith.subi %sign3A_1262, %sign3A_1265 : i32
      %ne3A_1267 = arith.cmpi ne, %sign3A_1259, %sign3A_1266 : i32
      %rem3A_1268 = arith.remsi %add3A_1235, %jit3A_1251 : i32
      %ne3A_1269 = arith.constant 0 : i32
      %ne3A_1270 = arith.cmpi ne, %rem3A_1268, %ne3A_1269 : i32
      %and3A_1271 = arith.andi %ne3A_1267, %ne3A_1270 : i1
      %sub3A_1272 = arith.constant 1 : i32
      %sub3A_1273 = arith.subi %div3A_1252, %sub3A_1272 : i32
      %select_n3A_1274 = arith.select %and3A_1271, %sub3A_1273, %div3A_1252 : i32
      %mul3A_1275 = arith.constant 16 : i32
      %mul3A_1276 = arith.muli %select_n3A_1274, %mul3A_1275 : i32
      %multiple_of3A_1277 = tpu.assume_multiple %mul3A_1276, 16 : i32
      %get3A_1278 = arith.index_cast %multiple_of3A_1277 : i32 to index
      %get3A_1279 = tpu.vector_load %arg6[%get3A_1278] {strides = array<i32>} : memref<256xi32, #tpu.memory_space<vmem>>, vector<16xi32>,
      %sub3A_1280 = arith.subi %add3A_1235, %multiple_of3A_1277 : i32
      %broadcast_in_dim3A_1281 = vector.broadcast %sub3A_1280 : i32 to vector<16xi32>
      %eq3A_1282 = arith.cmpi eq, %iota3A, %broadcast_in_dim3A_1281 : vector<16xi32>
      %jit3A_1283 = arith.constant 0 : i32
      %broadcast_in_dim3A_1284 = vector.broadcast %jit3A_1283 : i32 to vector<16xi32>
      %select_n3A_1285 = arith.select %eq3A_1282, %get3A_1279, %broadcast_in_dim3A_1284 : vector<16xi1>, vector<16xi32>
      %reduce_max3A_1286 = arith.constant true
      %reduce_max3A_1287 = vector.broadcast %reduce_max3A_1286 : i1 to vector<16xi1>
      %reduce_max3A_1288 = arith.constant -2147483648 : i32
      %reduce_max3A_1289 = vector.broadcast %reduce_max3A_1288 : i32 to vector<16xi32>
      %reduce_max3A_1290 = arith.xori %select_n3A_1285, %reduce_max3A_1289 : vector<16xi32>
      %reduce_max3A_1291 = tpu.scan <max>, %reduce_max3A_1290 masked %reduce_max3A_1287 : vector<16xi32>, vector<16xi1> -> vector<16xi32>
      %reduce_max3A_1292 = arith.xori %reduce_max3A_1291, %reduce_max3A_1289 : vector<16xi32>
      %reduce_max3A_1293 = vector.extract %reduce_max3A_1292[15] : i32 from vector<16xi32>
      %jit3A_1294 = arith.constant 128 : i32
      %div3A_1295 = arith.divsi %reduce_max3A_1293, %jit3A_1294 : i32
      %sign3A_1296 = arith.constant 0 : i32
      %sign3A_1297 = arith.cmpi sgt, %reduce_max3A_1293, %sign3A_1296 : i32
      %sign3A_1298 = arith.extui %sign3A_1297 : i1 to i32
      %sign3A_1299 = arith.constant 0 : i32
      %sign3A_1300 = arith.cmpi slt, %reduce_max3A_1293, %sign3A_1299 : i32
      %sign3A_1301 = arith.extui %sign3A_1300 : i1 to i32
      %sign3A_1302 = arith.subi %sign3A_1298, %sign3A_1301 : i32
      %sign3A_1303 = arith.constant 0 : i32
      %sign3A_1304 = arith.cmpi sgt, %jit3A_1294, %sign3A_1303 : i32
      %sign3A_1305 = arith.extui %sign3A_1304 : i1 to i32
      %sign3A_1306 = arith.constant 0 : i32
      %sign3A_1307 = arith.cmpi slt, %jit3A_1294, %sign3A_1306 : i32
      %sign3A_1308 = arith.extui %sign3A_1307 : i1 to i32
      %sign3A_1309 = arith.subi %sign3A_1305, %sign3A_1308 : i32
      %ne3A_1310 = arith.cmpi ne, %sign3A_1302, %sign3A_1309 : i32
      %rem3A_1311 = arith.remsi %reduce_max3A_1293, %jit3A_1294 : i32
      %ne3A_1312 = arith.constant 0 : i32
      %ne3A_1313 = arith.cmpi ne, %rem3A_1311, %ne3A_1312 : i32
      %and3A_1314 = arith.andi %ne3A_1310, %ne3A_1313 : i1
      %sub3A_1315 = arith.constant 1 : i32
      %sub3A_1316 = arith.subi %div3A_1295, %sub3A_1315 : i32
      %select_n3A_1317 = arith.select %and3A_1314, %sub3A_1316, %div3A_1295 : i32
      %mul3A_1318 = arith.constant 128 : i32
      %mul3A_1319 = arith.muli %select_n3A_1317, %mul3A_1318 : i32
      %multiple_of3A_1320 = tpu.assume_multiple %mul3A_1319, 128 : i32
      %sub3A_1321 = arith.subi %reduce_max3A_1293, %multiple_of3A_1320 : i32
      %broadcast_in_dim3A_1322 = vector.broadcast %sub3A_1321 : i32 to vector<16xi32>
      %broadcast_in_dim3A_1323 = vector.broadcast %add3A_1235 : i32 to vector<16xi32>
      %add3A_1324 = arith.constant 0 : i32
      %add3A_1325 = vector.broadcast %add3A_1324 : i32 to vector<16xi32>
      %add3A_1326 = arith.addi %iota3A, %add3A_1325 : vector<16xi32>
      %gather3A_1327 = arith.constant 3 : i32
      %gather3A_1328 = arith.constant 0 : i32
      %gather3A_1329 = arith.constant 0 : i32
      %gather3A_1330 = tpu.memref_slice %arg7[%gather3A_1327, %gather3A_1328, %gather3A_1329] : memref<11x64x128xf32, #tpu.memory_space<vmem>> -> memref<1x64x128xf32, #tpu.memory_space<vmem>>
      %gather3A_1331 = tpu.memref_squeeze %gather3A_1330 : memref<1x64x128xf32, #tpu.memory_space<vmem>> -> memref<64x128xf32, #tpu.memory_space<vmem>>
      %gather3A_1332 = tpu.vector_load_idx %gather3A_1331[%add3A_1326, %broadcast_in_dim3A_1322] : memref<64x128xf32, #tpu.memory_space<vmem>>[vector<16xi32>, vector<16xi32>], vector<16xf32>,
      %gather3A_1333 = tpu.vector_load_idx %arg8[%add3A_1326, %broadcast_in_dim3A_1323] : memref<64x256xf32, #tpu.memory_space<vmem>>[vector<16xi32>, vector<16xi32>], vector<16xf32>,
      %add3A_1334 = arith.addf %gather3A_1332, %gather3A_1333 : vector<16xf32>
      tpu.vector_store_idx %arg9[%add3A_1326, %broadcast_in_dim3A_1323], %add3A_1334 : memref<64x256xf32, #tpu.memory_space<vmem>>[vector<16xi32>, vector<16xi32>], vector<16xf32>,
      %add3A_1335 = arith.constant 11 : i32
      %add3A_1336 = arith.addi %add3A_1235, %add3A_1335 : i32
      %lt3A_1337 = arith.constant 256 : i32
      %lt3A_1338 = arith.cmpi slt, %add3A_1336, %lt3A_1337 : i32
      %convert_element_type3A_1339 = arith.extui %lt3A_1338 : i1 to i32
      %cond3A_1340 = arith.constant 0 : i32
      %cond3A_1341 = arith.cmpi ne, %convert_element_type3A_1339, %cond3A_1340 : i32
      scf.if %cond3A_1341 {
        %add3A_2112 = arith.constant 11 : i32
        %add3A_2113 = arith.addi %add3A_1235, %add3A_2112 : i32
        %jit3A_2114 = arith.constant 16 : i32
        %div3A_2115 = arith.divsi %add3A_2113, %jit3A_2114 : i32
        %sign3A_2116 = arith.constant 0 : i32
        %sign3A_2117 = arith.cmpi sgt, %add3A_2113, %sign3A_2116 : i32
        %sign3A_2118 = arith.extui %sign3A_2117 : i1 to i32
        %sign3A_2119 = arith.constant 0 : i32
        %sign3A_2120 = arith.cmpi slt, %add3A_2113, %sign3A_2119 : i32
        %sign3A_2121 = arith.extui %sign3A_2120 : i1 to i32
        %sign3A_2122 = arith.subi %sign3A_2118, %sign3A_2121 : i32
        %sign3A_2123 = arith.constant 0 : i32
        %sign3A_2124 = arith.cmpi sgt, %jit3A_2114, %sign3A_2123 : i32
        %sign3A_2125 = arith.extui %sign3A_2124 : i1 to i32
        %sign3A_2126 = arith.constant 0 : i32
        %sign3A_2127 = arith.cmpi slt, %jit3A_2114, %sign3A_2126 : i32
        %sign3A_2128 = arith.extui %sign3A_2127 : i1 to i32
        %sign3A_2129 = arith.subi %sign3A_2125, %sign3A_2128 : i32
        %ne3A_2130 = arith.cmpi ne, %sign3A_2122, %sign3A_2129 : i32
        %rem3A_2131 = arith.remsi %add3A_2113, %jit3A_2114 : i32
        %ne3A_2132 = arith.constant 0 : i32
        %ne3A_2133 = arith.cmpi ne, %rem3A_2131, %ne3A_2132 : i32
        %and3A_2134 = arith.andi %ne3A_2130, %ne3A_2133 : i1
        %sub3A_2135 = arith.constant 1 : i32
        %sub3A_2136 = arith.subi %div3A_2115, %sub3A_2135 : i32
        %select_n3A_2137 = arith.select %and3A_2134, %sub3A_2136, %div3A_2115 : i32
        %mul3A_2138 = arith.constant 16 : i32
        %mul3A_2139 = arith.muli %select_n3A_2137, %mul3A_2138 : i32
        %multiple_of3A_2140 = tpu.assume_multiple %mul3A_2139, 16 : i32
        %get3A_2141 = arith.index_cast %multiple_of3A_2140 : i32 to index
        %get3A_2142 = tpu.vector_load %arg6[%get3A_2141] {strides = array<i32>} : memref<256xi32, #tpu.memory_space<vmem>>, vector<16xi32>,
        %sub3A_2143 = arith.subi %add3A_2113, %multiple_of3A_2140 : i32
        %broadcast_in_dim3A_2144 = vector.broadcast %sub3A_2143 : i32 to vector<16xi32>
        %eq3A_2145 = arith.cmpi eq, %iota3A, %broadcast_in_dim3A_2144 : vector<16xi32>
        %jit3A_2146 = arith.constant 0 : i32
        %broadcast_in_dim3A_2147 = vector.broadcast %jit3A_2146 : i32 to vector<16xi32>
        %select_n3A_2148 = arith.select %eq3A_2145, %get3A_2142, %broadcast_in_dim3A_2147 : vector<16xi1>, vector<16xi32>
        %reduce_max3A_2149 = arith.constant true
        %reduce_max3A_2150 = vector.broadcast %reduce_max3A_2149 : i1 to vector<16xi1>
        %reduce_max3A_2151 = arith.constant -2147483648 : i32
        %reduce_max3A_2152 = vector.broadcast %reduce_max3A_2151 : i32 to vector<16xi32>
        %reduce_max3A_2153 = arith.xori %select_n3A_2148, %reduce_max3A_2152 : vector<16xi32>
        %reduce_max3A_2154 = tpu.scan <max>, %reduce_max3A_2153 masked %reduce_max3A_2150 : vector<16xi32>, vector<16xi1> -> vector<16xi32>
        %reduce_max3A_2155 = arith.xori %reduce_max3A_2154, %reduce_max3A_2152 : vector<16xi32>
        %reduce_max3A_2156 = vector.extract %reduce_max3A_2155[15] : i32 from vector<16xi32>
        %jit3A_2157 = arith.constant 128 : i32
        %div3A_2158 = arith.divsi %reduce_max3A_2156, %jit3A_2157 : i32
        %sign3A_2159 = arith.constant 0 : i32
        %sign3A_2160 = arith.cmpi sgt, %reduce_max3A_2156, %sign3A_2159 : i32
        %sign3A_2161 = arith.extui %sign3A_2160 : i1 to i32
        %sign3A_2162 = arith.constant 0 : i32
        %sign3A_2163 = arith.cmpi slt, %reduce_max3A_2156, %sign3A_2162 : i32
        %sign3A_2164 = arith.extui %sign3A_2163 : i1 to i32
        %sign3A_2165 = arith.subi %sign3A_2161, %sign3A_2164 : i32
        %sign3A_2166 = arith.constant 0 : i32
        %sign3A_2167 = arith.cmpi sgt, %jit3A_2157, %sign3A_2166 : i32
        %sign3A_2168 = arith.extui %sign3A_2167 : i1 to i32
        %sign3A_2169 = arith.constant 0 : i32
        %sign3A_2170 = arith.cmpi slt, %jit3A_2157, %sign3A_2169 : i32
        %sign3A_2171 = arith.extui %sign3A_2170 : i1 to i32
        %sign3A_2172 = arith.subi %sign3A_2168, %sign3A_2171 : i32
        %ne3A_2173 = arith.cmpi ne, %sign3A_2165, %sign3A_2172 : i32
        %rem3A_2174 = arith.remsi %reduce_max3A_2156, %jit3A_2157 : i32
        %ne3A_2175 = arith.constant 0 : i32
        %ne3A_2176 = arith.cmpi ne, %rem3A_2174, %ne3A_2175 : i32
        %and3A_2177 = arith.andi %ne3A_2173, %ne3A_2176 : i1
        %sub3A_2178 = arith.constant 1 : i32
        %sub3A_2179 = arith.subi %div3A_2158, %sub3A_2178 : i32
        %select_n3A_2180 = arith.select %and3A_2177, %sub3A_2179, %div3A_2158 : i32
        %mul3A_2181 = arith.constant 128 : i32
        %mul3A_2182 = arith.muli %select_n3A_2180, %mul3A_2181 : i32
        %multiple_of3A_2183 = tpu.assume_multiple %mul3A_2182, 128 : i32
        %dma_start3A_2184 = arith.constant 3 : i32
        %dma_start3A_2185 = arith.constant 0 : i32
        %dma_start3A_2186 = arith.constant 0 : i32
        %dma_start3A_2187 = tpu.memref_slice %arg7[%dma_start3A_2184, %dma_start3A_2185, %dma_start3A_2186] : memref<11x64x128xf32, #tpu.memory_space<vmem>> -> memref<1x64x128xf32, #tpu.memory_space<vmem>>
        %dma_start3A_2188 = tpu.memref_squeeze %dma_start3A_2187 : memref<1x64x128xf32, #tpu.memory_space<vmem>> -> memref<64x128xf32, #tpu.memory_space<vmem>>
        %dma_start3A_2189 = arith.constant 0 : i32
        %dma_start3A_2190 = tpu.memref_slice %arg3[%dma_start3A_2189, %multiple_of3A_2183] : memref<64x1000000xf32, #tpu.memory_space<hbm>> -> memref<64x128xf32, #tpu.memory_space<hbm>>
        %dma_start3A_2191 = arith.constant 0 : i32
        %dma_start3A_2192 = arith.constant 0 : i32
        %dma_start3A_2193 = tpu.memref_slice %arg7[%dma_start3A_2184, %dma_start3A_2191, %dma_start3A_2192] : memref<11x64x128xf32, #tpu.memory_space<vmem>> -> memref<1x64x128xf32, #tpu.memory_space<vmem>>
        %dma_start3A_2194 = tpu.memref_squeeze %dma_start3A_2193 : memref<1x64x128xf32, #tpu.memory_space<vmem>> -> memref<64x128xf32, #tpu.memory_space<vmem>>
        %dma_start3A_2195 = arith.constant 0 : i32
        %dma_start3A_2196 = tpu.memref_slice %arg3[%dma_start3A_2195, %multiple_of3A_2183] : memref<64x1000000xf32, #tpu.memory_space<hbm>> -> memref<64x128xf32, #tpu.memory_space<hbm>>
        tpu.enqueue_dma source(%dma_start3A_2196 : memref<64x128xf32, #tpu.memory_space<hbm>>) target(%dma_start3A_2194 : memref<64x128xf32, #tpu.memory_space<vmem>>) target_semaphore(%arg14 : memref<!tpu.dma_semaphore, #tpu.memory_space<semaphore_mem>>)
      } else {
      }
      %mul3A_1342 = arith.constant 11 : i32
      %mul3A_1343 = arith.muli %scan3A_904, %mul3A_1342 : i32
      %add3A_1344 = arith.constant 4 : i32
      %add3A_1345 = arith.addi %mul3A_1343, %add3A_1344 : i32
      %dma_wait3A_1346 = arith.constant 4 : i32
      %dma_wait3A_1347 = arith.constant 0 : i32
      %dma_wait3A_1348 = arith.constant 0 : i32
      %dma_wait3A_1349 = tpu.memref_slice %arg7[%dma_wait3A_1346, %dma_wait3A_1347, %dma_wait3A_1348] : memref<11x64x128xf32, #tpu.memory_space<vmem>> -> memref<1x64x128xf32, #tpu.memory_space<vmem>>
      %dma_wait3A_1350 = tpu.memref_squeeze %dma_wait3A_1349 : memref<1x64x128xf32, #tpu.memory_space<vmem>> -> memref<64x128xf32, #tpu.memory_space<vmem>>
      %dma_wait3A_1351 = arith.constant 0 : i32
      %dma_wait3A_1352 = arith.constant 0 : i32
      %dma_wait3A_1353 = tpu.memref_slice %arg3[%dma_wait3A_1351, %dma_wait3A_1352] : memref<64x1000000xf32, #tpu.memory_space<hbm>> -> memref<64x128xf32, #tpu.memory_space<hbm>>
      %dma_wait3A_1354 = arith.constant 0 : i32
      %dma_wait3A_1355 = arith.constant 0 : i32
      %dma_wait3A_1356 = tpu.memref_slice %arg7[%dma_wait3A_1346, %dma_wait3A_1354, %dma_wait3A_1355] : memref<11x64x128xf32, #tpu.memory_space<vmem>> -> memref<1x64x128xf32, #tpu.memory_space<vmem>>
      %dma_wait3A_1357 = tpu.memref_squeeze %dma_wait3A_1356 : memref<1x64x128xf32, #tpu.memory_space<vmem>> -> memref<64x128xf32, #tpu.memory_space<vmem>>
      %dma_wait3A_1358 = arith.constant 0 : i32
      %dma_wait3A_1359 = arith.constant 0 : i32
      %dma_wait3A_1360 = tpu.memref_slice %arg3[%dma_wait3A_1358, %dma_wait3A_1359] : memref<64x1000000xf32, #tpu.memory_space<hbm>> -> memref<64x128xf32, #tpu.memory_space<hbm>>
      tpu.wait_dma2 semaphore(%arg15 : memref<!tpu.dma_semaphore, #tpu.memory_space<semaphore_mem>>) src(%dma_wait3A_1360 : memref<64x128xf32, #tpu.memory_space<hbm>>) dst(%dma_wait3A_1357 : memref<64x128xf32, #tpu.memory_space<vmem>>)
      %jit3A_1361 = arith.constant 16 : i32
      %div3A_1362 = arith.divsi %add3A_1345, %jit3A_1361 : i32
      %sign3A_1363 = arith.constant 0 : i32
      %sign3A_1364 = arith.cmpi sgt, %add3A_1345, %sign3A_1363 : i32
      %sign3A_1365 = arith.extui %sign3A_1364 : i1 to i32
      %sign3A_1366 = arith.constant 0 : i32
      %sign3A_1367 = arith.cmpi slt, %add3A_1345, %sign3A_1366 : i32
      %sign3A_1368 = arith.extui %sign3A_1367 : i1 to i32
      %sign3A_1369 = arith.subi %sign3A_1365, %sign3A_1368 : i32
      %sign3A_1370 = arith.constant 0 : i32
      %sign3A_1371 = arith.cmpi sgt, %jit3A_1361, %sign3A_1370 : i32
      %sign3A_1372 = arith.extui %sign3A_1371 : i1 to i32
      %sign3A_1373 = arith.constant 0 : i32
      %sign3A_1374 = arith.cmpi slt, %jit3A_1361, %sign3A_1373 : i32
      %sign3A_1375 = arith.extui %sign3A_1374 : i1 to i32
      %sign3A_1376 = arith.subi %sign3A_1372, %sign3A_1375 : i32
      %ne3A_1377 = arith.cmpi ne, %sign3A_1369, %sign3A_1376 : i32
      %rem3A_1378 = arith.remsi %add3A_1345, %jit3A_1361 : i32
      %ne3A_1379 = arith.constant 0 : i32
      %ne3A_1380 = arith.cmpi ne, %rem3A_1378, %ne3A_1379 : i32
      %and3A_1381 = arith.andi %ne3A_1377, %ne3A_1380 : i1
      %sub3A_1382 = arith.constant 1 : i32
      %sub3A_1383 = arith.subi %div3A_1362, %sub3A_1382 : i32
      %select_n3A_1384 = arith.select %and3A_1381, %sub3A_1383, %div3A_1362 : i32
      %mul3A_1385 = arith.constant 16 : i32
      %mul3A_1386 = arith.muli %select_n3A_1384, %mul3A_1385 : i32
      %multiple_of3A_1387 = tpu.assume_multiple %mul3A_1386, 16 : i32
      %get3A_1388 = arith.index_cast %multiple_of3A_1387 : i32 to index
      %get3A_1389 = tpu.vector_load %arg6[%get3A_1388] {strides = array<i32>} : memref<256xi32, #tpu.memory_space<vmem>>, vector<16xi32>,
      %sub3A_1390 = arith.subi %add3A_1345, %multiple_of3A_1387 : i32
      %broadcast_in_dim3A_1391 = vector.broadcast %sub3A_1390 : i32 to vector<16xi32>
      %eq3A_1392 = arith.cmpi eq, %iota3A, %broadcast_in_dim3A_1391 : vector<16xi32>
      %jit3A_1393 = arith.constant 0 : i32
      %broadcast_in_dim3A_1394 = vector.broadcast %jit3A_1393 : i32 to vector<16xi32>
      %select_n3A_1395 = arith.select %eq3A_1392, %get3A_1389, %broadcast_in_dim3A_1394 : vector<16xi1>, vector<16xi32>
      %reduce_max3A_1396 = arith.constant true
      %reduce_max3A_1397 = vector.broadcast %reduce_max3A_1396 : i1 to vector<16xi1>
      %reduce_max3A_1398 = arith.constant -2147483648 : i32
      %reduce_max3A_1399 = vector.broadcast %reduce_max3A_1398 : i32 to vector<16xi32>
      %reduce_max3A_1400 = arith.xori %select_n3A_1395, %reduce_max3A_1399 : vector<16xi32>
      %reduce_max3A_1401 = tpu.scan <max>, %reduce_max3A_1400 masked %reduce_max3A_1397 : vector<16xi32>, vector<16xi1> -> vector<16xi32>
      %reduce_max3A_1402 = arith.xori %reduce_max3A_1401, %reduce_max3A_1399 : vector<16xi32>
      %reduce_max3A_1403 = vector.extract %reduce_max3A_1402[15] : i32 from vector<16xi32>
      %jit3A_1404 = arith.constant 128 : i32
      %div3A_1405 = arith.divsi %reduce_max3A_1403, %jit3A_1404 : i32
      %sign3A_1406 = arith.constant 0 : i32
      %sign3A_1407 = arith.cmpi sgt, %reduce_max3A_1403, %sign3A_1406 : i32
      %sign3A_1408 = arith.extui %sign3A_1407 : i1 to i32
      %sign3A_1409 = arith.constant 0 : i32
      %sign3A_1410 = arith.cmpi slt, %reduce_max3A_1403, %sign3A_1409 : i32
      %sign3A_1411 = arith.extui %sign3A_1410 : i1 to i32
      %sign3A_1412 = arith.subi %sign3A_1408, %sign3A_1411 : i32
      %sign3A_1413 = arith.constant 0 : i32
      %sign3A_1414 = arith.cmpi sgt, %jit3A_1404, %sign3A_1413 : i32
      %sign3A_1415 = arith.extui %sign3A_1414 : i1 to i32
      %sign3A_1416 = arith.constant 0 : i32
      %sign3A_1417 = arith.cmpi slt, %jit3A_1404, %sign3A_1416 : i32
      %sign3A_1418 = arith.extui %sign3A_1417 : i1 to i32
      %sign3A_1419 = arith.subi %sign3A_1415, %sign3A_1418 : i32
      %ne3A_1420 = arith.cmpi ne, %sign3A_1412, %sign3A_1419 : i32
      %rem3A_1421 = arith.remsi %reduce_max3A_1403, %jit3A_1404 : i32
      %ne3A_1422 = arith.constant 0 : i32
      %ne3A_1423 = arith.cmpi ne, %rem3A_1421, %ne3A_1422 : i32
      %and3A_1424 = arith.andi %ne3A_1420, %ne3A_1423 : i1
      %sub3A_1425 = arith.constant 1 : i32
      %sub3A_1426 = arith.subi %div3A_1405, %sub3A_1425 : i32
      %select_n3A_1427 = arith.select %and3A_1424, %sub3A_1426, %div3A_1405 : i32
      %mul3A_1428 = arith.constant 128 : i32
      %mul3A_1429 = arith.muli %select_n3A_1427, %mul3A_1428 : i32
      %multiple_of3A_1430 = tpu.assume_multiple %mul3A_1429, 128 : i32
      %sub3A_1431 = arith.subi %reduce_max3A_1403, %multiple_of3A_1430 : i32
      %broadcast_in_dim3A_1432 = vector.broadcast %sub3A_1431 : i32 to vector<16xi32>
      %broadcast_in_dim3A_1433 = vector.broadcast %add3A_1345 : i32 to vector<16xi32>
      %add3A_1434 = arith.constant 0 : i32
      %add3A_1435 = vector.broadcast %add3A_1434 : i32 to vector<16xi32>
      %add3A_1436 = arith.addi %iota3A, %add3A_1435 : vector<16xi32>
      %gather3A_1437 = arith.constant 4 : i32
      %gather3A_1438 = arith.constant 0 : i32
      %gather3A_1439 = arith.constant 0 : i32
      %gather3A_1440 = tpu.memref_slice %arg7[%gather3A_1437, %gather3A_1438, %gather3A_1439] : memref<11x64x128xf32, #tpu.memory_space<vmem>> -> memref<1x64x128xf32, #tpu.memory_space<vmem>>
      %gather3A_1441 = tpu.memref_squeeze %gather3A_1440 : memref<1x64x128xf32, #tpu.memory_space<vmem>> -> memref<64x128xf32, #tpu.memory_space<vmem>>
      %gather3A_1442 = tpu.vector_load_idx %gather3A_1441[%add3A_1436, %broadcast_in_dim3A_1432] : memref<64x128xf32, #tpu.memory_space<vmem>>[vector<16xi32>, vector<16xi32>], vector<16xf32>,
      %gather3A_1443 = tpu.vector_load_idx %arg8[%add3A_1436, %broadcast_in_dim3A_1433] : memref<64x256xf32, #tpu.memory_space<vmem>>[vector<16xi32>, vector<16xi32>], vector<16xf32>,
      %add3A_1444 = arith.addf %gather3A_1442, %gather3A_1443 : vector<16xf32>
      tpu.vector_store_idx %arg9[%add3A_1436, %broadcast_in_dim3A_1433], %add3A_1444 : memref<64x256xf32, #tpu.memory_space<vmem>>[vector<16xi32>, vector<16xi32>], vector<16xf32>,
      %add3A_1445 = arith.constant 11 : i32
      %add3A_1446 = arith.addi %add3A_1345, %add3A_1445 : i32
      %lt3A_1447 = arith.constant 256 : i32
      %lt3A_1448 = arith.cmpi slt, %add3A_1446, %lt3A_1447 : i32
      %convert_element_type3A_1449 = arith.extui %lt3A_1448 : i1 to i32
      %cond3A_1450 = arith.constant 0 : i32
      %cond3A_1451 = arith.cmpi ne, %convert_element_type3A_1449, %cond3A_1450 : i32
      scf.if %cond3A_1451 {
        %add3A_2112 = arith.constant 11 : i32
        %add3A_2113 = arith.addi %add3A_1345, %add3A_2112 : i32
        %jit3A_2114 = arith.constant 16 : i32
        %div3A_2115 = arith.divsi %add3A_2113, %jit3A_2114 : i32
        %sign3A_2116 = arith.constant 0 : i32
        %sign3A_2117 = arith.cmpi sgt, %add3A_2113, %sign3A_2116 : i32
        %sign3A_2118 = arith.extui %sign3A_2117 : i1 to i32
        %sign3A_2119 = arith.constant 0 : i32
        %sign3A_2120 = arith.cmpi slt, %add3A_2113, %sign3A_2119 : i32
        %sign3A_2121 = arith.extui %sign3A_2120 : i1 to i32
        %sign3A_2122 = arith.subi %sign3A_2118, %sign3A_2121 : i32
        %sign3A_2123 = arith.constant 0 : i32
        %sign3A_2124 = arith.cmpi sgt, %jit3A_2114, %sign3A_2123 : i32
        %sign3A_2125 = arith.extui %sign3A_2124 : i1 to i32
        %sign3A_2126 = arith.constant 0 : i32
        %sign3A_2127 = arith.cmpi slt, %jit3A_2114, %sign3A_2126 : i32
        %sign3A_2128 = arith.extui %sign3A_2127 : i1 to i32
        %sign3A_2129 = arith.subi %sign3A_2125, %sign3A_2128 : i32
        %ne3A_2130 = arith.cmpi ne, %sign3A_2122, %sign3A_2129 : i32
        %rem3A_2131 = arith.remsi %add3A_2113, %jit3A_2114 : i32
        %ne3A_2132 = arith.constant 0 : i32
        %ne3A_2133 = arith.cmpi ne, %rem3A_2131, %ne3A_2132 : i32
        %and3A_2134 = arith.andi %ne3A_2130, %ne3A_2133 : i1
        %sub3A_2135 = arith.constant 1 : i32
        %sub3A_2136 = arith.subi %div3A_2115, %sub3A_2135 : i32
        %select_n3A_2137 = arith.select %and3A_2134, %sub3A_2136, %div3A_2115 : i32
        %mul3A_2138 = arith.constant 16 : i32
        %mul3A_2139 = arith.muli %select_n3A_2137, %mul3A_2138 : i32
        %multiple_of3A_2140 = tpu.assume_multiple %mul3A_2139, 16 : i32
        %get3A_2141 = arith.index_cast %multiple_of3A_2140 : i32 to index
        %get3A_2142 = tpu.vector_load %arg6[%get3A_2141] {strides = array<i32>} : memref<256xi32, #tpu.memory_space<vmem>>, vector<16xi32>,
        %sub3A_2143 = arith.subi %add3A_2113, %multiple_of3A_2140 : i32
        %broadcast_in_dim3A_2144 = vector.broadcast %sub3A_2143 : i32 to vector<16xi32>
        %eq3A_2145 = arith.cmpi eq, %iota3A, %broadcast_in_dim3A_2144 : vector<16xi32>
        %jit3A_2146 = arith.constant 0 : i32
        %broadcast_in_dim3A_2147 = vector.broadcast %jit3A_2146 : i32 to vector<16xi32>
        %select_n3A_2148 = arith.select %eq3A_2145, %get3A_2142, %broadcast_in_dim3A_2147 : vector<16xi1>, vector<16xi32>
        %reduce_max3A_2149 = arith.constant true
        %reduce_max3A_2150 = vector.broadcast %reduce_max3A_2149 : i1 to vector<16xi1>
        %reduce_max3A_2151 = arith.constant -2147483648 : i32
        %reduce_max3A_2152 = vector.broadcast %reduce_max3A_2151 : i32 to vector<16xi32>
        %reduce_max3A_2153 = arith.xori %select_n3A_2148, %reduce_max3A_2152 : vector<16xi32>
        %reduce_max3A_2154 = tpu.scan <max>, %reduce_max3A_2153 masked %reduce_max3A_2150 : vector<16xi32>, vector<16xi1> -> vector<16xi32>
        %reduce_max3A_2155 = arith.xori %reduce_max3A_2154, %reduce_max3A_2152 : vector<16xi32>
        %reduce_max3A_2156 = vector.extract %reduce_max3A_2155[15] : i32 from vector<16xi32>
        %jit3A_2157 = arith.constant 128 : i32
        %div3A_2158 = arith.divsi %reduce_max3A_2156, %jit3A_2157 : i32
        %sign3A_2159 = arith.constant 0 : i32
        %sign3A_2160 = arith.cmpi sgt, %reduce_max3A_2156, %sign3A_2159 : i32
        %sign3A_2161 = arith.extui %sign3A_2160 : i1 to i32
        %sign3A_2162 = arith.constant 0 : i32
        %sign3A_2163 = arith.cmpi slt, %reduce_max3A_2156, %sign3A_2162 : i32
        %sign3A_2164 = arith.extui %sign3A_2163 : i1 to i32
        %sign3A_2165 = arith.subi %sign3A_2161, %sign3A_2164 : i32
        %sign3A_2166 = arith.constant 0 : i32
        %sign3A_2167 = arith.cmpi sgt, %jit3A_2157, %sign3A_2166 : i32
        %sign3A_2168 = arith.extui %sign3A_2167 : i1 to i32
        %sign3A_2169 = arith.constant 0 : i32
        %sign3A_2170 = arith.cmpi slt, %jit3A_2157, %sign3A_2169 : i32
        %sign3A_2171 = arith.extui %sign3A_2170 : i1 to i32
        %sign3A_2172 = arith.subi %sign3A_2168, %sign3A_2171 : i32
        %ne3A_2173 = arith.cmpi ne, %sign3A_2165, %sign3A_2172 : i32
        %rem3A_2174 = arith.remsi %reduce_max3A_2156, %jit3A_2157 : i32
        %ne3A_2175 = arith.constant 0 : i32
        %ne3A_2176 = arith.cmpi ne, %rem3A_2174, %ne3A_2175 : i32
        %and3A_2177 = arith.andi %ne3A_2173, %ne3A_2176 : i1
        %sub3A_2178 = arith.constant 1 : i32
        %sub3A_2179 = arith.subi %div3A_2158, %sub3A_2178 : i32
        %select_n3A_2180 = arith.select %and3A_2177, %sub3A_2179, %div3A_2158 : i32
        %mul3A_2181 = arith.constant 128 : i32
        %mul3A_2182 = arith.muli %select_n3A_2180, %mul3A_2181 : i32
        %multiple_of3A_2183 = tpu.assume_multiple %mul3A_2182, 128 : i32
        %dma_start3A_2184 = arith.constant 4 : i32
        %dma_start3A_2185 = arith.constant 0 : i32
        %dma_start3A_2186 = arith.constant 0 : i32
        %dma_start3A_2187 = tpu.memref_slice %arg7[%dma_start3A_2184, %dma_start3A_2185, %dma_start3A_2186] : memref<11x64x128xf32, #tpu.memory_space<vmem>> -> memref<1x64x128xf32, #tpu.memory_space<vmem>>
        %dma_start3A_2188 = tpu.memref_squeeze %dma_start3A_2187 : memref<1x64x128xf32, #tpu.memory_space<vmem>> -> memref<64x128xf32, #tpu.memory_space<vmem>>
        %dma_start3A_2189 = arith.constant 0 : i32
        %dma_start3A_2190 = tpu.memref_slice %arg3[%dma_start3A_2189, %multiple_of3A_2183] : memref<64x1000000xf32, #tpu.memory_space<hbm>> -> memref<64x128xf32, #tpu.memory_space<hbm>>
        %dma_start3A_2191 = arith.constant 0 : i32
        %dma_start3A_2192 = arith.constant 0 : i32
        %dma_start3A_2193 = tpu.memref_slice %arg7[%dma_start3A_2184, %dma_start3A_2191, %dma_start3A_2192] : memref<11x64x128xf32, #tpu.memory_space<vmem>> -> memref<1x64x128xf32, #tpu.memory_space<vmem>>
        %dma_start3A_2194 = tpu.memref_squeeze %dma_start3A_2193 : memref<1x64x128xf32, #tpu.memory_space<vmem>> -> memref<64x128xf32, #tpu.memory_space<vmem>>
        %dma_start3A_2195 = arith.constant 0 : i32
        %dma_start3A_2196 = tpu.memref_slice %arg3[%dma_start3A_2195, %multiple_of3A_2183] : memref<64x1000000xf32, #tpu.memory_space<hbm>> -> memref<64x128xf32, #tpu.memory_space<hbm>>
        tpu.enqueue_dma source(%dma_start3A_2196 : memref<64x128xf32, #tpu.memory_space<hbm>>) target(%dma_start3A_2194 : memref<64x128xf32, #tpu.memory_space<vmem>>) target_semaphore(%arg15 : memref<!tpu.dma_semaphore, #tpu.memory_space<semaphore_mem>>)
      } else {
      }
      %mul3A_1452 = arith.constant 11 : i32
      %mul3A_1453 = arith.muli %scan3A_904, %mul3A_1452 : i32
      %add3A_1454 = arith.constant 5 : i32
      %add3A_1455 = arith.addi %mul3A_1453, %add3A_1454 : i32
      %dma_wait3A_1456 = arith.constant 5 : i32
      %dma_wait3A_1457 = arith.constant 0 : i32
      %dma_wait3A_1458 = arith.constant 0 : i32
      %dma_wait3A_1459 = tpu.memref_slice %arg7[%dma_wait3A_1456, %dma_wait3A_1457, %dma_wait3A_1458] : memref<11x64x128xf32, #tpu.memory_space<vmem>> -> memref<1x64x128xf32, #tpu.memory_space<vmem>>
      %dma_wait3A_1460 = tpu.memref_squeeze %dma_wait3A_1459 : memref<1x64x128xf32, #tpu.memory_space<vmem>> -> memref<64x128xf32, #tpu.memory_space<vmem>>
      %dma_wait3A_1461 = arith.constant 0 : i32
      %dma_wait3A_1462 = arith.constant 0 : i32
      %dma_wait3A_1463 = tpu.memref_slice %arg3[%dma_wait3A_1461, %dma_wait3A_1462] : memref<64x1000000xf32, #tpu.memory_space<hbm>> -> memref<64x128xf32, #tpu.memory_space<hbm>>
      %dma_wait3A_1464 = arith.constant 0 : i32
      %dma_wait3A_1465 = arith.constant 0 : i32
      %dma_wait3A_1466 = tpu.memref_slice %arg7[%dma_wait3A_1456, %dma_wait3A_1464, %dma_wait3A_1465] : memref<11x64x128xf32, #tpu.memory_space<vmem>> -> memref<1x64x128xf32, #tpu.memory_space<vmem>>
      %dma_wait3A_1467 = tpu.memref_squeeze %dma_wait3A_1466 : memref<1x64x128xf32, #tpu.memory_space<vmem>> -> memref<64x128xf32, #tpu.memory_space<vmem>>
      %dma_wait3A_1468 = arith.constant 0 : i32
      %dma_wait3A_1469 = arith.constant 0 : i32
      %dma_wait3A_1470 = tpu.memref_slice %arg3[%dma_wait3A_1468, %dma_wait3A_1469] : memref<64x1000000xf32, #tpu.memory_space<hbm>> -> memref<64x128xf32, #tpu.memory_space<hbm>>
      tpu.wait_dma2 semaphore(%arg16 : memref<!tpu.dma_semaphore, #tpu.memory_space<semaphore_mem>>) src(%dma_wait3A_1470 : memref<64x128xf32, #tpu.memory_space<hbm>>) dst(%dma_wait3A_1467 : memref<64x128xf32, #tpu.memory_space<vmem>>)
      %jit3A_1471 = arith.constant 16 : i32
      %div3A_1472 = arith.divsi %add3A_1455, %jit3A_1471 : i32
      %sign3A_1473 = arith.constant 0 : i32
      %sign3A_1474 = arith.cmpi sgt, %add3A_1455, %sign3A_1473 : i32
      %sign3A_1475 = arith.extui %sign3A_1474 : i1 to i32
      %sign3A_1476 = arith.constant 0 : i32
      %sign3A_1477 = arith.cmpi slt, %add3A_1455, %sign3A_1476 : i32
      %sign3A_1478 = arith.extui %sign3A_1477 : i1 to i32
      %sign3A_1479 = arith.subi %sign3A_1475, %sign3A_1478 : i32
      %sign3A_1480 = arith.constant 0 : i32
      %sign3A_1481 = arith.cmpi sgt, %jit3A_1471, %sign3A_1480 : i32
      %sign3A_1482 = arith.extui %sign3A_1481 : i1 to i32
      %sign3A_1483 = arith.constant 0 : i32
      %sign3A_1484 = arith.cmpi slt, %jit3A_1471, %sign3A_1483 : i32
      %sign3A_1485 = arith.extui %sign3A_1484 : i1 to i32
      %sign3A_1486 = arith.subi %sign3A_1482, %sign3A_1485 : i32
      %ne3A_1487 = arith.cmpi ne, %sign3A_1479, %sign3A_1486 : i32
      %rem3A_1488 = arith.remsi %add3A_1455, %jit3A_1471 : i32
      %ne3A_1489 = arith.constant 0 : i32
      %ne3A_1490 = arith.cmpi ne, %rem3A_1488, %ne3A_1489 : i32
      %and3A_1491 = arith.andi %ne3A_1487, %ne3A_1490 : i1
      %sub3A_1492 = arith.constant 1 : i32
      %sub3A_1493 = arith.subi %div3A_1472, %sub3A_1492 : i32
      %select_n3A_1494 = arith.select %and3A_1491, %sub3A_1493, %div3A_1472 : i32
      %mul3A_1495 = arith.constant 16 : i32
      %mul3A_1496 = arith.muli %select_n3A_1494, %mul3A_1495 : i32
      %multiple_of3A_1497 = tpu.assume_multiple %mul3A_1496, 16 : i32
      %get3A_1498 = arith.index_cast %multiple_of3A_1497 : i32 to index
      %get3A_1499 = tpu.vector_load %arg6[%get3A_1498] {strides = array<i32>} : memref<256xi32, #tpu.memory_space<vmem>>, vector<16xi32>,
      %sub3A_1500 = arith.subi %add3A_1455, %multiple_of3A_1497 : i32
      %broadcast_in_dim3A_1501 = vector.broadcast %sub3A_1500 : i32 to vector<16xi32>
      %eq3A_1502 = arith.cmpi eq, %iota3A, %broadcast_in_dim3A_1501 : vector<16xi32>
      %jit3A_1503 = arith.constant 0 : i32
      %broadcast_in_dim3A_1504 = vector.broadcast %jit3A_1503 : i32 to vector<16xi32>
      %select_n3A_1505 = arith.select %eq3A_1502, %get3A_1499, %broadcast_in_dim3A_1504 : vector<16xi1>, vector<16xi32>
      %reduce_max3A_1506 = arith.constant true
      %reduce_max3A_1507 = vector.broadcast %reduce_max3A_1506 : i1 to vector<16xi1>
      %reduce_max3A_1508 = arith.constant -2147483648 : i32
      %reduce_max3A_1509 = vector.broadcast %reduce_max3A_1508 : i32 to vector<16xi32>
      %reduce_max3A_1510 = arith.xori %select_n3A_1505, %reduce_max3A_1509 : vector<16xi32>
      %reduce_max3A_1511 = tpu.scan <max>, %reduce_max3A_1510 masked %reduce_max3A_1507 : vector<16xi32>, vector<16xi1> -> vector<16xi32>
      %reduce_max3A_1512 = arith.xori %reduce_max3A_1511, %reduce_max3A_1509 : vector<16xi32>
      %reduce_max3A_1513 = vector.extract %reduce_max3A_1512[15] : i32 from vector<16xi32>
      %jit3A_1514 = arith.constant 128 : i32
      %div3A_1515 = arith.divsi %reduce_max3A_1513, %jit3A_1514 : i32
      %sign3A_1516 = arith.constant 0 : i32
      %sign3A_1517 = arith.cmpi sgt, %reduce_max3A_1513, %sign3A_1516 : i32
      %sign3A_1518 = arith.extui %sign3A_1517 : i1 to i32
      %sign3A_1519 = arith.constant 0 : i32
      %sign3A_1520 = arith.cmpi slt, %reduce_max3A_1513, %sign3A_1519 : i32
      %sign3A_1521 = arith.extui %sign3A_1520 : i1 to i32
      %sign3A_1522 = arith.subi %sign3A_1518, %sign3A_1521 : i32
      %sign3A_1523 = arith.constant 0 : i32
      %sign3A_1524 = arith.cmpi sgt, %jit3A_1514, %sign3A_1523 : i32
      %sign3A_1525 = arith.extui %sign3A_1524 : i1 to i32
      %sign3A_1526 = arith.constant 0 : i32
      %sign3A_1527 = arith.cmpi slt, %jit3A_1514, %sign3A_1526 : i32
      %sign3A_1528 = arith.extui %sign3A_1527 : i1 to i32
      %sign3A_1529 = arith.subi %sign3A_1525, %sign3A_1528 : i32
      %ne3A_1530 = arith.cmpi ne, %sign3A_1522, %sign3A_1529 : i32
      %rem3A_1531 = arith.remsi %reduce_max3A_1513, %jit3A_1514 : i32
      %ne3A_1532 = arith.constant 0 : i32
      %ne3A_1533 = arith.cmpi ne, %rem3A_1531, %ne3A_1532 : i32
      %and3A_1534 = arith.andi %ne3A_1530, %ne3A_1533 : i1
      %sub3A_1535 = arith.constant 1 : i32
      %sub3A_1536 = arith.subi %div3A_1515, %sub3A_1535 : i32
      %select_n3A_1537 = arith.select %and3A_1534, %sub3A_1536, %div3A_1515 : i32
      %mul3A_1538 = arith.constant 128 : i32
      %mul3A_1539 = arith.muli %select_n3A_1537, %mul3A_1538 : i32
      %multiple_of3A_1540 = tpu.assume_multiple %mul3A_1539, 128 : i32
      %sub3A_1541 = arith.subi %reduce_max3A_1513, %multiple_of3A_1540 : i32
      %broadcast_in_dim3A_1542 = vector.broadcast %sub3A_1541 : i32 to vector<16xi32>
      %broadcast_in_dim3A_1543 = vector.broadcast %add3A_1455 : i32 to vector<16xi32>
      %add3A_1544 = arith.constant 0 : i32
      %add3A_1545 = vector.broadcast %add3A_1544 : i32 to vector<16xi32>
      %add3A_1546 = arith.addi %iota3A, %add3A_1545 : vector<16xi32>
      %gather3A_1547 = arith.constant 5 : i32
      %gather3A_1548 = arith.constant 0 : i32
      %gather3A_1549 = arith.constant 0 : i32
      %gather3A_1550 = tpu.memref_slice %arg7[%gather3A_1547, %gather3A_1548, %gather3A_1549] : memref<11x64x128xf32, #tpu.memory_space<vmem>> -> memref<1x64x128xf32, #tpu.memory_space<vmem>>
      %gather3A_1551 = tpu.memref_squeeze %gather3A_1550 : memref<1x64x128xf32, #tpu.memory_space<vmem>> -> memref<64x128xf32, #tpu.memory_space<vmem>>
      %gather3A_1552 = tpu.vector_load_idx %gather3A_1551[%add3A_1546, %broadcast_in_dim3A_1542] : memref<64x128xf32, #tpu.memory_space<vmem>>[vector<16xi32>, vector<16xi32>], vector<16xf32>,
      %gather3A_1553 = tpu.vector_load_idx %arg8[%add3A_1546, %broadcast_in_dim3A_1543] : memref<64x256xf32, #tpu.memory_space<vmem>>[vector<16xi32>, vector<16xi32>], vector<16xf32>,
      %add3A_1554 = arith.addf %gather3A_1552, %gather3A_1553 : vector<16xf32>
      tpu.vector_store_idx %arg9[%add3A_1546, %broadcast_in_dim3A_1543], %add3A_1554 : memref<64x256xf32, #tpu.memory_space<vmem>>[vector<16xi32>, vector<16xi32>], vector<16xf32>,
      %add3A_1555 = arith.constant 11 : i32
      %add3A_1556 = arith.addi %add3A_1455, %add3A_1555 : i32
      %lt3A_1557 = arith.constant 256 : i32
      %lt3A_1558 = arith.cmpi slt, %add3A_1556, %lt3A_1557 : i32
      %convert_element_type3A_1559 = arith.extui %lt3A_1558 : i1 to i32
      %cond3A_1560 = arith.constant 0 : i32
      %cond3A_1561 = arith.cmpi ne, %convert_element_type3A_1559, %cond3A_1560 : i32
      scf.if %cond3A_1561 {
        %add3A_2112 = arith.constant 11 : i32
        %add3A_2113 = arith.addi %add3A_1455, %add3A_2112 : i32
        %jit3A_2114 = arith.constant 16 : i32
        %div3A_2115 = arith.divsi %add3A_2113, %jit3A_2114 : i32
        %sign3A_2116 = arith.constant 0 : i32
        %sign3A_2117 = arith.cmpi sgt, %add3A_2113, %sign3A_2116 : i32
        %sign3A_2118 = arith.extui %sign3A_2117 : i1 to i32
        %sign3A_2119 = arith.constant 0 : i32
        %sign3A_2120 = arith.cmpi slt, %add3A_2113, %sign3A_2119 : i32
        %sign3A_2121 = arith.extui %sign3A_2120 : i1 to i32
        %sign3A_2122 = arith.subi %sign3A_2118, %sign3A_2121 : i32
        %sign3A_2123 = arith.constant 0 : i32
        %sign3A_2124 = arith.cmpi sgt, %jit3A_2114, %sign3A_2123 : i32
        %sign3A_2125 = arith.extui %sign3A_2124 : i1 to i32
        %sign3A_2126 = arith.constant 0 : i32
        %sign3A_2127 = arith.cmpi slt, %jit3A_2114, %sign3A_2126 : i32
        %sign3A_2128 = arith.extui %sign3A_2127 : i1 to i32
        %sign3A_2129 = arith.subi %sign3A_2125, %sign3A_2128 : i32
        %ne3A_2130 = arith.cmpi ne, %sign3A_2122, %sign3A_2129 : i32
        %rem3A_2131 = arith.remsi %add3A_2113, %jit3A_2114 : i32
        %ne3A_2132 = arith.constant 0 : i32
        %ne3A_2133 = arith.cmpi ne, %rem3A_2131, %ne3A_2132 : i32
        %and3A_2134 = arith.andi %ne3A_2130, %ne3A_2133 : i1
        %sub3A_2135 = arith.constant 1 : i32
        %sub3A_2136 = arith.subi %div3A_2115, %sub3A_2135 : i32
        %select_n3A_2137 = arith.select %and3A_2134, %sub3A_2136, %div3A_2115 : i32
        %mul3A_2138 = arith.constant 16 : i32
        %mul3A_2139 = arith.muli %select_n3A_2137, %mul3A_2138 : i32
        %multiple_of3A_2140 = tpu.assume_multiple %mul3A_2139, 16 : i32
        %get3A_2141 = arith.index_cast %multiple_of3A_2140 : i32 to index
        %get3A_2142 = tpu.vector_load %arg6[%get3A_2141] {strides = array<i32>} : memref<256xi32, #tpu.memory_space<vmem>>, vector<16xi32>,
        %sub3A_2143 = arith.subi %add3A_2113, %multiple_of3A_2140 : i32
        %broadcast_in_dim3A_2144 = vector.broadcast %sub3A_2143 : i32 to vector<16xi32>
        %eq3A_2145 = arith.cmpi eq, %iota3A, %broadcast_in_dim3A_2144 : vector<16xi32>
        %jit3A_2146 = arith.constant 0 : i32
        %broadcast_in_dim3A_2147 = vector.broadcast %jit3A_2146 : i32 to vector<16xi32>
        %select_n3A_2148 = arith.select %eq3A_2145, %get3A_2142, %broadcast_in_dim3A_2147 : vector<16xi1>, vector<16xi32>
        %reduce_max3A_2149 = arith.constant true
        %reduce_max3A_2150 = vector.broadcast %reduce_max3A_2149 : i1 to vector<16xi1>
        %reduce_max3A_2151 = arith.constant -2147483648 : i32
        %reduce_max3A_2152 = vector.broadcast %reduce_max3A_2151 : i32 to vector<16xi32>
        %reduce_max3A_2153 = arith.xori %select_n3A_2148, %reduce_max3A_2152 : vector<16xi32>
        %reduce_max3A_2154 = tpu.scan <max>, %reduce_max3A_2153 masked %reduce_max3A_2150 : vector<16xi32>, vector<16xi1> -> vector<16xi32>
        %reduce_max3A_2155 = arith.xori %reduce_max3A_2154, %reduce_max3A_2152 : vector<16xi32>
        %reduce_max3A_2156 = vector.extract %reduce_max3A_2155[15] : i32 from vector<16xi32>
        %jit3A_2157 = arith.constant 128 : i32
        %div3A_2158 = arith.divsi %reduce_max3A_2156, %jit3A_2157 : i32
        %sign3A_2159 = arith.constant 0 : i32
        %sign3A_2160 = arith.cmpi sgt, %reduce_max3A_2156, %sign3A_2159 : i32
        %sign3A_2161 = arith.extui %sign3A_2160 : i1 to i32
        %sign3A_2162 = arith.constant 0 : i32
        %sign3A_2163 = arith.cmpi slt, %reduce_max3A_2156, %sign3A_2162 : i32
        %sign3A_2164 = arith.extui %sign3A_2163 : i1 to i32
        %sign3A_2165 = arith.subi %sign3A_2161, %sign3A_2164 : i32
        %sign3A_2166 = arith.constant 0 : i32
        %sign3A_2167 = arith.cmpi sgt, %jit3A_2157, %sign3A_2166 : i32
        %sign3A_2168 = arith.extui %sign3A_2167 : i1 to i32
        %sign3A_2169 = arith.constant 0 : i32
        %sign3A_2170 = arith.cmpi slt, %jit3A_2157, %sign3A_2169 : i32
        %sign3A_2171 = arith.extui %sign3A_2170 : i1 to i32
        %sign3A_2172 = arith.subi %sign3A_2168, %sign3A_2171 : i32
        %ne3A_2173 = arith.cmpi ne, %sign3A_2165, %sign3A_2172 : i32
        %rem3A_2174 = arith.remsi %reduce_max3A_2156, %jit3A_2157 : i32
        %ne3A_2175 = arith.constant 0 : i32
        %ne3A_2176 = arith.cmpi ne, %rem3A_2174, %ne3A_2175 : i32
        %and3A_2177 = arith.andi %ne3A_2173, %ne3A_2176 : i1
        %sub3A_2178 = arith.constant 1 : i32
        %sub3A_2179 = arith.subi %div3A_2158, %sub3A_2178 : i32
        %select_n3A_2180 = arith.select %and3A_2177, %sub3A_2179, %div3A_2158 : i32
        %mul3A_2181 = arith.constant 128 : i32
        %mul3A_2182 = arith.muli %select_n3A_2180, %mul3A_2181 : i32
        %multiple_of3A_2183 = tpu.assume_multiple %mul3A_2182, 128 : i32
        %dma_start3A_2184 = arith.constant 5 : i32
        %dma_start3A_2185 = arith.constant 0 : i32
        %dma_start3A_2186 = arith.constant 0 : i32
        %dma_start3A_2187 = tpu.memref_slice %arg7[%dma_start3A_2184, %dma_start3A_2185, %dma_start3A_2186] : memref<11x64x128xf32, #tpu.memory_space<vmem>> -> memref<1x64x128xf32, #tpu.memory_space<vmem>>
        %dma_start3A_2188 = tpu.memref_squeeze %dma_start3A_2187 : memref<1x64x128xf32, #tpu.memory_space<vmem>> -> memref<64x128xf32, #tpu.memory_space<vmem>>
        %dma_start3A_2189 = arith.constant 0 : i32
        %dma_start3A_2190 = tpu.memref_slice %arg3[%dma_start3A_2189, %multiple_of3A_2183] : memref<64x1000000xf32, #tpu.memory_space<hbm>> -> memref<64x128xf32, #tpu.memory_space<hbm>>
        %dma_start3A_2191 = arith.constant 0 : i32
        %dma_start3A_2192 = arith.constant 0 : i32
        %dma_start3A_2193 = tpu.memref_slice %arg7[%dma_start3A_2184, %dma_start3A_2191, %dma_start3A_2192] : memref<11x64x128xf32, #tpu.memory_space<vmem>> -> memref<1x64x128xf32, #tpu.memory_space<vmem>>
        %dma_start3A_2194 = tpu.memref_squeeze %dma_start3A_2193 : memref<1x64x128xf32, #tpu.memory_space<vmem>> -> memref<64x128xf32, #tpu.memory_space<vmem>>
        %dma_start3A_2195 = arith.constant 0 : i32
        %dma_start3A_2196 = tpu.memref_slice %arg3[%dma_start3A_2195, %multiple_of3A_2183] : memref<64x1000000xf32, #tpu.memory_space<hbm>> -> memref<64x128xf32, #tpu.memory_space<hbm>>
        tpu.enqueue_dma source(%dma_start3A_2196 : memref<64x128xf32, #tpu.memory_space<hbm>>) target(%dma_start3A_2194 : memref<64x128xf32, #tpu.memory_space<vmem>>) target_semaphore(%arg16 : memref<!tpu.dma_semaphore, #tpu.memory_space<semaphore_mem>>)
      } else {
      }
      %mul3A_1562 = arith.constant 11 : i32
      %mul3A_1563 = arith.muli %scan3A_904, %mul3A_1562 : i32
      %add3A_1564 = arith.constant 6 : i32
      %add3A_1565 = arith.addi %mul3A_1563, %add3A_1564 : i32
      %dma_wait3A_1566 = arith.constant 6 : i32
      %dma_wait3A_1567 = arith.constant 0 : i32
      %dma_wait3A_1568 = arith.constant 0 : i32
      %dma_wait3A_1569 = tpu.memref_slice %arg7[%dma_wait3A_1566, %dma_wait3A_1567, %dma_wait3A_1568] : memref<11x64x128xf32, #tpu.memory_space<vmem>> -> memref<1x64x128xf32, #tpu.memory_space<vmem>>
      %dma_wait3A_1570 = tpu.memref_squeeze %dma_wait3A_1569 : memref<1x64x128xf32, #tpu.memory_space<vmem>> -> memref<64x128xf32, #tpu.memory_space<vmem>>
      %dma_wait3A_1571 = arith.constant 0 : i32
      %dma_wait3A_1572 = arith.constant 0 : i32
      %dma_wait3A_1573 = tpu.memref_slice %arg3[%dma_wait3A_1571, %dma_wait3A_1572] : memref<64x1000000xf32, #tpu.memory_space<hbm>> -> memref<64x128xf32, #tpu.memory_space<hbm>>
      %dma_wait3A_1574 = arith.constant 0 : i32
      %dma_wait3A_1575 = arith.constant 0 : i32
      %dma_wait3A_1576 = tpu.memref_slice %arg7[%dma_wait3A_1566, %dma_wait3A_1574, %dma_wait3A_1575] : memref<11x64x128xf32, #tpu.memory_space<vmem>> -> memref<1x64x128xf32, #tpu.memory_space<vmem>>
      %dma_wait3A_1577 = tpu.memref_squeeze %dma_wait3A_1576 : memref<1x64x128xf32, #tpu.memory_space<vmem>> -> memref<64x128xf32, #tpu.memory_space<vmem>>
      %dma_wait3A_1578 = arith.constant 0 : i32
      %dma_wait3A_1579 = arith.constant 0 : i32
      %dma_wait3A_1580 = tpu.memref_slice %arg3[%dma_wait3A_1578, %dma_wait3A_1579] : memref<64x1000000xf32, #tpu.memory_space<hbm>> -> memref<64x128xf32, #tpu.memory_space<hbm>>
      tpu.wait_dma2 semaphore(%arg17 : memref<!tpu.dma_semaphore, #tpu.memory_space<semaphore_mem>>) src(%dma_wait3A_1580 : memref<64x128xf32, #tpu.memory_space<hbm>>) dst(%dma_wait3A_1577 : memref<64x128xf32, #tpu.memory_space<vmem>>)
      %jit3A_1581 = arith.constant 16 : i32
      %div3A_1582 = arith.divsi %add3A_1565, %jit3A_1581 : i32
      %sign3A_1583 = arith.constant 0 : i32
      %sign3A_1584 = arith.cmpi sgt, %add3A_1565, %sign3A_1583 : i32
      %sign3A_1585 = arith.extui %sign3A_1584 : i1 to i32
      %sign3A_1586 = arith.constant 0 : i32
      %sign3A_1587 = arith.cmpi slt, %add3A_1565, %sign3A_1586 : i32
      %sign3A_1588 = arith.extui %sign3A_1587 : i1 to i32
      %sign3A_1589 = arith.subi %sign3A_1585, %sign3A_1588 : i32
      %sign3A_1590 = arith.constant 0 : i32
      %sign3A_1591 = arith.cmpi sgt, %jit3A_1581, %sign3A_1590 : i32
      %sign3A_1592 = arith.extui %sign3A_1591 : i1 to i32
      %sign3A_1593 = arith.constant 0 : i32
      %sign3A_1594 = arith.cmpi slt, %jit3A_1581, %sign3A_1593 : i32
      %sign3A_1595 = arith.extui %sign3A_1594 : i1 to i32
      %sign3A_1596 = arith.subi %sign3A_1592, %sign3A_1595 : i32
      %ne3A_1597 = arith.cmpi ne, %sign3A_1589, %sign3A_1596 : i32
      %rem3A_1598 = arith.remsi %add3A_1565, %jit3A_1581 : i32
      %ne3A_1599 = arith.constant 0 : i32
      %ne3A_1600 = arith.cmpi ne, %rem3A_1598, %ne3A_1599 : i32
      %and3A_1601 = arith.andi %ne3A_1597, %ne3A_1600 : i1
      %sub3A_1602 = arith.constant 1 : i32
      %sub3A_1603 = arith.subi %div3A_1582, %sub3A_1602 : i32
      %select_n3A_1604 = arith.select %and3A_1601, %sub3A_1603, %div3A_1582 : i32
      %mul3A_1605 = arith.constant 16 : i32
      %mul3A_1606 = arith.muli %select_n3A_1604, %mul3A_1605 : i32
      %multiple_of3A_1607 = tpu.assume_multiple %mul3A_1606, 16 : i32
      %get3A_1608 = arith.index_cast %multiple_of3A_1607 : i32 to index
      %get3A_1609 = tpu.vector_load %arg6[%get3A_1608] {strides = array<i32>} : memref<256xi32, #tpu.memory_space<vmem>>, vector<16xi32>,
      %sub3A_1610 = arith.subi %add3A_1565, %multiple_of3A_1607 : i32
      %broadcast_in_dim3A_1611 = vector.broadcast %sub3A_1610 : i32 to vector<16xi32>
      %eq3A_1612 = arith.cmpi eq, %iota3A, %broadcast_in_dim3A_1611 : vector<16xi32>
      %jit3A_1613 = arith.constant 0 : i32
      %broadcast_in_dim3A_1614 = vector.broadcast %jit3A_1613 : i32 to vector<16xi32>
      %select_n3A_1615 = arith.select %eq3A_1612, %get3A_1609, %broadcast_in_dim3A_1614 : vector<16xi1>, vector<16xi32>
      %reduce_max3A_1616 = arith.constant true
      %reduce_max3A_1617 = vector.broadcast %reduce_max3A_1616 : i1 to vector<16xi1>
      %reduce_max3A_1618 = arith.constant -2147483648 : i32
      %reduce_max3A_1619 = vector.broadcast %reduce_max3A_1618 : i32 to vector<16xi32>
      %reduce_max3A_1620 = arith.xori %select_n3A_1615, %reduce_max3A_1619 : vector<16xi32>
      %reduce_max3A_1621 = tpu.scan <max>, %reduce_max3A_1620 masked %reduce_max3A_1617 : vector<16xi32>, vector<16xi1> -> vector<16xi32>
      %reduce_max3A_1622 = arith.xori %reduce_max3A_1621, %reduce_max3A_1619 : vector<16xi32>
      %reduce_max3A_1623 = vector.extract %reduce_max3A_1622[15] : i32 from vector<16xi32>
      %jit3A_1624 = arith.constant 128 : i32
      %div3A_1625 = arith.divsi %reduce_max3A_1623, %jit3A_1624 : i32
      %sign3A_1626 = arith.constant 0 : i32
      %sign3A_1627 = arith.cmpi sgt, %reduce_max3A_1623, %sign3A_1626 : i32
      %sign3A_1628 = arith.extui %sign3A_1627 : i1 to i32
      %sign3A_1629 = arith.constant 0 : i32
      %sign3A_1630 = arith.cmpi slt, %reduce_max3A_1623, %sign3A_1629 : i32
      %sign3A_1631 = arith.extui %sign3A_1630 : i1 to i32
      %sign3A_1632 = arith.subi %sign3A_1628, %sign3A_1631 : i32
      %sign3A_1633 = arith.constant 0 : i32
      %sign3A_1634 = arith.cmpi sgt, %jit3A_1624, %sign3A_1633 : i32
      %sign3A_1635 = arith.extui %sign3A_1634 : i1 to i32
      %sign3A_1636 = arith.constant 0 : i32
      %sign3A_1637 = arith.cmpi slt, %jit3A_1624, %sign3A_1636 : i32
      %sign3A_1638 = arith.extui %sign3A_1637 : i1 to i32
      %sign3A_1639 = arith.subi %sign3A_1635, %sign3A_1638 : i32
      %ne3A_1640 = arith.cmpi ne, %sign3A_1632, %sign3A_1639 : i32
      %rem3A_1641 = arith.remsi %reduce_max3A_1623, %jit3A_1624 : i32
      %ne3A_1642 = arith.constant 0 : i32
      %ne3A_1643 = arith.cmpi ne, %rem3A_1641, %ne3A_1642 : i32
      %and3A_1644 = arith.andi %ne3A_1640, %ne3A_1643 : i1
      %sub3A_1645 = arith.constant 1 : i32
      %sub3A_1646 = arith.subi %div3A_1625, %sub3A_1645 : i32
      %select_n3A_1647 = arith.select %and3A_1644, %sub3A_1646, %div3A_1625 : i32
      %mul3A_1648 = arith.constant 128 : i32
      %mul3A_1649 = arith.muli %select_n3A_1647, %mul3A_1648 : i32
      %multiple_of3A_1650 = tpu.assume_multiple %mul3A_1649, 128 : i32
      %sub3A_1651 = arith.subi %reduce_max3A_1623, %multiple_of3A_1650 : i32
      %broadcast_in_dim3A_1652 = vector.broadcast %sub3A_1651 : i32 to vector<16xi32>
      %broadcast_in_dim3A_1653 = vector.broadcast %add3A_1565 : i32 to vector<16xi32>
      %add3A_1654 = arith.constant 0 : i32
      %add3A_1655 = vector.broadcast %add3A_1654 : i32 to vector<16xi32>
      %add3A_1656 = arith.addi %iota3A, %add3A_1655 : vector<16xi32>
      %gather3A_1657 = arith.constant 6 : i32
      %gather3A_1658 = arith.constant 0 : i32
      %gather3A_1659 = arith.constant 0 : i32
      %gather3A_1660 = tpu.memref_slice %arg7[%gather3A_1657, %gather3A_1658, %gather3A_1659] : memref<11x64x128xf32, #tpu.memory_space<vmem>> -> memref<1x64x128xf32, #tpu.memory_space<vmem>>
      %gather3A_1661 = tpu.memref_squeeze %gather3A_1660 : memref<1x64x128xf32, #tpu.memory_space<vmem>> -> memref<64x128xf32, #tpu.memory_space<vmem>>
      %gather3A_1662 = tpu.vector_load_idx %gather3A_1661[%add3A_1656, %broadcast_in_dim3A_1652] : memref<64x128xf32, #tpu.memory_space<vmem>>[vector<16xi32>, vector<16xi32>], vector<16xf32>,
      %gather3A_1663 = tpu.vector_load_idx %arg8[%add3A_1656, %broadcast_in_dim3A_1653] : memref<64x256xf32, #tpu.memory_space<vmem>>[vector<16xi32>, vector<16xi32>], vector<16xf32>,
      %add3A_1664 = arith.addf %gather3A_1662, %gather3A_1663 : vector<16xf32>
      tpu.vector_store_idx %arg9[%add3A_1656, %broadcast_in_dim3A_1653], %add3A_1664 : memref<64x256xf32, #tpu.memory_space<vmem>>[vector<16xi32>, vector<16xi32>], vector<16xf32>,
      %add3A_1665 = arith.constant 11 : i32
      %add3A_1666 = arith.addi %add3A_1565, %add3A_1665 : i32
      %lt3A_1667 = arith.constant 256 : i32
      %lt3A_1668 = arith.cmpi slt, %add3A_1666, %lt3A_1667 : i32
      %convert_element_type3A_1669 = arith.extui %lt3A_1668 : i1 to i32
      %cond3A_1670 = arith.constant 0 : i32
      %cond3A_1671 = arith.cmpi ne, %convert_element_type3A_1669, %cond3A_1670 : i32
      scf.if %cond3A_1671 {
        %add3A_2112 = arith.constant 11 : i32
        %add3A_2113 = arith.addi %add3A_1565, %add3A_2112 : i32
        %jit3A_2114 = arith.constant 16 : i32
        %div3A_2115 = arith.divsi %add3A_2113, %jit3A_2114 : i32
        %sign3A_2116 = arith.constant 0 : i32
        %sign3A_2117 = arith.cmpi sgt, %add3A_2113, %sign3A_2116 : i32
        %sign3A_2118 = arith.extui %sign3A_2117 : i1 to i32
        %sign3A_2119 = arith.constant 0 : i32
        %sign3A_2120 = arith.cmpi slt, %add3A_2113, %sign3A_2119 : i32
        %sign3A_2121 = arith.extui %sign3A_2120 : i1 to i32
        %sign3A_2122 = arith.subi %sign3A_2118, %sign3A_2121 : i32
        %sign3A_2123 = arith.constant 0 : i32
        %sign3A_2124 = arith.cmpi sgt, %jit3A_2114, %sign3A_2123 : i32
        %sign3A_2125 = arith.extui %sign3A_2124 : i1 to i32
        %sign3A_2126 = arith.constant 0 : i32
        %sign3A_2127 = arith.cmpi slt, %jit3A_2114, %sign3A_2126 : i32
        %sign3A_2128 = arith.extui %sign3A_2127 : i1 to i32
        %sign3A_2129 = arith.subi %sign3A_2125, %sign3A_2128 : i32
        %ne3A_2130 = arith.cmpi ne, %sign3A_2122, %sign3A_2129 : i32
        %rem3A_2131 = arith.remsi %add3A_2113, %jit3A_2114 : i32
        %ne3A_2132 = arith.constant 0 : i32
        %ne3A_2133 = arith.cmpi ne, %rem3A_2131, %ne3A_2132 : i32
        %and3A_2134 = arith.andi %ne3A_2130, %ne3A_2133 : i1
        %sub3A_2135 = arith.constant 1 : i32
        %sub3A_2136 = arith.subi %div3A_2115, %sub3A_2135 : i32
        %select_n3A_2137 = arith.select %and3A_2134, %sub3A_2136, %div3A_2115 : i32
        %mul3A_2138 = arith.constant 16 : i32
        %mul3A_2139 = arith.muli %select_n3A_2137, %mul3A_2138 : i32
        %multiple_of3A_2140 = tpu.assume_multiple %mul3A_2139, 16 : i32
        %get3A_2141 = arith.index_cast %multiple_of3A_2140 : i32 to index
        %get3A_2142 = tpu.vector_load %arg6[%get3A_2141] {strides = array<i32>} : memref<256xi32, #tpu.memory_space<vmem>>, vector<16xi32>,
        %sub3A_2143 = arith.subi %add3A_2113, %multiple_of3A_2140 : i32
        %broadcast_in_dim3A_2144 = vector.broadcast %sub3A_2143 : i32 to vector<16xi32>
        %eq3A_2145 = arith.cmpi eq, %iota3A, %broadcast_in_dim3A_2144 : vector<16xi32>
        %jit3A_2146 = arith.constant 0 : i32
        %broadcast_in_dim3A_2147 = vector.broadcast %jit3A_2146 : i32 to vector<16xi32>
        %select_n3A_2148 = arith.select %eq3A_2145, %get3A_2142, %broadcast_in_dim3A_2147 : vector<16xi1>, vector<16xi32>
        %reduce_max3A_2149 = arith.constant true
        %reduce_max3A_2150 = vector.broadcast %reduce_max3A_2149 : i1 to vector<16xi1>
        %reduce_max3A_2151 = arith.constant -2147483648 : i32
        %reduce_max3A_2152 = vector.broadcast %reduce_max3A_2151 : i32 to vector<16xi32>
        %reduce_max3A_2153 = arith.xori %select_n3A_2148, %reduce_max3A_2152 : vector<16xi32>
        %reduce_max3A_2154 = tpu.scan <max>, %reduce_max3A_2153 masked %reduce_max3A_2150 : vector<16xi32>, vector<16xi1> -> vector<16xi32>
        %reduce_max3A_2155 = arith.xori %reduce_max3A_2154, %reduce_max3A_2152 : vector<16xi32>
        %reduce_max3A_2156 = vector.extract %reduce_max3A_2155[15] : i32 from vector<16xi32>
        %jit3A_2157 = arith.constant 128 : i32
        %div3A_2158 = arith.divsi %reduce_max3A_2156, %jit3A_2157 : i32
        %sign3A_2159 = arith.constant 0 : i32
        %sign3A_2160 = arith.cmpi sgt, %reduce_max3A_2156, %sign3A_2159 : i32
        %sign3A_2161 = arith.extui %sign3A_2160 : i1 to i32
        %sign3A_2162 = arith.constant 0 : i32
        %sign3A_2163 = arith.cmpi slt, %reduce_max3A_2156, %sign3A_2162 : i32
        %sign3A_2164 = arith.extui %sign3A_2163 : i1 to i32
        %sign3A_2165 = arith.subi %sign3A_2161, %sign3A_2164 : i32
        %sign3A_2166 = arith.constant 0 : i32
        %sign3A_2167 = arith.cmpi sgt, %jit3A_2157, %sign3A_2166 : i32
        %sign3A_2168 = arith.extui %sign3A_2167 : i1 to i32
        %sign3A_2169 = arith.constant 0 : i32
        %sign3A_2170 = arith.cmpi slt, %jit3A_2157, %sign3A_2169 : i32
        %sign3A_2171 = arith.extui %sign3A_2170 : i1 to i32
        %sign3A_2172 = arith.subi %sign3A_2168, %sign3A_2171 : i32
        %ne3A_2173 = arith.cmpi ne, %sign3A_2165, %sign3A_2172 : i32
        %rem3A_2174 = arith.remsi %reduce_max3A_2156, %jit3A_2157 : i32
        %ne3A_2175 = arith.constant 0 : i32
        %ne3A_2176 = arith.cmpi ne, %rem3A_2174, %ne3A_2175 : i32
        %and3A_2177 = arith.andi %ne3A_2173, %ne3A_2176 : i1
        %sub3A_2178 = arith.constant 1 : i32
        %sub3A_2179 = arith.subi %div3A_2158, %sub3A_2178 : i32
        %select_n3A_2180 = arith.select %and3A_2177, %sub3A_2179, %div3A_2158 : i32
        %mul3A_2181 = arith.constant 128 : i32
        %mul3A_2182 = arith.muli %select_n3A_2180, %mul3A_2181 : i32
        %multiple_of3A_2183 = tpu.assume_multiple %mul3A_2182, 128 : i32
        %dma_start3A_2184 = arith.constant 6 : i32
        %dma_start3A_2185 = arith.constant 0 : i32
        %dma_start3A_2186 = arith.constant 0 : i32
        %dma_start3A_2187 = tpu.memref_slice %arg7[%dma_start3A_2184, %dma_start3A_2185, %dma_start3A_2186] : memref<11x64x128xf32, #tpu.memory_space<vmem>> -> memref<1x64x128xf32, #tpu.memory_space<vmem>>
        %dma_start3A_2188 = tpu.memref_squeeze %dma_start3A_2187 : memref<1x64x128xf32, #tpu.memory_space<vmem>> -> memref<64x128xf32, #tpu.memory_space<vmem>>
        %dma_start3A_2189 = arith.constant 0 : i32
        %dma_start3A_2190 = tpu.memref_slice %arg3[%dma_start3A_2189, %multiple_of3A_2183] : memref<64x1000000xf32, #tpu.memory_space<hbm>> -> memref<64x128xf32, #tpu.memory_space<hbm>>
        %dma_start3A_2191 = arith.constant 0 : i32
        %dma_start3A_2192 = arith.constant 0 : i32
        %dma_start3A_2193 = tpu.memref_slice %arg7[%dma_start3A_2184, %dma_start3A_2191, %dma_start3A_2192] : memref<11x64x128xf32, #tpu.memory_space<vmem>> -> memref<1x64x128xf32, #tpu.memory_space<vmem>>
        %dma_start3A_2194 = tpu.memref_squeeze %dma_start3A_2193 : memref<1x64x128xf32, #tpu.memory_space<vmem>> -> memref<64x128xf32, #tpu.memory_space<vmem>>
        %dma_start3A_2195 = arith.constant 0 : i32
        %dma_start3A_2196 = tpu.memref_slice %arg3[%dma_start3A_2195, %multiple_of3A_2183] : memref<64x1000000xf32, #tpu.memory_space<hbm>> -> memref<64x128xf32, #tpu.memory_space<hbm>>
        tpu.enqueue_dma source(%dma_start3A_2196 : memref<64x128xf32, #tpu.memory_space<hbm>>) target(%dma_start3A_2194 : memref<64x128xf32, #tpu.memory_space<vmem>>) target_semaphore(%arg17 : memref<!tpu.dma_semaphore, #tpu.memory_space<semaphore_mem>>)
      } else {
      }
      %mul3A_1672 = arith.constant 11 : i32
      %mul3A_1673 = arith.muli %scan3A_904, %mul3A_1672 : i32
      %add3A_1674 = arith.constant 7 : i32
      %add3A_1675 = arith.addi %mul3A_1673, %add3A_1674 : i32
      %dma_wait3A_1676 = arith.constant 7 : i32
      %dma_wait3A_1677 = arith.constant 0 : i32
      %dma_wait3A_1678 = arith.constant 0 : i32
      %dma_wait3A_1679 = tpu.memref_slice %arg7[%dma_wait3A_1676, %dma_wait3A_1677, %dma_wait3A_1678] : memref<11x64x128xf32, #tpu.memory_space<vmem>> -> memref<1x64x128xf32, #tpu.memory_space<vmem>>
      %dma_wait3A_1680 = tpu.memref_squeeze %dma_wait3A_1679 : memref<1x64x128xf32, #tpu.memory_space<vmem>> -> memref<64x128xf32, #tpu.memory_space<vmem>>
      %dma_wait3A_1681 = arith.constant 0 : i32
      %dma_wait3A_1682 = arith.constant 0 : i32
      %dma_wait3A_1683 = tpu.memref_slice %arg3[%dma_wait3A_1681, %dma_wait3A_1682] : memref<64x1000000xf32, #tpu.memory_space<hbm>> -> memref<64x128xf32, #tpu.memory_space<hbm>>
      %dma_wait3A_1684 = arith.constant 0 : i32
      %dma_wait3A_1685 = arith.constant 0 : i32
      %dma_wait3A_1686 = tpu.memref_slice %arg7[%dma_wait3A_1676, %dma_wait3A_1684, %dma_wait3A_1685] : memref<11x64x128xf32, #tpu.memory_space<vmem>> -> memref<1x64x128xf32, #tpu.memory_space<vmem>>
      %dma_wait3A_1687 = tpu.memref_squeeze %dma_wait3A_1686 : memref<1x64x128xf32, #tpu.memory_space<vmem>> -> memref<64x128xf32, #tpu.memory_space<vmem>>
      %dma_wait3A_1688 = arith.constant 0 : i32
      %dma_wait3A_1689 = arith.constant 0 : i32
      %dma_wait3A_1690 = tpu.memref_slice %arg3[%dma_wait3A_1688, %dma_wait3A_1689] : memref<64x1000000xf32, #tpu.memory_space<hbm>> -> memref<64x128xf32, #tpu.memory_space<hbm>>
      tpu.wait_dma2 semaphore(%arg18 : memref<!tpu.dma_semaphore, #tpu.memory_space<semaphore_mem>>) src(%dma_wait3A_1690 : memref<64x128xf32, #tpu.memory_space<hbm>>) dst(%dma_wait3A_1687 : memref<64x128xf32, #tpu.memory_space<vmem>>)
      %jit3A_1691 = arith.constant 16 : i32
      %div3A_1692 = arith.divsi %add3A_1675, %jit3A_1691 : i32
      %sign3A_1693 = arith.constant 0 : i32
      %sign3A_1694 = arith.cmpi sgt, %add3A_1675, %sign3A_1693 : i32
      %sign3A_1695 = arith.extui %sign3A_1694 : i1 to i32
      %sign3A_1696 = arith.constant 0 : i32
      %sign3A_1697 = arith.cmpi slt, %add3A_1675, %sign3A_1696 : i32
      %sign3A_1698 = arith.extui %sign3A_1697 : i1 to i32
      %sign3A_1699 = arith.subi %sign3A_1695, %sign3A_1698 : i32
      %sign3A_1700 = arith.constant 0 : i32
      %sign3A_1701 = arith.cmpi sgt, %jit3A_1691, %sign3A_1700 : i32
      %sign3A_1702 = arith.extui %sign3A_1701 : i1 to i32
      %sign3A_1703 = arith.constant 0 : i32
      %sign3A_1704 = arith.cmpi slt, %jit3A_1691, %sign3A_1703 : i32
      %sign3A_1705 = arith.extui %sign3A_1704 : i1 to i32
      %sign3A_1706 = arith.subi %sign3A_1702, %sign3A_1705 : i32
      %ne3A_1707 = arith.cmpi ne, %sign3A_1699, %sign3A_1706 : i32
      %rem3A_1708 = arith.remsi %add3A_1675, %jit3A_1691 : i32
      %ne3A_1709 = arith.constant 0 : i32
      %ne3A_1710 = arith.cmpi ne, %rem3A_1708, %ne3A_1709 : i32
      %and3A_1711 = arith.andi %ne3A_1707, %ne3A_1710 : i1
      %sub3A_1712 = arith.constant 1 : i32
      %sub3A_1713 = arith.subi %div3A_1692, %sub3A_1712 : i32
      %select_n3A_1714 = arith.select %and3A_1711, %sub3A_1713, %div3A_1692 : i32
      %mul3A_1715 = arith.constant 16 : i32
      %mul3A_1716 = arith.muli %select_n3A_1714, %mul3A_1715 : i32
      %multiple_of3A_1717 = tpu.assume_multiple %mul3A_1716, 16 : i32
      %get3A_1718 = arith.index_cast %multiple_of3A_1717 : i32 to index
      %get3A_1719 = tpu.vector_load %arg6[%get3A_1718] {strides = array<i32>} : memref<256xi32, #tpu.memory_space<vmem>>, vector<16xi32>,
      %sub3A_1720 = arith.subi %add3A_1675, %multiple_of3A_1717 : i32
      %broadcast_in_dim3A_1721 = vector.broadcast %sub3A_1720 : i32 to vector<16xi32>
      %eq3A_1722 = arith.cmpi eq, %iota3A, %broadcast_in_dim3A_1721 : vector<16xi32>
      %jit3A_1723 = arith.constant 0 : i32
      %broadcast_in_dim3A_1724 = vector.broadcast %jit3A_1723 : i32 to vector<16xi32>
      %select_n3A_1725 = arith.select %eq3A_1722, %get3A_1719, %broadcast_in_dim3A_1724 : vector<16xi1>, vector<16xi32>
      %reduce_max3A_1726 = arith.constant true
      %reduce_max3A_1727 = vector.broadcast %reduce_max3A_1726 : i1 to vector<16xi1>
      %reduce_max3A_1728 = arith.constant -2147483648 : i32
      %reduce_max3A_1729 = vector.broadcast %reduce_max3A_1728 : i32 to vector<16xi32>
      %reduce_max3A_1730 = arith.xori %select_n3A_1725, %reduce_max3A_1729 : vector<16xi32>
      %reduce_max3A_1731 = tpu.scan <max>, %reduce_max3A_1730 masked %reduce_max3A_1727 : vector<16xi32>, vector<16xi1> -> vector<16xi32>
      %reduce_max3A_1732 = arith.xori %reduce_max3A_1731, %reduce_max3A_1729 : vector<16xi32>
      %reduce_max3A_1733 = vector.extract %reduce_max3A_1732[15] : i32 from vector<16xi32>
      %jit3A_1734 = arith.constant 128 : i32
      %div3A_1735 = arith.divsi %reduce_max3A_1733, %jit3A_1734 : i32
      %sign3A_1736 = arith.constant 0 : i32
      %sign3A_1737 = arith.cmpi sgt, %reduce_max3A_1733, %sign3A_1736 : i32
      %sign3A_1738 = arith.extui %sign3A_1737 : i1 to i32
      %sign3A_1739 = arith.constant 0 : i32
      %sign3A_1740 = arith.cmpi slt, %reduce_max3A_1733, %sign3A_1739 : i32
      %sign3A_1741 = arith.extui %sign3A_1740 : i1 to i32
      %sign3A_1742 = arith.subi %sign3A_1738, %sign3A_1741 : i32
      %sign3A_1743 = arith.constant 0 : i32
      %sign3A_1744 = arith.cmpi sgt, %jit3A_1734, %sign3A_1743 : i32
      %sign3A_1745 = arith.extui %sign3A_1744 : i1 to i32
      %sign3A_1746 = arith.constant 0 : i32
      %sign3A_1747 = arith.cmpi slt, %jit3A_1734, %sign3A_1746 : i32
      %sign3A_1748 = arith.extui %sign3A_1747 : i1 to i32
      %sign3A_1749 = arith.subi %sign3A_1745, %sign3A_1748 : i32
      %ne3A_1750 = arith.cmpi ne, %sign3A_1742, %sign3A_1749 : i32
      %rem3A_1751 = arith.remsi %reduce_max3A_1733, %jit3A_1734 : i32
      %ne3A_1752 = arith.constant 0 : i32
      %ne3A_1753 = arith.cmpi ne, %rem3A_1751, %ne3A_1752 : i32
      %and3A_1754 = arith.andi %ne3A_1750, %ne3A_1753 : i1
      %sub3A_1755 = arith.constant 1 : i32
      %sub3A_1756 = arith.subi %div3A_1735, %sub3A_1755 : i32
      %select_n3A_1757 = arith.select %and3A_1754, %sub3A_1756, %div3A_1735 : i32
      %mul3A_1758 = arith.constant 128 : i32
      %mul3A_1759 = arith.muli %select_n3A_1757, %mul3A_1758 : i32
      %multiple_of3A_1760 = tpu.assume_multiple %mul3A_1759, 128 : i32
      %sub3A_1761 = arith.subi %reduce_max3A_1733, %multiple_of3A_1760 : i32
      %broadcast_in_dim3A_1762 = vector.broadcast %sub3A_1761 : i32 to vector<16xi32>
      %broadcast_in_dim3A_1763 = vector.broadcast %add3A_1675 : i32 to vector<16xi32>
      %add3A_1764 = arith.constant 0 : i32
      %add3A_1765 = vector.broadcast %add3A_1764 : i32 to vector<16xi32>
      %add3A_1766 = arith.addi %iota3A, %add3A_1765 : vector<16xi32>
      %gather3A_1767 = arith.constant 7 : i32
      %gather3A_1768 = arith.constant 0 : i32
      %gather3A_1769 = arith.constant 0 : i32
      %gather3A_1770 = tpu.memref_slice %arg7[%gather3A_1767, %gather3A_1768, %gather3A_1769] : memref<11x64x128xf32, #tpu.memory_space<vmem>> -> memref<1x64x128xf32, #tpu.memory_space<vmem>>
      %gather3A_1771 = tpu.memref_squeeze %gather3A_1770 : memref<1x64x128xf32, #tpu.memory_space<vmem>> -> memref<64x128xf32, #tpu.memory_space<vmem>>
      %gather3A_1772 = tpu.vector_load_idx %gather3A_1771[%add3A_1766, %broadcast_in_dim3A_1762] : memref<64x128xf32, #tpu.memory_space<vmem>>[vector<16xi32>, vector<16xi32>], vector<16xf32>,
      %gather3A_1773 = tpu.vector_load_idx %arg8[%add3A_1766, %broadcast_in_dim3A_1763] : memref<64x256xf32, #tpu.memory_space<vmem>>[vector<16xi32>, vector<16xi32>], vector<16xf32>,
      %add3A_1774 = arith.addf %gather3A_1772, %gather3A_1773 : vector<16xf32>
      tpu.vector_store_idx %arg9[%add3A_1766, %broadcast_in_dim3A_1763], %add3A_1774 : memref<64x256xf32, #tpu.memory_space<vmem>>[vector<16xi32>, vector<16xi32>], vector<16xf32>,
      %add3A_1775 = arith.constant 11 : i32
      %add3A_1776 = arith.addi %add3A_1675, %add3A_1775 : i32
      %lt3A_1777 = arith.constant 256 : i32
      %lt3A_1778 = arith.cmpi slt, %add3A_1776, %lt3A_1777 : i32
      %convert_element_type3A_1779 = arith.extui %lt3A_1778 : i1 to i32
      %cond3A_1780 = arith.constant 0 : i32
      %cond3A_1781 = arith.cmpi ne, %convert_element_type3A_1779, %cond3A_1780 : i32
      scf.if %cond3A_1781 {
        %add3A_2112 = arith.constant 11 : i32
        %add3A_2113 = arith.addi %add3A_1675, %add3A_2112 : i32
        %jit3A_2114 = arith.constant 16 : i32
        %div3A_2115 = arith.divsi %add3A_2113, %jit3A_2114 : i32
        %sign3A_2116 = arith.constant 0 : i32
        %sign3A_2117 = arith.cmpi sgt, %add3A_2113, %sign3A_2116 : i32
        %sign3A_2118 = arith.extui %sign3A_2117 : i1 to i32
        %sign3A_2119 = arith.constant 0 : i32
        %sign3A_2120 = arith.cmpi slt, %add3A_2113, %sign3A_2119 : i32
        %sign3A_2121 = arith.extui %sign3A_2120 : i1 to i32
        %sign3A_2122 = arith.subi %sign3A_2118, %sign3A_2121 : i32
        %sign3A_2123 = arith.constant 0 : i32
        %sign3A_2124 = arith.cmpi sgt, %jit3A_2114, %sign3A_2123 : i32
        %sign3A_2125 = arith.extui %sign3A_2124 : i1 to i32
        %sign3A_2126 = arith.constant 0 : i32
        %sign3A_2127 = arith.cmpi slt, %jit3A_2114, %sign3A_2126 : i32
        %sign3A_2128 = arith.extui %sign3A_2127 : i1 to i32
        %sign3A_2129 = arith.subi %sign3A_2125, %sign3A_2128 : i32
        %ne3A_2130 = arith.cmpi ne, %sign3A_2122, %sign3A_2129 : i32
        %rem3A_2131 = arith.remsi %add3A_2113, %jit3A_2114 : i32
        %ne3A_2132 = arith.constant 0 : i32
        %ne3A_2133 = arith.cmpi ne, %rem3A_2131, %ne3A_2132 : i32
        %and3A_2134 = arith.andi %ne3A_2130, %ne3A_2133 : i1
        %sub3A_2135 = arith.constant 1 : i32
        %sub3A_2136 = arith.subi %div3A_2115, %sub3A_2135 : i32
        %select_n3A_2137 = arith.select %and3A_2134, %sub3A_2136, %div3A_2115 : i32
        %mul3A_2138 = arith.constant 16 : i32
        %mul3A_2139 = arith.muli %select_n3A_2137, %mul3A_2138 : i32
        %multiple_of3A_2140 = tpu.assume_multiple %mul3A_2139, 16 : i32
        %get3A_2141 = arith.index_cast %multiple_of3A_2140 : i32 to index
        %get3A_2142 = tpu.vector_load %arg6[%get3A_2141] {strides = array<i32>} : memref<256xi32, #tpu.memory_space<vmem>>, vector<16xi32>,
        %sub3A_2143 = arith.subi %add3A_2113, %multiple_of3A_2140 : i32
        %broadcast_in_dim3A_2144 = vector.broadcast %sub3A_2143 : i32 to vector<16xi32>
        %eq3A_2145 = arith.cmpi eq, %iota3A, %broadcast_in_dim3A_2144 : vector<16xi32>
        %jit3A_2146 = arith.constant 0 : i32
        %broadcast_in_dim3A_2147 = vector.broadcast %jit3A_2146 : i32 to vector<16xi32>
        %select_n3A_2148 = arith.select %eq3A_2145, %get3A_2142, %broadcast_in_dim3A_2147 : vector<16xi1>, vector<16xi32>
        %reduce_max3A_2149 = arith.constant true
        %reduce_max3A_2150 = vector.broadcast %reduce_max3A_2149 : i1 to vector<16xi1>
        %reduce_max3A_2151 = arith.constant -2147483648 : i32
        %reduce_max3A_2152 = vector.broadcast %reduce_max3A_2151 : i32 to vector<16xi32>
        %reduce_max3A_2153 = arith.xori %select_n3A_2148, %reduce_max3A_2152 : vector<16xi32>
        %reduce_max3A_2154 = tpu.scan <max>, %reduce_max3A_2153 masked %reduce_max3A_2150 : vector<16xi32>, vector<16xi1> -> vector<16xi32>
        %reduce_max3A_2155 = arith.xori %reduce_max3A_2154, %reduce_max3A_2152 : vector<16xi32>
        %reduce_max3A_2156 = vector.extract %reduce_max3A_2155[15] : i32 from vector<16xi32>
        %jit3A_2157 = arith.constant 128 : i32
        %div3A_2158 = arith.divsi %reduce_max3A_2156, %jit3A_2157 : i32
        %sign3A_2159 = arith.constant 0 : i32
        %sign3A_2160 = arith.cmpi sgt, %reduce_max3A_2156, %sign3A_2159 : i32
        %sign3A_2161 = arith.extui %sign3A_2160 : i1 to i32
        %sign3A_2162 = arith.constant 0 : i32
        %sign3A_2163 = arith.cmpi slt, %reduce_max3A_2156, %sign3A_2162 : i32
        %sign3A_2164 = arith.extui %sign3A_2163 : i1 to i32
        %sign3A_2165 = arith.subi %sign3A_2161, %sign3A_2164 : i32
        %sign3A_2166 = arith.constant 0 : i32
        %sign3A_2167 = arith.cmpi sgt, %jit3A_2157, %sign3A_2166 : i32
        %sign3A_2168 = arith.extui %sign3A_2167 : i1 to i32
        %sign3A_2169 = arith.constant 0 : i32
        %sign3A_2170 = arith.cmpi slt, %jit3A_2157, %sign3A_2169 : i32
        %sign3A_2171 = arith.extui %sign3A_2170 : i1 to i32
        %sign3A_2172 = arith.subi %sign3A_2168, %sign3A_2171 : i32
        %ne3A_2173 = arith.cmpi ne, %sign3A_2165, %sign3A_2172 : i32
        %rem3A_2174 = arith.remsi %reduce_max3A_2156, %jit3A_2157 : i32
        %ne3A_2175 = arith.constant 0 : i32
        %ne3A_2176 = arith.cmpi ne, %rem3A_2174, %ne3A_2175 : i32
        %and3A_2177 = arith.andi %ne3A_2173, %ne3A_2176 : i1
        %sub3A_2178 = arith.constant 1 : i32
        %sub3A_2179 = arith.subi %div3A_2158, %sub3A_2178 : i32
        %select_n3A_2180 = arith.select %and3A_2177, %sub3A_2179, %div3A_2158 : i32
        %mul3A_2181 = arith.constant 128 : i32
        %mul3A_2182 = arith.muli %select_n3A_2180, %mul3A_2181 : i32
        %multiple_of3A_2183 = tpu.assume_multiple %mul3A_2182, 128 : i32
        %dma_start3A_2184 = arith.constant 7 : i32
        %dma_start3A_2185 = arith.constant 0 : i32
        %dma_start3A_2186 = arith.constant 0 : i32
        %dma_start3A_2187 = tpu.memref_slice %arg7[%dma_start3A_2184, %dma_start3A_2185, %dma_start3A_2186] : memref<11x64x128xf32, #tpu.memory_space<vmem>> -> memref<1x64x128xf32, #tpu.memory_space<vmem>>
        %dma_start3A_2188 = tpu.memref_squeeze %dma_start3A_2187 : memref<1x64x128xf32, #tpu.memory_space<vmem>> -> memref<64x128xf32, #tpu.memory_space<vmem>>
        %dma_start3A_2189 = arith.constant 0 : i32
        %dma_start3A_2190 = tpu.memref_slice %arg3[%dma_start3A_2189, %multiple_of3A_2183] : memref<64x1000000xf32, #tpu.memory_space<hbm>> -> memref<64x128xf32, #tpu.memory_space<hbm>>
        %dma_start3A_2191 = arith.constant 0 : i32
        %dma_start3A_2192 = arith.constant 0 : i32
        %dma_start3A_2193 = tpu.memref_slice %arg7[%dma_start3A_2184, %dma_start3A_2191, %dma_start3A_2192] : memref<11x64x128xf32, #tpu.memory_space<vmem>> -> memref<1x64x128xf32, #tpu.memory_space<vmem>>
        %dma_start3A_2194 = tpu.memref_squeeze %dma_start3A_2193 : memref<1x64x128xf32, #tpu.memory_space<vmem>> -> memref<64x128xf32, #tpu.memory_space<vmem>>
        %dma_start3A_2195 = arith.constant 0 : i32
        %dma_start3A_2196 = tpu.memref_slice %arg3[%dma_start3A_2195, %multiple_of3A_2183] : memref<64x1000000xf32, #tpu.memory_space<hbm>> -> memref<64x128xf32, #tpu.memory_space<hbm>>
        tpu.enqueue_dma source(%dma_start3A_2196 : memref<64x128xf32, #tpu.memory_space<hbm>>) target(%dma_start3A_2194 : memref<64x128xf32, #tpu.memory_space<vmem>>) target_semaphore(%arg18 : memref<!tpu.dma_semaphore, #tpu.memory_space<semaphore_mem>>)
      } else {
      }
      %mul3A_1782 = arith.constant 11 : i32
      %mul3A_1783 = arith.muli %scan3A_904, %mul3A_1782 : i32
      %add3A_1784 = arith.constant 8 : i32
      %add3A_1785 = arith.addi %mul3A_1783, %add3A_1784 : i32
      %dma_wait3A_1786 = arith.constant 8 : i32
      %dma_wait3A_1787 = arith.constant 0 : i32
      %dma_wait3A_1788 = arith.constant 0 : i32
      %dma_wait3A_1789 = tpu.memref_slice %arg7[%dma_wait3A_1786, %dma_wait3A_1787, %dma_wait3A_1788] : memref<11x64x128xf32, #tpu.memory_space<vmem>> -> memref<1x64x128xf32, #tpu.memory_space<vmem>>
      %dma_wait3A_1790 = tpu.memref_squeeze %dma_wait3A_1789 : memref<1x64x128xf32, #tpu.memory_space<vmem>> -> memref<64x128xf32, #tpu.memory_space<vmem>>
      %dma_wait3A_1791 = arith.constant 0 : i32
      %dma_wait3A_1792 = arith.constant 0 : i32
      %dma_wait3A_1793 = tpu.memref_slice %arg3[%dma_wait3A_1791, %dma_wait3A_1792] : memref<64x1000000xf32, #tpu.memory_space<hbm>> -> memref<64x128xf32, #tpu.memory_space<hbm>>
      %dma_wait3A_1794 = arith.constant 0 : i32
      %dma_wait3A_1795 = arith.constant 0 : i32
      %dma_wait3A_1796 = tpu.memref_slice %arg7[%dma_wait3A_1786, %dma_wait3A_1794, %dma_wait3A_1795] : memref<11x64x128xf32, #tpu.memory_space<vmem>> -> memref<1x64x128xf32, #tpu.memory_space<vmem>>
      %dma_wait3A_1797 = tpu.memref_squeeze %dma_wait3A_1796 : memref<1x64x128xf32, #tpu.memory_space<vmem>> -> memref<64x128xf32, #tpu.memory_space<vmem>>
      %dma_wait3A_1798 = arith.constant 0 : i32
      %dma_wait3A_1799 = arith.constant 0 : i32
      %dma_wait3A_1800 = tpu.memref_slice %arg3[%dma_wait3A_1798, %dma_wait3A_1799] : memref<64x1000000xf32, #tpu.memory_space<hbm>> -> memref<64x128xf32, #tpu.memory_space<hbm>>
      tpu.wait_dma2 semaphore(%arg19 : memref<!tpu.dma_semaphore, #tpu.memory_space<semaphore_mem>>) src(%dma_wait3A_1800 : memref<64x128xf32, #tpu.memory_space<hbm>>) dst(%dma_wait3A_1797 : memref<64x128xf32, #tpu.memory_space<vmem>>)
      %jit3A_1801 = arith.constant 16 : i32
      %div3A_1802 = arith.divsi %add3A_1785, %jit3A_1801 : i32
      %sign3A_1803 = arith.constant 0 : i32
      %sign3A_1804 = arith.cmpi sgt, %add3A_1785, %sign3A_1803 : i32
      %sign3A_1805 = arith.extui %sign3A_1804 : i1 to i32
      %sign3A_1806 = arith.constant 0 : i32
      %sign3A_1807 = arith.cmpi slt, %add3A_1785, %sign3A_1806 : i32
      %sign3A_1808 = arith.extui %sign3A_1807 : i1 to i32
      %sign3A_1809 = arith.subi %sign3A_1805, %sign3A_1808 : i32
      %sign3A_1810 = arith.constant 0 : i32
      %sign3A_1811 = arith.cmpi sgt, %jit3A_1801, %sign3A_1810 : i32
      %sign3A_1812 = arith.extui %sign3A_1811 : i1 to i32
      %sign3A_1813 = arith.constant 0 : i32
      %sign3A_1814 = arith.cmpi slt, %jit3A_1801, %sign3A_1813 : i32
      %sign3A_1815 = arith.extui %sign3A_1814 : i1 to i32
      %sign3A_1816 = arith.subi %sign3A_1812, %sign3A_1815 : i32
      %ne3A_1817 = arith.cmpi ne, %sign3A_1809, %sign3A_1816 : i32
      %rem3A_1818 = arith.remsi %add3A_1785, %jit3A_1801 : i32
      %ne3A_1819 = arith.constant 0 : i32
      %ne3A_1820 = arith.cmpi ne, %rem3A_1818, %ne3A_1819 : i32
      %and3A_1821 = arith.andi %ne3A_1817, %ne3A_1820 : i1
      %sub3A_1822 = arith.constant 1 : i32
      %sub3A_1823 = arith.subi %div3A_1802, %sub3A_1822 : i32
      %select_n3A_1824 = arith.select %and3A_1821, %sub3A_1823, %div3A_1802 : i32
      %mul3A_1825 = arith.constant 16 : i32
      %mul3A_1826 = arith.muli %select_n3A_1824, %mul3A_1825 : i32
      %multiple_of3A_1827 = tpu.assume_multiple %mul3A_1826, 16 : i32
      %get3A_1828 = arith.index_cast %multiple_of3A_1827 : i32 to index
      %get3A_1829 = tpu.vector_load %arg6[%get3A_1828] {strides = array<i32>} : memref<256xi32, #tpu.memory_space<vmem>>, vector<16xi32>,
      %sub3A_1830 = arith.subi %add3A_1785, %multiple_of3A_1827 : i32
      %broadcast_in_dim3A_1831 = vector.broadcast %sub3A_1830 : i32 to vector<16xi32>
      %eq3A_1832 = arith.cmpi eq, %iota3A, %broadcast_in_dim3A_1831 : vector<16xi32>
      %jit3A_1833 = arith.constant 0 : i32
      %broadcast_in_dim3A_1834 = vector.broadcast %jit3A_1833 : i32 to vector<16xi32>
      %select_n3A_1835 = arith.select %eq3A_1832, %get3A_1829, %broadcast_in_dim3A_1834 : vector<16xi1>, vector<16xi32>
      %reduce_max3A_1836 = arith.constant true
      %reduce_max3A_1837 = vector.broadcast %reduce_max3A_1836 : i1 to vector<16xi1>
      %reduce_max3A_1838 = arith.constant -2147483648 : i32
      %reduce_max3A_1839 = vector.broadcast %reduce_max3A_1838 : i32 to vector<16xi32>
      %reduce_max3A_1840 = arith.xori %select_n3A_1835, %reduce_max3A_1839 : vector<16xi32>
      %reduce_max3A_1841 = tpu.scan <max>, %reduce_max3A_1840 masked %reduce_max3A_1837 : vector<16xi32>, vector<16xi1> -> vector<16xi32>
      %reduce_max3A_1842 = arith.xori %reduce_max3A_1841, %reduce_max3A_1839 : vector<16xi32>
      %reduce_max3A_1843 = vector.extract %reduce_max3A_1842[15] : i32 from vector<16xi32>
      %jit3A_1844 = arith.constant 128 : i32
      %div3A_1845 = arith.divsi %reduce_max3A_1843, %jit3A_1844 : i32
      %sign3A_1846 = arith.constant 0 : i32
      %sign3A_1847 = arith.cmpi sgt, %reduce_max3A_1843, %sign3A_1846 : i32
      %sign3A_1848 = arith.extui %sign3A_1847 : i1 to i32
      %sign3A_1849 = arith.constant 0 : i32
      %sign3A_1850 = arith.cmpi slt, %reduce_max3A_1843, %sign3A_1849 : i32
      %sign3A_1851 = arith.extui %sign3A_1850 : i1 to i32
      %sign3A_1852 = arith.subi %sign3A_1848, %sign3A_1851 : i32
      %sign3A_1853 = arith.constant 0 : i32
      %sign3A_1854 = arith.cmpi sgt, %jit3A_1844, %sign3A_1853 : i32
      %sign3A_1855 = arith.extui %sign3A_1854 : i1 to i32
      %sign3A_1856 = arith.constant 0 : i32
      %sign3A_1857 = arith.cmpi slt, %jit3A_1844, %sign3A_1856 : i32
      %sign3A_1858 = arith.extui %sign3A_1857 : i1 to i32
      %sign3A_1859 = arith.subi %sign3A_1855, %sign3A_1858 : i32
      %ne3A_1860 = arith.cmpi ne, %sign3A_1852, %sign3A_1859 : i32
      %rem3A_1861 = arith.remsi %reduce_max3A_1843, %jit3A_1844 : i32
      %ne3A_1862 = arith.constant 0 : i32
      %ne3A_1863 = arith.cmpi ne, %rem3A_1861, %ne3A_1862 : i32
      %and3A_1864 = arith.andi %ne3A_1860, %ne3A_1863 : i1
      %sub3A_1865 = arith.constant 1 : i32
      %sub3A_1866 = arith.subi %div3A_1845, %sub3A_1865 : i32
      %select_n3A_1867 = arith.select %and3A_1864, %sub3A_1866, %div3A_1845 : i32
      %mul3A_1868 = arith.constant 128 : i32
      %mul3A_1869 = arith.muli %select_n3A_1867, %mul3A_1868 : i32
      %multiple_of3A_1870 = tpu.assume_multiple %mul3A_1869, 128 : i32
      %sub3A_1871 = arith.subi %reduce_max3A_1843, %multiple_of3A_1870 : i32
      %broadcast_in_dim3A_1872 = vector.broadcast %sub3A_1871 : i32 to vector<16xi32>
      %broadcast_in_dim3A_1873 = vector.broadcast %add3A_1785 : i32 to vector<16xi32>
      %add3A_1874 = arith.constant 0 : i32
      %add3A_1875 = vector.broadcast %add3A_1874 : i32 to vector<16xi32>
      %add3A_1876 = arith.addi %iota3A, %add3A_1875 : vector<16xi32>
      %gather3A_1877 = arith.constant 8 : i32
      %gather3A_1878 = arith.constant 0 : i32
      %gather3A_1879 = arith.constant 0 : i32
      %gather3A_1880 = tpu.memref_slice %arg7[%gather3A_1877, %gather3A_1878, %gather3A_1879] : memref<11x64x128xf32, #tpu.memory_space<vmem>> -> memref<1x64x128xf32, #tpu.memory_space<vmem>>
      %gather3A_1881 = tpu.memref_squeeze %gather3A_1880 : memref<1x64x128xf32, #tpu.memory_space<vmem>> -> memref<64x128xf32, #tpu.memory_space<vmem>>
      %gather3A_1882 = tpu.vector_load_idx %gather3A_1881[%add3A_1876, %broadcast_in_dim3A_1872] : memref<64x128xf32, #tpu.memory_space<vmem>>[vector<16xi32>, vector<16xi32>], vector<16xf32>,
      %gather3A_1883 = tpu.vector_load_idx %arg8[%add3A_1876, %broadcast_in_dim3A_1873] : memref<64x256xf32, #tpu.memory_space<vmem>>[vector<16xi32>, vector<16xi32>], vector<16xf32>,
      %add3A_1884 = arith.addf %gather3A_1882, %gather3A_1883 : vector<16xf32>
      tpu.vector_store_idx %arg9[%add3A_1876, %broadcast_in_dim3A_1873], %add3A_1884 : memref<64x256xf32, #tpu.memory_space<vmem>>[vector<16xi32>, vector<16xi32>], vector<16xf32>,
      %add3A_1885 = arith.constant 11 : i32
      %add3A_1886 = arith.addi %add3A_1785, %add3A_1885 : i32
      %lt3A_1887 = arith.constant 256 : i32
      %lt3A_1888 = arith.cmpi slt, %add3A_1886, %lt3A_1887 : i32
      %convert_element_type3A_1889 = arith.extui %lt3A_1888 : i1 to i32
      %cond3A_1890 = arith.constant 0 : i32
      %cond3A_1891 = arith.cmpi ne, %convert_element_type3A_1889, %cond3A_1890 : i32
      scf.if %cond3A_1891 {
        %add3A_2112 = arith.constant 11 : i32
        %add3A_2113 = arith.addi %add3A_1785, %add3A_2112 : i32
        %jit3A_2114 = arith.constant 16 : i32
        %div3A_2115 = arith.divsi %add3A_2113, %jit3A_2114 : i32
        %sign3A_2116 = arith.constant 0 : i32
        %sign3A_2117 = arith.cmpi sgt, %add3A_2113, %sign3A_2116 : i32
        %sign3A_2118 = arith.extui %sign3A_2117 : i1 to i32
        %sign3A_2119 = arith.constant 0 : i32
        %sign3A_2120 = arith.cmpi slt, %add3A_2113, %sign3A_2119 : i32
        %sign3A_2121 = arith.extui %sign3A_2120 : i1 to i32
        %sign3A_2122 = arith.subi %sign3A_2118, %sign3A_2121 : i32
        %sign3A_2123 = arith.constant 0 : i32
        %sign3A_2124 = arith.cmpi sgt, %jit3A_2114, %sign3A_2123 : i32
        %sign3A_2125 = arith.extui %sign3A_2124 : i1 to i32
        %sign3A_2126 = arith.constant 0 : i32
        %sign3A_2127 = arith.cmpi slt, %jit3A_2114, %sign3A_2126 : i32
        %sign3A_2128 = arith.extui %sign3A_2127 : i1 to i32
        %sign3A_2129 = arith.subi %sign3A_2125, %sign3A_2128 : i32
        %ne3A_2130 = arith.cmpi ne, %sign3A_2122, %sign3A_2129 : i32
        %rem3A_2131 = arith.remsi %add3A_2113, %jit3A_2114 : i32
        %ne3A_2132 = arith.constant 0 : i32
        %ne3A_2133 = arith.cmpi ne, %rem3A_2131, %ne3A_2132 : i32
        %and3A_2134 = arith.andi %ne3A_2130, %ne3A_2133 : i1
        %sub3A_2135 = arith.constant 1 : i32
        %sub3A_2136 = arith.subi %div3A_2115, %sub3A_2135 : i32
        %select_n3A_2137 = arith.select %and3A_2134, %sub3A_2136, %div3A_2115 : i32
        %mul3A_2138 = arith.constant 16 : i32
        %mul3A_2139 = arith.muli %select_n3A_2137, %mul3A_2138 : i32
        %multiple_of3A_2140 = tpu.assume_multiple %mul3A_2139, 16 : i32
        %get3A_2141 = arith.index_cast %multiple_of3A_2140 : i32 to index
        %get3A_2142 = tpu.vector_load %arg6[%get3A_2141] {strides = array<i32>} : memref<256xi32, #tpu.memory_space<vmem>>, vector<16xi32>,
        %sub3A_2143 = arith.subi %add3A_2113, %multiple_of3A_2140 : i32
        %broadcast_in_dim3A_2144 = vector.broadcast %sub3A_2143 : i32 to vector<16xi32>
        %eq3A_2145 = arith.cmpi eq, %iota3A, %broadcast_in_dim3A_2144 : vector<16xi32>
        %jit3A_2146 = arith.constant 0 : i32
        %broadcast_in_dim3A_2147 = vector.broadcast %jit3A_2146 : i32 to vector<16xi32>
        %select_n3A_2148 = arith.select %eq3A_2145, %get3A_2142, %broadcast_in_dim3A_2147 : vector<16xi1>, vector<16xi32>
        %reduce_max3A_2149 = arith.constant true
        %reduce_max3A_2150 = vector.broadcast %reduce_max3A_2149 : i1 to vector<16xi1>
        %reduce_max3A_2151 = arith.constant -2147483648 : i32
        %reduce_max3A_2152 = vector.broadcast %reduce_max3A_2151 : i32 to vector<16xi32>
        %reduce_max3A_2153 = arith.xori %select_n3A_2148, %reduce_max3A_2152 : vector<16xi32>
        %reduce_max3A_2154 = tpu.scan <max>, %reduce_max3A_2153 masked %reduce_max3A_2150 : vector<16xi32>, vector<16xi1> -> vector<16xi32>
        %reduce_max3A_2155 = arith.xori %reduce_max3A_2154, %reduce_max3A_2152 : vector<16xi32>
        %reduce_max3A_2156 = vector.extract %reduce_max3A_2155[15] : i32 from vector<16xi32>
        %jit3A_2157 = arith.constant 128 : i32
        %div3A_2158 = arith.divsi %reduce_max3A_2156, %jit3A_2157 : i32
        %sign3A_2159 = arith.constant 0 : i32
        %sign3A_2160 = arith.cmpi sgt, %reduce_max3A_2156, %sign3A_2159 : i32
        %sign3A_2161 = arith.extui %sign3A_2160 : i1 to i32
        %sign3A_2162 = arith.constant 0 : i32
        %sign3A_2163 = arith.cmpi slt, %reduce_max3A_2156, %sign3A_2162 : i32
        %sign3A_2164 = arith.extui %sign3A_2163 : i1 to i32
        %sign3A_2165 = arith.subi %sign3A_2161, %sign3A_2164 : i32
        %sign3A_2166 = arith.constant 0 : i32
        %sign3A_2167 = arith.cmpi sgt, %jit3A_2157, %sign3A_2166 : i32
        %sign3A_2168 = arith.extui %sign3A_2167 : i1 to i32
        %sign3A_2169 = arith.constant 0 : i32
        %sign3A_2170 = arith.cmpi slt, %jit3A_2157, %sign3A_2169 : i32
        %sign3A_2171 = arith.extui %sign3A_2170 : i1 to i32
        %sign3A_2172 = arith.subi %sign3A_2168, %sign3A_2171 : i32
        %ne3A_2173 = arith.cmpi ne, %sign3A_2165, %sign3A_2172 : i32
        %rem3A_2174 = arith.remsi %reduce_max3A_2156, %jit3A_2157 : i32
        %ne3A_2175 = arith.constant 0 : i32
        %ne3A_2176 = arith.cmpi ne, %rem3A_2174, %ne3A_2175 : i32
        %and3A_2177 = arith.andi %ne3A_2173, %ne3A_2176 : i1
        %sub3A_2178 = arith.constant 1 : i32
        %sub3A_2179 = arith.subi %div3A_2158, %sub3A_2178 : i32
        %select_n3A_2180 = arith.select %and3A_2177, %sub3A_2179, %div3A_2158 : i32
        %mul3A_2181 = arith.constant 128 : i32
        %mul3A_2182 = arith.muli %select_n3A_2180, %mul3A_2181 : i32
        %multiple_of3A_2183 = tpu.assume_multiple %mul3A_2182, 128 : i32
        %dma_start3A_2184 = arith.constant 8 : i32
        %dma_start3A_2185 = arith.constant 0 : i32
        %dma_start3A_2186 = arith.constant 0 : i32
        %dma_start3A_2187 = tpu.memref_slice %arg7[%dma_start3A_2184, %dma_start3A_2185, %dma_start3A_2186] : memref<11x64x128xf32, #tpu.memory_space<vmem>> -> memref<1x64x128xf32, #tpu.memory_space<vmem>>
        %dma_start3A_2188 = tpu.memref_squeeze %dma_start3A_2187 : memref<1x64x128xf32, #tpu.memory_space<vmem>> -> memref<64x128xf32, #tpu.memory_space<vmem>>
        %dma_start3A_2189 = arith.constant 0 : i32
        %dma_start3A_2190 = tpu.memref_slice %arg3[%dma_start3A_2189, %multiple_of3A_2183] : memref<64x1000000xf32, #tpu.memory_space<hbm>> -> memref<64x128xf32, #tpu.memory_space<hbm>>
        %dma_start3A_2191 = arith.constant 0 : i32
        %dma_start3A_2192 = arith.constant 0 : i32
        %dma_start3A_2193 = tpu.memref_slice %arg7[%dma_start3A_2184, %dma_start3A_2191, %dma_start3A_2192] : memref<11x64x128xf32, #tpu.memory_space<vmem>> -> memref<1x64x128xf32, #tpu.memory_space<vmem>>
        %dma_start3A_2194 = tpu.memref_squeeze %dma_start3A_2193 : memref<1x64x128xf32, #tpu.memory_space<vmem>> -> memref<64x128xf32, #tpu.memory_space<vmem>>
        %dma_start3A_2195 = arith.constant 0 : i32
        %dma_start3A_2196 = tpu.memref_slice %arg3[%dma_start3A_2195, %multiple_of3A_2183] : memref<64x1000000xf32, #tpu.memory_space<hbm>> -> memref<64x128xf32, #tpu.memory_space<hbm>>
        tpu.enqueue_dma source(%dma_start3A_2196 : memref<64x128xf32, #tpu.memory_space<hbm>>) target(%dma_start3A_2194 : memref<64x128xf32, #tpu.memory_space<vmem>>) target_semaphore(%arg19 : memref<!tpu.dma_semaphore, #tpu.memory_space<semaphore_mem>>)
      } else {
      }
      %mul3A_1892 = arith.constant 11 : i32
      %mul3A_1893 = arith.muli %scan3A_904, %mul3A_1892 : i32
      %add3A_1894 = arith.constant 9 : i32
      %add3A_1895 = arith.addi %mul3A_1893, %add3A_1894 : i32
      %dma_wait3A_1896 = arith.constant 9 : i32
      %dma_wait3A_1897 = arith.constant 0 : i32
      %dma_wait3A_1898 = arith.constant 0 : i32
      %dma_wait3A_1899 = tpu.memref_slice %arg7[%dma_wait3A_1896, %dma_wait3A_1897, %dma_wait3A_1898] : memref<11x64x128xf32, #tpu.memory_space<vmem>> -> memref<1x64x128xf32, #tpu.memory_space<vmem>>
      %dma_wait3A_1900 = tpu.memref_squeeze %dma_wait3A_1899 : memref<1x64x128xf32, #tpu.memory_space<vmem>> -> memref<64x128xf32, #tpu.memory_space<vmem>>
      %dma_wait3A_1901 = arith.constant 0 : i32
      %dma_wait3A_1902 = arith.constant 0 : i32
      %dma_wait3A_1903 = tpu.memref_slice %arg3[%dma_wait3A_1901, %dma_wait3A_1902] : memref<64x1000000xf32, #tpu.memory_space<hbm>> -> memref<64x128xf32, #tpu.memory_space<hbm>>
      %dma_wait3A_1904 = arith.constant 0 : i32
      %dma_wait3A_1905 = arith.constant 0 : i32
      %dma_wait3A_1906 = tpu.memref_slice %arg7[%dma_wait3A_1896, %dma_wait3A_1904, %dma_wait3A_1905] : memref<11x64x128xf32, #tpu.memory_space<vmem>> -> memref<1x64x128xf32, #tpu.memory_space<vmem>>
      %dma_wait3A_1907 = tpu.memref_squeeze %dma_wait3A_1906 : memref<1x64x128xf32, #tpu.memory_space<vmem>> -> memref<64x128xf32, #tpu.memory_space<vmem>>
      %dma_wait3A_1908 = arith.constant 0 : i32
      %dma_wait3A_1909 = arith.constant 0 : i32
      %dma_wait3A_1910 = tpu.memref_slice %arg3[%dma_wait3A_1908, %dma_wait3A_1909] : memref<64x1000000xf32, #tpu.memory_space<hbm>> -> memref<64x128xf32, #tpu.memory_space<hbm>>
      tpu.wait_dma2 semaphore(%arg20 : memref<!tpu.dma_semaphore, #tpu.memory_space<semaphore_mem>>) src(%dma_wait3A_1910 : memref<64x128xf32, #tpu.memory_space<hbm>>) dst(%dma_wait3A_1907 : memref<64x128xf32, #tpu.memory_space<vmem>>)
      %jit3A_1911 = arith.constant 16 : i32
      %div3A_1912 = arith.divsi %add3A_1895, %jit3A_1911 : i32
      %sign3A_1913 = arith.constant 0 : i32
      %sign3A_1914 = arith.cmpi sgt, %add3A_1895, %sign3A_1913 : i32
      %sign3A_1915 = arith.extui %sign3A_1914 : i1 to i32
      %sign3A_1916 = arith.constant 0 : i32
      %sign3A_1917 = arith.cmpi slt, %add3A_1895, %sign3A_1916 : i32
      %sign3A_1918 = arith.extui %sign3A_1917 : i1 to i32
      %sign3A_1919 = arith.subi %sign3A_1915, %sign3A_1918 : i32
      %sign3A_1920 = arith.constant 0 : i32
      %sign3A_1921 = arith.cmpi sgt, %jit3A_1911, %sign3A_1920 : i32
      %sign3A_1922 = arith.extui %sign3A_1921 : i1 to i32
      %sign3A_1923 = arith.constant 0 : i32
      %sign3A_1924 = arith.cmpi slt, %jit3A_1911, %sign3A_1923 : i32
      %sign3A_1925 = arith.extui %sign3A_1924 : i1 to i32
      %sign3A_1926 = arith.subi %sign3A_1922, %sign3A_1925 : i32
      %ne3A_1927 = arith.cmpi ne, %sign3A_1919, %sign3A_1926 : i32
      %rem3A_1928 = arith.remsi %add3A_1895, %jit3A_1911 : i32
      %ne3A_1929 = arith.constant 0 : i32
      %ne3A_1930 = arith.cmpi ne, %rem3A_1928, %ne3A_1929 : i32
      %and3A_1931 = arith.andi %ne3A_1927, %ne3A_1930 : i1
      %sub3A_1932 = arith.constant 1 : i32
      %sub3A_1933 = arith.subi %div3A_1912, %sub3A_1932 : i32
      %select_n3A_1934 = arith.select %and3A_1931, %sub3A_1933, %div3A_1912 : i32
      %mul3A_1935 = arith.constant 16 : i32
      %mul3A_1936 = arith.muli %select_n3A_1934, %mul3A_1935 : i32
      %multiple_of3A_1937 = tpu.assume_multiple %mul3A_1936, 16 : i32
      %get3A_1938 = arith.index_cast %multiple_of3A_1937 : i32 to index
      %get3A_1939 = tpu.vector_load %arg6[%get3A_1938] {strides = array<i32>} : memref<256xi32, #tpu.memory_space<vmem>>, vector<16xi32>,
      %sub3A_1940 = arith.subi %add3A_1895, %multiple_of3A_1937 : i32
      %broadcast_in_dim3A_1941 = vector.broadcast %sub3A_1940 : i32 to vector<16xi32>
      %eq3A_1942 = arith.cmpi eq, %iota3A, %broadcast_in_dim3A_1941 : vector<16xi32>
      %jit3A_1943 = arith.constant 0 : i32
      %broadcast_in_dim3A_1944 = vector.broadcast %jit3A_1943 : i32 to vector<16xi32>
      %select_n3A_1945 = arith.select %eq3A_1942, %get3A_1939, %broadcast_in_dim3A_1944 : vector<16xi1>, vector<16xi32>
      %reduce_max3A_1946 = arith.constant true
      %reduce_max3A_1947 = vector.broadcast %reduce_max3A_1946 : i1 to vector<16xi1>
      %reduce_max3A_1948 = arith.constant -2147483648 : i32
      %reduce_max3A_1949 = vector.broadcast %reduce_max3A_1948 : i32 to vector<16xi32>
      %reduce_max3A_1950 = arith.xori %select_n3A_1945, %reduce_max3A_1949 : vector<16xi32>
      %reduce_max3A_1951 = tpu.scan <max>, %reduce_max3A_1950 masked %reduce_max3A_1947 : vector<16xi32>, vector<16xi1> -> vector<16xi32>
      %reduce_max3A_1952 = arith.xori %reduce_max3A_1951, %reduce_max3A_1949 : vector<16xi32>
      %reduce_max3A_1953 = vector.extract %reduce_max3A_1952[15] : i32 from vector<16xi32>
      %jit3A_1954 = arith.constant 128 : i32
      %div3A_1955 = arith.divsi %reduce_max3A_1953, %jit3A_1954 : i32
      %sign3A_1956 = arith.constant 0 : i32
      %sign3A_1957 = arith.cmpi sgt, %reduce_max3A_1953, %sign3A_1956 : i32
      %sign3A_1958 = arith.extui %sign3A_1957 : i1 to i32
      %sign3A_1959 = arith.constant 0 : i32
      %sign3A_1960 = arith.cmpi slt, %reduce_max3A_1953, %sign3A_1959 : i32
      %sign3A_1961 = arith.extui %sign3A_1960 : i1 to i32
      %sign3A_1962 = arith.subi %sign3A_1958, %sign3A_1961 : i32
      %sign3A_1963 = arith.constant 0 : i32
      %sign3A_1964 = arith.cmpi sgt, %jit3A_1954, %sign3A_1963 : i32
      %sign3A_1965 = arith.extui %sign3A_1964 : i1 to i32
      %sign3A_1966 = arith.constant 0 : i32
      %sign3A_1967 = arith.cmpi slt, %jit3A_1954, %sign3A_1966 : i32
      %sign3A_1968 = arith.extui %sign3A_1967 : i1 to i32
      %sign3A_1969 = arith.subi %sign3A_1965, %sign3A_1968 : i32
      %ne3A_1970 = arith.cmpi ne, %sign3A_1962, %sign3A_1969 : i32
      %rem3A_1971 = arith.remsi %reduce_max3A_1953, %jit3A_1954 : i32
      %ne3A_1972 = arith.constant 0 : i32
      %ne3A_1973 = arith.cmpi ne, %rem3A_1971, %ne3A_1972 : i32
      %and3A_1974 = arith.andi %ne3A_1970, %ne3A_1973 : i1
      %sub3A_1975 = arith.constant 1 : i32
      %sub3A_1976 = arith.subi %div3A_1955, %sub3A_1975 : i32
      %select_n3A_1977 = arith.select %and3A_1974, %sub3A_1976, %div3A_1955 : i32
      %mul3A_1978 = arith.constant 128 : i32
      %mul3A_1979 = arith.muli %select_n3A_1977, %mul3A_1978 : i32
      %multiple_of3A_1980 = tpu.assume_multiple %mul3A_1979, 128 : i32
      %sub3A_1981 = arith.subi %reduce_max3A_1953, %multiple_of3A_1980 : i32
      %broadcast_in_dim3A_1982 = vector.broadcast %sub3A_1981 : i32 to vector<16xi32>
      %broadcast_in_dim3A_1983 = vector.broadcast %add3A_1895 : i32 to vector<16xi32>
      %add3A_1984 = arith.constant 0 : i32
      %add3A_1985 = vector.broadcast %add3A_1984 : i32 to vector<16xi32>
      %add3A_1986 = arith.addi %iota3A, %add3A_1985 : vector<16xi32>
      %gather3A_1987 = arith.constant 9 : i32
      %gather3A_1988 = arith.constant 0 : i32
      %gather3A_1989 = arith.constant 0 : i32
      %gather3A_1990 = tpu.memref_slice %arg7[%gather3A_1987, %gather3A_1988, %gather3A_1989] : memref<11x64x128xf32, #tpu.memory_space<vmem>> -> memref<1x64x128xf32, #tpu.memory_space<vmem>>
      %gather3A_1991 = tpu.memref_squeeze %gather3A_1990 : memref<1x64x128xf32, #tpu.memory_space<vmem>> -> memref<64x128xf32, #tpu.memory_space<vmem>>
      %gather3A_1992 = tpu.vector_load_idx %gather3A_1991[%add3A_1986, %broadcast_in_dim3A_1982] : memref<64x128xf32, #tpu.memory_space<vmem>>[vector<16xi32>, vector<16xi32>], vector<16xf32>,
      %gather3A_1993 = tpu.vector_load_idx %arg8[%add3A_1986, %broadcast_in_dim3A_1983] : memref<64x256xf32, #tpu.memory_space<vmem>>[vector<16xi32>, vector<16xi32>], vector<16xf32>,
      %add3A_1994 = arith.addf %gather3A_1992, %gather3A_1993 : vector<16xf32>
      tpu.vector_store_idx %arg9[%add3A_1986, %broadcast_in_dim3A_1983], %add3A_1994 : memref<64x256xf32, #tpu.memory_space<vmem>>[vector<16xi32>, vector<16xi32>], vector<16xf32>,
      %add3A_1995 = arith.constant 11 : i32
      %add3A_1996 = arith.addi %add3A_1895, %add3A_1995 : i32
      %lt3A_1997 = arith.constant 256 : i32
      %lt3A_1998 = arith.cmpi slt, %add3A_1996, %lt3A_1997 : i32
      %convert_element_type3A_1999 = arith.extui %lt3A_1998 : i1 to i32
      %cond3A_2000 = arith.constant 0 : i32
      %cond3A_2001 = arith.cmpi ne, %convert_element_type3A_1999, %cond3A_2000 : i32
      scf.if %cond3A_2001 {
        %add3A_2112 = arith.constant 11 : i32
        %add3A_2113 = arith.addi %add3A_1895, %add3A_2112 : i32
        %jit3A_2114 = arith.constant 16 : i32
        %div3A_2115 = arith.divsi %add3A_2113, %jit3A_2114 : i32
        %sign3A_2116 = arith.constant 0 : i32
        %sign3A_2117 = arith.cmpi sgt, %add3A_2113, %sign3A_2116 : i32
        %sign3A_2118 = arith.extui %sign3A_2117 : i1 to i32
        %sign3A_2119 = arith.constant 0 : i32
        %sign3A_2120 = arith.cmpi slt, %add3A_2113, %sign3A_2119 : i32
        %sign3A_2121 = arith.extui %sign3A_2120 : i1 to i32
        %sign3A_2122 = arith.subi %sign3A_2118, %sign3A_2121 : i32
        %sign3A_2123 = arith.constant 0 : i32
        %sign3A_2124 = arith.cmpi sgt, %jit3A_2114, %sign3A_2123 : i32
        %sign3A_2125 = arith.extui %sign3A_2124 : i1 to i32
        %sign3A_2126 = arith.constant 0 : i32
        %sign3A_2127 = arith.cmpi slt, %jit3A_2114, %sign3A_2126 : i32
        %sign3A_2128 = arith.extui %sign3A_2127 : i1 to i32
        %sign3A_2129 = arith.subi %sign3A_2125, %sign3A_2128 : i32
        %ne3A_2130 = arith.cmpi ne, %sign3A_2122, %sign3A_2129 : i32
        %rem3A_2131 = arith.remsi %add3A_2113, %jit3A_2114 : i32
        %ne3A_2132 = arith.constant 0 : i32
        %ne3A_2133 = arith.cmpi ne, %rem3A_2131, %ne3A_2132 : i32
        %and3A_2134 = arith.andi %ne3A_2130, %ne3A_2133 : i1
        %sub3A_2135 = arith.constant 1 : i32
        %sub3A_2136 = arith.subi %div3A_2115, %sub3A_2135 : i32
        %select_n3A_2137 = arith.select %and3A_2134, %sub3A_2136, %div3A_2115 : i32
        %mul3A_2138 = arith.constant 16 : i32
        %mul3A_2139 = arith.muli %select_n3A_2137, %mul3A_2138 : i32
        %multiple_of3A_2140 = tpu.assume_multiple %mul3A_2139, 16 : i32
        %get3A_2141 = arith.index_cast %multiple_of3A_2140 : i32 to index
        %get3A_2142 = tpu.vector_load %arg6[%get3A_2141] {strides = array<i32>} : memref<256xi32, #tpu.memory_space<vmem>>, vector<16xi32>,
        %sub3A_2143 = arith.subi %add3A_2113, %multiple_of3A_2140 : i32
        %broadcast_in_dim3A_2144 = vector.broadcast %sub3A_2143 : i32 to vector<16xi32>
        %eq3A_2145 = arith.cmpi eq, %iota3A, %broadcast_in_dim3A_2144 : vector<16xi32>
        %jit3A_2146 = arith.constant 0 : i32
        %broadcast_in_dim3A_2147 = vector.broadcast %jit3A_2146 : i32 to vector<16xi32>
        %select_n3A_2148 = arith.select %eq3A_2145, %get3A_2142, %broadcast_in_dim3A_2147 : vector<16xi1>, vector<16xi32>
        %reduce_max3A_2149 = arith.constant true
        %reduce_max3A_2150 = vector.broadcast %reduce_max3A_2149 : i1 to vector<16xi1>
        %reduce_max3A_2151 = arith.constant -2147483648 : i32
        %reduce_max3A_2152 = vector.broadcast %reduce_max3A_2151 : i32 to vector<16xi32>
        %reduce_max3A_2153 = arith.xori %select_n3A_2148, %reduce_max3A_2152 : vector<16xi32>
        %reduce_max3A_2154 = tpu.scan <max>, %reduce_max3A_2153 masked %reduce_max3A_2150 : vector<16xi32>, vector<16xi1> -> vector<16xi32>
        %reduce_max3A_2155 = arith.xori %reduce_max3A_2154, %reduce_max3A_2152 : vector<16xi32>
        %reduce_max3A_2156 = vector.extract %reduce_max3A_2155[15] : i32 from vector<16xi32>
        %jit3A_2157 = arith.constant 128 : i32
        %div3A_2158 = arith.divsi %reduce_max3A_2156, %jit3A_2157 : i32
        %sign3A_2159 = arith.constant 0 : i32
        %sign3A_2160 = arith.cmpi sgt, %reduce_max3A_2156, %sign3A_2159 : i32
        %sign3A_2161 = arith.extui %sign3A_2160 : i1 to i32
        %sign3A_2162 = arith.constant 0 : i32
        %sign3A_2163 = arith.cmpi slt, %reduce_max3A_2156, %sign3A_2162 : i32
        %sign3A_2164 = arith.extui %sign3A_2163 : i1 to i32
        %sign3A_2165 = arith.subi %sign3A_2161, %sign3A_2164 : i32
        %sign3A_2166 = arith.constant 0 : i32
        %sign3A_2167 = arith.cmpi sgt, %jit3A_2157, %sign3A_2166 : i32
        %sign3A_2168 = arith.extui %sign3A_2167 : i1 to i32
        %sign3A_2169 = arith.constant 0 : i32
        %sign3A_2170 = arith.cmpi slt, %jit3A_2157, %sign3A_2169 : i32
        %sign3A_2171 = arith.extui %sign3A_2170 : i1 to i32
        %sign3A_2172 = arith.subi %sign3A_2168, %sign3A_2171 : i32
        %ne3A_2173 = arith.cmpi ne, %sign3A_2165, %sign3A_2172 : i32
        %rem3A_2174 = arith.remsi %reduce_max3A_2156, %jit3A_2157 : i32
        %ne3A_2175 = arith.constant 0 : i32
        %ne3A_2176 = arith.cmpi ne, %rem3A_2174, %ne3A_2175 : i32
        %and3A_2177 = arith.andi %ne3A_2173, %ne3A_2176 : i1
        %sub3A_2178 = arith.constant 1 : i32
        %sub3A_2179 = arith.subi %div3A_2158, %sub3A_2178 : i32
        %select_n3A_2180 = arith.select %and3A_2177, %sub3A_2179, %div3A_2158 : i32
        %mul3A_2181 = arith.constant 128 : i32
        %mul3A_2182 = arith.muli %select_n3A_2180, %mul3A_2181 : i32
        %multiple_of3A_2183 = tpu.assume_multiple %mul3A_2182, 128 : i32
        %dma_start3A_2184 = arith.constant 9 : i32
        %dma_start3A_2185 = arith.constant 0 : i32
        %dma_start3A_2186 = arith.constant 0 : i32
        %dma_start3A_2187 = tpu.memref_slice %arg7[%dma_start3A_2184, %dma_start3A_2185, %dma_start3A_2186] : memref<11x64x128xf32, #tpu.memory_space<vmem>> -> memref<1x64x128xf32, #tpu.memory_space<vmem>>
        %dma_start3A_2188 = tpu.memref_squeeze %dma_start3A_2187 : memref<1x64x128xf32, #tpu.memory_space<vmem>> -> memref<64x128xf32, #tpu.memory_space<vmem>>
        %dma_start3A_2189 = arith.constant 0 : i32
        %dma_start3A_2190 = tpu.memref_slice %arg3[%dma_start3A_2189, %multiple_of3A_2183] : memref<64x1000000xf32, #tpu.memory_space<hbm>> -> memref<64x128xf32, #tpu.memory_space<hbm>>
        %dma_start3A_2191 = arith.constant 0 : i32
        %dma_start3A_2192 = arith.constant 0 : i32
        %dma_start3A_2193 = tpu.memref_slice %arg7[%dma_start3A_2184, %dma_start3A_2191, %dma_start3A_2192] : memref<11x64x128xf32, #tpu.memory_space<vmem>> -> memref<1x64x128xf32, #tpu.memory_space<vmem>>
        %dma_start3A_2194 = tpu.memref_squeeze %dma_start3A_2193 : memref<1x64x128xf32, #tpu.memory_space<vmem>> -> memref<64x128xf32, #tpu.memory_space<vmem>>
        %dma_start3A_2195 = arith.constant 0 : i32
        %dma_start3A_2196 = tpu.memref_slice %arg3[%dma_start3A_2195, %multiple_of3A_2183] : memref<64x1000000xf32, #tpu.memory_space<hbm>> -> memref<64x128xf32, #tpu.memory_space<hbm>>
        tpu.enqueue_dma source(%dma_start3A_2196 : memref<64x128xf32, #tpu.memory_space<hbm>>) target(%dma_start3A_2194 : memref<64x128xf32, #tpu.memory_space<vmem>>) target_semaphore(%arg20 : memref<!tpu.dma_semaphore, #tpu.memory_space<semaphore_mem>>)
      } else {
      }
      %mul3A_2002 = arith.constant 11 : i32
      %mul3A_2003 = arith.muli %scan3A_904, %mul3A_2002 : i32
      %add3A_2004 = arith.constant 10 : i32
      %add3A_2005 = arith.addi %mul3A_2003, %add3A_2004 : i32
      %dma_wait3A_2006 = arith.constant 10 : i32
      %dma_wait3A_2007 = arith.constant 0 : i32
      %dma_wait3A_2008 = arith.constant 0 : i32
      %dma_wait3A_2009 = tpu.memref_slice %arg7[%dma_wait3A_2006, %dma_wait3A_2007, %dma_wait3A_2008] : memref<11x64x128xf32, #tpu.memory_space<vmem>> -> memref<1x64x128xf32, #tpu.memory_space<vmem>>
      %dma_wait3A_2010 = tpu.memref_squeeze %dma_wait3A_2009 : memref<1x64x128xf32, #tpu.memory_space<vmem>> -> memref<64x128xf32, #tpu.memory_space<vmem>>
      %dma_wait3A_2011 = arith.constant 0 : i32
      %dma_wait3A_2012 = arith.constant 0 : i32
      %dma_wait3A_2013 = tpu.memref_slice %arg3[%dma_wait3A_2011, %dma_wait3A_2012] : memref<64x1000000xf32, #tpu.memory_space<hbm>> -> memref<64x128xf32, #tpu.memory_space<hbm>>
      %dma_wait3A_2014 = arith.constant 0 : i32
      %dma_wait3A_2015 = arith.constant 0 : i32
      %dma_wait3A_2016 = tpu.memref_slice %arg7[%dma_wait3A_2006, %dma_wait3A_2014, %dma_wait3A_2015] : memref<11x64x128xf32, #tpu.memory_space<vmem>> -> memref<1x64x128xf32, #tpu.memory_space<vmem>>
      %dma_wait3A_2017 = tpu.memref_squeeze %dma_wait3A_2016 : memref<1x64x128xf32, #tpu.memory_space<vmem>> -> memref<64x128xf32, #tpu.memory_space<vmem>>
      %dma_wait3A_2018 = arith.constant 0 : i32
      %dma_wait3A_2019 = arith.constant 0 : i32
      %dma_wait3A_2020 = tpu.memref_slice %arg3[%dma_wait3A_2018, %dma_wait3A_2019] : memref<64x1000000xf32, #tpu.memory_space<hbm>> -> memref<64x128xf32, #tpu.memory_space<hbm>>
      tpu.wait_dma2 semaphore(%arg21 : memref<!tpu.dma_semaphore, #tpu.memory_space<semaphore_mem>>) src(%dma_wait3A_2020 : memref<64x128xf32, #tpu.memory_space<hbm>>) dst(%dma_wait3A_2017 : memref<64x128xf32, #tpu.memory_space<vmem>>)
      %jit3A_2021 = arith.constant 16 : i32
      %div3A_2022 = arith.divsi %add3A_2005, %jit3A_2021 : i32
      %sign3A_2023 = arith.constant 0 : i32
      %sign3A_2024 = arith.cmpi sgt, %add3A_2005, %sign3A_2023 : i32
      %sign3A_2025 = arith.extui %sign3A_2024 : i1 to i32
      %sign3A_2026 = arith.constant 0 : i32
      %sign3A_2027 = arith.cmpi slt, %add3A_2005, %sign3A_2026 : i32
      %sign3A_2028 = arith.extui %sign3A_2027 : i1 to i32
      %sign3A_2029 = arith.subi %sign3A_2025, %sign3A_2028 : i32
      %sign3A_2030 = arith.constant 0 : i32
      %sign3A_2031 = arith.cmpi sgt, %jit3A_2021, %sign3A_2030 : i32
      %sign3A_2032 = arith.extui %sign3A_2031 : i1 to i32
      %sign3A_2033 = arith.constant 0 : i32
      %sign3A_2034 = arith.cmpi slt, %jit3A_2021, %sign3A_2033 : i32
      %sign3A_2035 = arith.extui %sign3A_2034 : i1 to i32
      %sign3A_2036 = arith.subi %sign3A_2032, %sign3A_2035 : i32
      %ne3A_2037 = arith.cmpi ne, %sign3A_2029, %sign3A_2036 : i32
      %rem3A_2038 = arith.remsi %add3A_2005, %jit3A_2021 : i32
      %ne3A_2039 = arith.constant 0 : i32
      %ne3A_2040 = arith.cmpi ne, %rem3A_2038, %ne3A_2039 : i32
      %and3A_2041 = arith.andi %ne3A_2037, %ne3A_2040 : i1
      %sub3A_2042 = arith.constant 1 : i32
      %sub3A_2043 = arith.subi %div3A_2022, %sub3A_2042 : i32
      %select_n3A_2044 = arith.select %and3A_2041, %sub3A_2043, %div3A_2022 : i32
      %mul3A_2045 = arith.constant 16 : i32
      %mul3A_2046 = arith.muli %select_n3A_2044, %mul3A_2045 : i32
      %multiple_of3A_2047 = tpu.assume_multiple %mul3A_2046, 16 : i32
      %get3A_2048 = arith.index_cast %multiple_of3A_2047 : i32 to index
      %get3A_2049 = tpu.vector_load %arg6[%get3A_2048] {strides = array<i32>} : memref<256xi32, #tpu.memory_space<vmem>>, vector<16xi32>,
      %sub3A_2050 = arith.subi %add3A_2005, %multiple_of3A_2047 : i32
      %broadcast_in_dim3A_2051 = vector.broadcast %sub3A_2050 : i32 to vector<16xi32>
      %eq3A_2052 = arith.cmpi eq, %iota3A, %broadcast_in_dim3A_2051 : vector<16xi32>
      %jit3A_2053 = arith.constant 0 : i32
      %broadcast_in_dim3A_2054 = vector.broadcast %jit3A_2053 : i32 to vector<16xi32>
      %select_n3A_2055 = arith.select %eq3A_2052, %get3A_2049, %broadcast_in_dim3A_2054 : vector<16xi1>, vector<16xi32>
      %reduce_max3A_2056 = arith.constant true
      %reduce_max3A_2057 = vector.broadcast %reduce_max3A_2056 : i1 to vector<16xi1>
      %reduce_max3A_2058 = arith.constant -2147483648 : i32
      %reduce_max3A_2059 = vector.broadcast %reduce_max3A_2058 : i32 to vector<16xi32>
      %reduce_max3A_2060 = arith.xori %select_n3A_2055, %reduce_max3A_2059 : vector<16xi32>
      %reduce_max3A_2061 = tpu.scan <max>, %reduce_max3A_2060 masked %reduce_max3A_2057 : vector<16xi32>, vector<16xi1> -> vector<16xi32>
      %reduce_max3A_2062 = arith.xori %reduce_max3A_2061, %reduce_max3A_2059 : vector<16xi32>
      %reduce_max3A_2063 = vector.extract %reduce_max3A_2062[15] : i32 from vector<16xi32>
      %jit3A_2064 = arith.constant 128 : i32
      %div3A_2065 = arith.divsi %reduce_max3A_2063, %jit3A_2064 : i32
      %sign3A_2066 = arith.constant 0 : i32
      %sign3A_2067 = arith.cmpi sgt, %reduce_max3A_2063, %sign3A_2066 : i32
      %sign3A_2068 = arith.extui %sign3A_2067 : i1 to i32
      %sign3A_2069 = arith.constant 0 : i32
      %sign3A_2070 = arith.cmpi slt, %reduce_max3A_2063, %sign3A_2069 : i32
      %sign3A_2071 = arith.extui %sign3A_2070 : i1 to i32
      %sign3A_2072 = arith.subi %sign3A_2068, %sign3A_2071 : i32
      %sign3A_2073 = arith.constant 0 : i32
      %sign3A_2074 = arith.cmpi sgt, %jit3A_2064, %sign3A_2073 : i32
      %sign3A_2075 = arith.extui %sign3A_2074 : i1 to i32
      %sign3A_2076 = arith.constant 0 : i32
      %sign3A_2077 = arith.cmpi slt, %jit3A_2064, %sign3A_2076 : i32
      %sign3A_2078 = arith.extui %sign3A_2077 : i1 to i32
      %sign3A_2079 = arith.subi %sign3A_2075, %sign3A_2078 : i32
      %ne3A_2080 = arith.cmpi ne, %sign3A_2072, %sign3A_2079 : i32
      %rem3A_2081 = arith.remsi %reduce_max3A_2063, %jit3A_2064 : i32
      %ne3A_2082 = arith.constant 0 : i32
      %ne3A_2083 = arith.cmpi ne, %rem3A_2081, %ne3A_2082 : i32
      %and3A_2084 = arith.andi %ne3A_2080, %ne3A_2083 : i1
      %sub3A_2085 = arith.constant 1 : i32
      %sub3A_2086 = arith.subi %div3A_2065, %sub3A_2085 : i32
      %select_n3A_2087 = arith.select %and3A_2084, %sub3A_2086, %div3A_2065 : i32
      %mul3A_2088 = arith.constant 128 : i32
      %mul3A_2089 = arith.muli %select_n3A_2087, %mul3A_2088 : i32
      %multiple_of3A_2090 = tpu.assume_multiple %mul3A_2089, 128 : i32
      %sub3A_2091 = arith.subi %reduce_max3A_2063, %multiple_of3A_2090 : i32
      %broadcast_in_dim3A_2092 = vector.broadcast %sub3A_2091 : i32 to vector<16xi32>
      %broadcast_in_dim3A_2093 = vector.broadcast %add3A_2005 : i32 to vector<16xi32>
      %add3A_2094 = arith.constant 0 : i32
      %add3A_2095 = vector.broadcast %add3A_2094 : i32 to vector<16xi32>
      %add3A_2096 = arith.addi %iota3A, %add3A_2095 : vector<16xi32>
      %gather3A_2097 = arith.constant 10 : i32
      %gather3A_2098 = arith.constant 0 : i32
      %gather3A_2099 = arith.constant 0 : i32
      %gather3A_2100 = tpu.memref_slice %arg7[%gather3A_2097, %gather3A_2098, %gather3A_2099] : memref<11x64x128xf32, #tpu.memory_space<vmem>> -> memref<1x64x128xf32, #tpu.memory_space<vmem>>
      %gather3A_2101 = tpu.memref_squeeze %gather3A_2100 : memref<1x64x128xf32, #tpu.memory_space<vmem>> -> memref<64x128xf32, #tpu.memory_space<vmem>>
      %gather3A_2102 = tpu.vector_load_idx %gather3A_2101[%add3A_2096, %broadcast_in_dim3A_2092] : memref<64x128xf32, #tpu.memory_space<vmem>>[vector<16xi32>, vector<16xi32>], vector<16xf32>,
      %gather3A_2103 = tpu.vector_load_idx %arg8[%add3A_2096, %broadcast_in_dim3A_2093] : memref<64x256xf32, #tpu.memory_space<vmem>>[vector<16xi32>, vector<16xi32>], vector<16xf32>,
      %add3A_2104 = arith.addf %gather3A_2102, %gather3A_2103 : vector<16xf32>
      tpu.vector_store_idx %arg9[%add3A_2096, %broadcast_in_dim3A_2093], %add3A_2104 : memref<64x256xf32, #tpu.memory_space<vmem>>[vector<16xi32>, vector<16xi32>], vector<16xf32>,
      %add3A_2105 = arith.constant 11 : i32
      %add3A_2106 = arith.addi %add3A_2005, %add3A_2105 : i32
      %lt3A_2107 = arith.constant 256 : i32
      %lt3A_2108 = arith.cmpi slt, %add3A_2106, %lt3A_2107 : i32
      %convert_element_type3A_2109 = arith.extui %lt3A_2108 : i1 to i32
      %cond3A_2110 = arith.constant 0 : i32
      %cond3A_2111 = arith.cmpi ne, %convert_element_type3A_2109, %cond3A_2110 : i32
      scf.if %cond3A_2111 {
        %add3A_2112 = arith.constant 11 : i32
        %add3A_2113 = arith.addi %add3A_2005, %add3A_2112 : i32
        %jit3A_2114 = arith.constant 16 : i32
        %div3A_2115 = arith.divsi %add3A_2113, %jit3A_2114 : i32
        %sign3A_2116 = arith.constant 0 : i32
        %sign3A_2117 = arith.cmpi sgt, %add3A_2113, %sign3A_2116 : i32
        %sign3A_2118 = arith.extui %sign3A_2117 : i1 to i32
        %sign3A_2119 = arith.constant 0 : i32
        %sign3A_2120 = arith.cmpi slt, %add3A_2113, %sign3A_2119 : i32
        %sign3A_2121 = arith.extui %sign3A_2120 : i1 to i32
        %sign3A_2122 = arith.subi %sign3A_2118, %sign3A_2121 : i32
        %sign3A_2123 = arith.constant 0 : i32
        %sign3A_2124 = arith.cmpi sgt, %jit3A_2114, %sign3A_2123 : i32
        %sign3A_2125 = arith.extui %sign3A_2124 : i1 to i32
        %sign3A_2126 = arith.constant 0 : i32
        %sign3A_2127 = arith.cmpi slt, %jit3A_2114, %sign3A_2126 : i32
        %sign3A_2128 = arith.extui %sign3A_2127 : i1 to i32
        %sign3A_2129 = arith.subi %sign3A_2125, %sign3A_2128 : i32
        %ne3A_2130 = arith.cmpi ne, %sign3A_2122, %sign3A_2129 : i32
        %rem3A_2131 = arith.remsi %add3A_2113, %jit3A_2114 : i32
        %ne3A_2132 = arith.constant 0 : i32
        %ne3A_2133 = arith.cmpi ne, %rem3A_2131, %ne3A_2132 : i32
        %and3A_2134 = arith.andi %ne3A_2130, %ne3A_2133 : i1
        %sub3A_2135 = arith.constant 1 : i32
        %sub3A_2136 = arith.subi %div3A_2115, %sub3A_2135 : i32
        %select_n3A_2137 = arith.select %and3A_2134, %sub3A_2136, %div3A_2115 : i32
        %mul3A_2138 = arith.constant 16 : i32
        %mul3A_2139 = arith.muli %select_n3A_2137, %mul3A_2138 : i32
        %multiple_of3A_2140 = tpu.assume_multiple %mul3A_2139, 16 : i32
        %get3A_2141 = arith.index_cast %multiple_of3A_2140 : i32 to index
        %get3A_2142 = tpu.vector_load %arg6[%get3A_2141] {strides = array<i32>} : memref<256xi32, #tpu.memory_space<vmem>>, vector<16xi32>,
        %sub3A_2143 = arith.subi %add3A_2113, %multiple_of3A_2140 : i32
        %broadcast_in_dim3A_2144 = vector.broadcast %sub3A_2143 : i32 to vector<16xi32>
        %eq3A_2145 = arith.cmpi eq, %iota3A, %broadcast_in_dim3A_2144 : vector<16xi32>
        %jit3A_2146 = arith.constant 0 : i32
        %broadcast_in_dim3A_2147 = vector.broadcast %jit3A_2146 : i32 to vector<16xi32>
        %select_n3A_2148 = arith.select %eq3A_2145, %get3A_2142, %broadcast_in_dim3A_2147 : vector<16xi1>, vector<16xi32>
        %reduce_max3A_2149 = arith.constant true
        %reduce_max3A_2150 = vector.broadcast %reduce_max3A_2149 : i1 to vector<16xi1>
        %reduce_max3A_2151 = arith.constant -2147483648 : i32
        %reduce_max3A_2152 = vector.broadcast %reduce_max3A_2151 : i32 to vector<16xi32>
        %reduce_max3A_2153 = arith.xori %select_n3A_2148, %reduce_max3A_2152 : vector<16xi32>
        %reduce_max3A_2154 = tpu.scan <max>, %reduce_max3A_2153 masked %reduce_max3A_2150 : vector<16xi32>, vector<16xi1> -> vector<16xi32>
        %reduce_max3A_2155 = arith.xori %reduce_max3A_2154, %reduce_max3A_2152 : vector<16xi32>
        %reduce_max3A_2156 = vector.extract %reduce_max3A_2155[15] : i32 from vector<16xi32>
        %jit3A_2157 = arith.constant 128 : i32
        %div3A_2158 = arith.divsi %reduce_max3A_2156, %jit3A_2157 : i32
        %sign3A_2159 = arith.constant 0 : i32
        %sign3A_2160 = arith.cmpi sgt, %reduce_max3A_2156, %sign3A_2159 : i32
        %sign3A_2161 = arith.extui %sign3A_2160 : i1 to i32
        %sign3A_2162 = arith.constant 0 : i32
        %sign3A_2163 = arith.cmpi slt, %reduce_max3A_2156, %sign3A_2162 : i32
        %sign3A_2164 = arith.extui %sign3A_2163 : i1 to i32
        %sign3A_2165 = arith.subi %sign3A_2161, %sign3A_2164 : i32
        %sign3A_2166 = arith.constant 0 : i32
        %sign3A_2167 = arith.cmpi sgt, %jit3A_2157, %sign3A_2166 : i32
        %sign3A_2168 = arith.extui %sign3A_2167 : i1 to i32
        %sign3A_2169 = arith.constant 0 : i32
        %sign3A_2170 = arith.cmpi slt, %jit3A_2157, %sign3A_2169 : i32
        %sign3A_2171 = arith.extui %sign3A_2170 : i1 to i32
        %sign3A_2172 = arith.subi %sign3A_2168, %sign3A_2171 : i32
        %ne3A_2173 = arith.cmpi ne, %sign3A_2165, %sign3A_2172 : i32
        %rem3A_2174 = arith.remsi %reduce_max3A_2156, %jit3A_2157 : i32
        %ne3A_2175 = arith.constant 0 : i32
        %ne3A_2176 = arith.cmpi ne, %rem3A_2174, %ne3A_2175 : i32
        %and3A_2177 = arith.andi %ne3A_2173, %ne3A_2176 : i1
        %sub3A_2178 = arith.constant 1 : i32
        %sub3A_2179 = arith.subi %div3A_2158, %sub3A_2178 : i32
        %select_n3A_2180 = arith.select %and3A_2177, %sub3A_2179, %div3A_2158 : i32
        %mul3A_2181 = arith.constant 128 : i32
        %mul3A_2182 = arith.muli %select_n3A_2180, %mul3A_2181 : i32
        %multiple_of3A_2183 = tpu.assume_multiple %mul3A_2182, 128 : i32
        %dma_start3A_2184 = arith.constant 10 : i32
        %dma_start3A_2185 = arith.constant 0 : i32
        %dma_start3A_2186 = arith.constant 0 : i32
        %dma_start3A_2187 = tpu.memref_slice %arg7[%dma_start3A_2184, %dma_start3A_2185, %dma_start3A_2186] : memref<11x64x128xf32, #tpu.memory_space<vmem>> -> memref<1x64x128xf32, #tpu.memory_space<vmem>>
        %dma_start3A_2188 = tpu.memref_squeeze %dma_start3A_2187 : memref<1x64x128xf32, #tpu.memory_space<vmem>> -> memref<64x128xf32, #tpu.memory_space<vmem>>
        %dma_start3A_2189 = arith.constant 0 : i32
        %dma_start3A_2190 = tpu.memref_slice %arg3[%dma_start3A_2189, %multiple_of3A_2183] : memref<64x1000000xf32, #tpu.memory_space<hbm>> -> memref<64x128xf32, #tpu.memory_space<hbm>>
        %dma_start3A_2191 = arith.constant 0 : i32
        %dma_start3A_2192 = arith.constant 0 : i32
        %dma_start3A_2193 = tpu.memref_slice %arg7[%dma_start3A_2184, %dma_start3A_2191, %dma_start3A_2192] : memref<11x64x128xf32, #tpu.memory_space<vmem>> -> memref<1x64x128xf32, #tpu.memory_space<vmem>>
        %dma_start3A_2194 = tpu.memref_squeeze %dma_start3A_2193 : memref<1x64x128xf32, #tpu.memory_space<vmem>> -> memref<64x128xf32, #tpu.memory_space<vmem>>
        %dma_start3A_2195 = arith.constant 0 : i32
        %dma_start3A_2196 = tpu.memref_slice %arg3[%dma_start3A_2195, %multiple_of3A_2183] : memref<64x1000000xf32, #tpu.memory_space<hbm>> -> memref<64x128xf32, #tpu.memory_space<hbm>>
        tpu.enqueue_dma source(%dma_start3A_2196 : memref<64x128xf32, #tpu.memory_space<hbm>>) target(%dma_start3A_2194 : memref<64x128xf32, #tpu.memory_space<vmem>>) target_semaphore(%arg21 : memref<!tpu.dma_semaphore, #tpu.memory_space<semaphore_mem>>)
      } else {
      }
    }
    %scan3A_652 = arith.constant 23 : i32
    %dma_wait3A_653 = arith.constant 0 : i32
    %dma_wait3A_654 = arith.constant 0 : i32
    %dma_wait3A_655 = arith.constant 0 : i32
    %dma_wait3A_656 = tpu.memref_slice %arg7[%dma_wait3A_653, %dma_wait3A_654, %dma_wait3A_655] : memref<11x64x128xf32, #tpu.memory_space<vmem>> -> memref<1x64x128xf32, #tpu.memory_space<vmem>>
    %dma_wait3A_657 = tpu.memref_squeeze %dma_wait3A_656 : memref<1x64x128xf32, #tpu.memory_space<vmem>> -> memref<64x128xf32, #tpu.memory_space<vmem>>
    %dma_wait3A_658 = arith.constant 0 : i32
    %dma_wait3A_659 = arith.constant 0 : i32
    %dma_wait3A_660 = tpu.memref_slice %arg3[%dma_wait3A_658, %dma_wait3A_659] : memref<64x1000000xf32, #tpu.memory_space<hbm>> -> memref<64x128xf32, #tpu.memory_space<hbm>>
    %dma_wait3A_661 = arith.constant 0 : i32
    %dma_wait3A_662 = arith.constant 0 : i32
    %dma_wait3A_663 = tpu.memref_slice %arg7[%dma_wait3A_653, %dma_wait3A_661, %dma_wait3A_662] : memref<11x64x128xf32, #tpu.memory_space<vmem>> -> memref<1x64x128xf32, #tpu.memory_space<vmem>>
    %dma_wait3A_664 = tpu.memref_squeeze %dma_wait3A_663 : memref<1x64x128xf32, #tpu.memory_space<vmem>> -> memref<64x128xf32, #tpu.memory_space<vmem>>
    %dma_wait3A_665 = arith.constant 0 : i32
    %dma_wait3A_666 = arith.constant 0 : i32
    %dma_wait3A_667 = tpu.memref_slice %arg3[%dma_wait3A_665, %dma_wait3A_666] : memref<64x1000000xf32, #tpu.memory_space<hbm>> -> memref<64x128xf32, #tpu.memory_space<hbm>>
    tpu.wait_dma2 semaphore(%arg11 : memref<!tpu.dma_semaphore, #tpu.memory_space<semaphore_mem>>) src(%dma_wait3A_667 : memref<64x128xf32, #tpu.memory_space<hbm>>) dst(%dma_wait3A_664 : memref<64x128xf32, #tpu.memory_space<vmem>>)
    %multiple_of3A_668 = arith.constant 240 : i32
    %multiple_of3A_669 = tpu.assume_multiple %multiple_of3A_668, 16 : i32
    %get3A_670 = arith.index_cast %multiple_of3A_669 : i32 to index
    %get3A_671 = tpu.vector_load %arg6[%get3A_670] {strides = array<i32>} : memref<256xi32, #tpu.memory_space<vmem>>, vector<16xi32>,
    %sub3A_672 = arith.constant 253 : i32
    %sub3A_673 = arith.subi %sub3A_672, %multiple_of3A_669 : i32
    %broadcast_in_dim3A_674 = vector.broadcast %sub3A_673 : i32 to vector<16xi32>
    %eq3A_675 = arith.cmpi eq, %iota3A, %broadcast_in_dim3A_674 : vector<16xi32>
    %jit3A_676 = arith.constant 0 : i32
    %broadcast_in_dim3A_677 = vector.broadcast %jit3A_676 : i32 to vector<16xi32>
    %select_n3A_678 = arith.select %eq3A_675, %get3A_671, %broadcast_in_dim3A_677 : vector<16xi1>, vector<16xi32>
    %reduce_max3A_679 = arith.constant true
    %reduce_max3A_680 = vector.broadcast %reduce_max3A_679 : i1 to vector<16xi1>
    %reduce_max3A_681 = arith.constant -2147483648 : i32
    %reduce_max3A_682 = vector.broadcast %reduce_max3A_681 : i32 to vector<16xi32>
    %reduce_max3A_683 = arith.xori %select_n3A_678, %reduce_max3A_682 : vector<16xi32>
    %reduce_max3A_684 = tpu.scan <max>, %reduce_max3A_683 masked %reduce_max3A_680 : vector<16xi32>, vector<16xi1> -> vector<16xi32>
    %reduce_max3A_685 = arith.xori %reduce_max3A_684, %reduce_max3A_682 : vector<16xi32>
    %reduce_max3A_686 = vector.extract %reduce_max3A_685[15] : i32 from vector<16xi32>
    %jit3A_687 = arith.constant 128 : i32
    %div3A_688 = arith.divsi %reduce_max3A_686, %jit3A_687 : i32
    %sign3A_689 = arith.constant 0 : i32
    %sign3A_690 = arith.cmpi sgt, %reduce_max3A_686, %sign3A_689 : i32
    %sign3A_691 = arith.extui %sign3A_690 : i1 to i32
    %sign3A_692 = arith.constant 0 : i32
    %sign3A_693 = arith.cmpi slt, %reduce_max3A_686, %sign3A_692 : i32
    %sign3A_694 = arith.extui %sign3A_693 : i1 to i32
    %sign3A_695 = arith.subi %sign3A_691, %sign3A_694 : i32
    %sign3A_696 = arith.constant 0 : i32
    %sign3A_697 = arith.cmpi sgt, %jit3A_687, %sign3A_696 : i32
    %sign3A_698 = arith.extui %sign3A_697 : i1 to i32
    %sign3A_699 = arith.constant 0 : i32
    %sign3A_700 = arith.cmpi slt, %jit3A_687, %sign3A_699 : i32
    %sign3A_701 = arith.extui %sign3A_700 : i1 to i32
    %sign3A_702 = arith.subi %sign3A_698, %sign3A_701 : i32
    %ne3A_703 = arith.cmpi ne, %sign3A_695, %sign3A_702 : i32
    %rem3A_704 = arith.remsi %reduce_max3A_686, %jit3A_687 : i32
    %ne3A_705 = arith.constant 0 : i32
    %ne3A_706 = arith.cmpi ne, %rem3A_704, %ne3A_705 : i32
    %and3A_707 = arith.andi %ne3A_703, %ne3A_706 : i1
    %sub3A_708 = arith.constant 1 : i32
    %sub3A_709 = arith.subi %div3A_688, %sub3A_708 : i32
    %select_n3A_710 = arith.select %and3A_707, %sub3A_709, %div3A_688 : i32
    %mul3A_711 = arith.constant 128 : i32
    %mul3A_712 = arith.muli %select_n3A_710, %mul3A_711 : i32
    %multiple_of3A_713 = tpu.assume_multiple %mul3A_712, 128 : i32
    %sub3A_714 = arith.subi %reduce_max3A_686, %multiple_of3A_713 : i32
    %broadcast_in_dim3A_715 = vector.broadcast %sub3A_714 : i32 to vector<16xi32>
    %broadcast_in_dim3A_716 = arith.constant 253 : i32
    %broadcast_in_dim3A_717 = vector.broadcast %broadcast_in_dim3A_716 : i32 to vector<16xi32>
    %add3A_718 = arith.constant 0 : i32
    %add3A_719 = vector.broadcast %add3A_718 : i32 to vector<16xi32>
    %add3A_720 = arith.addi %iota3A, %add3A_719 : vector<16xi32>
    %gather3A = arith.constant 0 : i32
    %gather3A_721 = arith.constant 0 : i32
    %gather3A_722 = arith.constant 0 : i32
    %gather3A_723 = tpu.memref_slice %arg7[%gather3A, %gather3A_721, %gather3A_722] : memref<11x64x128xf32, #tpu.memory_space<vmem>> -> memref<1x64x128xf32, #tpu.memory_space<vmem>>
    %gather3A_724 = tpu.memref_squeeze %gather3A_723 : memref<1x64x128xf32, #tpu.memory_space<vmem>> -> memref<64x128xf32, #tpu.memory_space<vmem>>
    %gather3A_725 = tpu.vector_load_idx %gather3A_724[%add3A_720, %broadcast_in_dim3A_715] : memref<64x128xf32, #tpu.memory_space<vmem>>[vector<16xi32>, vector<16xi32>], vector<16xf32>,
    %gather3A_726 = tpu.vector_load_idx %arg8[%add3A_720, %broadcast_in_dim3A_717] : memref<64x256xf32, #tpu.memory_space<vmem>>[vector<16xi32>, vector<16xi32>], vector<16xf32>,
    %add3A_727 = arith.addf %gather3A_725, %gather3A_726 : vector<16xf32>
    tpu.vector_store_idx %arg9[%add3A_720, %broadcast_in_dim3A_717], %add3A_727 : memref<64x256xf32, #tpu.memory_space<vmem>>[vector<16xi32>, vector<16xi32>], vector<16xf32>,
    %dma_wait3A_728 = arith.constant 1 : i32
    %dma_wait3A_729 = arith.constant 0 : i32
    %dma_wait3A_730 = arith.constant 0 : i32
    %dma_wait3A_731 = tpu.memref_slice %arg7[%dma_wait3A_728, %dma_wait3A_729, %dma_wait3A_730] : memref<11x64x128xf32, #tpu.memory_space<vmem>> -> memref<1x64x128xf32, #tpu.memory_space<vmem>>
    %dma_wait3A_732 = tpu.memref_squeeze %dma_wait3A_731 : memref<1x64x128xf32, #tpu.memory_space<vmem>> -> memref<64x128xf32, #tpu.memory_space<vmem>>
    %dma_wait3A_733 = arith.constant 0 : i32
    %dma_wait3A_734 = arith.constant 0 : i32
    %dma_wait3A_735 = tpu.memref_slice %arg3[%dma_wait3A_733, %dma_wait3A_734] : memref<64x1000000xf32, #tpu.memory_space<hbm>> -> memref<64x128xf32, #tpu.memory_space<hbm>>
    %dma_wait3A_736 = arith.constant 0 : i32
    %dma_wait3A_737 = arith.constant 0 : i32
    %dma_wait3A_738 = tpu.memref_slice %arg7[%dma_wait3A_728, %dma_wait3A_736, %dma_wait3A_737] : memref<11x64x128xf32, #tpu.memory_space<vmem>> -> memref<1x64x128xf32, #tpu.memory_space<vmem>>
    %dma_wait3A_739 = tpu.memref_squeeze %dma_wait3A_738 : memref<1x64x128xf32, #tpu.memory_space<vmem>> -> memref<64x128xf32, #tpu.memory_space<vmem>>
    %dma_wait3A_740 = arith.constant 0 : i32
    %dma_wait3A_741 = arith.constant 0 : i32
    %dma_wait3A_742 = tpu.memref_slice %arg3[%dma_wait3A_740, %dma_wait3A_741] : memref<64x1000000xf32, #tpu.memory_space<hbm>> -> memref<64x128xf32, #tpu.memory_space<hbm>>
    tpu.wait_dma2 semaphore(%arg12 : memref<!tpu.dma_semaphore, #tpu.memory_space<semaphore_mem>>) src(%dma_wait3A_742 : memref<64x128xf32, #tpu.memory_space<hbm>>) dst(%dma_wait3A_739 : memref<64x128xf32, #tpu.memory_space<vmem>>)
    %multiple_of3A_743 = arith.constant 240 : i32
    %multiple_of3A_744 = tpu.assume_multiple %multiple_of3A_743, 16 : i32
    %get3A_745 = arith.index_cast %multiple_of3A_744 : i32 to index
    %get3A_746 = tpu.vector_load %arg6[%get3A_745] {strides = array<i32>} : memref<256xi32, #tpu.memory_space<vmem>>, vector<16xi32>,
    %sub3A_747 = arith.constant 254 : i32
    %sub3A_748 = arith.subi %sub3A_747, %multiple_of3A_744 : i32
    %broadcast_in_dim3A_749 = vector.broadcast %sub3A_748 : i32 to vector<16xi32>
    %eq3A_750 = arith.cmpi eq, %iota3A, %broadcast_in_dim3A_749 : vector<16xi32>
    %jit3A_751 = arith.constant 0 : i32
    %broadcast_in_dim3A_752 = vector.broadcast %jit3A_751 : i32 to vector<16xi32>
    %select_n3A_753 = arith.select %eq3A_750, %get3A_746, %broadcast_in_dim3A_752 : vector<16xi1>, vector<16xi32>
    %reduce_max3A_754 = arith.constant true
    %reduce_max3A_755 = vector.broadcast %reduce_max3A_754 : i1 to vector<16xi1>
    %reduce_max3A_756 = arith.constant -2147483648 : i32
    %reduce_max3A_757 = vector.broadcast %reduce_max3A_756 : i32 to vector<16xi32>
    %reduce_max3A_758 = arith.xori %select_n3A_753, %reduce_max3A_757 : vector<16xi32>
    %reduce_max3A_759 = tpu.scan <max>, %reduce_max3A_758 masked %reduce_max3A_755 : vector<16xi32>, vector<16xi1> -> vector<16xi32>
    %reduce_max3A_760 = arith.xori %reduce_max3A_759, %reduce_max3A_757 : vector<16xi32>
    %reduce_max3A_761 = vector.extract %reduce_max3A_760[15] : i32 from vector<16xi32>
    %jit3A_762 = arith.constant 128 : i32
    %div3A_763 = arith.divsi %reduce_max3A_761, %jit3A_762 : i32
    %sign3A_764 = arith.constant 0 : i32
    %sign3A_765 = arith.cmpi sgt, %reduce_max3A_761, %sign3A_764 : i32
    %sign3A_766 = arith.extui %sign3A_765 : i1 to i32
    %sign3A_767 = arith.constant 0 : i32
    %sign3A_768 = arith.cmpi slt, %reduce_max3A_761, %sign3A_767 : i32
    %sign3A_769 = arith.extui %sign3A_768 : i1 to i32
    %sign3A_770 = arith.subi %sign3A_766, %sign3A_769 : i32
    %sign3A_771 = arith.constant 0 : i32
    %sign3A_772 = arith.cmpi sgt, %jit3A_762, %sign3A_771 : i32
    %sign3A_773 = arith.extui %sign3A_772 : i1 to i32
    %sign3A_774 = arith.constant 0 : i32
    %sign3A_775 = arith.cmpi slt, %jit3A_762, %sign3A_774 : i32
    %sign3A_776 = arith.extui %sign3A_775 : i1 to i32
    %sign3A_777 = arith.subi %sign3A_773, %sign3A_776 : i32
    %ne3A_778 = arith.cmpi ne, %sign3A_770, %sign3A_777 : i32
    %rem3A_779 = arith.remsi %reduce_max3A_761, %jit3A_762 : i32
    %ne3A_780 = arith.constant 0 : i32
    %ne3A_781 = arith.cmpi ne, %rem3A_779, %ne3A_780 : i32
    %and3A_782 = arith.andi %ne3A_778, %ne3A_781 : i1
    %sub3A_783 = arith.constant 1 : i32
    %sub3A_784 = arith.subi %div3A_763, %sub3A_783 : i32
    %select_n3A_785 = arith.select %and3A_782, %sub3A_784, %div3A_763 : i32
    %mul3A_786 = arith.constant 128 : i32
    %mul3A_787 = arith.muli %select_n3A_785, %mul3A_786 : i32
    %multiple_of3A_788 = tpu.assume_multiple %mul3A_787, 128 : i32
    %sub3A_789 = arith.subi %reduce_max3A_761, %multiple_of3A_788 : i32
    %broadcast_in_dim3A_790 = vector.broadcast %sub3A_789 : i32 to vector<16xi32>
    %broadcast_in_dim3A_791 = arith.constant 254 : i32
    %broadcast_in_dim3A_792 = vector.broadcast %broadcast_in_dim3A_791 : i32 to vector<16xi32>
    %add3A_793 = arith.constant 0 : i32
    %add3A_794 = vector.broadcast %add3A_793 : i32 to vector<16xi32>
    %add3A_795 = arith.addi %iota3A, %add3A_794 : vector<16xi32>
    %gather3A_796 = arith.constant 1 : i32
    %gather3A_797 = arith.constant 0 : i32
    %gather3A_798 = arith.constant 0 : i32
    %gather3A_799 = tpu.memref_slice %arg7[%gather3A_796, %gather3A_797, %gather3A_798] : memref<11x64x128xf32, #tpu.memory_space<vmem>> -> memref<1x64x128xf32, #tpu.memory_space<vmem>>
    %gather3A_800 = tpu.memref_squeeze %gather3A_799 : memref<1x64x128xf32, #tpu.memory_space<vmem>> -> memref<64x128xf32, #tpu.memory_space<vmem>>
    %gather3A_801 = tpu.vector_load_idx %gather3A_800[%add3A_795, %broadcast_in_dim3A_790] : memref<64x128xf32, #tpu.memory_space<vmem>>[vector<16xi32>, vector<16xi32>], vector<16xf32>,
    %gather3A_802 = tpu.vector_load_idx %arg8[%add3A_795, %broadcast_in_dim3A_792] : memref<64x256xf32, #tpu.memory_space<vmem>>[vector<16xi32>, vector<16xi32>], vector<16xf32>,
    %add3A_803 = arith.addf %gather3A_801, %gather3A_802 : vector<16xf32>
    tpu.vector_store_idx %arg9[%add3A_795, %broadcast_in_dim3A_792], %add3A_803 : memref<64x256xf32, #tpu.memory_space<vmem>>[vector<16xi32>, vector<16xi32>], vector<16xf32>,
    %dma_wait3A_804 = arith.constant 2 : i32
    %dma_wait3A_805 = arith.constant 0 : i32
    %dma_wait3A_806 = arith.constant 0 : i32
    %dma_wait3A_807 = tpu.memref_slice %arg7[%dma_wait3A_804, %dma_wait3A_805, %dma_wait3A_806] : memref<11x64x128xf32, #tpu.memory_space<vmem>> -> memref<1x64x128xf32, #tpu.memory_space<vmem>>
    %dma_wait3A_808 = tpu.memref_squeeze %dma_wait3A_807 : memref<1x64x128xf32, #tpu.memory_space<vmem>> -> memref<64x128xf32, #tpu.memory_space<vmem>>
    %dma_wait3A_809 = arith.constant 0 : i32
    %dma_wait3A_810 = arith.constant 0 : i32
    %dma_wait3A_811 = tpu.memref_slice %arg3[%dma_wait3A_809, %dma_wait3A_810] : memref<64x1000000xf32, #tpu.memory_space<hbm>> -> memref<64x128xf32, #tpu.memory_space<hbm>>
    %dma_wait3A_812 = arith.constant 0 : i32
    %dma_wait3A_813 = arith.constant 0 : i32
    %dma_wait3A_814 = tpu.memref_slice %arg7[%dma_wait3A_804, %dma_wait3A_812, %dma_wait3A_813] : memref<11x64x128xf32, #tpu.memory_space<vmem>> -> memref<1x64x128xf32, #tpu.memory_space<vmem>>
    %dma_wait3A_815 = tpu.memref_squeeze %dma_wait3A_814 : memref<1x64x128xf32, #tpu.memory_space<vmem>> -> memref<64x128xf32, #tpu.memory_space<vmem>>
    %dma_wait3A_816 = arith.constant 0 : i32
    %dma_wait3A_817 = arith.constant 0 : i32
    %dma_wait3A_818 = tpu.memref_slice %arg3[%dma_wait3A_816, %dma_wait3A_817] : memref<64x1000000xf32, #tpu.memory_space<hbm>> -> memref<64x128xf32, #tpu.memory_space<hbm>>
    tpu.wait_dma2 semaphore(%arg13 : memref<!tpu.dma_semaphore, #tpu.memory_space<semaphore_mem>>) src(%dma_wait3A_818 : memref<64x128xf32, #tpu.memory_space<hbm>>) dst(%dma_wait3A_815 : memref<64x128xf32, #tpu.memory_space<vmem>>)
    %multiple_of3A_819 = arith.constant 240 : i32
    %multiple_of3A_820 = tpu.assume_multiple %multiple_of3A_819, 16 : i32
    %get3A_821 = arith.index_cast %multiple_of3A_820 : i32 to index
    %get3A_822 = tpu.vector_load %arg6[%get3A_821] {strides = array<i32>} : memref<256xi32, #tpu.memory_space<vmem>>, vector<16xi32>,
    %sub3A_823 = arith.constant 255 : i32
    %sub3A_824 = arith.subi %sub3A_823, %multiple_of3A_820 : i32
    %broadcast_in_dim3A_825 = vector.broadcast %sub3A_824 : i32 to vector<16xi32>
    %eq3A_826 = arith.cmpi eq, %iota3A, %broadcast_in_dim3A_825 : vector<16xi32>
    %jit3A_827 = arith.constant 0 : i32
    %broadcast_in_dim3A_828 = vector.broadcast %jit3A_827 : i32 to vector<16xi32>
    %select_n3A_829 = arith.select %eq3A_826, %get3A_822, %broadcast_in_dim3A_828 : vector<16xi1>, vector<16xi32>
    %reduce_max3A_830 = arith.constant true
    %reduce_max3A_831 = vector.broadcast %reduce_max3A_830 : i1 to vector<16xi1>
    %reduce_max3A_832 = arith.constant -2147483648 : i32
    %reduce_max3A_833 = vector.broadcast %reduce_max3A_832 : i32 to vector<16xi32>
    %reduce_max3A_834 = arith.xori %select_n3A_829, %reduce_max3A_833 : vector<16xi32>
    %reduce_max3A_835 = tpu.scan <max>, %reduce_max3A_834 masked %reduce_max3A_831 : vector<16xi32>, vector<16xi1> -> vector<16xi32>
    %reduce_max3A_836 = arith.xori %reduce_max3A_835, %reduce_max3A_833 : vector<16xi32>
    %reduce_max3A_837 = vector.extract %reduce_max3A_836[15] : i32 from vector<16xi32>
    %jit3A_838 = arith.constant 128 : i32
    %div3A_839 = arith.divsi %reduce_max3A_837, %jit3A_838 : i32
    %sign3A_840 = arith.constant 0 : i32
    %sign3A_841 = arith.cmpi sgt, %reduce_max3A_837, %sign3A_840 : i32
    %sign3A_842 = arith.extui %sign3A_841 : i1 to i32
    %sign3A_843 = arith.constant 0 : i32
    %sign3A_844 = arith.cmpi slt, %reduce_max3A_837, %sign3A_843 : i32
    %sign3A_845 = arith.extui %sign3A_844 : i1 to i32
    %sign3A_846 = arith.subi %sign3A_842, %sign3A_845 : i32
    %sign3A_847 = arith.constant 0 : i32
    %sign3A_848 = arith.cmpi sgt, %jit3A_838, %sign3A_847 : i32
    %sign3A_849 = arith.extui %sign3A_848 : i1 to i32
    %sign3A_850 = arith.constant 0 : i32
    %sign3A_851 = arith.cmpi slt, %jit3A_838, %sign3A_850 : i32
    %sign3A_852 = arith.extui %sign3A_851 : i1 to i32
    %sign3A_853 = arith.subi %sign3A_849, %sign3A_852 : i32
    %ne3A_854 = arith.cmpi ne, %sign3A_846, %sign3A_853 : i32
    %rem3A_855 = arith.remsi %reduce_max3A_837, %jit3A_838 : i32
    %ne3A_856 = arith.constant 0 : i32
    %ne3A_857 = arith.cmpi ne, %rem3A_855, %ne3A_856 : i32
    %and3A_858 = arith.andi %ne3A_854, %ne3A_857 : i1
    %sub3A_859 = arith.constant 1 : i32
    %sub3A_860 = arith.subi %div3A_839, %sub3A_859 : i32
    %select_n3A_861 = arith.select %and3A_858, %sub3A_860, %div3A_839 : i32
    %mul3A_862 = arith.constant 128 : i32
    %mul3A_863 = arith.muli %select_n3A_861, %mul3A_862 : i32
    %multiple_of3A_864 = tpu.assume_multiple %mul3A_863, 128 : i32
    %sub3A_865 = arith.subi %reduce_max3A_837, %multiple_of3A_864 : i32
    %broadcast_in_dim3A_866 = vector.broadcast %sub3A_865 : i32 to vector<16xi32>
    %broadcast_in_dim3A_867 = arith.constant 255 : i32
    %broadcast_in_dim3A_868 = vector.broadcast %broadcast_in_dim3A_867 : i32 to vector<16xi32>
    %add3A_869 = arith.constant 0 : i32
    %add3A_870 = vector.broadcast %add3A_869 : i32 to vector<16xi32>
    %add3A_871 = arith.addi %iota3A, %add3A_870 : vector<16xi32>
    %gather3A_872 = arith.constant 2 : i32
    %gather3A_873 = arith.constant 0 : i32
    %gather3A_874 = arith.constant 0 : i32
    %gather3A_875 = tpu.memref_slice %arg7[%gather3A_872, %gather3A_873, %gather3A_874] : memref<11x64x128xf32, #tpu.memory_space<vmem>> -> memref<1x64x128xf32, #tpu.memory_space<vmem>>
    %gather3A_876 = tpu.memref_squeeze %gather3A_875 : memref<1x64x128xf32, #tpu.memory_space<vmem>> -> memref<64x128xf32, #tpu.memory_space<vmem>>
    %gather3A_877 = tpu.vector_load_idx %gather3A_876[%add3A_871, %broadcast_in_dim3A_866] : memref<64x128xf32, #tpu.memory_space<vmem>>[vector<16xi32>, vector<16xi32>], vector<16xf32>,
    %gather3A_878 = tpu.vector_load_idx %arg8[%add3A_871, %broadcast_in_dim3A_868] : memref<64x256xf32, #tpu.memory_space<vmem>>[vector<16xi32>, vector<16xi32>], vector<16xf32>,
    %add3A_879 = arith.addf %gather3A_877, %gather3A_878 : vector<16xf32>
    tpu.vector_store_idx %arg9[%add3A_871, %broadcast_in_dim3A_868], %add3A_879 : memref<64x256xf32, #tpu.memory_space<vmem>>[vector<16xi32>, vector<16xi32>], vector<16xf32>,
    %jit3A_880 = arith.constant 2048 : i32
    %div3A_881 = arith.divsi %mul3A_2, %jit3A_880 : i32
    %sign3A_882 = arith.constant 0 : i32
    %sign3A_883 = arith.cmpi sgt, %mul3A_2, %sign3A_882 : i32
    %sign3A_884 = arith.extui %sign3A_883 : i1 to i32
    %sign3A_885 = arith.constant 0 : i32
    %sign3A_886 = arith.cmpi slt, %mul3A_2, %sign3A_885 : i32
    %sign3A_887 = arith.extui %sign3A_886 : i1 to i32
    %sign3A_888 = arith.subi %sign3A_884, %sign3A_887 : i32
    %sign3A_889 = arith.constant 0 : i32
    %sign3A_890 = arith.cmpi sgt, %jit3A_880, %sign3A_889 : i32
    %sign3A_891 = arith.extui %sign3A_890 : i1 to i32
    %sign3A_892 = arith.constant 0 : i32
    %sign3A_893 = arith.cmpi slt, %jit3A_880, %sign3A_892 : i32
    %sign3A_894 = arith.extui %sign3A_893 : i1 to i32
    %sign3A_895 = arith.subi %sign3A_891, %sign3A_894 : i32
    %ne3A_896 = arith.cmpi ne, %sign3A_888, %sign3A_895 : i32
    %rem3A_897 = arith.remsi %mul3A_2, %jit3A_880 : i32
    %ne3A_898 = arith.constant 0 : i32
    %ne3A_899 = arith.cmpi ne, %rem3A_897, %ne3A_898 : i32
    %and3A_900 = arith.andi %ne3A_896, %ne3A_899 : i1
    %sub3A_901 = arith.constant 1 : i32
    %sub3A_902 = arith.subi %div3A_881, %sub3A_901 : i32
    %select_n3A_903 = arith.select %and3A_900, %sub3A_902, %div3A_881 : i32
    "tpu.region"() ({
      %run_scoped3A = tpu.sem_alloc : memref<!tpu.dma_semaphore, #tpu.memory_space<semaphore_mem>>
      %dma_start3A_904 = arith.constant 0 : i32
      %dma_start3A_905 = tpu.memref_slice %arg5[%select_n3A_903, %dma_start3A_904, %multiple_of3A] : memref<4x64x2048xf32, #tpu.memory_space<hbm>> -> memref<1x64x256xf32, #tpu.memory_space<hbm>>
      %dma_start3A_906 = tpu.memref_squeeze %dma_start3A_905 : memref<1x64x256xf32, #tpu.memory_space<hbm>> -> memref<64x256xf32, #tpu.memory_space<hbm>>
      %dma_start3A_907 = arith.constant 0 : i32
      %dma_start3A_908 = tpu.memref_slice %arg5[%select_n3A_903, %dma_start3A_907, %multiple_of3A] : memref<4x64x2048xf32, #tpu.memory_space<hbm>> -> memref<1x64x256xf32, #tpu.memory_space<hbm>>
      %dma_start3A_909 = tpu.memref_squeeze %dma_start3A_908 : memref<1x64x256xf32, #tpu.memory_space<hbm>> -> memref<64x256xf32, #tpu.memory_space<hbm>>
      tpu.enqueue_dma source(%arg9 : memref<64x256xf32, #tpu.memory_space<vmem>>) target(%dma_start3A_909 : memref<64x256xf32, #tpu.memory_space<hbm>>) target_semaphore(%run_scoped3A : memref<!tpu.dma_semaphore, #tpu.memory_space<semaphore_mem>>)
      %dma_wait3A_910 = arith.constant 0 : i32
      %dma_wait3A_911 = tpu.memref_slice %arg5[%select_n3A_903, %dma_wait3A_910, %multiple_of3A] : memref<4x64x2048xf32, #tpu.memory_space<hbm>> -> memref<1x64x256xf32, #tpu.memory_space<hbm>>
      %dma_wait3A_912 = tpu.memref_squeeze %dma_wait3A_911 : memref<1x64x256xf32, #tpu.memory_space<hbm>> -> memref<64x256xf32, #tpu.memory_space<hbm>>
      %dma_wait3A_913 = arith.constant 0 : i32
      %dma_wait3A_914 = tpu.memref_slice %arg5[%select_n3A_903, %dma_wait3A_913, %multiple_of3A] : memref<4x64x2048xf32, #tpu.memory_space<hbm>> -> memref<1x64x256xf32, #tpu.memory_space<hbm>>
      %dma_wait3A_915 = tpu.memref_squeeze %dma_wait3A_914 : memref<1x64x256xf32, #tpu.memory_space<hbm>> -> memref<64x256xf32, #tpu.memory_space<hbm>>
      tpu.wait_dma2 semaphore(%run_scoped3A : memref<!tpu.dma_semaphore, #tpu.memory_space<semaphore_mem>>) src(%arg9 : memref<64x256xf32, #tpu.memory_space<vmem>>) dst(%dma_wait3A_915 : memref<64x256xf32, #tpu.memory_space<hbm>>)
      tpu.yield
    }) : () -> ()
    return
  }
}

</mosaic_0001>

<sc_bundles>
// kernel: kernel.3.cloned.1.call-start
scs
__scs_entry_jumppad:
0x0: {  	(pc) =	sbr.rel $0x88, $3  }
0x1: {  	(tag) =	ssettag $0x0;
	lr =	simm.s32 $0x1  }
0x2: {  	[smem:$0x3F9E] =	sst lr;
	_ =	strace $0xD0000000  }
0x3: {  	_ = 	snop  }
0x4: {  	_ = 	snop  }
0x5: {  	_ = 	snop  }
0x6: {  	_ = 	snop  }
0x7: {  	_ = 	snop  }
__scs_overlays_trampoline_lowered:
0x8: {  	[smem:$0x3FAD] =	sst s0  }
0x9: {  	[smem:$0x3FAE] =	sst s1  }
0xa: {  	[smem:$0x3FAF] =	sst s2  }
0xb: {  	[smem:$0x3FB0] =	sst s3  }
0xc: {  	[smem:$0x3FB1] =	sst s4  }
0xd: {  	[smem:$0x3FB2] =	sst s5  }
0xe: {  	[smem:$0x3FB3] =	sst s6  }
0xf: {  	[smem:$0x3FB4] =	sst s7  }
0x10: {  	[smem:$0x3FB5] =	sst s8  }
0x11: {  	[smem:$0x3FB6] =	sst s9;
	s0 =	simm.s32 @!p0 $0x0  }
0x12: {  	s1 =	sld [smem:$0x3F9C];
	s0 =	simm.s32 @p0 $0x1  }
0x13: {  	[smem:$0x3FB7] =	sst s0;
	s0 =	simm.s32 @!p1 $0x0  }
0x14: {  	s2 =	sld [smem:$0x3F9B];
	s0 =	simm.s32 @p1 $0x1  }
0x15: {  	[smem:$0x3FB8] =	sst s0;
	s0 =	simm.s32 @!p2 $0x0  }
0x16: {  	s3 =	sld [smem:$0x3FDB];
	s0 =	simm.s32 @p2 $0x1  }
0x17: {  	s4 =	simm.s32 $0x1BF5;
	[smem:$0x3FBA] =	sst s0  }
0x18: {  	s0 =	sld [smem:$0x3F9D];
	_ =	swait.ge [sflag:s4], $0x0  }
0x19: {  	s7 =	sld [smem:$0x3F9E]  }
0x1a: {  	s8 =	sadd.s32 $0xFFFFE003, lr  }
0x1b: {  	s9 =	sadd.s32 $0xFFFFFEF7, lr;
	s5 =	simm.s32 $0xFFFFFFFF;
	p2 =	slt.u32 s8, $0xFFFFF086  }
0x1c: {  	p1 =	slt.u32 s9, $0xF7A;
	s5 =	simm.s32 @!p2 $0x0  }
0x1d: {  	s5 =	simm.s32 @p1 $0x1;
	p0 =	seq.s32 s7, s2  }
0x1e: {  	s7 =	smul.u32 @!p0 $0xF7A, s2;
	p2 =	seq.s32 @!p0 s5, $0x0  }
0x1f: {  	s9 =	smul.u32 $0xF7A, s1;
	s8 =	simm.s32 @!p0 $0x1BF5;
	p2 =	por !p2, p0  }
0x20: {  	[sflag:s8] =	ssyncset.s32 @!p0 $0xFFFFF086;
	s6 =	sadd.s32 @!p0 s3, s7;
	s7 =	simm.s32 @!p0 $0x108  }
0x21: {  	s3 =	sadd.s32 s3, s9;
	s6 =	sadd.s32 @!p0 $0x88, s6;
	s7 =	simm.s32 @p2 $0x1082  }
0x22: {  	[simem:s7], [sflag:s8] =	dma.local @!p0 [hbm:s6], $0xF7A  }
0x23: {  	s9 =	sor.u32 $0xD0000000, s2;
	s6 =	simm.s32 $0x108;
	_ =	swait.ge @!p0 [sflag:s8], $0x0  }
0x24: {  	s3 =	sadd.s32 $0x88, s3;
	s6 =	simm.s32 @!p1 $0x1082;
	[sflag:s4] =	ssyncset.s32 $0xFFFFF086  }
0x25: {  	[simem:s6], [sflag:s4] =	dma.local [hbm:s3], $0xF7A  }
0x26: {  	[smem:$0x3F9E] =	sst s1;
	(tag) =	ssettag s2;
	_ =	strace s9  }
0x27: {  	s1 =	sld [smem:$0x3FAE]  }
0x28: {  	s2 =	sld [smem:$0x3FAF]  }
0x29: {  	s4 =	sld [smem:$0x3FB1]  }
0x2a: {  	p0 =	seq.s32 s5, $0x0;
	s5 =	sld [smem:$0x3FB2]  }
0x2b: {  	s6 =	sld [smem:$0x3FB3]  }
0x2c: {  	s7 =	sld [smem:$0x3FB4]  }
0x2d: {  	s3 =	simm.s32 $0x108;
	s8 =	sld [smem:$0x3FB5]  }
0x2e: {  	s3 =	simm.s32 @!p0 $0x1082;
	s9 =	sld [smem:$0x3FB6]  }
0x2f: {  	lr =	sadd.s32 s0, s3;
	s0 =	sld [smem:$0x3FAD]  }
0x30: {  	s3 =	sld [smem:$0x3FB0]  }
0x31: {  	[smem:$0x3FB9] =	sst s10  }
0x32: {  	s10 =	sld [smem:$0x3FB7];
	_ =	sdelay $0x3  }
0x33: {  	p0 =	seq.s32 s10, $0x1;
	s10 =	sld [smem:$0x3FB9];
	_ =	sdelay $0x3  }
0x34: {  	[smem:$0x3FB9] =	sst s10  }
0x35: {  	s10 =	sld [smem:$0x3FB8];
	_ =	sdelay $0x3  }
0x36: {  	p1 =	seq.s32 s10, $0x1;
	s10 =	sld [smem:$0x3FB9];
	_ =	sdelay $0x3  }
0x37: {  	[smem:$0x3FB9] =	sst s10  }
0x38: {  	s10 =	sld [smem:$0x3FBA]  }
0x39: {  	_ = 	snop;
	(pc) =	sbr.ind lr, $3  }
0x3a: {  	_ = 	snop  }
0x3b: {  	_ = 	snop  }
0x3c: {  	p2 =	seq.s32 s10, $0x1;
	s10 =	sld [smem:$0x3FB9]  }
0x3d: {  	_ =	shalt  }
0x3e: {  	_ =	shalt  }
0x3f: {  	_ =	shalt  }
0x40: {  	_ =	shalt  }
0x41: {  	_ =	shalt  }
0x42: {  	_ =	shalt  }
0x43: {  	_ =	shalt  }
0x44: {  	_ =	shalt  }
0x45: {  	_ =	shalt  }
0x46: {  	_ =	shalt  }
0x47: {  	_ =	shalt  }
0x48: {  	_ =	shalt  }
0x49: {  	_ =	shalt  }
0x4a: {  	_ =	shalt  }
0x4b: {  	_ =	shalt  }
0x4c: {  	_ =	shalt  }
0x4d: {  	_ =	shalt  }
0x4e: {  	_ =	shalt  }
0x4f: {  	_ =	shalt  }
0x50: {  	_ =	shalt  }
0x51: {  	_ =	shalt  }
0x52: {  	_ =	shalt  }
0x53: {  	_ =	shalt  }
0x54: {  	_ =	shalt  }
0x55: {  	_ =	shalt  }
0x56: {  	_ =	shalt  }
0x57: {  	_ =	shalt  }
0x58: {  	_ =	shalt  }
0x59: {  	_ =	shalt  }
0x5a: {  	_ =	shalt  }
0x5b: {  	_ =	shalt  }
0x5c: {  	_ =	shalt  }
0x5d: {  	_ =	shalt  }
0x5e: {  	_ =	shalt  }
0x5f: {  	_ =	shalt  }
0x60: {  	_ =	shalt  }
0x61: {  	_ =	shalt  }
0x62: {  	_ =	shalt  }
0x63: {  	_ =	shalt  }
0x64: {  	_ =	shalt  }
0x65: {  	_ =	shalt  }
0x66: {  	_ =	shalt  }
0x67: {  	_ =	shalt  }
0x68: {  	_ =	shalt  }
0x69: {  	_ =	shalt  }
0x6a: {  	_ =	shalt  }
0x6b: {  	_ =	shalt  }
0x6c: {  	_ =	shalt  }
0x6d: {  	_ =	shalt  }
0x6e: {  	_ =	shalt  }
0x6f: {  	_ =	shalt  }
0x70: {  	_ =	shalt  }
0x71: {  	_ =	shalt  }
0x72: {  	_ =	shalt  }
0x73: {  	_ =	shalt  }
0x74: {  	_ =	shalt  }
0x75: {  	_ =	shalt  }
0x76: {  	_ =	shalt  }
0x77: {  	_ =	shalt  }
0x78: {  	_ =	shalt  }
0x79: {  	_ =	shalt  }
0x7a: {  	_ =	shalt  }
0x7b: {  	_ =	shalt  }
0x7c: {  	_ =	shalt  }
0x7d: {  	_ =	shalt  }
0x7e: {  	_ =	shalt  }
0x7f: {  	_ =	shalt  }
0x80: {  	_ =	shalt  }
0x81: {  	_ =	shalt  }
0x82: {  	_ =	shalt  }
0x83: {  	_ =	shalt  }
0x84: {  	_ =	shalt  }
0x85: {  	_ =	shalt  }
0x86: {  	_ =	shalt  }
0x87: {  	_ =	shalt  }
.Lfunc_end0:
.L_simem_size_0:
called_computation_lowered:
.L_overlay_start_0:
0x88: {  	s2 =	sld [smem:$0x3FD9]  }
0x89: {  	s3 =	sld [smem:$0x3FFE];
	_ =	sdelay $0x1  }
0x8a: {  	s1 =	srdreg.scid  }
0x8b: {  	s0 =	sand.u32 $0x1, s1  }
0x8c: {  	s17 =	sshll.u32 s0, $0xA;
	s2 =	sadd.s32 s3, s2  }
0x8d: {  	s2 =	sadd.s32 s2, s17  }
0x8e: {  	[smem:$0x3FC5] =	sst s2  }
0x8f: {  	_ = 	snop  }
0x90: {  	s2 =	sld [smem:$0x3FC8]  }
0x91: {  	s18 =	sld [smem:$0x3FC7]  }
0x92: {  	s4 =	sld [smem:$0x3FD0];
	(tm) =	ssettm $0x1  }
0x93: {  	s5 =	sld [smem:$0x3FFB];
	_ =	sdelay $0x3  }
0x94: {  	_ =	strace s5  }
0x95: {  	s5 =	sld [smem:$0x3FFC];
	_ =	sdelay $0x3  }
0x96: {  	_ =	strace s5  }
0x97: {  	s5 =	sld [smem:$0x3FFD];
	_ =	sdelay $0x3  }
0x98: {  	_ =	strace s5  }
0x99: {  	_ =	strace $0x8FFFFFFF  }
0x9a: {  	s19 =	sld [smem:$0x3FDB];
	_ =	sdelay $0x1  }
0x9b: {  	s6 =	simm.s32 $_scs_section_size  }
0x9c: {  	s7 =	simm.s32 $_size__tile_overlayer_lowered;
	s8 =	simm.s32 $_tile_overlayer_lowered  }
0x9d: {  	s22 =	simm.s32 $0x1BFF;
	s21 =	sshll.u32 s8, $0x1;
	s5 =	sadd.s32 s6, s19  }
0x9e: {  	s9 =	simm.s32 $0x0;
	s20 =	sshll.u32 s7, $0x1;
	s7 =	sadd.s32 s21, s5  }
0x9f: {  	[timem:s9], [sflag:s22] =	dma.local [hbm:s7], s20  }
0xa0: {  	_ =	swait.ge [sflag:s22], s20  }
0xa1: {  	s6 =	ssub.s32 $0x0, s20;
	[sflag:s22] =	ssyncset.done $0x0  }
0xa2: {  	[sflag:s22] =	ssyncadd.s32 s6;
	_ =	sdelay $0x1  }
0xa3: {  	s23 =	simm.s32 $0x1B8B  }
0xa4: {  	_ =	swait.ge [sflag:s23], $0x1  }
0xa5: {  	[sflag:s23] =	ssyncset.done $0x0  }
0xa6: {  	s25 =	simm.s32 $0x1B8E;
	s24 =	sld [smem:$0x3FFE];
	[sflag:s23] =	ssyncadd.s32 $0xFFFFFFFF  }
0xa7: {  	s26 =	simm.s32 $execute0_lowered;
	[smem:$0x3FD2] =	sst s25  }
0xa8: {  	s7 =	sshll.u32 s26, $0x1;
	_ =	strace $0x80000046;
	[dreg:$0x1] =	wrdreg $0xFFFFFFFF  }
0xa9: {  	s28 =	simm.s32 $_size_execute0_lowered;
	s5 =	sadd.s32 s5, s7;
	[dreg:$0x0] =	wrdreg $0x0  }
0xaa: {  	s7 =	sshll.u32 s28, $0x1;
	[dreg:$0x2] =	wrdreg s5  }
0xab: {  	[dreg:$0x3] =	wrdreg s7  }
0xac: {  	[dreg:$0x4] =	wrdreg $0xC0  }
0xad: {  	_ =	task [dreg:s9], $0x5FFFF  }
0xae: {  	[dreg:$0x1] =	wrdreg $0xFFFFFFFF  }
0xaf: {  	[dreg:$0x0] =	wrdreg $0x60  }
0xb0: {  	[dreg:$0x2] =	wrdreg s24  }
0xb1: {  	[dreg:$0x3] =	wrdreg s2  }
0xb2: {  	[dreg:$0x4] =	wrdreg s18  }
0xb3: {  	[dreg:$0x5] =	wrdreg s4  }
0xb4: {  	[dreg:$0x6] =	wrdreg $0x9  }
0xb5: {  	_ =	task.clear_ibuf [dreg:s9], $0x7FFFF;
	_ =	strace $0x90000046  }
0xb6: {  	s29 =	simm.s32 $0x9;
	_ =	strace $0x80000048  }
0xb7: {  	_ =	swait.ge [sflag:s29], $0x1  }
0xb8: {  	[sflag:s29] =	ssyncadd.s32 $0xFFFFFFFF  }
0xb9: {  	_ =	strace $0x90000048  }
0xba: {  	_ =	sfence  }
0xbb: {  	s30 =	sld [smem:$0x0];
	_ =	sdelay $0x2  }
0xbc: {  	s31 =	sshll.u32 s1, $0xD;
	s1 =	sshrl.u32 s1, $0x2  }
0xbd: {  	s3 =	sand.u32 $0x4000, s31;
	s1 =	sadd.s32 s1, s30  }
0xbe: {  	s0 =	sor.u32 s3, s0;
	s1 =	sshll.u32 s1, $0x11  }
0xbf: {  	s0 =	sor.u32 s1, s0  }
0xc0: {  	s0 =	sadd.s32 $0x8F2B, s0  }
0xc1: {  	[sflag:s0] =	ssyncadd.remote.s32 $0x1  }
0xc2: {  	_ =	sfence.sel $0xFFFF  }
0xc3: {  	[dreg:$0x0] =	wrdreg $0xFFFFFFFF;
	(pc) =	sbr.abs _section_cstart, $3  }
0xc4: {  	[dreg:$0x1] =	wrdreg $0xFFFFFFFF  }
0xc5: {  	_ =	task.clear_ibuf [dreg:s9], $0x2FFFF;
	_ =	strace $0x9FFFFFFF  }
0xc6: {  	(tm) =	ssettm $0x7FFFFFFF  }
0xc7: {  	_ =	shalt  }
tec
execute0_lowered:
.L_overlay_start_1:
0x0: {  	(tag) =	ssettag $0x1  }
0x1: {  	v0 =	vimm.s32 $0xB80  }
0x2: {  	vm6 =	vcmask $0x300;
	vm11 =	vcmask $0x704;
	vm0 =	vmmov $0x1  }
0x3: {  	vm13 =	vcmask $0xB08;
	vm1 =	vcmask $0x308;
	vm7 =	vcmask $0xF0C  }
0x4: {  	vm2 =	vcmask $0x70C;
	vm12 =	vcmask $0x1310;
	vm3 =	vcmask $0xB10  }
0x5: {  	vm8 =	vcmask $0x1714;
	vm4 =	vcmask $0xF14;
	vm9 =	vcmask $0x1B18  }
0x6: {  	vm5 =	vcmask $0x1318;
	v1 =	vimm.s32 $0xFFD;
	v2 =	vimm.s32 $0xFFE  }
0x7: {  	v3 =	vimm.s32 $0xFFF;
	vm10 =	vcmask $0x1F1C;
	v0 =	vsel vm6, $0x0, v0  }
0x8: {  	v1 =	vsel vm6, $0x47D, v1;
	v2 =	vsel vm6, $0x47E, v2;
	v3 =	vsel vm6, $0x47F, v3  }
0x9: {  	vm6 =	vcmask $0x171C;
	v0 =	vsel vm11, $0x80, v0;
	v1 =	vsel vm11, $0x4FD, v1  }
0xa: {  	v2 =	vsel vm11, $0x4FE, v2;
	v3 =	vsel vm11, $0x4FF, v3;
	vm11 =	vcmask $0x2320  }
0xb: {  	s1 =	rddreg [dreg:$0x0];
	v0 =	vsel vm13, $0x100, v0;
	v1 =	vsel vm13, $0x57D, v1;
	v2 =	vsel vm13, $0x57E, v2  }
0xc: {  	s0 =	rddreg [dreg:$0x1];
	v3 =	vsel vm13, $0x57F, v3;
	vm13 =	vcmask $0x2B28;
	v0 =	vsel vm7, $0x180, v0  }
0xd: {  	s2 =	rddreg [dreg:$0x2];
	v1 =	vsel vm7, $0x5FD, v1;
	v2 =	vsel vm7, $0x5FE, v2;
	v3 =	vsel vm7, $0x5FF, v3  }
0xe: {  	s3 =	rddreg [dreg:$0x3];
	vm7 =	vcmask $0x1B20;
	v0 =	vsel vm12, $0x200, v0;
	v1 =	vsel vm12, $0x67D, v1  }
0xf: {  	s4 =	srdreg.scid;
	s7 =	stileid.u32;
	v2 =	vsel vm12, $0x67E, v2;
	v3 =	vsel vm12, $0x67F, v3;
	vm12 =	vcmask $0x2724  }
0x10: {  	s12 =	simm.s32 $0x800;
	s18 =	simm.s32 $0x4000;
	s11 =	simm.s32 $0x16100;
	v0 =	vsel vm8, $0x280, v0;
	v1 =	vsel vm8, $0x6FD, v1;
	v2 =	vsel vm8, $0x6FE, v2  }
0x11: {  	s8 =	simm.s32 $0x0;
	s13 =	simm.s32 $0x400;
	s14 =	simm.s32 $0x7A1400;
	v3 =	vsel vm8, $0x6FF, v3;
	vm8 =	vcmask $0x1F24;
	v0 =	vsel vm9, $0x300, v0  }
0x12: {  	s15 =	simm.s32 $0x100;
	s16 =	simm.s32 $0x2100;
	s17 =	simm.s32 $0x4100;
	v1 =	vsel vm9, $0x77D, v1;
	v2 =	vsel vm9, $0x77E, v2;
	v3 =	vsel vm9, $0x77F, v3  }
0x13: {  	s28 =	simm.s32 $0x1A100;
	s29 =	simm.s32 $0x3;
	s30 =	simm.s32 $0x4;
	vm9 =	vcmask $0x2328;
	v0 =	vsel vm10, $0x380, v0;
	v1 =	vsel vm10, $0x7FD, v1  }
0x14: {  	s31 =	simm.s32 $0x5;
	s9 =	simm.s32 $0x9;
	s10 =	simm.s32 $0xA;
	v2 =	vsel vm10, $0x7FE, v2;
	v3 =	vsel vm10, $0x7FF, v3;
	vm10 =	vcmask $0x272C  }
0x15: {  	s4 =	sand.u32 $0x1, s4;
	s5 =	sshll.u32 s7, $0x9;
	[smem:$0x7FF] =	sst s8;
	v0 =	vsel vm11, $0x800, v0;
	v1 =	vsel vm11, $0xC7D, v1;
	v2 =	vsel vm11, $0xC7E, v2  }
0x16: {  	s7 =	sshll.u32 s7, $0xC;
	s8 =	simm.s32 $0xD;
	s6 =	sshll.u32 s4, $0x8;
	v3 =	vsel vm11, $0xC7F, v3;
	vm11 =	vcmask $0x2F2C;
	v0 =	vsel vm12, $0x880, v0  }
0x17: {  	_ =	strace $0x80000047;
	s4 =	ssub.s32 $0x2, s4;
	s23 =	sand.u32 $0xC000, s7;
	v1 =	vsel vm12, $0xCFD, v1;
	v2 =	vsel vm12, $0xCFE, v2;
	v3 =	vsel vm12, $0xCFF, v3  }
0x18: {  	s7 =	simm.s32 $0x0;
	s5 =	sor.u32 s6, s5;
	s22 =	sshrl.u32 s4, $0x1;
	vm12 =	vcmask $0x3330;
	v0 =	vsel vm13, $0x900, v0;
	v1 =	vsel vm13, $0xD7D, v1  }
0x19: {  	s25 =	sadd.s32 s3, s23;
	s23 =	simm.s32 $0x10100;
	s3 =	simm.s32 $0x8;
	v2 =	vsel vm13, $0xD7E, v2;
	v3 =	vsel vm13, $0xD7F, v3;
	v4 =	vsel vm11, $0x980, v0  }
0x1a: {  	s6 =	sshrl.u32 s5, $0x3;
	s4 =	ssub.s32 s4, s22;
	s5 =	sand.u32 $0x700, s5;
	v0 =	vlaneseq.u32;
	v5 =	vsel vm11, $0xDFD, v1;
	v2 =	vsel vm11, $0xDFE, v2  }
0x1b: {  	s22 =	simm.s32 $0xE100;
	s1 =	sadd.s32 s6, s1;
	s24 =	sadd.s32 s2, s5;
	v3 =	vsel vm11, $0xDFF, v3;
	vm11 =	vcmask $0x3734;
	v4 =	vsel vm12, $0xA00, v4  }
.Ltmp0:
0x1c: {  	s26 =	smax.u32 s4, $0x1;
	s2 =	simm.s32 $0x7;
	v1 =	vmul.u32 $0x80, v0;
	v5 =	vsel vm12, $0xE7D, v5;
	v6 =	vsel vm12, $0xE7E, v2;
	(pc) =	sbr.rel .LBB2_1-.Ltmp0, $4  }
0x1d: {  	s4 =	simm.s32 $0xB;
	s1 =	sadd.s32 $0x400, s1;
	[dreg:$0x6] =	wrdreg s24;
	v3 =	vsel vm12, $0xE7F, v3;
	vm12 =	vcmask $0x3B38;
	v4 =	vsel vm11, $0xA80, v4  }
0x1e: {  	[dreg:$0x8] =	wrdreg s26;
	s24 =	simm.s32 $0x12100;
	s26 =	simm.s32 $0x2;
	v2 =	vsel vm12, $0xB00, v4;
	v4 =	vsel vm11, $0xEFD, v5;
	v5 =	vsel vm11, $0xEFE, v6  }
0x1f: {  	[dreg:$0x5] =	wrdreg s1;
	s1 =	sadd.s32 s5, s25;
	s25 =	simm.s32 $0x14100;
	v6 =	vsel vm11, $0xEFF, v3;
	vm11 =	vcmask $0x3338;
	v3 =	vsel vm12, $0xF7D, v4  }
0x20: {  	s5 =	simm.s32 $0xC;
	[dreg:$0x7] =	wrdreg s1;
	s1 =	simm.s32 $0x6;
	v4 =	vsel vm12, $0xF7E, v5;
	v5 =	vsel vm12, $0xF7F, v6;
	vm12 =	vcmask $0x373C  }
.LBB2_4:
0x21: {  	_ =	swait.ge [sflag:s26], $0x2000  }
0x22: {  	[sflag:s26] =	ssyncset.done $0x0  }
0x23: {  	[sflag:s26] =	ssyncadd.s32 $0xFFFFE000  }
0x24: {  	v6 =	vld [tilespmem:$0xF0];
	_ =	sdelay $0x4  }
0x25: {  	v6 =	vsel vm11, $0x0, v6  }
0x26: {  	v6 =	vxor.u32 $0x80000000, v6  }
0x27: {  	(xrf0) =	vmax.scan.msk.u32 $0xffff, v6;
	_ =	sdelay $0x5  }
0x28: {  	v6, _, _ =	vpop (xrf0)  }
0x29: {  	(v2sf) =	vpush v6, $0xF;
	_ =	sdelay $0xe  }
0x2a: {  	s6 =	spop (v2sf)  }
0x2b: {  	s7 =	sxor.u32 $0x80000000, s6  }
0x2c: {  	p1 =	sgt.s32 s6, $0xFFFFFFFF;
	s6 =	sand.u32 $0x7F, s6;
	p0 =	slt.s32 s7, $0x1  }
0x2d: {  	s8 =	sshra.s32 s7, $0x1F;
	p6 =	sne.s32 s6, $0x0;
	p0 =	por p1, p0  }
0x2e: {  	s21 =	sshrl.u32 s8, $0x19;
	p0 =	por !p6, !p0  }
0x2f: {  	s8 =	simm.s32 $0x1;
	s6 =	sadd.s32 s21, s7;
	p0 =	por !p0, !p0  }
0x30: {  	s6 =	sshrl.u32 s6, $0x7;
	s8 =	simm.s32 @!p0 $0x0  }
0x31: {  	s6 =	ssub.s32 s8, s6  }
0x32: {  	s6 =	sshll.u32 s6, $0x7  }
0x33: {  	s6 =	sadd.s32 s7, s6  }
0x34: {  	v6 =	vadd.s32 s6, v1;
	_ =	sdelay $0x3  }
0x35: {  	v7 =	vld.idx.msk [tilespmem:v3+s11+$0x0], $0xffff  }
0x36: {  	v6 =	vld.idx.msk [tilespmem:v6+s15+$0x0], $0xffff;
	_ =	sdelay $0x4  }
0x37: {  	v6 =	vadd.f32 v7, v6;
	_ =	sdelay $0x1  }
0x38: {  	[tilespmem:v3+s28+$0x0] =	vst.idx.msk $0xffff, v6  }
0x39: {  	_ =	swait.ge [sflag:s29], $0x2000  }
0x3a: {  	[sflag:s29] =	ssyncset.done $0x0  }
0x3b: {  	[sflag:s29] =	ssyncadd.s32 $0xFFFFE000  }
0x3c: {  	v6 =	vld [tilespmem:$0xF0];
	_ =	sdelay $0x4  }
0x3d: {  	v6 =	vsel vm12, $0x0, v6  }
0x3e: {  	v6 =	vxor.u32 $0x80000000, v6  }
0x3f: {  	(xrf0) =	vmax.scan.msk.u32 $0xffff, v6;
	_ =	sdelay $0x5  }
0x40: {  	v6, _, _ =	vpop (xrf0)  }
0x41: {  	(v2sf) =	vpush v6, $0xF;
	_ =	sdelay $0xe  }
0x42: {  	s8 =	spop (v2sf)  }
0x43: {  	s12 =	sxor.u32 $0x80000000, s8  }
0x44: {  	p2 =	sgt.s32 s8, $0xFFFFFFFF;
	s6 =	sand.u32 $0x7F, s8;
	p1 =	slt.s32 s12, $0x1  }
0x45: {  	s18 =	sshra.s32 s12, $0x1F;
	p3 =	sne.s32 s6, $0x0;
	p0 =	por p2, p1  }
0x46: {  	s19 =	sshrl.u32 s18, $0x19;
	p0 =	por !p3, !p0  }
0x47: {  	s8 =	simm.s32 $0x1;
	s6 =	sadd.s32 s19, s12;
	p0 =	por !p0, !p0  }
0x48: {  	s6 =	sshrl.u32 s6, $0x7;
	s8 =	simm.s32 @!p0 $0x0  }
0x49: {  	s6 =	ssub.s32 s8, s6  }
0x4a: {  	s6 =	sshll.u32 s6, $0x7  }
0x4b: {  	s6 =	sadd.s32 s12, s6  }
0x4c: {  	v6 =	vadd.s32 s6, v1;
	_ =	sdelay $0x3  }
0x4d: {  	v7 =	vld.idx.msk [tilespmem:v4+s11+$0x0], $0xffff  }
0x4e: {  	v6 =	vld.idx.msk [tilespmem:v6+s16+$0x0], $0xffff;
	_ =	sdelay $0x4  }
0x4f: {  	v6 =	vadd.f32 v7, v6;
	_ =	sdelay $0x1  }
0x50: {  	[tilespmem:v4+s28+$0x0] =	vst.idx.msk $0xffff, v6  }
0x51: {  	_ =	swait.ge [sflag:s30], $0x2000  }
0x52: {  	[sflag:s30] =	ssyncset.done $0x0  }
0x53: {  	[sflag:s30] =	ssyncadd.s32 $0xFFFFE000  }
0x54: {  	v6 =	vld [tilespmem:$0xF0];
	_ =	sdelay $0x3  }
0x55: {  	vm13 =	vmmov $0x7fff  }
0x56: {  	v6 =	vsel vm13, $0x0, v6  }
0x57: {  	v6 =	vxor.u32 $0x80000000, v6  }
0x58: {  	(xrf0) =	vmax.scan.msk.u32 $0xffff, v6;
	_ =	sdelay $0x5  }
0x59: {  	v6, _, _ =	vpop (xrf0)  }
0x5a: {  	(v2sf) =	vpush v6, $0xF;
	_ =	sdelay $0xe  }
0x5b: {  	s20 =	spop (v2sf)  }
0x5c: {  	s21 =	sxor.u32 $0x80000000, s20  }
0x5d: {  	p5 =	sgt.s32 s20, $0xFFFFFFFF;
	s6 =	sand.u32 $0x7F, s20;
	p4 =	slt.s32 s21, $0x1  }
0x5e: {  	s12 =	sshra.s32 s21, $0x1F;
	p6 =	sne.s32 s6, $0x0;
	p0 =	por p5, p4  }
0x5f: {  	s18 =	sshrl.u32 s12, $0x19;
	p0 =	por !p6, !p0  }
0x60: {  	s8 =	simm.s32 $0x1;
	s6 =	sadd.s32 s18, s21;
	p0 =	por !p0, !p0  }
0x61: {  	s6 =	sshrl.u32 s6, $0x7;
	s8 =	simm.s32 @!p0 $0x0  }
0x62: {  	s6 =	ssub.s32 s8, s6  }
0x63: {  	s6 =	sshll.u32 s6, $0x7  }
0x64: {  	s6 =	sadd.s32 s21, s6  }
0x65: {  	v6 =	vadd.s32 s6, v1;
	_ =	sdelay $0x3  }
0x66: {  	v7 =	vld.idx.msk [tilespmem:v5+s11+$0x0], $0xffff  }
0x67: {  	v6 =	vld.idx.msk [tilespmem:v6+s17+$0x0], $0xffff;
	_ =	sdelay $0x4  }
0x68: {  	v6 =	vadd.f32 v7, v6  }
0x69: {  	s19 =	rddreg [dreg:$0x7]  }
0x6a: {  	s12 =	simm.s32 $0x800;
	s18 =	simm.s32 $0x4000;
	s8 =	simm.s32 $0xD;
	[tilespmem:v5+s28+$0x0] =	vst.idx.msk $0xffff, v6  }
0x6b: {  	[hbm4b:s19+s12] =	stream.strided.scatter [tilespmem:s28], [sflag:$0xD], $0x4000, s18, s12, $0x38;
	[tilespmem:$0x1E100] =	vst v63  }
0x6c: {  	_ =	swait.ge [sflag:s8], $0x4000  }
0x6d: {  	s20 =	rddreg [dreg:$0x9]  }
0x6e: {  	s21 =	rddreg [dreg:$0x8];
	s7 =	sadd.s32 $0x1, s20  }
0x6f: {  	p0 =	sne.s32 s7, s21  }
.Ltmp1:
0x70: {  	_ = 	snop;
	(pc) =	sbr.rel @!p0 .LBB2_5-.Ltmp1, $3  }
0x71: {  	_ =	sdelay $0x1  }
0x72: {  	[sflag:s8] =	ssyncset.done $0x0  }
0x73: {  	[sflag:s8] =	ssyncadd.s32 $0xFFFFC000  }
.LBB2_1:
0x74: {  	[dreg:$0x9] =	wrdreg s7  }
0x75: {  	s6 =	simm.s32 $0x0;
	s21 =	rddreg [dreg:$0x5]  }
0x76: {  	[tilespmem:s6], [sflag:$0xD] =	stream.linear.gather [hbm4b:s21+s6], $0x100, $0x38;
	[tilespmem:$0x1E100] =	vst v63  }
0x77: {  	_ =	swait.ge [sflag:s8], $0x100  }
0x78: {  	[sflag:s8] =	ssyncset.done $0x0  }
0x79: {  	[sflag:s8] =	ssyncadd.s32 $0xFFFFFF00;
	s8 =	rddreg [dreg:$0x6]  }
0x7a: {  	[tilespmem:s11], [sflag:$0x1] =	stream.strided.gather [hbm4b:s8+s12], $0x4000, s18, s12, $0x38;
	[tilespmem:$0x1E100] =	vst v63  }
0x7b: {  	v6 =	vld [tilespmem:$0x0];
	_ =	sdelay $0x4  }
0x7c: {  	v6 =	vnsel vm0, $0x0, v6  }
0x7d: {  	v6 =	vxor.u32 $0x80000000, v6  }
0x7e: {  	(xrf0) =	vmax.scan.msk.u32 $0xffff, v6;
	_ =	sdelay $0x5  }
0x7f: {  	v6, _, _ =	vpop (xrf0)  }
0x80: {  	(v2sf) =	vpush v6, $0xF;
	_ =	sdelay $0xe  }
0x81: {  	s18 =	spop (v2sf)  }
0x82: {  	s19 =	sxor.u32 $0x80000000, s18  }
0x83: {  	p0 =	sgt.s32 s18, $0xFFFFFFFF;
	s20 =	sand.u32 $0x7F, s18;
	p1 =	slt.s32 s19, $0x1  }
0x84: {  	s7 =	sshra.s32 s19, $0x1F;
	p6 =	sne.s32 s20, $0x0;
	p0 =	por p0, p1  }
0x85: {  	s7 =	sshrl.u32 s7, $0x19;
	p0 =	por !p6, !p0  }
0x86: {  	s6 =	sadd.s32 s7, s18;
	s7 =	simm.s32 $0x1;
	p0 =	por !p0, !p0  }
0x87: {  	s6 =	sshrl.u32 s6, $0x7;
	s7 =	simm.s32 @!p0 $0x0  }
0x88: {  	s6 =	ssub.s32 s6, s7  }
0x89: {  	s6 =	sshll.u32 s6, $0x7  }
0x8a: {  	s6 =	sand.u32 $0x1FFFFF80, s6  }
0x8b: {  	s6 =	sadd.s32 s0, s6  }
0x8c: {  	[tilespmem:s15], [sflag:$0x2] =	stream.strided.gather [hbm4b:s6+s13], $0x2000, s14, s13, $0x38;
	[tilespmem:$0x1E100] =	vst v63  }
0x8d: {  	v6 =	vld [tilespmem:$0x0];
	_ =	sdelay $0x4  }
0x8e: {  	v6 =	vsel vm1, $0x0, v6  }
0x8f: {  	v6 =	vxor.u32 $0x80000000, v6  }
0x90: {  	(xrf0) =	vmax.scan.msk.u32 $0xffff, v6;
	_ =	sdelay $0x5  }
0x91: {  	v6, _, _ =	vpop (xrf0)  }
0x92: {  	(v2sf) =	vpush v6, $0xF;
	_ =	sdelay $0xe  }
0x93: {  	s21 =	spop (v2sf)  }
0x94: {  	s12 =	sxor.u32 $0x80000000, s21  }
0x95: {  	p1 =	sgt.s32 s21, $0xFFFFFFFF;
	s18 =	sand.u32 $0x7F, s21;
	p2 =	slt.s32 s12, $0x1  }
0x96: {  	s7 =	sshra.s32 s12, $0x1F;
	p3 =	sne.s32 s18, $0x0;
	p0 =	por p1, p2  }
0x97: {  	s7 =	sshrl.u32 s7, $0x19;
	p0 =	por !p3, !p0  }
0x98: {  	s6 =	sadd.s32 s7, s21;
	s7 =	simm.s32 $0x1;
	p0 =	por !p0, !p0  }
0x99: {  	s6 =	sshrl.u32 s6, $0x7;
	s7 =	simm.s32 @!p0 $0x0  }
0x9a: {  	s6 =	ssub.s32 s6, s7  }
0x9b: {  	s6 =	sshll.u32 s6, $0x7  }
0x9c: {  	s6 =	sand.u32 $0x1FFFFF80, s6  }
0x9d: {  	s6 =	sadd.s32 s0, s6  }
0x9e: {  	[tilespmem:s16], [sflag:$0x3] =	stream.strided.gather [hbm4b:s6+s13], $0x2000, s14, s13, $0x38;
	[tilespmem:$0x1E100] =	vst v63  }
0x9f: {  	v6 =	vld [tilespmem:$0x0];
	_ =	sdelay $0x4  }
0xa0: {  	v6 =	vsel vm2, $0x0, v6  }
0xa1: {  	v6 =	vxor.u32 $0x80000000, v6  }
0xa2: {  	(xrf0) =	vmax.scan.msk.u32 $0xffff, v6;
	_ =	sdelay $0x5  }
0xa3: {  	v6, _, _ =	vpop (xrf0)  }
0xa4: {  	(v2sf) =	vpush v6, $0xF;
	_ =	sdelay $0xe  }
0xa5: {  	s19 =	spop (v2sf)  }
0xa6: {  	s20 =	sxor.u32 $0x80000000, s19  }
0xa7: {  	p4 =	sgt.s32 s19, $0xFFFFFFFF;
	s21 =	sand.u32 $0x7F, s19;
	p5 =	slt.s32 s20, $0x1  }
0xa8: {  	s7 =	sshra.s32 s20, $0x1F;
	p6 =	sne.s32 s21, $0x0;
	p0 =	por p4, p5  }
0xa9: {  	s7 =	sshrl.u32 s7, $0x19;
	p0 =	por !p6, !p0  }
0xaa: {  	s6 =	sadd.s32 s7, s19;
	s7 =	simm.s32 $0x1;
	p0 =	por !p0, !p0  }
0xab: {  	s6 =	sshrl.u32 s6, $0x7;
	s7 =	simm.s32 @!p0 $0x0  }
0xac: {  	s6 =	ssub.s32 s6, s7  }
0xad: {  	s6 =	sshll.u32 s6, $0x7  }
0xae: {  	s6 =	sand.u32 $0x1FFFFF80, s6  }
0xaf: {  	s6 =	sadd.s32 s0, s6  }
0xb0: {  	[tilespmem:s17], [sflag:$0x4] =	stream.strided.gather [hbm4b:s6+s13], $0x2000, s14, s13, $0x38;
	[tilespmem:$0x1E100] =	vst v63  }
0xb1: {  	v6 =	vld [tilespmem:$0x0];
	_ =	sdelay $0x4  }
0xb2: {  	v6 =	vsel vm3, $0x0, v6  }
0xb3: {  	v6 =	vxor.u32 $0x80000000, v6  }
0xb4: {  	(xrf0) =	vmax.scan.msk.u32 $0xffff, v6;
	_ =	sdelay $0x5  }
0xb5: {  	v6, _, _ =	vpop (xrf0)  }
0xb6: {  	(v2sf) =	vpush v6, $0xF;
	_ =	sdelay $0xe  }
0xb7: {  	s12 =	spop (v2sf)  }
0xb8: {  	s18 =	sxor.u32 $0x80000000, s12  }
0xb9: {  	p1 =	sgt.s32 s12, $0xFFFFFFFF;
	s19 =	sand.u32 $0x7F, s12;
	p2 =	slt.s32 s18, $0x1  }
0xba: {  	s7 =	sshra.s32 s18, $0x1F;
	p3 =	sne.s32 s19, $0x0;
	p0 =	por p1, p2  }
0xbb: {  	s7 =	sshrl.u32 s7, $0x19;
	p0 =	por !p3, !p0  }
0xbc: {  	s6 =	sadd.s32 s7, s12;
	s7 =	simm.s32 $0x1;
	p0 =	por !p0, !p0  }
0xbd: {  	s6 =	sshrl.u32 s6, $0x7;
	s7 =	simm.s32 @!p0 $0x0  }
0xbe: {  	s6 =	ssub.s32 s6, s7  }
0xbf: {  	s6 =	sshll.u32 s6, $0x7  }
0xc0: {  	s6 =	sand.u32 $0x1FFFFF80, s6  }
0xc1: {  	s20 =	simm.s32 $0x6100;
	s6 =	sadd.s32 s0, s6  }
0xc2: {  	[tilespmem:s20], [sflag:$0x5] =	stream.strided.gather [hbm4b:s6+s13], $0x2000, s14, s13, $0x38;
	[tilespmem:$0x1E100] =	vst v63  }
0xc3: {  	v6 =	vld [tilespmem:$0x0];
	_ =	sdelay $0x4  }
0xc4: {  	v6 =	vsel vm4, $0x0, v6  }
0xc5: {  	v6 =	vxor.u32 $0x80000000, v6  }
0xc6: {  	(xrf0) =	vmax.scan.msk.u32 $0xffff, v6;
	_ =	sdelay $0x5  }
0xc7: {  	v6, _, _ =	vpop (xrf0)  }
0xc8: {  	(v2sf) =	vpush v6, $0xF;
	_ =	sdelay $0xe  }
0xc9: {  	s21 =	spop (v2sf)  }
0xca: {  	s8 =	sxor.u32 $0x80000000, s21  }
0xcb: {  	p4 =	sgt.s32 s21, $0xFFFFFFFF;
	s12 =	sand.u32 $0x7F, s21;
	p5 =	slt.s32 s8, $0x1  }
0xcc: {  	s7 =	sshra.s32 s8, $0x1F;
	p6 =	sne.s32 s12, $0x0;
	p0 =	por p4, p5  }
0xcd: {  	s7 =	sshrl.u32 s7, $0x19;
	p0 =	por !p6, !p0  }
0xce: {  	s6 =	sadd.s32 s7, s21;
	s7 =	simm.s32 $0x1;
	p0 =	por !p0, !p0  }
0xcf: {  	s6 =	sshrl.u32 s6, $0x7;
	s7 =	simm.s32 @!p0 $0x0  }
0xd0: {  	s6 =	ssub.s32 s6, s7  }
0xd1: {  	s6 =	sshll.u32 s6, $0x7  }
0xd2: {  	s6 =	sand.u32 $0x1FFFFF80, s6  }
0xd3: {  	s18 =	simm.s32 $0x8100;
	s6 =	sadd.s32 s0, s6  }
0xd4: {  	[tilespmem:s18], [sflag:$0x6] =	stream.strided.gather [hbm4b:s6+s13], $0x2000, s14, s13, $0x38;
	[tilespmem:$0x1E100] =	vst v63  }
0xd5: {  	v6 =	vld [tilespmem:$0x0];
	_ =	sdelay $0x4  }
0xd6: {  	v6 =	vsel vm5, $0x0, v6  }
0xd7: {  	v6 =	vxor.u32 $0x80000000, v6  }
0xd8: {  	(xrf0) =	vmax.scan.msk.u32 $0xffff, v6;
	_ =	sdelay $0x5  }
0xd9: {  	v6, _, _ =	vpop (xrf0)  }
0xda: {  	(v2sf) =	vpush v6, $0xF;
	_ =	sdelay $0xe  }
0xdb: {  	s19 =	spop (v2sf)  }
0xdc: {  	s20 =	sxor.u32 $0x80000000, s19  }
0xdd: {  	p1 =	sgt.s32 s19, $0xFFFFFFFF;
	s21 =	sand.u32 $0x7F, s19;
	p2 =	slt.s32 s20, $0x1  }
0xde: {  	s7 =	sshra.s32 s20, $0x1F;
	p3 =	sne.s32 s21, $0x0;
	p0 =	por p1, p2  }
0xdf: {  	s7 =	sshrl.u32 s7, $0x19;
	p0 =	por !p3, !p0  }
0xe0: {  	s6 =	sadd.s32 s7, s19;
	s7 =	simm.s32 $0x1;
	p0 =	por !p0, !p0  }
0xe1: {  	s6 =	sshrl.u32 s6, $0x7;
	s7 =	simm.s32 @!p0 $0x0  }
0xe2: {  	s6 =	ssub.s32 s6, s7  }
0xe3: {  	s6 =	sshll.u32 s6, $0x7  }
0xe4: {  	s6 =	sand.u32 $0x1FFFFF80, s6  }
0xe5: {  	s8 =	simm.s32 $0xA100;
	s6 =	sadd.s32 s0, s6  }
0xe6: {  	[tilespmem:s8], [sflag:$0x7] =	stream.strided.gather [hbm4b:s6+s13], $0x2000, s14, s13, $0x38;
	[tilespmem:$0x1E100] =	vst v63  }
0xe7: {  	v6 =	vld [tilespmem:$0x0];
	_ =	sdelay $0x4  }
0xe8: {  	v6 =	vsel vm6, $0x0, v6  }
0xe9: {  	v6 =	vxor.u32 $0x80000000, v6  }
0xea: {  	(xrf0) =	vmax.scan.msk.u32 $0xffff, v6;
	_ =	sdelay $0x5  }
0xeb: {  	v6, _, _ =	vpop (xrf0)  }
0xec: {  	(v2sf) =	vpush v6, $0xF;
	_ =	sdelay $0xe  }
0xed: {  	s12 =	spop (v2sf)  }
0xee: {  	s18 =	sxor.u32 $0x80000000, s12  }
0xef: {  	p4 =	sgt.s32 s12, $0xFFFFFFFF;
	s19 =	sand.u32 $0x7F, s12;
	p5 =	slt.s32 s18, $0x1  }
0xf0: {  	s7 =	sshra.s32 s18, $0x1F;
	p6 =	sne.s32 s19, $0x0;
	p0 =	por p4, p5  }
0xf1: {  	s7 =	sshrl.u32 s7, $0x19;
	p0 =	por !p6, !p0  }
0xf2: {  	s6 =	sadd.s32 s7, s12;
	s7 =	simm.s32 $0x1;
	p0 =	por !p0, !p0  }
0xf3: {  	s6 =	sshrl.u32 s6, $0x7;
	s7 =	simm.s32 @!p0 $0x0  }
0xf4: {  	s6 =	ssub.s32 s6, s7  }
0xf5: {  	s6 =	sshll.u32 s6, $0x7  }
0xf6: {  	s6 =	sand.u32 $0x1FFFFF80, s6  }
0xf7: {  	s20 =	simm.s32 $0xC100;
	s6 =	sadd.s32 s0, s6  }
0xf8: {  	[tilespmem:s20], [sflag:$0x8] =	stream.strided.gather [hbm4b:s6+s13], $0x2000, s14, s13, $0x38;
	[tilespmem:$0x1E100] =	vst v63  }
0xf9: {  	v6 =	vld [tilespmem:$0x0];
	_ =	sdelay $0x4  }
0xfa: {  	v6 =	vsel vm7, $0x0, v6  }
0xfb: {  	v6 =	vxor.u32 $0x80000000, v6  }
0xfc: {  	(xrf0) =	vmax.scan.msk.u32 $0xffff, v6;
	_ =	sdelay $0x5  }
0xfd: {  	v6, _, _ =	vpop (xrf0)  }
0xfe: {  	(v2sf) =	vpush v6, $0xF;
	_ =	sdelay $0xe  }
0xff: {  	s21 =	spop (v2sf)  }
0x100: {  	s8 =	sxor.u32 $0x80000000, s21  }
0x101: {  	p1 =	sgt.s32 s21, $0xFFFFFFFF;
	s12 =	sand.u32 $0x7F, s21;
	p2 =	slt.s32 s8, $0x1  }
0x102: {  	s7 =	sshra.s32 s8, $0x1F;
	p3 =	sne.s32 s12, $0x0;
	p0 =	por p1, p2  }
0x103: {  	s7 =	sshrl.u32 s7, $0x19;
	p0 =	por !p3, !p0  }
0x104: {  	s6 =	sadd.s32 s7, s21;
	s7 =	simm.s32 $0x1;
	p0 =	por !p0, !p0  }
0x105: {  	s6 =	sshrl.u32 s6, $0x7;
	s7 =	simm.s32 @!p0 $0x0  }
0x106: {  	s6 =	ssub.s32 s6, s7  }
0x107: {  	s6 =	sshll.u32 s6, $0x7  }
0x108: {  	s6 =	sand.u32 $0x1FFFFF80, s6  }
0x109: {  	s6 =	sadd.s32 s0, s6  }
0x10a: {  	[tilespmem:s22], [sflag:$0x9] =	stream.strided.gather [hbm4b:s6+s13], $0x2000, s14, s13, $0x38;
	[tilespmem:$0x1E100] =	vst v63  }
0x10b: {  	v6 =	vld [tilespmem:$0x0];
	_ =	sdelay $0x4  }
0x10c: {  	v6 =	vsel vm8, $0x0, v6  }
0x10d: {  	v6 =	vxor.u32 $0x80000000, v6  }
0x10e: {  	(xrf0) =	vmax.scan.msk.u32 $0xffff, v6;
	_ =	sdelay $0x5  }
0x10f: {  	v6, _, _ =	vpop (xrf0)  }
0x110: {  	(v2sf) =	vpush v6, $0xF;
	_ =	sdelay $0xe  }
0x111: {  	s18 =	spop (v2sf)  }
0x112: {  	s19 =	sxor.u32 $0x80000000, s18  }
0x113: {  	p4 =	sgt.s32 s18, $0xFFFFFFFF;
	s20 =	sand.u32 $0x7F, s18;
	p5 =	slt.s32 s19, $0x1  }
0x114: {  	s7 =	sshra.s32 s19, $0x1F;
	p6 =	sne.s32 s20, $0x0;
	p0 =	por p4, p5  }
0x115: {  	s7 =	sshrl.u32 s7, $0x19;
	p0 =	por !p6, !p0  }
0x116: {  	s6 =	sadd.s32 s7, s18;
	s7 =	simm.s32 $0x1;
	p0 =	por !p0, !p0  }
0x117: {  	s6 =	sshrl.u32 s6, $0x7;
	s7 =	simm.s32 @!p0 $0x0  }
0x118: {  	s6 =	ssub.s32 s6, s7  }
0x119: {  	s6 =	sshll.u32 s6, $0x7  }
0x11a: {  	s6 =	sand.u32 $0x1FFFFF80, s6  }
0x11b: {  	s6 =	sadd.s32 s0, s6  }
0x11c: {  	[tilespmem:s23], [sflag:$0xA] =	stream.strided.gather [hbm4b:s6+s13], $0x2000, s14, s13, $0x38;
	[tilespmem:$0x1E100] =	vst v63  }
0x11d: {  	v6 =	vld [tilespmem:$0x0];
	_ =	sdelay $0x4  }
0x11e: {  	v6 =	vsel vm9, $0x0, v6  }
0x11f: {  	v6 =	vxor.u32 $0x80000000, v6  }
0x120: {  	(xrf0) =	vmax.scan.msk.u32 $0xffff, v6;
	_ =	sdelay $0x5  }
0x121: {  	v6, _, _ =	vpop (xrf0)  }
0x122: {  	(v2sf) =	vpush v6, $0xF;
	_ =	sdelay $0xe  }
0x123: {  	s21 =	spop (v2sf)  }
0x124: {  	s8 =	sxor.u32 $0x80000000, s21  }
0x125: {  	p1 =	sgt.s32 s21, $0xFFFFFFFF;
	s12 =	sand.u32 $0x7F, s21;
	p2 =	slt.s32 s8, $0x1  }
0x126: {  	s7 =	sshra.s32 s8, $0x1F;
	p3 =	sne.s32 s12, $0x0;
	p0 =	por p1, p2  }
0x127: {  	s7 =	sshrl.u32 s7, $0x19;
	p0 =	por !p3, !p0  }
0x128: {  	s6 =	sadd.s32 s7, s21;
	s7 =	simm.s32 $0x1;
	p0 =	por !p0, !p0  }
0x129: {  	s6 =	sshrl.u32 s6, $0x7;
	s7 =	simm.s32 @!p0 $0x0  }
0x12a: {  	s6 =	ssub.s32 s6, s7  }
0x12b: {  	s6 =	sshll.u32 s6, $0x7  }
0x12c: {  	s6 =	sand.u32 $0x1FFFFF80, s6  }
0x12d: {  	s6 =	sadd.s32 s0, s6  }
0x12e: {  	[tilespmem:s24], [sflag:$0xB] =	stream.strided.gather [hbm4b:s6+s13], $0x2000, s14, s13, $0x38;
	[tilespmem:$0x1E100] =	vst v63  }
0x12f: {  	v6 =	vld [tilespmem:$0x0];
	_ =	sdelay $0x4  }
0x130: {  	v6 =	vsel vm10, $0x0, v6  }
0x131: {  	v6 =	vxor.u32 $0x80000000, v6  }
0x132: {  	(xrf0) =	vmax.scan.msk.u32 $0xffff, v6;
	_ =	sdelay $0x5  }
0x133: {  	v6, _, _ =	vpop (xrf0)  }
0x134: {  	(v2sf) =	vpush v6, $0xF;
	_ =	sdelay $0xe  }
0x135: {  	s18 =	spop (v2sf)  }
0x136: {  	s19 =	sxor.u32 $0x80000000, s18  }
0x137: {  	p4 =	sgt.s32 s18, $0xFFFFFFFF;
	s20 =	sand.u32 $0x7F, s18;
	p5 =	slt.s32 s19, $0x1  }
0x138: {  	s7 =	sshra.s32 s19, $0x1F;
	p6 =	sne.s32 s20, $0x0;
	p0 =	por p4, p5  }
0x139: {  	s7 =	sshrl.u32 s7, $0x19;
	p0 =	por !p6, !p0  }
0x13a: {  	s6 =	sadd.s32 s7, s18;
	s7 =	simm.s32 $0x1;
	p0 =	por !p0, !p0  }
0x13b: {  	s6 =	sshrl.u32 s6, $0x7;
	s7 =	simm.s32 @!p0 $0x0  }
0x13c: {  	s6 =	ssub.s32 s6, s7  }
0x13d: {  	s6 =	sshll.u32 s6, $0x7  }
0x13e: {  	s6 =	sand.u32 $0x1FFFFF80, s6  }
0x13f: {  	s21 =	simm.s32 $0x1;
	s6 =	sadd.s32 s0, s6  }
0x140: {  	[tilespmem:s25], [sflag:$0xC] =	stream.strided.gather [hbm4b:s6+s13], $0x2000, s14, s13, $0x38;
	[tilespmem:$0x1E100] =	vst v63  }
0x141: {  	_ =	swait.ge [sflag:s21], $0x4000  }
0x142: {  	[sflag:s21] =	ssyncset.done $0x0  }
0x143: {  	s7 =	simm.s32 $0x0;
	[sflag:s21] =	ssyncadd.s32 $0xFFFFC000  }
.LBB2_2:
0x144: {  	_ =	swait.ge [sflag:s26], $0x2000  }
0x145: {  	[sflag:s26] =	ssyncset.done $0x0  }
0x146: {  	s6 =	sand.u32 $0x1F0, s7;
	[sflag:s26] =	ssyncadd.s32 $0xFFFFE000  }
0x147: {  	v6 =	vld [tilespmem:s6+$0x0];
	_ =	sdelay $0x2  }
0x148: {  	s19 =	sand.u32 $0xF, s7  }
0x149: {  	v7 =	vmov s19  }
0x14a: {  	vm13 =	veq.s32 v7, v0;
	v6 =	vxor.u32 $0x80000000, v6  }
0x14b: {  	v6 =	vnsel vm13, $0x80000000, v6  }
0x14c: {  	(xrf0) =	vmax.scan.msk.u32 $0xffff, v6;
	_ =	sdelay $0x5  }
0x14d: {  	v6, _, _ =	vpop (xrf0)  }
0x14e: {  	(v2sf) =	vpush v6, $0xF;
	_ =	sdelay $0xe  }
0x14f: {  	s20 =	spop (v2sf)  }
0x150: {  	s8 =	sxor.u32 $0x80000000, s20  }
0x151: {  	p1 =	sgt.s32 s20, $0xFFFFFFFF;
	s6 =	sand.u32 $0x7F, s20;
	p0 =	slt.s32 s8, $0x1  }
0x152: {  	s12 =	sshra.s32 s8, $0x1F;
	p3 =	sne.s32 s6, $0x0;
	p0 =	por p1, p0  }
0x153: {  	s21 =	sshrl.u32 s12, $0x19;
	p0 =	por !p3, !p0  }
0x154: {  	v6 =	vmov s7;
	s12 =	simm.s32 $0x1;
	s6 =	sadd.s32 s21, s8;
	p0 =	por !p0, !p0  }
0x155: {  	v8 =	vshll.u32 v6, $0x3;
	s6 =	sshrl.u32 s6, $0x7;
	s12 =	simm.s32 @!p0 $0x0  }
0x156: {  	v6 =	vand.u32 $0x7F, v6;
	v8 =	vand.u32 $0xC00, v8;
	s6 =	ssub.s32 s12, s6  }
0x157: {  	v6 =	vor.u32 v6, v8;
	s6 =	sshll.u32 s6, $0x7  }
0x158: {  	v6 =	vadd.s32 v2, v6;
	s6 =	sadd.s32 s8, s6  }
0x159: {  	v9 =	vadd.s32 s6, v1;
	_ =	sdelay $0x3  }
0x15a: {  	v62 =	vld.idx.msk [tilespmem:v6+s11+$0x0], $0xffff  }
0x15b: {  	v61 =	vld.idx.msk [tilespmem:v9+s15+$0x0], $0xffff;
	_ =	sdelay $0x4  }
0x15c: {  	v8 =	vadd.f32 v62, v61  }
0x15d: {  	s12 =	sadd.s32 $0xB, s7  }
0x15e: {  	s8 =	sand.u32 $0x3F0, s12;
	[tilespmem:v6+s28+$0x0] =	vst.idx.msk $0xffff, v8  }
0x15f: {  	v6 =	vld [tilespmem:s8+$0x0];
	_ =	sdelay $0x2  }
0x160: {  	s18 =	sand.u32 $0xF, s12  }
0x161: {  	v63 =	vmov s18  }
0x162: {  	vm13 =	veq.s32 v63, v0;
	v6 =	vxor.u32 $0x80000000, v6  }
0x163: {  	v6 =	vnsel vm13, $0x80000000, v6  }
0x164: {  	(xrf0) =	vmax.scan.msk.u32 $0xffff, v6;
	_ =	sdelay $0x5  }
0x165: {  	v6, _, _ =	vpop (xrf0)  }
0x166: {  	(v2sf) =	vpush v6, $0xF;
	_ =	sdelay $0xe  }
0x167: {  	s19 =	spop (v2sf)  }
0x168: {  	s20 =	sxor.u32 $0x80000000, s19  }
0x169: {  	p4 =	sgt.s32 s19, $0xFFFFFFFF;
	s18 =	sand.u32 $0x7F, s19;
	p5 =	slt.s32 s20, $0x1  }
0x16a: {  	s8 =	sshra.s32 s20, $0x1F;
	p6 =	sne.s32 s18, $0x0;
	p0 =	por p4, p5  }
0x16b: {  	s8 =	sshrl.u32 s8, $0x19;
	p0 =	por !p6, !p0  }
0x16c: {  	s6 =	sadd.s32 s8, s19;
	s8 =	simm.s32 $0x1;
	p0 =	por !p0, !p0  }
0x16d: {  	s6 =	sshrl.u32 s6, $0x7;
	s8 =	simm.s32 @!p0 $0x0  }
0x16e: {  	s6 =	ssub.s32 s6, s8  }
0x16f: {  	s6 =	sshll.u32 s6, $0x7  }
0x170: {  	s6 =	sand.u32 $0x1FFFFF80, s6  }
0x171: {  	s6 =	sadd.s32 s0, s6  }
0x172: {  	[tilespmem:s15], [sflag:$0x2] =	stream.strided.gather [hbm4b:s6+s13], $0x2000, s14, s13, $0x38;
	[tilespmem:$0x1E100] =	vst v63  }
0x173: {  	_ =	swait.ge [sflag:s29], $0x2000  }
0x174: {  	s6 =	sadd.s32 $0x1, s7;
	[sflag:s29] =	ssyncset.done $0x0  }
0x175: {  	s21 =	sand.u32 $0x3F0, s6;
	[sflag:s29] =	ssyncadd.s32 $0xFFFFE000  }
0x176: {  	v6 =	vld [tilespmem:s21+$0x0];
	_ =	sdelay $0x2  }
0x177: {  	s18 =	sand.u32 $0xF, s6  }
0x178: {  	v12 =	vmov s18  }
0x179: {  	vm13 =	veq.s32 v12, v0;
	v6 =	vxor.u32 $0x80000000, v6  }
0x17a: {  	v6 =	vnsel vm13, $0x80000000, v6  }
0x17b: {  	(xrf0) =	vmax.scan.msk.u32 $0xffff, v6;
	_ =	sdelay $0x5  }
0x17c: {  	v6, _, _ =	vpop (xrf0)  }
0x17d: {  	(v2sf) =	vpush v6, $0xF;
	_ =	sdelay $0xe  }
0x17e: {  	s19 =	spop (v2sf)  }
0x17f: {  	s20 =	sxor.u32 $0x80000000, s19  }
0x180: {  	p2 =	sgt.s32 s19, $0xFFFFFFFF;
	s8 =	sand.u32 $0x7F, s19;
	p1 =	slt.s32 s20, $0x1  }
0x181: {  	s19 =	sshra.s32 s20, $0x1F;
	p3 =	sne.s32 s8, $0x0;
	p0 =	por p2, p1  }
0x182: {  	s21 =	sshrl.u32 s19, $0x19;
	p0 =	por !p3, !p0  }
0x183: {  	v6 =	vmov s6;
	s19 =	simm.s32 $0x1;
	s8 =	sadd.s32 s21, s20;
	p0 =	por !p0, !p0  }
0x184: {  	v13 =	vshll.u32 v6, $0x3;
	s8 =	sshrl.u32 s8, $0x7;
	s19 =	simm.s32 @!p0 $0x0  }
0x185: {  	v6 =	vand.u32 $0x7F, v6;
	v8 =	vand.u32 $0x1C00, v13;
	s8 =	ssub.s32 s19, s8  }
0x186: {  	v6 =	vor.u32 v6, v8;
	s8 =	sshll.u32 s8, $0x7  }
0x187: {  	v6 =	vadd.s32 v2, v6;
	s6 =	sadd.s32 s20, s8  }
0x188: {  	v14 =	vadd.s32 s6, v1;
	_ =	sdelay $0x3  }
0x189: {  	v16 =	vld.idx.msk [tilespmem:v6+s11+$0x0], $0xffff  }
0x18a: {  	v15 =	vld.idx.msk [tilespmem:v14+s16+$0x0], $0xffff;
	_ =	sdelay $0x4  }
0x18b: {  	v8 =	vadd.f32 v16, v15  }
0x18c: {  	s19 =	sadd.s32 $0xC, s7  }
0x18d: {  	s20 =	sand.u32 $0x3F0, s19;
	[tilespmem:v6+s28+$0x0] =	vst.idx.msk $0xffff, v8  }
0x18e: {  	v6 =	vld [tilespmem:s20+$0x0];
	_ =	sdelay $0x2  }
0x18f: {  	s6 =	sand.u32 $0xF, s19  }
0x190: {  	v17 =	vmov s6  }
0x191: {  	vm13 =	veq.s32 v17, v0;
	v6 =	vxor.u32 $0x80000000, v6  }
0x192: {  	v6 =	vnsel vm13, $0x80000000, v6  }
0x193: {  	(xrf0) =	vmax.scan.msk.u32 $0xffff, v6;
	_ =	sdelay $0x5  }
0x194: {  	v6, _, _ =	vpop (xrf0)  }
0x195: {  	(v2sf) =	vpush v6, $0xF;
	_ =	sdelay $0xe  }
0x196: {  	s21 =	spop (v2sf)  }
0x197: {  	s19 =	sxor.u32 $0x80000000, s21  }
0x198: {  	p4 =	sgt.s32 s21, $0xFFFFFFFF;
	s20 =	sand.u32 $0x7F, s21;
	p5 =	slt.s32 s19, $0x1  }
0x199: {  	s8 =	sshra.s32 s19, $0x1F;
	p6 =	sne.s32 s20, $0x0;
	p0 =	por p4, p5  }
0x19a: {  	s8 =	sshrl.u32 s8, $0x19;
	p0 =	por !p6, !p0  }
0x19b: {  	s6 =	sadd.s32 s8, s21;
	s8 =	simm.s32 $0x1;
	p0 =	por !p0, !p0  }
0x19c: {  	s6 =	sshrl.u32 s6, $0x7;
	s8 =	simm.s32 @!p0 $0x0  }
0x19d: {  	s6 =	ssub.s32 s6, s8  }
0x19e: {  	s6 =	sshll.u32 s6, $0x7  }
0x19f: {  	s6 =	sand.u32 $0x1FFFFF80, s6  }
0x1a0: {  	s6 =	sadd.s32 s0, s6  }
0x1a1: {  	[tilespmem:s16], [sflag:$0x3] =	stream.strided.gather [hbm4b:s6+s13], $0x2000, s14, s13, $0x38;
	[tilespmem:$0x1E100] =	vst v63  }
0x1a2: {  	_ =	swait.ge [sflag:s30], $0x2000  }
0x1a3: {  	s6 =	sadd.s32 $0x2, s7;
	[sflag:s30] =	ssyncset.done $0x0  }
0x1a4: {  	s21 =	sand.u32 $0x3F0, s6;
	[sflag:s30] =	ssyncadd.s32 $0xFFFFE000  }
0x1a5: {  	v6 =	vld [tilespmem:s21+$0x0];
	_ =	sdelay $0x2  }
0x1a6: {  	s18 =	sand.u32 $0xF, s6  }
0x1a7: {  	v18 =	vmov s18  }
0x1a8: {  	vm13 =	veq.s32 v18, v0;
	v6 =	vxor.u32 $0x80000000, v6  }
0x1a9: {  	v6 =	vnsel vm13, $0x80000000, v6  }
0x1aa: {  	(xrf0) =	vmax.scan.msk.u32 $0xffff, v6;
	_ =	sdelay $0x5  }
0x1ab: {  	v6, _, _ =	vpop (xrf0)  }
0x1ac: {  	(v2sf) =	vpush v6, $0xF;
	_ =	sdelay $0xe  }
0x1ad: {  	s19 =	spop (v2sf)  }
0x1ae: {  	s18 =	sxor.u32 $0x80000000, s19  }
0x1af: {  	p2 =	sgt.s32 s19, $0xFFFFFFFF;
	s8 =	sand.u32 $0x7F, s19;
	p1 =	slt.s32 s18, $0x1  }
0x1b0: {  	s20 =	sshra.s32 s18, $0x1F;
	p3 =	sne.s32 s8, $0x0;
	p0 =	por p2, p1  }
0x1b1: {  	s21 =	sshrl.u32 s20, $0x19;
	p0 =	por !p3, !p0  }
0x1b2: {  	v6 =	vmov s6;
	s19 =	simm.s32 $0x1;
	s8 =	sadd.s32 s21, s18;
	p0 =	por !p0, !p0  }
0x1b3: {  	v19 =	vshll.u32 v6, $0x3;
	s8 =	sshrl.u32 s8, $0x7;
	s19 =	simm.s32 @!p0 $0x0  }
0x1b4: {  	v6 =	vand.u32 $0x7F, v6;
	v8 =	vand.u32 $0x1C00, v19;
	s8 =	ssub.s32 s19, s8  }
0x1b5: {  	v6 =	vor.u32 v6, v8;
	s8 =	sshll.u32 s8, $0x7  }
0x1b6: {  	v6 =	vadd.s32 v2, v6;
	s6 =	sadd.s32 s18, s8  }
0x1b7: {  	v20 =	vadd.s32 s6, v1;
	_ =	sdelay $0x3  }
0x1b8: {  	v22 =	vld.idx.msk [tilespmem:v6+s11+$0x0], $0xffff  }
0x1b9: {  	v21 =	vld.idx.msk [tilespmem:v20+s17+$0x0], $0xffff;
	_ =	sdelay $0x4  }
0x1ba: {  	v8 =	vadd.f32 v22, v21  }
0x1bb: {  	s19 =	sadd.s32 $0xD, s7  }
0x1bc: {  	s20 =	sand.u32 $0x3F0, s19;
	[tilespmem:v6+s28+$0x0] =	vst.idx.msk $0xffff, v8  }
0x1bd: {  	v6 =	vld [tilespmem:s20+$0x0];
	_ =	sdelay $0x2  }
0x1be: {  	s6 =	sand.u32 $0xF, s19  }
0x1bf: {  	v23 =	vmov s6  }
0x1c0: {  	vm13 =	veq.s32 v23, v0;
	v6 =	vxor.u32 $0x80000000, v6  }
0x1c1: {  	v6 =	vnsel vm13, $0x80000000, v6  }
0x1c2: {  	(xrf0) =	vmax.scan.msk.u32 $0xffff, v6;
	_ =	sdelay $0x5  }
0x1c3: {  	v6, _, _ =	vpop (xrf0)  }
0x1c4: {  	(v2sf) =	vpush v6, $0xF;
	_ =	sdelay $0xe  }
0x1c5: {  	s21 =	spop (v2sf)  }
0x1c6: {  	s19 =	sxor.u32 $0x80000000, s21  }
0x1c7: {  	p4 =	sgt.s32 s21, $0xFFFFFFFF;
	s20 =	sand.u32 $0x7F, s21;
	p5 =	slt.s32 s19, $0x1  }
0x1c8: {  	s8 =	sshra.s32 s19, $0x1F;
	p6 =	sne.s32 s20, $0x0;
	p0 =	por p4, p5  }
0x1c9: {  	s8 =	sshrl.u32 s8, $0x19;
	p0 =	por !p6, !p0  }
0x1ca: {  	s6 =	sadd.s32 s8, s21;
	s8 =	simm.s32 $0x1;
	p0 =	por !p0, !p0  }
0x1cb: {  	s6 =	sshrl.u32 s6, $0x7;
	s8 =	simm.s32 @!p0 $0x0  }
0x1cc: {  	s6 =	ssub.s32 s6, s8  }
0x1cd: {  	s6 =	sshll.u32 s6, $0x7  }
0x1ce: {  	s6 =	sand.u32 $0x1FFFFF80, s6  }
0x1cf: {  	s6 =	sadd.s32 s0, s6  }
0x1d0: {  	[tilespmem:s17], [sflag:$0x4] =	stream.strided.gather [hbm4b:s6+s13], $0x2000, s14, s13, $0x38;
	[tilespmem:$0x1E100] =	vst v63  }
0x1d1: {  	_ =	swait.ge [sflag:s31], $0x2000  }
0x1d2: {  	s6 =	sadd.s32 $0x3, s7;
	[sflag:s31] =	ssyncset.done $0x0  }
0x1d3: {  	s21 =	sand.u32 $0x3F0, s6;
	[sflag:s31] =	ssyncadd.s32 $0xFFFFE000  }
0x1d4: {  	v6 =	vld [tilespmem:s21+$0x0];
	_ =	sdelay $0x2  }
0x1d5: {  	s18 =	sand.u32 $0xF, s6  }
0x1d6: {  	v24 =	vmov s18  }
0x1d7: {  	vm13 =	veq.s32 v24, v0;
	v6 =	vxor.u32 $0x80000000, v6  }
0x1d8: {  	v6 =	vnsel vm13, $0x80000000, v6  }
0x1d9: {  	(xrf0) =	vmax.scan.msk.u32 $0xffff, v6;
	_ =	sdelay $0x5  }
0x1da: {  	v6, _, _ =	vpop (xrf0)  }
0x1db: {  	(v2sf) =	vpush v6, $0xF;
	_ =	sdelay $0xe  }
0x1dc: {  	s19 =	spop (v2sf)  }
0x1dd: {  	s18 =	sxor.u32 $0x80000000, s19  }
0x1de: {  	p2 =	sgt.s32 s19, $0xFFFFFFFF;
	s8 =	sand.u32 $0x7F, s19;
	p1 =	slt.s32 s18, $0x1  }
0x1df: {  	s20 =	sshra.s32 s18, $0x1F;
	p3 =	sne.s32 s8, $0x0;
	p0 =	por p2, p1  }
0x1e0: {  	s21 =	sshrl.u32 s20, $0x19;
	p0 =	por !p3, !p0  }
0x1e1: {  	v6 =	vmov s6;
	s19 =	simm.s32 $0x1;
	s8 =	sadd.s32 s21, s18;
	p0 =	por !p0, !p0  }
0x1e2: {  	v25 =	vshll.u32 v6, $0x3;
	s8 =	sshrl.u32 s8, $0x7;
	s19 =	simm.s32 @!p0 $0x0  }
0x1e3: {  	v6 =	vand.u32 $0x7F, v6;
	v8 =	vand.u32 $0x1C00, v25;
	s8 =	ssub.s32 s19, s8  }
0x1e4: {  	v6 =	vor.u32 v6, v8;
	s19 =	sshll.u32 s8, $0x7  }
0x1e5: {  	v6 =	vadd.s32 v2, v6;
	s6 =	sadd.s32 s18, s19  }
0x1e6: {  	v26 =	vadd.s32 s6, v1;
	_ =	sdelay $0x3  }
0x1e7: {  	v28 =	vld.idx.msk [tilespmem:v6+s11+$0x0], $0xffff;
	s20 =	simm.s32 $0x6100  }
0x1e8: {  	v27 =	vld.idx.msk [tilespmem:v26+s20+$0x0], $0xffff;
	_ =	sdelay $0x4  }
0x1e9: {  	p0 =	seq.s32 s7, $0xF2;
	v8 =	vadd.f32 v28, v27  }
0x1ea: {  	s6 =	sadd.s32 @!p0 $0xE, s7  }
0x1eb: {  	s8 =	sand.u32 @!p0 $0x3F0, s6;
	[tilespmem:v6+s28+$0x0] =	vst.idx.msk $0xffff, v8  }
0x1ec: {  	v8 =	vld @!p0 [tilespmem:s8+$0x0];
	_ =	sdelay $0x2  }
0x1ed: {  	s6 =	sand.u32 @!p0 $0xF, s6  }
0x1ee: {  	v9 =	vmov @!p0 s6;
	v6 =	vlaneseq.u32 @!p0  }
0x1ef: {  	vm13 =	veq.s32 @!p0 v9, v6;
	v8 =	vxor.u32 @!p0 $0x80000000, v8  }
0x1f0: {  	v8 =	vnsel @!p0 vm13, $0x80000000, v8  }
0x1f1: {  	(xrf0) =	vmax.scan.msk.u32 @!p0 $0xffff, v8;
	_ =	sdelay $0x5  }
0x1f2: {  	v8, _, _ =	vpop @!p0 (xrf0)  }
0x1f3: {  	(v2sf) =	vpush @!p0 v8, $0xF;
	_ =	sdelay $0xe  }
0x1f4: {  	s6 =	spop @!p0 (v2sf)  }
0x1f5: {  	s8 =	sxor.u32 @!p0 $0x80000000, s6  }
0x1f6: {  	p1 =	sgt.s32 @!p0 s6, $0xFFFFFFFF;
	s18 =	sand.u32 @!p0 $0x7F, s6;
	p2 =	slt.s32 @!p0 s8, $0x1  }
0x1f7: {  	p1 =	por @!p0 p1, p2;
	p2 =	sne.s32 @!p0 s18, $0x0  }
0x1f8: {  	s8 =	sshra.s32 @!p0 s8, $0x1F;
	p1 =	por @!p0 !p2, !p1  }
0x1f9: {  	s8 =	sshrl.u32 @!p0 s8, $0x19;
	p1 =	por @!p0 !p1, !p1  }
0x1fa: {  	s6 =	sadd.s32 @!p0 s8, s6;
	s8 =	simm.s32 @!p0 $0x1;
	p1 =	por !p1, p0  }
0x1fb: {  	s6 =	sshrl.u32 @!p0 s6, $0x7;
	s8 =	simm.s32 @p1 $0x0  }
0x1fc: {  	s6 =	ssub.s32 @!p0 s6, s8  }
0x1fd: {  	s6 =	sshll.u32 @!p0 s6, $0x7  }
0x1fe: {  	s19 =	simm.s32 @!p0 $0x6100;
	s6 =	sand.u32 @!p0 $0x1FFFFF80, s6  }
0x1ff: {  	s8 =	simm.s32 @!p0 $0x400;
	s18 =	sadd.s32 @!p0 s0, s6;
	s6 =	simm.s32 @!p0 $0x7A1400  }
0x200: {  	[tilespmem:s19], [sflag:$0x5] =	stream.strided.gather @!p0 [hbm4b:s18+s8], $0x2000, s6, s8, $0x38;
	[tilespmem:$0x1E100] =	vst v63  }
0x201: {  	_ =	swait.ge [sflag:s1], $0x2000  }
0x202: {  	s18 =	sadd.s32 $0x4, s7;
	[sflag:s1] =	ssyncset.done $0x0  }
0x203: {  	s21 =	sand.u32 $0x3F0, s18;
	[sflag:s1] =	ssyncadd.s32 $0xFFFFE000  }
0x204: {  	v29 =	vld [tilespmem:s21+$0x0];
	_ =	sdelay $0x2  }
0x205: {  	s20 =	sand.u32 $0xF, s18  }
0x206: {  	v30 =	vmov s20  }
0x207: {  	vm13 =	veq.s32 v30, v0;
	v8 =	vxor.u32 $0x80000000, v29  }
0x208: {  	v8 =	vnsel vm13, $0x80000000, v8  }
0x209: {  	(xrf0) =	vmax.scan.msk.u32 $0xffff, v8;
	_ =	sdelay $0x5  }
0x20a: {  	v8, _, _ =	vpop (xrf0)  }
0x20b: {  	(v2sf) =	vpush v8, $0xF;
	_ =	sdelay $0xe  }
0x20c: {  	s21 =	spop (v2sf)  }
0x20d: {  	s20 =	sxor.u32 $0x80000000, s21  }
0x20e: {  	p5 =	sgt.s32 s21, $0xFFFFFFFF;
	s19 =	sand.u32 $0x7F, s21;
	p4 =	slt.s32 s20, $0x1  }
0x20f: {  	s21 =	sshra.s32 s20, $0x1F;
	p6 =	sne.s32 s19, $0x0;
	p1 =	por p5, p4  }
0x210: {  	s21 =	sshrl.u32 s21, $0x19;
	p1 =	por !p6, !p1  }
0x211: {  	v31 =	vmov s18;
	s19 =	sadd.s32 s21, s20;
	s21 =	simm.s32 $0x1;
	p1 =	por !p1, !p1  }
0x212: {  	v32 =	vshll.u32 v31, $0x3;
	s19 =	sshrl.u32 s19, $0x7;
	s21 =	simm.s32 @!p1 $0x0  }
0x213: {  	v9 =	vand.u32 $0x1C00, v32;
	v8 =	vand.u32 $0x7F, v31;
	s19 =	ssub.s32 s21, s19  }
0x214: {  	v8 =	vor.u32 v8, v9;
	s19 =	sshll.u32 s19, $0x7  }
0x215: {  	v8 =	vadd.s32 v2, v8;
	s18 =	sadd.s32 s20, s19  }
0x216: {  	v10 =	vadd.s32 s18, v1;
	_ =	sdelay $0x3  }
0x217: {  	v34 =	vld.idx.msk [tilespmem:v8+s11+$0x0], $0xffff;
	s20 =	simm.s32 $0x8100  }
0x218: {  	v33 =	vld.idx.msk [tilespmem:v10+s20+$0x0], $0xffff;
	_ =	sdelay $0x4  }
0x219: {  	v9 =	vadd.f32 v34, v33  }
0x21a: {  	s18 =	sadd.s32 @!p0 $0xF, s7  }
0x21b: {  	s19 =	sand.u32 @!p0 $0x3F0, s18;
	[tilespmem:v8+s28+$0x0] =	vst.idx.msk $0xffff, v9  }
0x21c: {  	v8 =	vld @!p0 [tilespmem:s19+$0x0];
	_ =	sdelay $0x2  }
0x21d: {  	s18 =	sand.u32 @!p0 $0xF, s18  }
0x21e: {  	v9 =	vmov @!p0 s18  }
0x21f: {  	vm13 =	veq.s32 @!p0 v9, v6;
	v8 =	vxor.u32 @!p0 $0x80000000, v8  }
0x220: {  	v8 =	vnsel @!p0 vm13, $0x80000000, v8  }
0x221: {  	(xrf0) =	vmax.scan.msk.u32 @!p0 $0xffff, v8;
	_ =	sdelay $0x5  }
0x222: {  	v8, _, _ =	vpop @!p0 (xrf0)  }
0x223: {  	(v2sf) =	vpush @!p0 v8, $0xF;
	_ =	sdelay $0xe  }
0x224: {  	s18 =	spop @!p0 (v2sf)  }
0x225: {  	s19 =	sxor.u32 @!p0 $0x80000000, s18  }
0x226: {  	p1 =	sgt.s32 @!p0 s18, $0xFFFFFFFF;
	s20 =	sand.u32 @!p0 $0x7F, s18;
	p2 =	slt.s32 @!p0 s19, $0x1  }
0x227: {  	p1 =	por @!p0 p1, p2;
	p2 =	sne.s32 @!p0 s20, $0x0  }
0x228: {  	s19 =	sshra.s32 @!p0 s19, $0x1F;
	p1 =	por @!p0 !p2, !p1  }
0x229: {  	s19 =	sshrl.u32 @!p0 s19, $0x19;
	p1 =	por @!p0 !p1, !p1  }
0x22a: {  	s18 =	sadd.s32 @!p0 s19, s18;
	s19 =	simm.s32 @!p0 $0x1;
	p1 =	por !p1, p0  }
0x22b: {  	s18 =	sshrl.u32 @!p0 s18, $0x7;
	s19 =	simm.s32 @p1 $0x0  }
0x22c: {  	s18 =	ssub.s32 @!p0 s18, s19  }
0x22d: {  	s18 =	sshll.u32 @!p0 s18, $0x7  }
0x22e: {  	s18 =	sand.u32 @!p0 $0x1FFFFF80, s18  }
0x22f: {  	s19 =	simm.s32 @!p0 $0x8100;
	s18 =	sadd.s32 @!p0 s0, s18  }
0x230: {  	[tilespmem:s19], [sflag:$0x6] =	stream.strided.gather @!p0 [hbm4b:s18+s8], $0x2000, s6, s8, $0x38;
	[tilespmem:$0x1E100] =	vst v63  }
0x231: {  	_ =	swait.ge [sflag:s2], $0x2000  }
0x232: {  	s18 =	sadd.s32 $0x5, s7;
	[sflag:s2] =	ssyncset.done $0x0  }
0x233: {  	s21 =	sand.u32 $0x3F0, s18;
	[sflag:s2] =	ssyncadd.s32 $0xFFFFE000  }
0x234: {  	v35 =	vld [tilespmem:s21+$0x0];
	_ =	sdelay $0x2  }
0x235: {  	s20 =	sand.u32 $0xF, s18  }
0x236: {  	v36 =	vmov s20  }
0x237: {  	vm13 =	veq.s32 v36, v0;
	v8 =	vxor.u32 $0x80000000, v35  }
0x238: {  	v8 =	vnsel vm13, $0x80000000, v8  }
0x239: {  	(xrf0) =	vmax.scan.msk.u32 $0xffff, v8;
	_ =	sdelay $0x5  }
0x23a: {  	v8, _, _ =	vpop (xrf0)  }
0x23b: {  	(v2sf) =	vpush v8, $0xF;
	_ =	sdelay $0xe  }
0x23c: {  	s21 =	spop (v2sf)  }
0x23d: {  	s20 =	sxor.u32 $0x80000000, s21  }
0x23e: {  	p3 =	sgt.s32 s21, $0xFFFFFFFF;
	s19 =	sand.u32 $0x7F, s21;
	p2 =	slt.s32 s20, $0x1  }
0x23f: {  	s21 =	sshra.s32 s20, $0x1F;
	p4 =	sne.s32 s19, $0x0;
	p1 =	por p3, p2  }
0x240: {  	s21 =	sshrl.u32 s21, $0x19;
	p1 =	por !p4, !p1  }
0x241: {  	v37 =	vmov s18;
	s19 =	sadd.s32 s21, s20;
	s21 =	simm.s32 $0x1;
	p1 =	por !p1, !p1  }
0x242: {  	v38 =	vshll.u32 v37, $0x3;
	s19 =	sshrl.u32 s19, $0x7;
	s21 =	simm.s32 @!p1 $0x0  }
0x243: {  	v9 =	vand.u32 $0x1C00, v38;
	v8 =	vand.u32 $0x7F, v37;
	s19 =	ssub.s32 s21, s19  }
0x244: {  	v8 =	vor.u32 v8, v9;
	s19 =	sshll.u32 s19, $0x7  }
0x245: {  	v8 =	vadd.s32 v2, v8;
	s18 =	sadd.s32 s20, s19  }
0x246: {  	v39 =	vadd.s32 s18, v1;
	_ =	sdelay $0x3  }
0x247: {  	v41 =	vld.idx.msk [tilespmem:v8+s11+$0x0], $0xffff;
	s20 =	simm.s32 $0xA100  }
0x248: {  	v40 =	vld.idx.msk [tilespmem:v39+s20+$0x0], $0xffff;
	_ =	sdelay $0x4  }
0x249: {  	v9 =	vadd.f32 v41, v40  }
0x24a: {  	s18 =	sadd.s32 @!p0 $0x10, s7  }
0x24b: {  	s18 =	sand.u32 @!p0 $0x3F0, s18;
	[tilespmem:v8+s28+$0x0] =	vst.idx.msk $0xffff, v9  }
0x24c: {  	v8 =	vld @!p0 [tilespmem:s18+$0x0];
	_ =	sdelay $0x4  }
0x24d: {  	vm13 =	veq.s32 @!p0 v7, v6;
	v7 =	vxor.u32 @!p0 $0x80000000, v8  }
0x24e: {  	v7 =	vnsel @!p0 vm13, $0x80000000, v7  }
0x24f: {  	(xrf0) =	vmax.scan.msk.u32 @!p0 $0xffff, v7;
	_ =	sdelay $0x5  }
0x250: {  	v7, _, _ =	vpop @!p0 (xrf0)  }
0x251: {  	(v2sf) =	vpush @!p0 v7, $0xF;
	_ =	sdelay $0xe  }
0x252: {  	s18 =	spop @!p0 (v2sf)  }
0x253: {  	s19 =	sxor.u32 @!p0 $0x80000000, s18  }
0x254: {  	p1 =	sgt.s32 @!p0 s18, $0xFFFFFFFF;
	s20 =	sand.u32 @!p0 $0x7F, s18;
	p2 =	slt.s32 @!p0 s19, $0x1  }
0x255: {  	p1 =	por @!p0 p1, p2;
	p2 =	sne.s32 @!p0 s20, $0x0  }
0x256: {  	s19 =	sshra.s32 @!p0 s19, $0x1F;
	p1 =	por @!p0 !p2, !p1  }
0x257: {  	s19 =	sshrl.u32 @!p0 s19, $0x19;
	p1 =	por @!p0 !p1, !p1  }
0x258: {  	s18 =	sadd.s32 @!p0 s19, s18;
	s19 =	simm.s32 @!p0 $0x1;
	p1 =	por !p1, p0  }
0x259: {  	s18 =	sshrl.u32 @!p0 s18, $0x7;
	s19 =	simm.s32 @p1 $0x0  }
0x25a: {  	s18 =	ssub.s32 @!p0 s18, s19  }
0x25b: {  	s18 =	sshll.u32 @!p0 s18, $0x7  }
0x25c: {  	s18 =	sand.u32 @!p0 $0x1FFFFF80, s18  }
0x25d: {  	s19 =	simm.s32 @!p0 $0xA100;
	s18 =	sadd.s32 @!p0 s0, s18  }
0x25e: {  	[tilespmem:s19], [sflag:$0x7] =	stream.strided.gather @!p0 [hbm4b:s18+s8], $0x2000, s6, s8, $0x38;
	[tilespmem:$0x1E100] =	vst v63  }
0x25f: {  	_ =	swait.ge [sflag:s3], $0x2000  }
0x260: {  	s18 =	sadd.s32 $0x6, s7;
	[sflag:s3] =	ssyncset.done $0x0  }
0x261: {  	s21 =	sand.u32 $0x3F0, s18;
	[sflag:s3] =	ssyncadd.s32 $0xFFFFE000  }
0x262: {  	v7 =	vld [tilespmem:s21+$0x0];
	_ =	sdelay $0x2  }
0x263: {  	s20 =	sand.u32 $0xF, s18  }
0x264: {  	v42 =	vmov s20  }
0x265: {  	vm13 =	veq.s32 v42, v0;
	v7 =	vxor.u32 $0x80000000, v7  }
0x266: {  	v7 =	vnsel vm13, $0x80000000, v7  }
0x267: {  	(xrf0) =	vmax.scan.msk.u32 $0xffff, v7;
	_ =	sdelay $0x5  }
0x268: {  	v7, _, _ =	vpop (xrf0)  }
0x269: {  	(v2sf) =	vpush v7, $0xF;
	_ =	sdelay $0xe  }
0x26a: {  	s21 =	spop (v2sf)  }
0x26b: {  	s20 =	sxor.u32 $0x80000000, s21  }
0x26c: {  	p6 =	sgt.s32 s21, $0xFFFFFFFF;
	s19 =	sand.u32 $0x7F, s21;
	p5 =	slt.s32 s20, $0x1  }
0x26d: {  	s21 =	sshra.s32 s20, $0x1F;
	p3 =	sne.s32 s19, $0x0;
	p1 =	por p6, p5  }
0x26e: {  	s21 =	sshrl.u32 s21, $0x19;
	p1 =	por !p3, !p1  }
0x26f: {  	v7 =	vmov s18;
	s19 =	sadd.s32 s21, s20;
	s21 =	simm.s32 $0x1;
	p1 =	por !p1, !p1  }
0x270: {  	v43 =	vshll.u32 v7, $0x3;
	s19 =	sshrl.u32 s19, $0x7;
	s21 =	simm.s32 @!p1 $0x0  }
0x271: {  	v7 =	vand.u32 $0x7F, v7;
	v8 =	vand.u32 $0x1C00, v43;
	s19 =	ssub.s32 s21, s19  }
0x272: {  	v7 =	vor.u32 v7, v8;
	s19 =	sshll.u32 s19, $0x7  }
0x273: {  	v7 =	vadd.s32 v2, v7;
	s18 =	sadd.s32 s20, s19  }
0x274: {  	v44 =	vadd.s32 s18, v1;
	_ =	sdelay $0x3  }
0x275: {  	v46 =	vld.idx.msk [tilespmem:v7+s11+$0x0], $0xffff;
	s20 =	simm.s32 $0xC100  }
0x276: {  	v45 =	vld.idx.msk [tilespmem:v44+s20+$0x0], $0xffff;
	_ =	sdelay $0x4  }
0x277: {  	v8 =	vadd.f32 v46, v45  }
0x278: {  	s18 =	sadd.s32 @!p0 $0x11, s7  }
0x279: {  	s19 =	sand.u32 @!p0 $0x3F0, s18;
	[tilespmem:v7+s28+$0x0] =	vst.idx.msk $0xffff, v8  }
0x27a: {  	v7 =	vld @!p0 [tilespmem:s19+$0x0];
	_ =	sdelay $0x2  }
0x27b: {  	s18 =	sand.u32 @!p0 $0xF, s18  }
0x27c: {  	v8 =	vmov @!p0 s18  }
0x27d: {  	vm13 =	veq.s32 @!p0 v8, v6;
	v7 =	vxor.u32 @!p0 $0x80000000, v7  }
0x27e: {  	v7 =	vnsel @!p0 vm13, $0x80000000, v7  }
0x27f: {  	(xrf0) =	vmax.scan.msk.u32 @!p0 $0xffff, v7;
	_ =	sdelay $0x5  }
0x280: {  	v7, _, _ =	vpop @!p0 (xrf0)  }
0x281: {  	(v2sf) =	vpush @!p0 v7, $0xF;
	_ =	sdelay $0xe  }
0x282: {  	s18 =	spop @!p0 (v2sf)  }
0x283: {  	s19 =	sxor.u32 @!p0 $0x80000000, s18  }
0x284: {  	p1 =	sgt.s32 @!p0 s18, $0xFFFFFFFF;
	s20 =	sand.u32 @!p0 $0x7F, s18;
	p2 =	slt.s32 @!p0 s19, $0x1  }
0x285: {  	p1 =	por @!p0 p1, p2;
	p2 =	sne.s32 @!p0 s20, $0x0  }
0x286: {  	s19 =	sshra.s32 @!p0 s19, $0x1F;
	p1 =	por @!p0 !p2, !p1  }
0x287: {  	s19 =	sshrl.u32 @!p0 s19, $0x19;
	p1 =	por @!p0 !p1, !p1  }
0x288: {  	s18 =	sadd.s32 @!p0 s19, s18;
	s19 =	simm.s32 @!p0 $0x1;
	p1 =	por !p1, p0  }
0x289: {  	s18 =	sshrl.u32 @!p0 s18, $0x7;
	s19 =	simm.s32 @p1 $0x0  }
0x28a: {  	s18 =	ssub.s32 @!p0 s18, s19  }
0x28b: {  	s18 =	sshll.u32 @!p0 s18, $0x7  }
0x28c: {  	s18 =	sand.u32 @!p0 $0x1FFFFF80, s18  }
0x28d: {  	s19 =	simm.s32 @!p0 $0xC100;
	s18 =	sadd.s32 @!p0 s0, s18  }
0x28e: {  	[tilespmem:s19], [sflag:$0x8] =	stream.strided.gather @!p0 [hbm4b:s18+s8], $0x2000, s6, s8, $0x38;
	[tilespmem:$0x1E100] =	vst v63  }
0x28f: {  	_ =	swait.ge [sflag:s9], $0x2000  }
0x290: {  	s18 =	sadd.s32 $0x7, s7;
	[sflag:s9] =	ssyncset.done $0x0  }
0x291: {  	s21 =	sand.u32 $0x3F0, s18;
	[sflag:s9] =	ssyncadd.s32 $0xFFFFE000  }
0x292: {  	v7 =	vld [tilespmem:s21+$0x0];
	_ =	sdelay $0x2  }
0x293: {  	s20 =	sand.u32 $0xF, s18  }
0x294: {  	v47 =	vmov s20  }
0x295: {  	vm13 =	veq.s32 v47, v0;
	v7 =	vxor.u32 $0x80000000, v7  }
0x296: {  	v7 =	vnsel vm13, $0x80000000, v7  }
0x297: {  	(xrf0) =	vmax.scan.msk.u32 $0xffff, v7;
	_ =	sdelay $0x5  }
0x298: {  	v7, _, _ =	vpop (xrf0)  }
0x299: {  	(v2sf) =	vpush v7, $0xF;
	_ =	sdelay $0xe  }
0x29a: {  	s21 =	spop (v2sf)  }
0x29b: {  	s20 =	sxor.u32 $0x80000000, s21  }
0x29c: {  	p5 =	sgt.s32 s21, $0xFFFFFFFF;
	s19 =	sand.u32 $0x7F, s21;
	p4 =	slt.s32 s20, $0x1  }
0x29d: {  	s21 =	sshra.s32 s20, $0x1F;
	p6 =	sne.s32 s19, $0x0;
	p1 =	por p5, p4  }
0x29e: {  	s21 =	sshrl.u32 s21, $0x19;
	p1 =	por !p6, !p1  }
0x29f: {  	v7 =	vmov s18;
	s19 =	sadd.s32 s21, s20;
	s21 =	simm.s32 $0x1;
	p1 =	por !p1, !p1  }
0x2a0: {  	v48 =	vshll.u32 v7, $0x3;
	s19 =	sshrl.u32 s19, $0x7;
	s21 =	simm.s32 @!p1 $0x0  }
0x2a1: {  	v7 =	vand.u32 $0x7F, v7;
	v8 =	vand.u32 $0x1C00, v48;
	s19 =	ssub.s32 s21, s19  }
0x2a2: {  	v7 =	vor.u32 v7, v8;
	s19 =	sshll.u32 s19, $0x7  }
0x2a3: {  	v7 =	vadd.s32 v2, v7;
	s18 =	sadd.s32 s20, s19  }
0x2a4: {  	v49 =	vadd.s32 s18, v1;
	_ =	sdelay $0x3  }
0x2a5: {  	v51 =	vld.idx.msk [tilespmem:v7+s11+$0x0], $0xffff  }
0x2a6: {  	v50 =	vld.idx.msk [tilespmem:v49+s22+$0x0], $0xffff;
	_ =	sdelay $0x4  }
0x2a7: {  	v8 =	vadd.f32 v51, v50  }
0x2a8: {  	s18 =	sadd.s32 @!p0 $0x12, s7  }
0x2a9: {  	s19 =	sand.u32 @!p0 $0x3F0, s18;
	[tilespmem:v7+s28+$0x0] =	vst.idx.msk $0xffff, v8  }
0x2aa: {  	v7 =	vld @!p0 [tilespmem:s19+$0x0];
	_ =	sdelay $0x2  }
0x2ab: {  	s18 =	sand.u32 @!p0 $0xF, s18  }
0x2ac: {  	v8 =	vmov @!p0 s18  }
0x2ad: {  	vm13 =	veq.s32 @!p0 v8, v6;
	v7 =	vxor.u32 @!p0 $0x80000000, v7  }
0x2ae: {  	v7 =	vnsel @!p0 vm13, $0x80000000, v7  }
0x2af: {  	(xrf0) =	vmax.scan.msk.u32 @!p0 $0xffff, v7;
	_ =	sdelay $0x5  }
0x2b0: {  	v7, _, _ =	vpop @!p0 (xrf0)  }
0x2b1: {  	(v2sf) =	vpush @!p0 v7, $0xF;
	_ =	sdelay $0xe  }
0x2b2: {  	s18 =	spop @!p0 (v2sf)  }
0x2b3: {  	s19 =	sxor.u32 @!p0 $0x80000000, s18  }
0x2b4: {  	p1 =	sgt.s32 @!p0 s18, $0xFFFFFFFF;
	s20 =	sand.u32 @!p0 $0x7F, s18;
	p2 =	slt.s32 @!p0 s19, $0x1  }
0x2b5: {  	p1 =	por @!p0 p1, p2;
	p2 =	sne.s32 @!p0 s20, $0x0  }
0x2b6: {  	s19 =	sshra.s32 @!p0 s19, $0x1F;
	p1 =	por @!p0 !p2, !p1  }
0x2b7: {  	s19 =	sshrl.u32 @!p0 s19, $0x19;
	p1 =	por @!p0 !p1, !p1  }
0x2b8: {  	s18 =	sadd.s32 @!p0 s19, s18;
	s19 =	simm.s32 @!p0 $0x1;
	p1 =	por !p1, p0  }
0x2b9: {  	s18 =	sshrl.u32 @!p0 s18, $0x7;
	s19 =	simm.s32 @p1 $0x0  }
0x2ba: {  	s18 =	ssub.s32 @!p0 s18, s19  }
0x2bb: {  	s18 =	sshll.u32 @!p0 s18, $0x7  }
0x2bc: {  	s18 =	sand.u32 @!p0 $0x1FFFFF80, s18  }
0x2bd: {  	s19 =	simm.s32 @!p0 $0xE100;
	s18 =	sadd.s32 @!p0 s0, s18  }
0x2be: {  	[tilespmem:s19], [sflag:$0x9] =	stream.strided.gather @!p0 [hbm4b:s18+s8], $0x2000, s6, s8, $0x38;
	[tilespmem:$0x1E100] =	vst v63  }
0x2bf: {  	_ =	swait.ge [sflag:s10], $0x2000  }
0x2c0: {  	s18 =	sadd.s32 $0x8, s7;
	[sflag:s10] =	ssyncset.done $0x0  }
0x2c1: {  	s21 =	sand.u32 $0x3F0, s18;
	[sflag:s10] =	ssyncadd.s32 $0xFFFFE000  }
0x2c2: {  	v7 =	vld [tilespmem:s21+$0x0];
	_ =	sdelay $0x2  }
0x2c3: {  	s20 =	sand.u32 $0xF, s18  }
0x2c4: {  	v52 =	vmov s20  }
0x2c5: {  	vm13 =	veq.s32 v52, v0;
	v7 =	vxor.u32 $0x80000000, v7  }
0x2c6: {  	v7 =	vnsel vm13, $0x80000000, v7  }
0x2c7: {  	(xrf0) =	vmax.scan.msk.u32 $0xffff, v7;
	_ =	sdelay $0x5  }
0x2c8: {  	v7, _, _ =	vpop (xrf0)  }
0x2c9: {  	(v2sf) =	vpush v7, $0xF;
	_ =	sdelay $0xe  }
0x2ca: {  	s21 =	spop (v2sf)  }
0x2cb: {  	s20 =	sxor.u32 $0x80000000, s21  }
0x2cc: {  	p3 =	sgt.s32 s21, $0xFFFFFFFF;
	s19 =	sand.u32 $0x7F, s21;
	p2 =	slt.s32 s20, $0x1  }
0x2cd: {  	s21 =	sshra.s32 s20, $0x1F;
	p4 =	sne.s32 s19, $0x0;
	p1 =	por p3, p2  }
0x2ce: {  	s21 =	sshrl.u32 s21, $0x19;
	p1 =	por !p4, !p1  }
0x2cf: {  	v7 =	vmov s18;
	s19 =	sadd.s32 s21, s20;
	s21 =	simm.s32 $0x1;
	p1 =	por !p1, !p1  }
0x2d0: {  	v53 =	vshll.u32 v7, $0x3;
	s19 =	sshrl.u32 s19, $0x7;
	s21 =	simm.s32 @!p1 $0x0  }
0x2d1: {  	v7 =	vand.u32 $0x7F, v7;
	v8 =	vand.u32 $0x1C00, v53;
	s19 =	ssub.s32 s21, s19  }
0x2d2: {  	v7 =	vor.u32 v7, v8;
	s19 =	sshll.u32 s19, $0x7  }
0x2d3: {  	v7 =	vadd.s32 v2, v7;
	s18 =	sadd.s32 s20, s19  }
0x2d4: {  	v54 =	vadd.s32 s18, v1;
	_ =	sdelay $0x3  }
0x2d5: {  	v56 =	vld.idx.msk [tilespmem:v7+s11+$0x0], $0xffff  }
0x2d6: {  	v55 =	vld.idx.msk [tilespmem:v54+s23+$0x0], $0xffff;
	_ =	sdelay $0x4  }
0x2d7: {  	v8 =	vadd.f32 v56, v55  }
0x2d8: {  	s18 =	sadd.s32 @!p0 $0x13, s7  }
0x2d9: {  	s19 =	sand.u32 @!p0 $0x3F0, s18;
	[tilespmem:v7+s28+$0x0] =	vst.idx.msk $0xffff, v8  }
0x2da: {  	v7 =	vld @!p0 [tilespmem:s19+$0x0];
	_ =	sdelay $0x2  }
0x2db: {  	s18 =	sand.u32 @!p0 $0xF, s18  }
0x2dc: {  	v8 =	vmov @!p0 s18  }
0x2dd: {  	vm13 =	veq.s32 @!p0 v8, v6;
	v7 =	vxor.u32 @!p0 $0x80000000, v7  }
0x2de: {  	v7 =	vnsel @!p0 vm13, $0x80000000, v7  }
0x2df: {  	(xrf0) =	vmax.scan.msk.u32 @!p0 $0xffff, v7;
	_ =	sdelay $0x5  }
0x2e0: {  	v7, _, _ =	vpop @!p0 (xrf0)  }
0x2e1: {  	(v2sf) =	vpush @!p0 v7, $0xF;
	_ =	sdelay $0xe  }
0x2e2: {  	s18 =	spop @!p0 (v2sf)  }
0x2e3: {  	s19 =	sxor.u32 @!p0 $0x80000000, s18  }
0x2e4: {  	p1 =	sgt.s32 @!p0 s18, $0xFFFFFFFF;
	s20 =	sand.u32 @!p0 $0x7F, s18;
	p2 =	slt.s32 @!p0 s19, $0x1  }
0x2e5: {  	p1 =	por @!p0 p1, p2;
	p2 =	sne.s32 @!p0 s20, $0x0  }
0x2e6: {  	s19 =	sshra.s32 @!p0 s19, $0x1F;
	p1 =	por @!p0 !p2, !p1  }
0x2e7: {  	s19 =	sshrl.u32 @!p0 s19, $0x19;
	p1 =	por @!p0 !p1, !p1  }
0x2e8: {  	s18 =	sadd.s32 @!p0 s19, s18;
	s19 =	simm.s32 @!p0 $0x1;
	p1 =	por !p1, p0  }
0x2e9: {  	s18 =	sshrl.u32 @!p0 s18, $0x7;
	s19 =	simm.s32 @p1 $0x0  }
0x2ea: {  	s18 =	ssub.s32 @!p0 s18, s19  }
0x2eb: {  	s18 =	sshll.u32 @!p0 s18, $0x7  }
0x2ec: {  	s18 =	sand.u32 @!p0 $0x1FFFFF80, s18  }
0x2ed: {  	s19 =	simm.s32 @!p0 $0x10100;
	s18 =	sadd.s32 @!p0 s0, s18  }
0x2ee: {  	[tilespmem:s19], [sflag:$0xA] =	stream.strided.gather @!p0 [hbm4b:s18+s8], $0x2000, s6, s8, $0x38;
	[tilespmem:$0x1E100] =	vst v63  }
0x2ef: {  	_ =	swait.ge [sflag:s4], $0x2000  }
0x2f0: {  	s18 =	sadd.s32 $0x9, s7;
	[sflag:s4] =	ssyncset.done $0x0  }
0x2f1: {  	s21 =	sand.u32 $0x3F0, s18;
	[sflag:s4] =	ssyncadd.s32 $0xFFFFE000  }
0x2f2: {  	v7 =	vld [tilespmem:s21+$0x0];
	_ =	sdelay $0x2  }
0x2f3: {  	s20 =	sand.u32 $0xF, s18  }
0x2f4: {  	v57 =	vmov s20  }
0x2f5: {  	vm13 =	veq.s32 v57, v0;
	v7 =	vxor.u32 $0x80000000, v7  }
0x2f6: {  	v7 =	vnsel vm13, $0x80000000, v7  }
0x2f7: {  	(xrf0) =	vmax.scan.msk.u32 $0xffff, v7;
	_ =	sdelay $0x5  }
0x2f8: {  	v7, _, _ =	vpop (xrf0)  }
0x2f9: {  	(v2sf) =	vpush v7, $0xF;
	_ =	sdelay $0xe  }
0x2fa: {  	s21 =	spop (v2sf)  }
0x2fb: {  	s20 =	sxor.u32 $0x80000000, s21  }
0x2fc: {  	p6 =	sgt.s32 s21, $0xFFFFFFFF;
	s19 =	sand.u32 $0x7F, s21;
	p5 =	slt.s32 s20, $0x1  }
0x2fd: {  	s21 =	sshra.s32 s20, $0x1F;
	p3 =	sne.s32 s19, $0x0;
	p1 =	por p6, p5  }
0x2fe: {  	s21 =	sshrl.u32 s21, $0x19;
	p1 =	por !p3, !p1  }
0x2ff: {  	v7 =	vmov s18;
	s19 =	sadd.s32 s21, s20;
	s21 =	simm.s32 $0x1;
	p1 =	por !p1, !p1  }
0x300: {  	v58 =	vshll.u32 v7, $0x3;
	s19 =	sshrl.u32 s19, $0x7;
	s21 =	simm.s32 @!p1 $0x0  }
0x301: {  	v7 =	vand.u32 $0x7F, v7;
	v8 =	vand.u32 $0x1C00, v58;
	s19 =	ssub.s32 s21, s19  }
0x302: {  	v7 =	vor.u32 v7, v8;
	s21 =	sshll.u32 s19, $0x7  }
0x303: {  	v7 =	vadd.s32 v2, v7;
	s18 =	sadd.s32 s20, s21  }
0x304: {  	v59 =	vadd.s32 s18, v1;
	_ =	sdelay $0x3  }
0x305: {  	v61 =	vld.idx.msk [tilespmem:v7+s11+$0x0], $0xffff  }
0x306: {  	v60 =	vld.idx.msk [tilespmem:v59+s24+$0x0], $0xffff;
	_ =	sdelay $0x4  }
0x307: {  	v8 =	vadd.f32 v61, v60  }
0x308: {  	s18 =	sadd.s32 @!p0 $0x14, s7  }
0x309: {  	s19 =	sand.u32 @!p0 $0x3F0, s18;
	[tilespmem:v7+s28+$0x0] =	vst.idx.msk $0xffff, v8  }
0x30a: {  	v7 =	vld @!p0 [tilespmem:s19+$0x0];
	_ =	sdelay $0x2  }
0x30b: {  	s18 =	sand.u32 @!p0 $0xF, s18  }
0x30c: {  	v8 =	vmov @!p0 s18  }
0x30d: {  	vm13 =	veq.s32 @!p0 v8, v6;
	v6 =	vxor.u32 @!p0 $0x80000000, v7  }
0x30e: {  	v6 =	vnsel @!p0 vm13, $0x80000000, v6  }
0x30f: {  	(xrf0) =	vmax.scan.msk.u32 @!p0 $0xffff, v6;
	_ =	sdelay $0x5  }
0x310: {  	v6, _, _ =	vpop @!p0 (xrf0)  }
0x311: {  	(v2sf) =	vpush @!p0 v6, $0xF;
	_ =	sdelay $0xe  }
0x312: {  	s18 =	spop @!p0 (v2sf)  }
0x313: {  	s19 =	sxor.u32 @!p0 $0x80000000, s18  }
0x314: {  	p1 =	sgt.s32 @!p0 s18, $0xFFFFFFFF;
	s20 =	sand.u32 @!p0 $0x7F, s18;
	p2 =	slt.s32 @!p0 s19, $0x1  }
0x315: {  	p3 =	sne.s32 @!p0 s20, $0x0;
	p1 =	por @!p0 p1, p2  }
0x316: {  	s19 =	sshra.s32 @!p0 s19, $0x1F;
	p1 =	por @!p0 !p3, !p1  }
0x317: {  	s19 =	sshrl.u32 @!p0 s19, $0x19;
	p1 =	por @!p0 !p1, !p1  }
0x318: {  	s18 =	sadd.s32 @!p0 s19, s18;
	s19 =	simm.s32 @!p0 $0x1;
	p1 =	por !p1, p0  }
0x319: {  	s18 =	sshrl.u32 @!p0 s18, $0x7;
	s19 =	simm.s32 @p1 $0x0  }
0x31a: {  	s18 =	ssub.s32 @!p0 s18, s19  }
0x31b: {  	s18 =	sshll.u32 @!p0 s18, $0x7  }
0x31c: {  	s18 =	sand.u32 @!p0 $0x1FFFFF80, s18  }
0x31d: {  	s19 =	simm.s32 @!p0 $0x12100;
	s18 =	sadd.s32 @!p0 s0, s18  }
0x31e: {  	[tilespmem:s19], [sflag:$0xB] =	stream.strided.gather @!p0 [hbm4b:s18+s8], $0x2000, s6, s8, $0x38;
	[tilespmem:$0x1E100] =	vst v63  }
0x31f: {  	_ =	swait.ge [sflag:s5], $0x2000  }
0x320: {  	s6 =	sadd.s32 $0xA, s7;
	[sflag:s5] =	ssyncset.done $0x0  }
0x321: {  	s18 =	sand.u32 $0x3F0, s6;
	[sflag:s5] =	ssyncadd.s32 $0xFFFFE000  }
0x322: {  	v6 =	vld [tilespmem:s18+$0x0];
	_ =	sdelay $0x2  }
0x323: {  	s19 =	sand.u32 $0xF, s6  }
0x324: {  	v7 =	vmov s19  }
0x325: {  	vm13 =	veq.s32 v7, v0;
	v6 =	vxor.u32 $0x80000000, v6  }
0x326: {  	v6 =	vnsel vm13, $0x80000000, v6  }
0x327: {  	(xrf0) =	vmax.scan.msk.u32 $0xffff, v6;
	_ =	sdelay $0x5  }
0x328: {  	v6, _, _ =	vpop (xrf0)  }
0x329: {  	(v2sf) =	vpush v6, $0xF;
	_ =	sdelay $0xe  }
0x32a: {  	s20 =	spop (v2sf)  }
0x32b: {  	s18 =	sxor.u32 $0x80000000, s20  }
0x32c: {  	p5 =	sgt.s32 s20, $0xFFFFFFFF;
	s8 =	sand.u32 $0x7F, s20;
	p4 =	slt.s32 s18, $0x1  }
0x32d: {  	s21 =	sshra.s32 s18, $0x1F;
	p6 =	sne.s32 s8, $0x0;
	p1 =	por p5, p4  }
0x32e: {  	s20 =	sshrl.u32 s21, $0x19;
	p1 =	por !p6, !p1  }
0x32f: {  	s19 =	simm.s32 $0x1;
	v6 =	vmov s6;
	s8 =	sadd.s32 s20, s18;
	p1 =	por !p1, !p1  }
0x330: {  	v7 =	vshll.u32 v6, $0x3;
	s8 =	sshrl.u32 s8, $0x7;
	s19 =	simm.s32 @!p1 $0x0  }
0x331: {  	v6 =	vand.u32 $0x7F, v6;
	v7 =	vand.u32 $0x1C00, v7;
	s8 =	ssub.s32 s19, s8  }
0x332: {  	v6 =	vor.u32 v6, v7;
	s21 =	sshll.u32 s8, $0x7  }
0x333: {  	v6 =	vadd.s32 v2, v6;
	s6 =	sadd.s32 s18, s21  }
0x334: {  	v62 =	vadd.s32 s6, v1;
	_ =	sdelay $0x3  }
0x335: {  	v63 =	vld.idx.msk [tilespmem:v6+s11+$0x0], $0xffff  }
0x336: {  	v7 =	vld.idx.msk [tilespmem:v62+s25+$0x0], $0xffff;
	_ =	sdelay $0x2  }
.Ltmp2:
0x337: {  	_ = 	snop;
	(pc) =	sbr.rel @p0 .LBB2_4-.Ltmp2, $3  }
0x338: {  	_ = 	snop  }
0x339: {  	v7 =	vadd.f32 v63, v7;
	_ =	sdelay $0x1  }
0x33a: {  	[tilespmem:v6+s28+$0x0] =	vst.idx.msk $0xffff, v7  }
0x33b: {  	s6 =	sadd.s32 $0x15, s7  }
0x33c: {  	s7 =	sand.u32 $0x3F0, s6  }
0x33d: {  	v6 =	vld [tilespmem:s7+$0x0];
	_ =	sdelay $0x2  }
0x33e: {  	s6 =	sand.u32 $0xF, s6  }
0x33f: {  	v7 =	vmov s6  }
0x340: {  	vm13 =	veq.s32 v7, v0;
	v6 =	vxor.u32 $0x80000000, v6  }
0x341: {  	v6 =	vnsel vm13, $0x80000000, v6  }
0x342: {  	(xrf0) =	vmax.scan.msk.u32 $0xffff, v6;
	_ =	sdelay $0x5  }
0x343: {  	v6, _, _ =	vpop (xrf0)  }
0x344: {  	(v2sf) =	vpush v6, $0xF;
	_ =	sdelay $0xe  }
0x345: {  	s20 =	spop (v2sf)  }
0x346: {  	s21 =	sxor.u32 $0x80000000, s20  }
0x347: {  	p0 =	sgt.s32 s20, $0xFFFFFFFF;
	s8 =	sand.u32 $0x7F, s20;
	p1 =	slt.s32 s21, $0x1  }
0x348: {  	s7 =	sshra.s32 s21, $0x1F;
	p6 =	sne.s32 s8, $0x0;
	p0 =	por p0, p1  }
0x349: {  	s7 =	sshrl.u32 s7, $0x19;
	p0 =	por !p6, !p0  }
0x34a: {  	s6 =	sadd.s32 s7, s20;
	s7 =	simm.s32 $0x1;
	p0 =	por !p0, !p0  }
0x34b: {  	s6 =	sshrl.u32 s6, $0x7;
	s7 =	simm.s32 @!p0 $0x0  }
.Ltmp3:
0x34c: {  	s6 =	ssub.s32 s6, s7;
	(pc) =	sbr.rel .LBB2_2-.Ltmp3, $4  }
0x34d: {  	s6 =	sshll.u32 s6, $0x7  }
0x34e: {  	s6 =	sand.u32 $0x1FFFFF80, s6  }
0x34f: {  	s7 =	smov.u32 s12;
	s6 =	sadd.s32 s0, s6  }
0x350: {  	[tilespmem:s25], [sflag:$0xC] =	stream.strided.gather [hbm4b:s6+s13], $0x2000, s14, s13, $0x38;
	[tilespmem:$0x1E100] =	vst v63  }
.LBB2_5:
0x351: {  	_ =	sfence.sel $0x180000  }
0x352: {  	[bflag:$0x0] =	sbarrier.arrive $0xFFFF  }
0x353: {  	_ =	strace $0x90000047  }
0x354: {  	s0 =	stileid.u32;
	[bflag:$0x2] =	sbarrier.arrive $0xFFFF  }
0x355: {  	p0 =	sne.s32 s0, $0x0;
	s0 =	rddreg [dreg:$0x4]  }
0x356: {  	s0 =	sadd.s32 @!p0 $0x100000, s0  }
0x357: {  	[sflag:s0] =	ssyncadd.tile.s32 @!p0 $0x1;
	_ =	shalt  }
.Lfunc_end2:
_tile_overlayer_lowered:
.L_overlay_start_2:
0x358: {  	(tag) =	ssettag $0x2  }
0x359: {  	s0 =	rddreg [dreg:$0x0];
	s2 =	stileid.u32  }
0x35a: {  	s1 =	rddreg [dreg:$0x1];
	p0 =	sne.s32 s2, $0x0  }
0x35b: {  	s3 =	rddreg [dreg:$0x2];
	[bflag:$0x3] =	sbarrier.arrive $0xFFFF;
	s2 =	simm.s32 @!p0 $0x1C0D  }
0x35c: {  	[timem:s3], [sflag:s2] =	dma.local @!p0 [hbm:s0], s1  }
0x35d: {  	s0 =	simm.s32 @!p0 $0xD  }
0x35e: {  	_ =	swait.ge @!p0 [sflag:s0], s1  }
0x35f: {  	s1 =	ssub.s32 @!p0 $0x0, s1;
	[sflag:s0] =	ssyncset.done @!p0 $0x0  }
0x360: {  	[sflag:s0] =	ssyncadd.s32 @!p0 s1  }
0x361: {  	[bflag:$0x3] =	sbarrier.arrive $0xFFFF  }
0x362: {  	_ =	shalt  }

</sc_bundles>
